<compile_context>
chip_gen: v7x
topology: tpu7x:2x2x1
jax: 0.10.2.dev20260603
libtpu: 0.0.44.dev20260713+nightly
codegen_flags: <defaults>
</compile_context>

<pallas_src>
import dataclasses
import functools

import jax
import jax.numpy as jnp
from jax import lax
from jax.experimental import pallas as pl
from jax.experimental.pallas import tpu as pltpu
from jax.experimental.pallas import tpu_sc as plsc

N = 10000
E = 320000
D = 128
OUT = 128

NC = 2
NS = 16
NW = NC * NS
CH = 128
NCHUNKS = E // CH
ROWS_PER_SUB = 624
TAIL_ROWS = N - NS * ROWS_PER_SUB
LANES = 16


def _sc_aggregate(x, src2, dst2, wt2, zeros):
    mesh = plsc.VectorSubcoreMesh(core_axis_name="c", subcore_axis_name="s")
    cp = pltpu.CompilerParams()
    if "needs_layout_passes" in pltpu.CompilerParams.__dataclass_fields__:
        cp = dataclasses.replace(cp, needs_layout_passes=False)

    @functools.partial(
        pl.kernel,
        out_type=jax.ShapeDtypeStruct((NC, N, D), jnp.float32),
        mesh=mesh,
        compiler_params=cp,
        scratch_types=[
            pltpu.VMEM((CH,), jnp.int32),
            pltpu.VMEM((CH,), jnp.int32),
            pltpu.VMEM((CH,), jnp.float32),
            pltpu.VMEM((CH,), jnp.int32),
            pltpu.VMEM((CH,), jnp.int32),
            pltpu.VMEM((CH,), jnp.float32),
            pltpu.VMEM((CH, D), jnp.float32),
            pltpu.VMEM((CH, D), jnp.float32),
            pltpu.VMEM_SHARED((N, D), jnp.float32),
            pltpu.SemaphoreType.DMA,
            pltpu.SemaphoreType.DMA,
            pltpu.SemaphoreType.DMA,
            pltpu.SemaphoreType.DMA,
            pltpu.SemaphoreType.DMA,
            pltpu.SemaphoreType.DMA,
        ],
    )
    def agg(x_hbm, src_hbm, dst_hbm, wt_hbm, z_hbm, hp_hbm,
            src_a, dst_a, wt_a, src_b, dst_b, wt_b, rows_a, rows_b,
            h_sh, gsem_a, gsem_b, ssem_a, ssem_b, isem_a, isem_b):
        cid = lax.axis_index("c")
        sid = lax.axis_index("s")
        wid = sid * NC + cid
        row0 = sid * ROWS_PER_SUB

        pltpu.sync_copy(z_hbm.at[pl.ds(row0, ROWS_PER_SUB)],
                        h_sh.at[pl.ds(row0, ROWS_PER_SUB)])

        @pl.when(sid == NS - 1)
        def _zero_tail():
            pltpu.sync_copy(z_hbm.at[pl.ds(NS * ROWS_PER_SUB, TAIL_ROWS)],
                            h_sh.at[pl.ds(NS * ROWS_PER_SUB, TAIL_ROWS)])

        plsc.subcore_barrier()

        def scale_rows(rows_v, wt_v):
            @pl.loop(0, CH, step=8)
            def _edge(e0):
                for jj in range(8):
                    e = e0 + jj
                    w = plsc.load_gather(
                        wt_v, [jnp.full((LANES,), e, jnp.int32)])
                    for dd in range(D // LANES):
                        sl = pl.ds(dd * LANES, LANES)
                        rows_v[e, sl] = rows_v[e, sl] * w

        pltpu.sync_copy(src_hbm.at[wid], src_a)
        pltpu.async_copy(x_hbm.at[src_a], rows_a, gsem_a)
        pltpu.async_copy(dst_hbm.at[wid], dst_a, isem_a)
        pltpu.async_copy(wt_hbm.at[wid], wt_a, isem_a)

        @pl.loop(wid, NCHUNKS - NW, step=2 * NW)
        def _pair(c):
            cb = c + NW

            @pl.when(c != wid)
            def _drain_prev():
                pltpu.make_async_copy(rows_b, h_sh.at[dst_b], ssem_b).wait()

            pltpu.sync_copy(src_hbm.at[cb], src_b)
            pltpu.async_copy(x_hbm.at[src_b], rows_b, gsem_b)
            pltpu.async_copy(dst_hbm.at[cb], dst_b, isem_b)
            pltpu.async_copy(wt_hbm.at[cb], wt_b, isem_b)

            pltpu.make_async_copy(x_hbm.at[src_a], rows_a, gsem_a).wait()
            pltpu.make_async_copy(dst_hbm.at[c], dst_a, isem_a).wait()
            pltpu.make_async_copy(wt_hbm.at[c], wt_a, isem_a).wait()
            scale_rows(rows_a, wt_a)
            pltpu.async_copy(rows_a, h_sh.at[dst_a], ssem_a, add=True)

            pltpu.make_async_copy(x_hbm.at[src_b], rows_b, gsem_b).wait()
            pltpu.make_async_copy(dst_hbm.at[cb], dst_b, isem_b).wait()
            pltpu.make_async_copy(wt_hbm.at[cb], wt_b, isem_b).wait()
            scale_rows(rows_b, wt_b)
            pltpu.make_async_copy(rows_a, h_sh.at[dst_a], ssem_a).wait()

            @pl.when(c + 2 * NW < NCHUNKS - NW)
            def _prefetch_next():
                ca = c + 2 * NW
                pltpu.sync_copy(src_hbm.at[ca], src_a)
                pltpu.async_copy(x_hbm.at[src_a], rows_a, gsem_a)
                pltpu.async_copy(dst_hbm.at[ca], dst_a, isem_a)
                pltpu.async_copy(wt_hbm.at[ca], wt_a, isem_a)

            pltpu.async_copy(rows_b, h_sh.at[dst_b], ssem_b, add=True)

        pltpu.make_async_copy(rows_b, h_sh.at[dst_b], ssem_b).wait()

        @pl.when(wid < (NCHUNKS - NW * (NCHUNKS // NW)))
        def _tail_chunk():
            c = NW * (NCHUNKS // NW) + wid
            pltpu.sync_copy(src_hbm.at[c], src_a)
            pltpu.sync_copy(dst_hbm.at[c], dst_a)
            pltpu.sync_copy(wt_hbm.at[c], wt_a)
            pltpu.async_copy(x_hbm.at[src_a], rows_a, gsem_a).wait()
            scale_rows(rows_a, wt_a)
            pltpu.sync_copy(rows_a, h_sh.at[dst_a], add=True)

        plsc.subcore_barrier()
        pltpu.sync_copy(h_sh.at[pl.ds(row0, ROWS_PER_SUB)],
                        hp_hbm.at[cid, pl.ds(row0, ROWS_PER_SUB)])

        @pl.when(sid == NS - 1)
        def _flush_tail():
            pltpu.sync_copy(h_sh.at[pl.ds(NS * ROWS_PER_SUB, TAIL_ROWS)],
                            hp_hbm.at[cid, pl.ds(NS * ROWS_PER_SUB, TAIL_ROWS)])

    return agg(x, src2, dst2, wt2, zeros)


def _tc_project(h0, h1, x, wt, wb):
    RB = 1000

    def body(h0_ref, h1_ref, x_ref, wt_ref, wb_ref, o_ref):
        h = h0_ref[...] + h1_ref[...]
        acc = jnp.dot(h, wt_ref[...], preferred_element_type=jnp.float32)
        acc = acc + jnp.dot(x_ref[...], wb_ref[...],
                            preferred_element_type=jnp.float32)
        o_ref[...] = jnp.maximum(acc, 0.0)

    return pl.pallas_call(
        body,
        grid=(N // RB,),
        in_specs=[
            pl.BlockSpec((RB, D), lambda i: (i, 0)),
            pl.BlockSpec((RB, D), lambda i: (i, 0)),
            pl.BlockSpec((RB, D), lambda i: (i, 0)),
            pl.BlockSpec((D, OUT), lambda i: (0, 0)),
            pl.BlockSpec((D, OUT), lambda i: (0, 0)),
        ],
        out_specs=pl.BlockSpec((RB, OUT), lambda i: (i, 0)),
        out_shape=jax.ShapeDtypeStruct((N, OUT), jnp.float32),
    )(h0, h1, x, wt, wb)


def kernel(x, edge_index, edge_weight, W):
    src2 = edge_index[1].reshape(NCHUNKS, CH)
    dst2 = edge_index[0].reshape(NCHUNKS, CH)
    wt2 = edge_weight.reshape(NCHUNKS, CH)
    zeros = jnp.zeros((N, D), jnp.float32)
    hp = _sc_aggregate(x, src2, dst2, wt2, zeros)
    return _tc_project(hp[0], hp[1], x, W[:D], W[D:])

# --- scband reference (transcript-rebuilt; emitter-appended) ---
"""Pipeline reference for scband-aggregator-67010079752193 (READ-ONLY COPY).

The authoritative reference and input builder live on the scoring server;
editing this copy changes nothing except your own understanding.
"""

import jax, jax.numpy as jnp
import numpy as np

N = 10000
E = 320000
D = 128
OUT = 128


def setup_inputs(seed: int = 0) -> dict:
    key = jax.random.key(seed)
    k1, k2, k3, k4 = jax.random.split(key, 4)
    x = jax.random.normal(k1, (N, D), dtype=jnp.float32)
    edge_index = jax.random.randint(k2, (2, E), 0, N, dtype=jnp.int32)
    # normalized adjacency values (e.g. 1/deg style weights)
    edge_weight = jax.random.uniform(k3, (E,), dtype=jnp.float32) / 32.0
    # xavier_uniform for W of shape (2*D, OUT), matching torch init on (in_dim, out_dim)
    fan_in, fan_out = 2 * D, OUT
    limit = float(np.sqrt(6.0 / (fan_in + fan_out)))
    W = jax.random.uniform(k4, (2 * D, OUT), dtype=jnp.float32, minval=-limit, maxval=limit)
    return {"x": x, "edge_index": edge_index, "edge_weight": edge_weight, "W": W}


def reference(x, edge_index, edge_weight, W):
    # h = torch.sparse.mm(adj, input): adj given in COO form (edge_index, edge_weight)
    src = edge_index[1]  # columns of adj -> gather source node features
    dst = edge_index[0]  # rows of adj -> scatter destinations
    msgs = x[src] * edge_weight[:, None]
    h = jax.ops.segment_sum(msgs, dst, num_segments=x.shape[0])
    # output = relu(cat([h, input], dim=1) @ W)
    out = jnp.concatenate([h, x], axis=1) @ W
    return jax.nn.relu(out)

if __name__ == "__main__":
    import jax
    _d = setup_inputs()
    print(jax.jit(kernel)(*tuple(_d.values())))

</pallas_src>

<mosaic_0001>
#map = affine_map<(d0, d1) -> (0, 0)>
#map1 = affine_map<(d0, d1) -> (0, 0, 0)>
module attributes {stable_mosaic.version = 14 : i64} {
  func.func @agg(%arg0: i32, %arg1: i32, %arg2: memref<10000x128xf32, #tpu.memory_space<hbm>>, %arg3: memref<2500x128xi32, #tpu.memory_space<hbm>>, %arg4: memref<2500x128xi32, #tpu.memory_space<hbm>>, %arg5: memref<2500x128xf32, #tpu.memory_space<hbm>>, %arg6: memref<10000x128xf32, #tpu.memory_space<hbm>>, %arg7: memref<2x10000x128xf32, #tpu.memory_space<hbm>>, %arg8: memref<128xi32, #tpu.memory_space<vmem>>, %arg9: memref<128xi32, #tpu.memory_space<vmem>>, %arg10: memref<128xf32, #tpu.memory_space<vmem>>, %arg11: memref<128xi32, #tpu.memory_space<vmem>>, %arg12: memref<128xi32, #tpu.memory_space<vmem>>, %arg13: memref<128xf32, #tpu.memory_space<vmem>>, %arg14: memref<128x128xf32, #tpu.memory_space<vmem>>, %arg15: memref<128x128xf32, #tpu.memory_space<vmem>>, %arg16: memref<10000x128xf32, #tpu.memory_space<vmem_shared>>, %arg17: memref<!tpu.dma_semaphore, #tpu.memory_space<semaphore_mem>>, %arg18: memref<!tpu.dma_semaphore, #tpu.memory_space<semaphore_mem>>, %arg19: memref<!tpu.dma_semaphore, #tpu.memory_space<semaphore_mem>>, %arg20: memref<!tpu.dma_semaphore, #tpu.memory_space<semaphore_mem>>, %arg21: memref<!tpu.dma_semaphore, #tpu.memory_space<semaphore_mem>>, %arg22: memref<!tpu.dma_semaphore, #tpu.memory_space<semaphore_mem>>) attributes {dimension_semantics = [#tpu.dimension_semantics<core_parallel>, #tpu.dimension_semantics<subcore_parallel>], iteration_bounds = array<i64: 2, 16>, scalar_prefetch = 0 : i64, scratch_operands = 15 : i64, tpu.core_type = #tpu.core_type<sc_vector_subcore>, window_params = [{transform_indices = #map}, {transform_indices = #map}, {transform_indices = #map}, {transform_indices = #map}, {transform_indices = #map}, {transform_indices = #map1}]} {
    %mul3A = arith.constant 2 : i32
    %mul3A_0 = arith.muli %arg1, %mul3A : i32
    %add3A = arith.addi %mul3A_0, %arg0 : i32
    %mul3A_1 = arith.constant 624 : i32
    %mul3A_2 = arith.muli %arg1, %mul3A_1 : i32
    "tpu.region"() ({
      %run_scoped3A = tpu.sem_alloc : memref<!tpu.dma_semaphore, #tpu.memory_space<semaphore_mem>>
      %dma_start3A_46 = arith.constant 0 : i32
      %dma_start3A_47 = tpu.memref_slice %arg16[%mul3A_2, %dma_start3A_46] : memref<10000x128xf32, #tpu.memory_space<vmem_shared>> -> memref<624x128xf32, #tpu.memory_space<vmem_shared>>
      %dma_start3A_48 = arith.constant 0 : i32
      %dma_start3A_49 = tpu.memref_slice %arg6[%mul3A_2, %dma_start3A_48] : memref<10000x128xf32, #tpu.memory_space<hbm>> -> memref<624x128xf32, #tpu.memory_space<hbm>>
      tpu.enqueue_dma source(%dma_start3A_49 : memref<624x128xf32, #tpu.memory_space<hbm>>) target(%dma_start3A_47 : memref<624x128xf32, #tpu.memory_space<vmem_shared>>) target_semaphore(%run_scoped3A : memref<!tpu.dma_semaphore, #tpu.memory_space<semaphore_mem>>)
      %dma_wait3A_50 = arith.constant 0 : i32
      %dma_wait3A_51 = tpu.memref_slice %arg16[%mul3A_2, %dma_wait3A_50] : memref<10000x128xf32, #tpu.memory_space<vmem_shared>> -> memref<624x128xf32, #tpu.memory_space<vmem_shared>>
      %dma_wait3A_52 = arith.constant 0 : i32
      %dma_wait3A_53 = tpu.memref_slice %arg6[%mul3A_2, %dma_wait3A_52] : memref<10000x128xf32, #tpu.memory_space<hbm>> -> memref<624x128xf32, #tpu.memory_space<hbm>>
      tpu.wait_dma2 semaphore(%run_scoped3A : memref<!tpu.dma_semaphore, #tpu.memory_space<semaphore_mem>>) src(%dma_wait3A_53 : memref<624x128xf32, #tpu.memory_space<hbm>>) dst(%dma_wait3A_51 : memref<624x128xf32, #tpu.memory_space<vmem_shared>>)
      tpu.yield
    }) : () -> ()
    %eq3A = arith.constant 15 : i32
    %eq3A_3 = arith.cmpi eq, %arg1, %eq3A : i32
    %convert_element_type3A = arith.extui %eq3A_3 : i1 to i32
    %cond3A = arith.constant 0 : i32
    %cond3A_4 = arith.cmpi ne, %convert_element_type3A, %cond3A : i32
    scf.if %cond3A_4 {
      "tpu.region"() ({
        %run_scoped3A = tpu.sem_alloc : memref<!tpu.dma_semaphore, #tpu.memory_space<semaphore_mem>>
        %dma_start3A_46 = arith.constant 9984 : i32
        %dma_start3A_47 = arith.constant 0 : i32
        %dma_start3A_48 = tpu.memref_slice %arg16[%dma_start3A_46, %dma_start3A_47] : memref<10000x128xf32, #tpu.memory_space<vmem_shared>> -> memref<16x128xf32, #tpu.memory_space<vmem_shared>>
        %dma_start3A_49 = arith.constant 9984 : i32
        %dma_start3A_50 = arith.constant 0 : i32
        %dma_start3A_51 = tpu.memref_slice %arg6[%dma_start3A_49, %dma_start3A_50] : memref<10000x128xf32, #tpu.memory_space<hbm>> -> memref<16x128xf32, #tpu.memory_space<hbm>>
        tpu.enqueue_dma source(%dma_start3A_51 : memref<16x128xf32, #tpu.memory_space<hbm>>) target(%dma_start3A_48 : memref<16x128xf32, #tpu.memory_space<vmem_shared>>) target_semaphore(%run_scoped3A : memref<!tpu.dma_semaphore, #tpu.memory_space<semaphore_mem>>)
        %dma_wait3A_52 = arith.constant 9984 : i32
        %dma_wait3A_53 = arith.constant 0 : i32
        %dma_wait3A_54 = tpu.memref_slice %arg16[%dma_wait3A_52, %dma_wait3A_53] : memref<10000x128xf32, #tpu.memory_space<vmem_shared>> -> memref<16x128xf32, #tpu.memory_space<vmem_shared>>
        %dma_wait3A_55 = arith.constant 9984 : i32
        %dma_wait3A_56 = arith.constant 0 : i32
        %dma_wait3A_57 = tpu.memref_slice %arg6[%dma_wait3A_55, %dma_wait3A_56] : memref<10000x128xf32, #tpu.memory_space<hbm>> -> memref<16x128xf32, #tpu.memory_space<hbm>>
        tpu.wait_dma2 semaphore(%run_scoped3A : memref<!tpu.dma_semaphore, #tpu.memory_space<semaphore_mem>>) src(%dma_wait3A_57 : memref<16x128xf32, #tpu.memory_space<hbm>>) dst(%dma_wait3A_54 : memref<16x128xf32, #tpu.memory_space<vmem_shared>>)
        tpu.yield
      }) : () -> ()
    } else {
    }
    %barrier3A = arith.constant 0 : index
    tpu.barrier barrier_id(%barrier3A)
    "tpu.region"() ({
      %run_scoped3A = tpu.sem_alloc : memref<!tpu.dma_semaphore, #tpu.memory_space<semaphore_mem>>
      %dma_start3A_46 = arith.constant 0 : i32
      %dma_start3A_47 = tpu.memref_slice %arg3[%add3A, %dma_start3A_46] : memref<2500x128xi32, #tpu.memory_space<hbm>> -> memref<1x128xi32, #tpu.memory_space<hbm>>
      %dma_start3A_48 = tpu.memref_squeeze %dma_start3A_47 : memref<1x128xi32, #tpu.memory_space<hbm>> -> memref<128xi32, #tpu.memory_space<hbm>>
      %dma_start3A_49 = arith.constant 0 : i32
      %dma_start3A_50 = tpu.memref_slice %arg3[%add3A, %dma_start3A_49] : memref<2500x128xi32, #tpu.memory_space<hbm>> -> memref<1x128xi32, #tpu.memory_space<hbm>>
      %dma_start3A_51 = tpu.memref_squeeze %dma_start3A_50 : memref<1x128xi32, #tpu.memory_space<hbm>> -> memref<128xi32, #tpu.memory_space<hbm>>
      tpu.enqueue_dma source(%dma_start3A_51 : memref<128xi32, #tpu.memory_space<hbm>>) target(%arg8 : memref<128xi32, #tpu.memory_space<vmem>>) target_semaphore(%run_scoped3A : memref<!tpu.dma_semaphore, #tpu.memory_space<semaphore_mem>>)
      %dma_wait3A_52 = arith.constant 0 : i32
      %dma_wait3A_53 = tpu.memref_slice %arg3[%add3A, %dma_wait3A_52] : memref<2500x128xi32, #tpu.memory_space<hbm>> -> memref<1x128xi32, #tpu.memory_space<hbm>>
      %dma_wait3A_54 = tpu.memref_squeeze %dma_wait3A_53 : memref<1x128xi32, #tpu.memory_space<hbm>> -> memref<128xi32, #tpu.memory_space<hbm>>
      %dma_wait3A_55 = arith.constant 0 : i32
      %dma_wait3A_56 = tpu.memref_slice %arg3[%add3A, %dma_wait3A_55] : memref<2500x128xi32, #tpu.memory_space<hbm>> -> memref<1x128xi32, #tpu.memory_space<hbm>>
      %dma_wait3A_57 = tpu.memref_squeeze %dma_wait3A_56 : memref<1x128xi32, #tpu.memory_space<hbm>> -> memref<128xi32, #tpu.memory_space<hbm>>
      tpu.wait_dma2 semaphore(%run_scoped3A : memref<!tpu.dma_semaphore, #tpu.memory_space<semaphore_mem>>) src(%dma_wait3A_57 : memref<128xi32, #tpu.memory_space<hbm>>) dst(%arg8 : memref<128xi32, #tpu.memory_space<vmem>>)
      tpu.yield
    }) : () -> ()
    %dma_start3A = arith.constant 0 : i32
    %dma_start3A_5 = arith.constant 0 : i32
    %dma_start3A_6 = tpu.memref_slice %arg2[%dma_start3A, %dma_start3A_5] : memref<10000x128xf32, #tpu.memory_space<hbm>> -> memref<10000x128xf32, #tpu.memory_space<hbm>>
    tpu.enqueue_indirect_dma source(%dma_start3A_6 : memref<10000x128xf32, #tpu.memory_space<hbm>>) target(%arg14 : memref<128x128xf32, #tpu.memory_space<vmem>>) offsets(%arg8 : memref<128xi32, #tpu.memory_space<vmem>>) semaphore(%arg17 : memref<!tpu.dma_semaphore, #tpu.memory_space<semaphore_mem>>)
    %dma_start3A_7 = arith.constant 0 : i32
    %dma_start3A_8 = tpu.memref_slice %arg4[%add3A, %dma_start3A_7] : memref<2500x128xi32, #tpu.memory_space<hbm>> -> memref<1x128xi32, #tpu.memory_space<hbm>>
    %dma_start3A_9 = tpu.memref_squeeze %dma_start3A_8 : memref<1x128xi32, #tpu.memory_space<hbm>> -> memref<128xi32, #tpu.memory_space<hbm>>
    %dma_start3A_10 = arith.constant 0 : i32
    %dma_start3A_11 = tpu.memref_slice %arg4[%add3A, %dma_start3A_10] : memref<2500x128xi32, #tpu.memory_space<hbm>> -> memref<1x128xi32, #tpu.memory_space<hbm>>
    %dma_start3A_12 = tpu.memref_squeeze %dma_start3A_11 : memref<1x128xi32, #tpu.memory_space<hbm>> -> memref<128xi32, #tpu.memory_space<hbm>>
    tpu.enqueue_dma source(%dma_start3A_12 : memref<128xi32, #tpu.memory_space<hbm>>) target(%arg9 : memref<128xi32, #tpu.memory_space<vmem>>) target_semaphore(%arg21 : memref<!tpu.dma_semaphore, #tpu.memory_space<semaphore_mem>>)
    %dma_start3A_13 = arith.constant 0 : i32
    %dma_start3A_14 = tpu.memref_slice %arg5[%add3A, %dma_start3A_13] : memref<2500x128xf32, #tpu.memory_space<hbm>> -> memref<1x128xf32, #tpu.memory_space<hbm>>
    %dma_start3A_15 = tpu.memref_squeeze %dma_start3A_14 : memref<1x128xf32, #tpu.memory_space<hbm>> -> memref<128xf32, #tpu.memory_space<hbm>>
    %dma_start3A_16 = arith.constant 0 : i32
    %dma_start3A_17 = tpu.memref_slice %arg5[%add3A, %dma_start3A_16] : memref<2500x128xf32, #tpu.memory_space<hbm>> -> memref<1x128xf32, #tpu.memory_space<hbm>>
    %dma_start3A_18 = tpu.memref_squeeze %dma_start3A_17 : memref<1x128xf32, #tpu.memory_space<hbm>> -> memref<128xf32, #tpu.memory_space<hbm>>
    tpu.enqueue_dma source(%dma_start3A_18 : memref<128xf32, #tpu.memory_space<hbm>>) target(%arg10 : memref<128xf32, #tpu.memory_space<vmem>>) target_semaphore(%arg21 : memref<!tpu.dma_semaphore, #tpu.memory_space<semaphore_mem>>)
    %sub3A = arith.constant 2468 : i32
    %sub3A_19 = arith.subi %sub3A, %add3A : i32
    %sub3A_20 = arith.constant 64 : i32
    %sub3A_21 = arith.constant 1 : i32
    %sub3A_22 = arith.subi %sub3A_20, %sub3A_21 : i32
    %add3A_23 = arith.addi %sub3A_19, %sub3A_22 : i32
    %div3A = arith.constant 64 : i32
    %div3A_24 = arith.divsi %add3A_23, %div3A : i32
    %while3A = arith.constant 64 : i32
    %while3A_25 = arith.constant 0 : i32
    %while3A_26 = arith.subi %div3A_24, %while3A_25 : i32
    %while3A_27 = arith.addi %while3A_25, %while3A_26 : i32
    %while3A_28 = arith.constant 1 : i32
    %while3A_29 = arith.divsi %while3A_26, %while3A_28 : i32
    %while3A_30 = arith.muli %while3A_29, %while3A_28 : i32
    %while3A_31 = arith.addi %while3A_25, %while3A_30 : i32
    %while3A_32 = arith.constant 1 : i32
    scf.for %while3A_46 = %while3A_25 to %while3A_31 step %while3A_32  : i32 {
      %mul3A_47 = arith.muli %while3A_46, %while3A : i32
      %add3A_48 = arith.addi %add3A, %mul3A_47 : i32
      %add3A_49 = arith.constant 32 : i32
      %add3A_50 = arith.addi %add3A_48, %add3A_49 : i32
      %ne3A = arith.cmpi ne, %add3A_48, %add3A : i32
      %convert_element_type3A_51 = arith.extui %ne3A : i1 to i32
      %cond3A_52 = arith.constant 0 : i32
      %cond3A_53 = arith.cmpi ne, %convert_element_type3A_51, %cond3A_52 : i32
      scf.if %cond3A_53 {
        %dma_wait3A_124 = arith.constant 0 : i32
        %dma_wait3A_125 = arith.constant 0 : i32
        %dma_wait3A_126 = tpu.memref_slice %arg16[%dma_wait3A_124, %dma_wait3A_125] : memref<10000x128xf32, #tpu.memory_space<vmem_shared>> -> memref<10000x128xf32, #tpu.memory_space<vmem_shared>>
        tpu.wait_indirect_dma semaphore(%arg20 : memref<!tpu.dma_semaphore, #tpu.memory_space<semaphore_mem>>) src(%arg15 : memref<128x128xf32, #tpu.memory_space<vmem>>) dst(%dma_wait3A_126 : memref<10000x128xf32, #tpu.memory_space<vmem_shared>>)
      } else {
      }
      "tpu.region"() ({
        %run_scoped3A = tpu.sem_alloc : memref<!tpu.dma_semaphore, #tpu.memory_space<semaphore_mem>>
        %dma_start3A_124 = arith.constant 0 : i32
        %dma_start3A_125 = tpu.memref_slice %arg3[%add3A_50, %dma_start3A_124] : memref<2500x128xi32, #tpu.memory_space<hbm>> -> memref<1x128xi32, #tpu.memory_space<hbm>>
        %dma_start3A_126 = tpu.memref_squeeze %dma_start3A_125 : memref<1x128xi32, #tpu.memory_space<hbm>> -> memref<128xi32, #tpu.memory_space<hbm>>
        %dma_start3A_127 = arith.constant 0 : i32
        %dma_start3A_128 = tpu.memref_slice %arg3[%add3A_50, %dma_start3A_127] : memref<2500x128xi32, #tpu.memory_space<hbm>> -> memref<1x128xi32, #tpu.memory_space<hbm>>
        %dma_start3A_129 = tpu.memref_squeeze %dma_start3A_128 : memref<1x128xi32, #tpu.memory_space<hbm>> -> memref<128xi32, #tpu.memory_space<hbm>>
        tpu.enqueue_dma source(%dma_start3A_129 : memref<128xi32, #tpu.memory_space<hbm>>) target(%arg11 : memref<128xi32, #tpu.memory_space<vmem>>) target_semaphore(%run_scoped3A : memref<!tpu.dma_semaphore, #tpu.memory_space<semaphore_mem>>)
        %dma_wait3A_130 = arith.constant 0 : i32
        %dma_wait3A_131 = tpu.memref_slice %arg3[%add3A_50, %dma_wait3A_130] : memref<2500x128xi32, #tpu.memory_space<hbm>> -> memref<1x128xi32, #tpu.memory_space<hbm>>
        %dma_wait3A_132 = tpu.memref_squeeze %dma_wait3A_131 : memref<1x128xi32, #tpu.memory_space<hbm>> -> memref<128xi32, #tpu.memory_space<hbm>>
        %dma_wait3A_133 = arith.constant 0 : i32
        %dma_wait3A_134 = tpu.memref_slice %arg3[%add3A_50, %dma_wait3A_133] : memref<2500x128xi32, #tpu.memory_space<hbm>> -> memref<1x128xi32, #tpu.memory_space<hbm>>
        %dma_wait3A_135 = tpu.memref_squeeze %dma_wait3A_134 : memref<1x128xi32, #tpu.memory_space<hbm>> -> memref<128xi32, #tpu.memory_space<hbm>>
        tpu.wait_dma2 semaphore(%run_scoped3A : memref<!tpu.dma_semaphore, #tpu.memory_space<semaphore_mem>>) src(%dma_wait3A_135 : memref<128xi32, #tpu.memory_space<hbm>>) dst(%arg11 : memref<128xi32, #tpu.memory_space<vmem>>)
        tpu.yield
      }) : () -> ()
      %dma_start3A_54 = arith.constant 0 : i32
      %dma_start3A_55 = arith.constant 0 : i32
      %dma_start3A_56 = tpu.memref_slice %arg2[%dma_start3A_54, %dma_start3A_55] : memref<10000x128xf32, #tpu.memory_space<hbm>> -> memref<10000x128xf32, #tpu.memory_space<hbm>>
      tpu.enqueue_indirect_dma source(%dma_start3A_56 : memref<10000x128xf32, #tpu.memory_space<hbm>>) target(%arg15 : memref<128x128xf32, #tpu.memory_space<vmem>>) offsets(%arg11 : memref<128xi32, #tpu.memory_space<vmem>>) semaphore(%arg18 : memref<!tpu.dma_semaphore, #tpu.memory_space<semaphore_mem>>)
      %dma_start3A_57 = arith.constant 0 : i32
      %dma_start3A_58 = tpu.memref_slice %arg4[%add3A_50, %dma_start3A_57] : memref<2500x128xi32, #tpu.memory_space<hbm>> -> memref<1x128xi32, #tpu.memory_space<hbm>>
      %dma_start3A_59 = tpu.memref_squeeze %dma_start3A_58 : memref<1x128xi32, #tpu.memory_space<hbm>> -> memref<128xi32, #tpu.memory_space<hbm>>
      %dma_start3A_60 = arith.constant 0 : i32
      %dma_start3A_61 = tpu.memref_slice %arg4[%add3A_50, %dma_start3A_60] : memref<2500x128xi32, #tpu.memory_space<hbm>> -> memref<1x128xi32, #tpu.memory_space<hbm>>
      %dma_start3A_62 = tpu.memref_squeeze %dma_start3A_61 : memref<1x128xi32, #tpu.memory_space<hbm>> -> memref<128xi32, #tpu.memory_space<hbm>>
      tpu.enqueue_dma source(%dma_start3A_62 : memref<128xi32, #tpu.memory_space<hbm>>) target(%arg12 : memref<128xi32, #tpu.memory_space<vmem>>) target_semaphore(%arg22 : memref<!tpu.dma_semaphore, #tpu.memory_space<semaphore_mem>>)
      %dma_start3A_63 = arith.constant 0 : i32
      %dma_start3A_64 = tpu.memref_slice %arg5[%add3A_50, %dma_start3A_63] : memref<2500x128xf32, #tpu.memory_space<hbm>> -> memref<1x128xf32, #tpu.memory_space<hbm>>
      %dma_start3A_65 = tpu.memref_squeeze %dma_start3A_64 : memref<1x128xf32, #tpu.memory_space<hbm>> -> memref<128xf32, #tpu.memory_space<hbm>>
      %dma_start3A_66 = arith.constant 0 : i32
      %dma_start3A_67 = tpu.memref_slice %arg5[%add3A_50, %dma_start3A_66] : memref<2500x128xf32, #tpu.memory_space<hbm>> -> memref<1x128xf32, #tpu.memory_space<hbm>>
      %dma_start3A_68 = tpu.memref_squeeze %dma_start3A_67 : memref<1x128xf32, #tpu.memory_space<hbm>> -> memref<128xf32, #tpu.memory_space<hbm>>
      tpu.enqueue_dma source(%dma_start3A_68 : memref<128xf32, #tpu.memory_space<hbm>>) target(%arg13 : memref<128xf32, #tpu.memory_space<vmem>>) target_semaphore(%arg22 : memref<!tpu.dma_semaphore, #tpu.memory_space<semaphore_mem>>)
      %dma_wait3A_69 = arith.constant 0 : i32
      %dma_wait3A_70 = arith.constant 0 : i32
      %dma_wait3A_71 = tpu.memref_slice %arg2[%dma_wait3A_69, %dma_wait3A_70] : memref<10000x128xf32, #tpu.memory_space<hbm>> -> memref<10000x128xf32, #tpu.memory_space<hbm>>
      tpu.wait_indirect_dma semaphore(%arg17 : memref<!tpu.dma_semaphore, #tpu.memory_space<semaphore_mem>>) src(%dma_wait3A_71 : memref<10000x128xf32, #tpu.memory_space<hbm>>) dst(%arg14 : memref<128x128xf32, #tpu.memory_space<vmem>>)
      %dma_wait3A_72 = arith.constant 0 : i32
      %dma_wait3A_73 = tpu.memref_slice %arg4[%add3A_48, %dma_wait3A_72] : memref<2500x128xi32, #tpu.memory_space<hbm>> -> memref<1x128xi32, #tpu.memory_space<hbm>>
      %dma_wait3A_74 = tpu.memref_squeeze %dma_wait3A_73 : memref<1x128xi32, #tpu.memory_space<hbm>> -> memref<128xi32, #tpu.memory_space<hbm>>
      %dma_wait3A_75 = arith.constant 0 : i32
      %dma_wait3A_76 = tpu.memref_slice %arg4[%add3A_48, %dma_wait3A_75] : memref<2500x128xi32, #tpu.memory_space<hbm>> -> memref<1x128xi32, #tpu.memory_space<hbm>>
      %dma_wait3A_77 = tpu.memref_squeeze %dma_wait3A_76 : memref<1x128xi32, #tpu.memory_space<hbm>> -> memref<128xi32, #tpu.memory_space<hbm>>
      tpu.wait_dma2 semaphore(%arg21 : memref<!tpu.dma_semaphore, #tpu.memory_space<semaphore_mem>>) src(%dma_wait3A_77 : memref<128xi32, #tpu.memory_space<hbm>>) dst(%arg9 : memref<128xi32, #tpu.memory_space<vmem>>)
      %dma_wait3A_78 = arith.constant 0 : i32
      %dma_wait3A_79 = tpu.memref_slice %arg5[%add3A_48, %dma_wait3A_78] : memref<2500x128xf32, #tpu.memory_space<hbm>> -> memref<1x128xf32, #tpu.memory_space<hbm>>
      %dma_wait3A_80 = tpu.memref_squeeze %dma_wait3A_79 : memref<1x128xf32, #tpu.memory_space<hbm>> -> memref<128xf32, #tpu.memory_space<hbm>>
      %dma_wait3A_81 = arith.constant 0 : i32
      %dma_wait3A_82 = tpu.memref_slice %arg5[%add3A_48, %dma_wait3A_81] : memref<2500x128xf32, #tpu.memory_space<hbm>> -> memref<1x128xf32, #tpu.memory_space<hbm>>
      %dma_wait3A_83 = tpu.memref_squeeze %dma_wait3A_82 : memref<1x128xf32, #tpu.memory_space<hbm>> -> memref<128xf32, #tpu.memory_space<hbm>>
      tpu.wait_dma2 semaphore(%arg21 : memref<!tpu.dma_semaphore, #tpu.memory_space<semaphore_mem>>) src(%dma_wait3A_83 : memref<128xf32, #tpu.memory_space<hbm>>) dst(%arg10 : memref<128xf32, #tpu.memory_space<vmem>>)
      %scan3A = arith.constant 0 : i32
      %scan3A_84 = arith.constant 16 : i32
      %scan3A_85 = arith.addi %scan3A, %scan3A_84 : i32
      %scan3A_86 = arith.constant 1 : i32
      scf.for %scan3A_124 = %scan3A to %scan3A_85 step %scan3A_86  : i32 {
        %mul3A_125 = arith.constant 8 : i32
        %mul3A_126 = arith.muli %scan3A_124, %mul3A_125 : i32
        %add3A_127 = arith.constant 0 : i32
        %add3A_128 = arith.addi %add3A_127, %mul3A_126 : i32
        %add3A_129 = arith.constant 0 : i32
        %add3A_130 = arith.addi %add3A_128, %add3A_129 : i32
        %broadcast_in_dim3A = vector.broadcast %add3A_130 : i32 to vector<16xi32>
        %gather3A = tpu.vector_load_idx %arg10[%broadcast_in_dim3A] : memref<128xf32, #tpu.memory_space<vmem>>[vector<16xi32>], vector<16xf32>,
        %get3A = arith.index_cast %add3A_130 : i32 to index
        %get3A_131 = arith.constant 0 : index
        %get3A_132 = tpu.vector_load %arg14[%get3A, %get3A_131] {strides = array<i32>} : memref<128x128xf32, #tpu.memory_space<vmem>>, vector<16xf32>,
        %mul3A_133 = arith.mulf %get3A_132, %gather3A : vector<16xf32>
        %swap3A = arith.index_cast %add3A_130 : i32 to index
        %swap3A_134 = arith.constant 0 : index
        %swap3A_135 = tpu.vector_load %arg14[%swap3A, %swap3A_134] {strides = array<i32>} : memref<128x128xf32, #tpu.memory_space<vmem>>, vector<16xf32>,
        tpu.vector_store %arg14[%swap3A, %swap3A_134], %mul3A_133 {strides = array<i32>} : memref<128x128xf32, #tpu.memory_space<vmem>>, vector<16xf32>,
        %get3A_136 = arith.index_cast %add3A_130 : i32 to index
        %get3A_137 = arith.constant 16 : index
        %get3A_138 = tpu.vector_load %arg14[%get3A_136, %get3A_137] {strides = array<i32>} : memref<128x128xf32, #tpu.memory_space<vmem>>, vector<16xf32>,
        %mul3A_139 = arith.mulf %get3A_138, %gather3A : vector<16xf32>
        %swap3A_140 = arith.index_cast %add3A_130 : i32 to index
        %swap3A_141 = arith.constant 16 : index
        %swap3A_142 = tpu.vector_load %arg14[%swap3A_140, %swap3A_141] {strides = array<i32>} : memref<128x128xf32, #tpu.memory_space<vmem>>, vector<16xf32>,
        tpu.vector_store %arg14[%swap3A_140, %swap3A_141], %mul3A_139 {strides = array<i32>} : memref<128x128xf32, #tpu.memory_space<vmem>>, vector<16xf32>,
        %get3A_143 = arith.index_cast %add3A_130 : i32 to index
        %get3A_144 = arith.constant 32 : index
        %get3A_145 = tpu.vector_load %arg14[%get3A_143, %get3A_144] {strides = array<i32>} : memref<128x128xf32, #tpu.memory_space<vmem>>, vector<16xf32>,
        %mul3A_146 = arith.mulf %get3A_145, %gather3A : vector<16xf32>
        %swap3A_147 = arith.index_cast %add3A_130 : i32 to index
        %swap3A_148 = arith.constant 32 : index
        %swap3A_149 = tpu.vector_load %arg14[%swap3A_147, %swap3A_148] {strides = array<i32>} : memref<128x128xf32, #tpu.memory_space<vmem>>, vector<16xf32>,
        tpu.vector_store %arg14[%swap3A_147, %swap3A_148], %mul3A_146 {strides = array<i32>} : memref<128x128xf32, #tpu.memory_space<vmem>>, vector<16xf32>,
        %get3A_150 = arith.index_cast %add3A_130 : i32 to index
        %get3A_151 = arith.constant 48 : index
        %get3A_152 = tpu.vector_load %arg14[%get3A_150, %get3A_151] {strides = array<i32>} : memref<128x128xf32, #tpu.memory_space<vmem>>, vector<16xf32>,
        %mul3A_153 = arith.mulf %get3A_152, %gather3A : vector<16xf32>
        %swap3A_154 = arith.index_cast %add3A_130 : i32 to index
        %swap3A_155 = arith.constant 48 : index
        %swap3A_156 = tpu.vector_load %arg14[%swap3A_154, %swap3A_155] {strides = array<i32>} : memref<128x128xf32, #tpu.memory_space<vmem>>, vector<16xf32>,
        tpu.vector_store %arg14[%swap3A_154, %swap3A_155], %mul3A_153 {strides = array<i32>} : memref<128x128xf32, #tpu.memory_space<vmem>>, vector<16xf32>,
        %get3A_157 = arith.index_cast %add3A_130 : i32 to index
        %get3A_158 = arith.constant 64 : index
        %get3A_159 = tpu.vector_load %arg14[%get3A_157, %get3A_158] {strides = array<i32>} : memref<128x128xf32, #tpu.memory_space<vmem>>, vector<16xf32>,
        %mul3A_160 = arith.mulf %get3A_159, %gather3A : vector<16xf32>
        %swap3A_161 = arith.index_cast %add3A_130 : i32 to index
        %swap3A_162 = arith.constant 64 : index
        %swap3A_163 = tpu.vector_load %arg14[%swap3A_161, %swap3A_162] {strides = array<i32>} : memref<128x128xf32, #tpu.memory_space<vmem>>, vector<16xf32>,
        tpu.vector_store %arg14[%swap3A_161, %swap3A_162], %mul3A_160 {strides = array<i32>} : memref<128x128xf32, #tpu.memory_space<vmem>>, vector<16xf32>,
        %get3A_164 = arith.index_cast %add3A_130 : i32 to index
        %get3A_165 = arith.constant 80 : index
        %get3A_166 = tpu.vector_load %arg14[%get3A_164, %get3A_165] {strides = array<i32>} : memref<128x128xf32, #tpu.memory_space<vmem>>, vector<16xf32>,
        %mul3A_167 = arith.mulf %get3A_166, %gather3A : vector<16xf32>
        %swap3A_168 = arith.index_cast %add3A_130 : i32 to index
        %swap3A_169 = arith.constant 80 : index
        %swap3A_170 = tpu.vector_load %arg14[%swap3A_168, %swap3A_169] {strides = array<i32>} : memref<128x128xf32, #tpu.memory_space<vmem>>, vector<16xf32>,
        tpu.vector_store %arg14[%swap3A_168, %swap3A_169], %mul3A_167 {strides = array<i32>} : memref<128x128xf32, #tpu.memory_space<vmem>>, vector<16xf32>,
        %get3A_171 = arith.index_cast %add3A_130 : i32 to index
        %get3A_172 = arith.constant 96 : index
        %get3A_173 = tpu.vector_load %arg14[%get3A_171, %get3A_172] {strides = array<i32>} : memref<128x128xf32, #tpu.memory_space<vmem>>, vector<16xf32>,
        %mul3A_174 = arith.mulf %get3A_173, %gather3A : vector<16xf32>
        %swap3A_175 = arith.index_cast %add3A_130 : i32 to index
        %swap3A_176 = arith.constant 96 : index
        %swap3A_177 = tpu.vector_load %arg14[%swap3A_175, %swap3A_176] {strides = array<i32>} : memref<128x128xf32, #tpu.memory_space<vmem>>, vector<16xf32>,
        tpu.vector_store %arg14[%swap3A_175, %swap3A_176], %mul3A_174 {strides = array<i32>} : memref<128x128xf32, #tpu.memory_space<vmem>>, vector<16xf32>,
        %get3A_178 = arith.index_cast %add3A_130 : i32 to index
        %get3A_179 = arith.constant 112 : index
        %get3A_180 = tpu.vector_load %arg14[%get3A_178, %get3A_179] {strides = array<i32>} : memref<128x128xf32, #tpu.memory_space<vmem>>, vector<16xf32>,
        %mul3A_181 = arith.mulf %get3A_180, %gather3A : vector<16xf32>
        %swap3A_182 = arith.index_cast %add3A_130 : i32 to index
        %swap3A_183 = arith.constant 112 : index
        %swap3A_184 = tpu.vector_load %arg14[%swap3A_182, %swap3A_183] {strides = array<i32>} : memref<128x128xf32, #tpu.memory_space<vmem>>, vector<16xf32>,
        tpu.vector_store %arg14[%swap3A_182, %swap3A_183], %mul3A_181 {strides = array<i32>} : memref<128x128xf32, #tpu.memory_space<vmem>>, vector<16xf32>,
        %add3A_185 = arith.constant 1 : i32
        %add3A_186 = arith.addi %add3A_128, %add3A_185 : i32
        %broadcast_in_dim3A_187 = vector.broadcast %add3A_186 : i32 to vector<16xi32>
        %gather3A_188 = tpu.vector_load_idx %arg10[%broadcast_in_dim3A_187] : memref<128xf32, #tpu.memory_space<vmem>>[vector<16xi32>], vector<16xf32>,
        %get3A_189 = arith.index_cast %add3A_186 : i32 to index
        %get3A_190 = arith.constant 0 : index
        %get3A_191 = tpu.vector_load %arg14[%get3A_189, %get3A_190] {strides = array<i32>} : memref<128x128xf32, #tpu.memory_space<vmem>>, vector<16xf32>,
        %mul3A_192 = arith.mulf %get3A_191, %gather3A_188 : vector<16xf32>
        %swap3A_193 = arith.index_cast %add3A_186 : i32 to index
        %swap3A_194 = arith.constant 0 : index
        %swap3A_195 = tpu.vector_load %arg14[%swap3A_193, %swap3A_194] {strides = array<i32>} : memref<128x128xf32, #tpu.memory_space<vmem>>, vector<16xf32>,
        tpu.vector_store %arg14[%swap3A_193, %swap3A_194], %mul3A_192 {strides = array<i32>} : memref<128x128xf32, #tpu.memory_space<vmem>>, vector<16xf32>,
        %get3A_196 = arith.index_cast %add3A_186 : i32 to index
        %get3A_197 = arith.constant 16 : index
        %get3A_198 = tpu.vector_load %arg14[%get3A_196, %get3A_197] {strides = array<i32>} : memref<128x128xf32, #tpu.memory_space<vmem>>, vector<16xf32>,
        %mul3A_199 = arith.mulf %get3A_198, %gather3A_188 : vector<16xf32>
        %swap3A_200 = arith.index_cast %add3A_186 : i32 to index
        %swap3A_201 = arith.constant 16 : index
        %swap3A_202 = tpu.vector_load %arg14[%swap3A_200, %swap3A_201] {strides = array<i32>} : memref<128x128xf32, #tpu.memory_space<vmem>>, vector<16xf32>,
        tpu.vector_store %arg14[%swap3A_200, %swap3A_201], %mul3A_199 {strides = array<i32>} : memref<128x128xf32, #tpu.memory_space<vmem>>, vector<16xf32>,
        %get3A_203 = arith.index_cast %add3A_186 : i32 to index
        %get3A_204 = arith.constant 32 : index
        %get3A_205 = tpu.vector_load %arg14[%get3A_203, %get3A_204] {strides = array<i32>} : memref<128x128xf32, #tpu.memory_space<vmem>>, vector<16xf32>,
        %mul3A_206 = arith.mulf %get3A_205, %gather3A_188 : vector<16xf32>
        %swap3A_207 = arith.index_cast %add3A_186 : i32 to index
        %swap3A_208 = arith.constant 32 : index
        %swap3A_209 = tpu.vector_load %arg14[%swap3A_207, %swap3A_208] {strides = array<i32>} : memref<128x128xf32, #tpu.memory_space<vmem>>, vector<16xf32>,
        tpu.vector_store %arg14[%swap3A_207, %swap3A_208], %mul3A_206 {strides = array<i32>} : memref<128x128xf32, #tpu.memory_space<vmem>>, vector<16xf32>,
        %get3A_210 = arith.index_cast %add3A_186 : i32 to index
        %get3A_211 = arith.constant 48 : index
        %get3A_212 = tpu.vector_load %arg14[%get3A_210, %get3A_211] {strides = array<i32>} : memref<128x128xf32, #tpu.memory_space<vmem>>, vector<16xf32>,
        %mul3A_213 = arith.mulf %get3A_212, %gather3A_188 : vector<16xf32>
        %swap3A_214 = arith.index_cast %add3A_186 : i32 to index
        %swap3A_215 = arith.constant 48 : index
        %swap3A_216 = tpu.vector_load %arg14[%swap3A_214, %swap3A_215] {strides = array<i32>} : memref<128x128xf32, #tpu.memory_space<vmem>>, vector<16xf32>,
        tpu.vector_store %arg14[%swap3A_214, %swap3A_215], %mul3A_213 {strides = array<i32>} : memref<128x128xf32, #tpu.memory_space<vmem>>, vector<16xf32>,
        %get3A_217 = arith.index_cast %add3A_186 : i32 to index
        %get3A_218 = arith.constant 64 : index
        %get3A_219 = tpu.vector_load %arg14[%get3A_217, %get3A_218] {strides = array<i32>} : memref<128x128xf32, #tpu.memory_space<vmem>>, vector<16xf32>,
        %mul3A_220 = arith.mulf %get3A_219, %gather3A_188 : vector<16xf32>
        %swap3A_221 = arith.index_cast %add3A_186 : i32 to index
        %swap3A_222 = arith.constant 64 : index
        %swap3A_223 = tpu.vector_load %arg14[%swap3A_221, %swap3A_222] {strides = array<i32>} : memref<128x128xf32, #tpu.memory_space<vmem>>, vector<16xf32>,
        tpu.vector_store %arg14[%swap3A_221, %swap3A_222], %mul3A_220 {strides = array<i32>} : memref<128x128xf32, #tpu.memory_space<vmem>>, vector<16xf32>,
        %get3A_224 = arith.index_cast %add3A_186 : i32 to index
        %get3A_225 = arith.constant 80 : index
        %get3A_226 = tpu.vector_load %arg14[%get3A_224, %get3A_225] {strides = array<i32>} : memref<128x128xf32, #tpu.memory_space<vmem>>, vector<16xf32>,
        %mul3A_227 = arith.mulf %get3A_226, %gather3A_188 : vector<16xf32>
        %swap3A_228 = arith.index_cast %add3A_186 : i32 to index
        %swap3A_229 = arith.constant 80 : index
        %swap3A_230 = tpu.vector_load %arg14[%swap3A_228, %swap3A_229] {strides = array<i32>} : memref<128x128xf32, #tpu.memory_space<vmem>>, vector<16xf32>,
        tpu.vector_store %arg14[%swap3A_228, %swap3A_229], %mul3A_227 {strides = array<i32>} : memref<128x128xf32, #tpu.memory_space<vmem>>, vector<16xf32>,
        %get3A_231 = arith.index_cast %add3A_186 : i32 to index
        %get3A_232 = arith.constant 96 : index
        %get3A_233 = tpu.vector_load %arg14[%get3A_231, %get3A_232] {strides = array<i32>} : memref<128x128xf32, #tpu.memory_space<vmem>>, vector<16xf32>,
        %mul3A_234 = arith.mulf %get3A_233, %gather3A_188 : vector<16xf32>
        %swap3A_235 = arith.index_cast %add3A_186 : i32 to index
        %swap3A_236 = arith.constant 96 : index
        %swap3A_237 = tpu.vector_load %arg14[%swap3A_235, %swap3A_236] {strides = array<i32>} : memref<128x128xf32, #tpu.memory_space<vmem>>, vector<16xf32>,
        tpu.vector_store %arg14[%swap3A_235, %swap3A_236], %mul3A_234 {strides = array<i32>} : memref<128x128xf32, #tpu.memory_space<vmem>>, vector<16xf32>,
        %get3A_238 = arith.index_cast %add3A_186 : i32 to index
        %get3A_239 = arith.constant 112 : index
        %get3A_240 = tpu.vector_load %arg14[%get3A_238, %get3A_239] {strides = array<i32>} : memref<128x128xf32, #tpu.memory_space<vmem>>, vector<16xf32>,
        %mul3A_241 = arith.mulf %get3A_240, %gather3A_188 : vector<16xf32>
        %swap3A_242 = arith.index_cast %add3A_186 : i32 to index
        %swap3A_243 = arith.constant 112 : index
        %swap3A_244 = tpu.vector_load %arg14[%swap3A_242, %swap3A_243] {strides = array<i32>} : memref<128x128xf32, #tpu.memory_space<vmem>>, vector<16xf32>,
        tpu.vector_store %arg14[%swap3A_242, %swap3A_243], %mul3A_241 {strides = array<i32>} : memref<128x128xf32, #tpu.memory_space<vmem>>, vector<16xf32>,
        %add3A_245 = arith.constant 2 : i32
        %add3A_246 = arith.addi %add3A_128, %add3A_245 : i32
        %broadcast_in_dim3A_247 = vector.broadcast %add3A_246 : i32 to vector<16xi32>
        %gather3A_248 = tpu.vector_load_idx %arg10[%broadcast_in_dim3A_247] : memref<128xf32, #tpu.memory_space<vmem>>[vector<16xi32>], vector<16xf32>,
        %get3A_249 = arith.index_cast %add3A_246 : i32 to index
        %get3A_250 = arith.constant 0 : index
        %get3A_251 = tpu.vector_load %arg14[%get3A_249, %get3A_250] {strides = array<i32>} : memref<128x128xf32, #tpu.memory_space<vmem>>, vector<16xf32>,
        %mul3A_252 = arith.mulf %get3A_251, %gather3A_248 : vector<16xf32>
        %swap3A_253 = arith.index_cast %add3A_246 : i32 to index
        %swap3A_254 = arith.constant 0 : index
        %swap3A_255 = tpu.vector_load %arg14[%swap3A_253, %swap3A_254] {strides = array<i32>} : memref<128x128xf32, #tpu.memory_space<vmem>>, vector<16xf32>,
        tpu.vector_store %arg14[%swap3A_253, %swap3A_254], %mul3A_252 {strides = array<i32>} : memref<128x128xf32, #tpu.memory_space<vmem>>, vector<16xf32>,
        %get3A_256 = arith.index_cast %add3A_246 : i32 to index
        %get3A_257 = arith.constant 16 : index
        %get3A_258 = tpu.vector_load %arg14[%get3A_256, %get3A_257] {strides = array<i32>} : memref<128x128xf32, #tpu.memory_space<vmem>>, vector<16xf32>,
        %mul3A_259 = arith.mulf %get3A_258, %gather3A_248 : vector<16xf32>
        %swap3A_260 = arith.index_cast %add3A_246 : i32 to index
        %swap3A_261 = arith.constant 16 : index
        %swap3A_262 = tpu.vector_load %arg14[%swap3A_260, %swap3A_261] {strides = array<i32>} : memref<128x128xf32, #tpu.memory_space<vmem>>, vector<16xf32>,
        tpu.vector_store %arg14[%swap3A_260, %swap3A_261], %mul3A_259 {strides = array<i32>} : memref<128x128xf32, #tpu.memory_space<vmem>>, vector<16xf32>,
        %get3A_263 = arith.index_cast %add3A_246 : i32 to index
        %get3A_264 = arith.constant 32 : index
        %get3A_265 = tpu.vector_load %arg14[%get3A_263, %get3A_264] {strides = array<i32>} : memref<128x128xf32, #tpu.memory_space<vmem>>, vector<16xf32>,
        %mul3A_266 = arith.mulf %get3A_265, %gather3A_248 : vector<16xf32>
        %swap3A_267 = arith.index_cast %add3A_246 : i32 to index
        %swap3A_268 = arith.constant 32 : index
        %swap3A_269 = tpu.vector_load %arg14[%swap3A_267, %swap3A_268] {strides = array<i32>} : memref<128x128xf32, #tpu.memory_space<vmem>>, vector<16xf32>,
        tpu.vector_store %arg14[%swap3A_267, %swap3A_268], %mul3A_266 {strides = array<i32>} : memref<128x128xf32, #tpu.memory_space<vmem>>, vector<16xf32>,
        %get3A_270 = arith.index_cast %add3A_246 : i32 to index
        %get3A_271 = arith.constant 48 : index
        %get3A_272 = tpu.vector_load %arg14[%get3A_270, %get3A_271] {strides = array<i32>} : memref<128x128xf32, #tpu.memory_space<vmem>>, vector<16xf32>,
        %mul3A_273 = arith.mulf %get3A_272, %gather3A_248 : vector<16xf32>
        %swap3A_274 = arith.index_cast %add3A_246 : i32 to index
        %swap3A_275 = arith.constant 48 : index
        %swap3A_276 = tpu.vector_load %arg14[%swap3A_274, %swap3A_275] {strides = array<i32>} : memref<128x128xf32, #tpu.memory_space<vmem>>, vector<16xf32>,
        tpu.vector_store %arg14[%swap3A_274, %swap3A_275], %mul3A_273 {strides = array<i32>} : memref<128x128xf32, #tpu.memory_space<vmem>>, vector<16xf32>,
        %get3A_277 = arith.index_cast %add3A_246 : i32 to index
        %get3A_278 = arith.constant 64 : index
        %get3A_279 = tpu.vector_load %arg14[%get3A_277, %get3A_278] {strides = array<i32>} : memref<128x128xf32, #tpu.memory_space<vmem>>, vector<16xf32>,
        %mul3A_280 = arith.mulf %get3A_279, %gather3A_248 : vector<16xf32>
        %swap3A_281 = arith.index_cast %add3A_246 : i32 to index
        %swap3A_282 = arith.constant 64 : index
        %swap3A_283 = tpu.vector_load %arg14[%swap3A_281, %swap3A_282] {strides = array<i32>} : memref<128x128xf32, #tpu.memory_space<vmem>>, vector<16xf32>,
        tpu.vector_store %arg14[%swap3A_281, %swap3A_282], %mul3A_280 {strides = array<i32>} : memref<128x128xf32, #tpu.memory_space<vmem>>, vector<16xf32>,
        %get3A_284 = arith.index_cast %add3A_246 : i32 to index
        %get3A_285 = arith.constant 80 : index
        %get3A_286 = tpu.vector_load %arg14[%get3A_284, %get3A_285] {strides = array<i32>} : memref<128x128xf32, #tpu.memory_space<vmem>>, vector<16xf32>,
        %mul3A_287 = arith.mulf %get3A_286, %gather3A_248 : vector<16xf32>
        %swap3A_288 = arith.index_cast %add3A_246 : i32 to index
        %swap3A_289 = arith.constant 80 : index
        %swap3A_290 = tpu.vector_load %arg14[%swap3A_288, %swap3A_289] {strides = array<i32>} : memref<128x128xf32, #tpu.memory_space<vmem>>, vector<16xf32>,
        tpu.vector_store %arg14[%swap3A_288, %swap3A_289], %mul3A_287 {strides = array<i32>} : memref<128x128xf32, #tpu.memory_space<vmem>>, vector<16xf32>,
        %get3A_291 = arith.index_cast %add3A_246 : i32 to index
        %get3A_292 = arith.constant 96 : index
        %get3A_293 = tpu.vector_load %arg14[%get3A_291, %get3A_292] {strides = array<i32>} : memref<128x128xf32, #tpu.memory_space<vmem>>, vector<16xf32>,
        %mul3A_294 = arith.mulf %get3A_293, %gather3A_248 : vector<16xf32>
        %swap3A_295 = arith.index_cast %add3A_246 : i32 to index
        %swap3A_296 = arith.constant 96 : index
        %swap3A_297 = tpu.vector_load %arg14[%swap3A_295, %swap3A_296] {strides = array<i32>} : memref<128x128xf32, #tpu.memory_space<vmem>>, vector<16xf32>,
        tpu.vector_store %arg14[%swap3A_295, %swap3A_296], %mul3A_294 {strides = array<i32>} : memref<128x128xf32, #tpu.memory_space<vmem>>, vector<16xf32>,
        %get3A_298 = arith.index_cast %add3A_246 : i32 to index
        %get3A_299 = arith.constant 112 : index
        %get3A_300 = tpu.vector_load %arg14[%get3A_298, %get3A_299] {strides = array<i32>} : memref<128x128xf32, #tpu.memory_space<vmem>>, vector<16xf32>,
        %mul3A_301 = arith.mulf %get3A_300, %gather3A_248 : vector<16xf32>
        %swap3A_302 = arith.index_cast %add3A_246 : i32 to index
        %swap3A_303 = arith.constant 112 : index
        %swap3A_304 = tpu.vector_load %arg14[%swap3A_302, %swap3A_303] {strides = array<i32>} : memref<128x128xf32, #tpu.memory_space<vmem>>, vector<16xf32>,
        tpu.vector_store %arg14[%swap3A_302, %swap3A_303], %mul3A_301 {strides = array<i32>} : memref<128x128xf32, #tpu.memory_space<vmem>>, vector<16xf32>,
        %add3A_305 = arith.constant 3 : i32
        %add3A_306 = arith.addi %add3A_128, %add3A_305 : i32
        %broadcast_in_dim3A_307 = vector.broadcast %add3A_306 : i32 to vector<16xi32>
        %gather3A_308 = tpu.vector_load_idx %arg10[%broadcast_in_dim3A_307] : memref<128xf32, #tpu.memory_space<vmem>>[vector<16xi32>], vector<16xf32>,
        %get3A_309 = arith.index_cast %add3A_306 : i32 to index
        %get3A_310 = arith.constant 0 : index
        %get3A_311 = tpu.vector_load %arg14[%get3A_309, %get3A_310] {strides = array<i32>} : memref<128x128xf32, #tpu.memory_space<vmem>>, vector<16xf32>,
        %mul3A_312 = arith.mulf %get3A_311, %gather3A_308 : vector<16xf32>
        %swap3A_313 = arith.index_cast %add3A_306 : i32 to index
        %swap3A_314 = arith.constant 0 : index
        %swap3A_315 = tpu.vector_load %arg14[%swap3A_313, %swap3A_314] {strides = array<i32>} : memref<128x128xf32, #tpu.memory_space<vmem>>, vector<16xf32>,
        tpu.vector_store %arg14[%swap3A_313, %swap3A_314], %mul3A_312 {strides = array<i32>} : memref<128x128xf32, #tpu.memory_space<vmem>>, vector<16xf32>,
        %get3A_316 = arith.index_cast %add3A_306 : i32 to index
        %get3A_317 = arith.constant 16 : index
        %get3A_318 = tpu.vector_load %arg14[%get3A_316, %get3A_317] {strides = array<i32>} : memref<128x128xf32, #tpu.memory_space<vmem>>, vector<16xf32>,
        %mul3A_319 = arith.mulf %get3A_318, %gather3A_308 : vector<16xf32>
        %swap3A_320 = arith.index_cast %add3A_306 : i32 to index
        %swap3A_321 = arith.constant 16 : index
        %swap3A_322 = tpu.vector_load %arg14[%swap3A_320, %swap3A_321] {strides = array<i32>} : memref<128x128xf32, #tpu.memory_space<vmem>>, vector<16xf32>,
        tpu.vector_store %arg14[%swap3A_320, %swap3A_321], %mul3A_319 {strides = array<i32>} : memref<128x128xf32, #tpu.memory_space<vmem>>, vector<16xf32>,
        %get3A_323 = arith.index_cast %add3A_306 : i32 to index
        %get3A_324 = arith.constant 32 : index
        %get3A_325 = tpu.vector_load %arg14[%get3A_323, %get3A_324] {strides = array<i32>} : memref<128x128xf32, #tpu.memory_space<vmem>>, vector<16xf32>,
        %mul3A_326 = arith.mulf %get3A_325, %gather3A_308 : vector<16xf32>
        %swap3A_327 = arith.index_cast %add3A_306 : i32 to index
        %swap3A_328 = arith.constant 32 : index
        %swap3A_329 = tpu.vector_load %arg14[%swap3A_327, %swap3A_328] {strides = array<i32>} : memref<128x128xf32, #tpu.memory_space<vmem>>, vector<16xf32>,
        tpu.vector_store %arg14[%swap3A_327, %swap3A_328], %mul3A_326 {strides = array<i32>} : memref<128x128xf32, #tpu.memory_space<vmem>>, vector<16xf32>,
        %get3A_330 = arith.index_cast %add3A_306 : i32 to index
        %get3A_331 = arith.constant 48 : index
        %get3A_332 = tpu.vector_load %arg14[%get3A_330, %get3A_331] {strides = array<i32>} : memref<128x128xf32, #tpu.memory_space<vmem>>, vector<16xf32>,
        %mul3A_333 = arith.mulf %get3A_332, %gather3A_308 : vector<16xf32>
        %swap3A_334 = arith.index_cast %add3A_306 : i32 to index
        %swap3A_335 = arith.constant 48 : index
        %swap3A_336 = tpu.vector_load %arg14[%swap3A_334, %swap3A_335] {strides = array<i32>} : memref<128x128xf32, #tpu.memory_space<vmem>>, vector<16xf32>,
        tpu.vector_store %arg14[%swap3A_334, %swap3A_335], %mul3A_333 {strides = array<i32>} : memref<128x128xf32, #tpu.memory_space<vmem>>, vector<16xf32>,
        %get3A_337 = arith.index_cast %add3A_306 : i32 to index
        %get3A_338 = arith.constant 64 : index
        %get3A_339 = tpu.vector_load %arg14[%get3A_337, %get3A_338] {strides = array<i32>} : memref<128x128xf32, #tpu.memory_space<vmem>>, vector<16xf32>,
        %mul3A_340 = arith.mulf %get3A_339, %gather3A_308 : vector<16xf32>
        %swap3A_341 = arith.index_cast %add3A_306 : i32 to index
        %swap3A_342 = arith.constant 64 : index
        %swap3A_343 = tpu.vector_load %arg14[%swap3A_341, %swap3A_342] {strides = array<i32>} : memref<128x128xf32, #tpu.memory_space<vmem>>, vector<16xf32>,
        tpu.vector_store %arg14[%swap3A_341, %swap3A_342], %mul3A_340 {strides = array<i32>} : memref<128x128xf32, #tpu.memory_space<vmem>>, vector<16xf32>,
        %get3A_344 = arith.index_cast %add3A_306 : i32 to index
        %get3A_345 = arith.constant 80 : index
        %get3A_346 = tpu.vector_load %arg14[%get3A_344, %get3A_345] {strides = array<i32>} : memref<128x128xf32, #tpu.memory_space<vmem>>, vector<16xf32>,
        %mul3A_347 = arith.mulf %get3A_346, %gather3A_308 : vector<16xf32>
        %swap3A_348 = arith.index_cast %add3A_306 : i32 to index
        %swap3A_349 = arith.constant 80 : index
        %swap3A_350 = tpu.vector_load %arg14[%swap3A_348, %swap3A_349] {strides = array<i32>} : memref<128x128xf32, #tpu.memory_space<vmem>>, vector<16xf32>,
        tpu.vector_store %arg14[%swap3A_348, %swap3A_349], %mul3A_347 {strides = array<i32>} : memref<128x128xf32, #tpu.memory_space<vmem>>, vector<16xf32>,
        %get3A_351 = arith.index_cast %add3A_306 : i32 to index
        %get3A_352 = arith.constant 96 : index
        %get3A_353 = tpu.vector_load %arg14[%get3A_351, %get3A_352] {strides = array<i32>} : memref<128x128xf32, #tpu.memory_space<vmem>>, vector<16xf32>,
        %mul3A_354 = arith.mulf %get3A_353, %gather3A_308 : vector<16xf32>
        %swap3A_355 = arith.index_cast %add3A_306 : i32 to index
        %swap3A_356 = arith.constant 96 : index
        %swap3A_357 = tpu.vector_load %arg14[%swap3A_355, %swap3A_356] {strides = array<i32>} : memref<128x128xf32, #tpu.memory_space<vmem>>, vector<16xf32>,
        tpu.vector_store %arg14[%swap3A_355, %swap3A_356], %mul3A_354 {strides = array<i32>} : memref<128x128xf32, #tpu.memory_space<vmem>>, vector<16xf32>,
        %get3A_358 = arith.index_cast %add3A_306 : i32 to index
        %get3A_359 = arith.constant 112 : index
        %get3A_360 = tpu.vector_load %arg14[%get3A_358, %get3A_359] {strides = array<i32>} : memref<128x128xf32, #tpu.memory_space<vmem>>, vector<16xf32>,
        %mul3A_361 = arith.mulf %get3A_360, %gather3A_308 : vector<16xf32>
        %swap3A_362 = arith.index_cast %add3A_306 : i32 to index
        %swap3A_363 = arith.constant 112 : index
        %swap3A_364 = tpu.vector_load %arg14[%swap3A_362, %swap3A_363] {strides = array<i32>} : memref<128x128xf32, #tpu.memory_space<vmem>>, vector<16xf32>,
        tpu.vector_store %arg14[%swap3A_362, %swap3A_363], %mul3A_361 {strides = array<i32>} : memref<128x128xf32, #tpu.memory_space<vmem>>, vector<16xf32>,
        %add3A_365 = arith.constant 4 : i32
        %add3A_366 = arith.addi %add3A_128, %add3A_365 : i32
        %broadcast_in_dim3A_367 = vector.broadcast %add3A_366 : i32 to vector<16xi32>
        %gather3A_368 = tpu.vector_load_idx %arg10[%broadcast_in_dim3A_367] : memref<128xf32, #tpu.memory_space<vmem>>[vector<16xi32>], vector<16xf32>,
        %get3A_369 = arith.index_cast %add3A_366 : i32 to index
        %get3A_370 = arith.constant 0 : index
        %get3A_371 = tpu.vector_load %arg14[%get3A_369, %get3A_370] {strides = array<i32>} : memref<128x128xf32, #tpu.memory_space<vmem>>, vector<16xf32>,
        %mul3A_372 = arith.mulf %get3A_371, %gather3A_368 : vector<16xf32>
        %swap3A_373 = arith.index_cast %add3A_366 : i32 to index
        %swap3A_374 = arith.constant 0 : index
        %swap3A_375 = tpu.vector_load %arg14[%swap3A_373, %swap3A_374] {strides = array<i32>} : memref<128x128xf32, #tpu.memory_space<vmem>>, vector<16xf32>,
        tpu.vector_store %arg14[%swap3A_373, %swap3A_374], %mul3A_372 {strides = array<i32>} : memref<128x128xf32, #tpu.memory_space<vmem>>, vector<16xf32>,
        %get3A_376 = arith.index_cast %add3A_366 : i32 to index
        %get3A_377 = arith.constant 16 : index
        %get3A_378 = tpu.vector_load %arg14[%get3A_376, %get3A_377] {strides = array<i32>} : memref<128x128xf32, #tpu.memory_space<vmem>>, vector<16xf32>,
        %mul3A_379 = arith.mulf %get3A_378, %gather3A_368 : vector<16xf32>
        %swap3A_380 = arith.index_cast %add3A_366 : i32 to index
        %swap3A_381 = arith.constant 16 : index
        %swap3A_382 = tpu.vector_load %arg14[%swap3A_380, %swap3A_381] {strides = array<i32>} : memref<128x128xf32, #tpu.memory_space<vmem>>, vector<16xf32>,
        tpu.vector_store %arg14[%swap3A_380, %swap3A_381], %mul3A_379 {strides = array<i32>} : memref<128x128xf32, #tpu.memory_space<vmem>>, vector<16xf32>,
        %get3A_383 = arith.index_cast %add3A_366 : i32 to index
        %get3A_384 = arith.constant 32 : index
        %get3A_385 = tpu.vector_load %arg14[%get3A_383, %get3A_384] {strides = array<i32>} : memref<128x128xf32, #tpu.memory_space<vmem>>, vector<16xf32>,
        %mul3A_386 = arith.mulf %get3A_385, %gather3A_368 : vector<16xf32>
        %swap3A_387 = arith.index_cast %add3A_366 : i32 to index
        %swap3A_388 = arith.constant 32 : index
        %swap3A_389 = tpu.vector_load %arg14[%swap3A_387, %swap3A_388] {strides = array<i32>} : memref<128x128xf32, #tpu.memory_space<vmem>>, vector<16xf32>,
        tpu.vector_store %arg14[%swap3A_387, %swap3A_388], %mul3A_386 {strides = array<i32>} : memref<128x128xf32, #tpu.memory_space<vmem>>, vector<16xf32>,
        %get3A_390 = arith.index_cast %add3A_366 : i32 to index
        %get3A_391 = arith.constant 48 : index
        %get3A_392 = tpu.vector_load %arg14[%get3A_390, %get3A_391] {strides = array<i32>} : memref<128x128xf32, #tpu.memory_space<vmem>>, vector<16xf32>,
        %mul3A_393 = arith.mulf %get3A_392, %gather3A_368 : vector<16xf32>
        %swap3A_394 = arith.index_cast %add3A_366 : i32 to index
        %swap3A_395 = arith.constant 48 : index
        %swap3A_396 = tpu.vector_load %arg14[%swap3A_394, %swap3A_395] {strides = array<i32>} : memref<128x128xf32, #tpu.memory_space<vmem>>, vector<16xf32>,
        tpu.vector_store %arg14[%swap3A_394, %swap3A_395], %mul3A_393 {strides = array<i32>} : memref<128x128xf32, #tpu.memory_space<vmem>>, vector<16xf32>,
        %get3A_397 = arith.index_cast %add3A_366 : i32 to index
        %get3A_398 = arith.constant 64 : index
        %get3A_399 = tpu.vector_load %arg14[%get3A_397, %get3A_398] {strides = array<i32>} : memref<128x128xf32, #tpu.memory_space<vmem>>, vector<16xf32>,
        %mul3A_400 = arith.mulf %get3A_399, %gather3A_368 : vector<16xf32>
        %swap3A_401 = arith.index_cast %add3A_366 : i32 to index
        %swap3A_402 = arith.constant 64 : index
        %swap3A_403 = tpu.vector_load %arg14[%swap3A_401, %swap3A_402] {strides = array<i32>} : memref<128x128xf32, #tpu.memory_space<vmem>>, vector<16xf32>,
        tpu.vector_store %arg14[%swap3A_401, %swap3A_402], %mul3A_400 {strides = array<i32>} : memref<128x128xf32, #tpu.memory_space<vmem>>, vector<16xf32>,
        %get3A_404 = arith.index_cast %add3A_366 : i32 to index
        %get3A_405 = arith.constant 80 : index
        %get3A_406 = tpu.vector_load %arg14[%get3A_404, %get3A_405] {strides = array<i32>} : memref<128x128xf32, #tpu.memory_space<vmem>>, vector<16xf32>,
        %mul3A_407 = arith.mulf %get3A_406, %gather3A_368 : vector<16xf32>
        %swap3A_408 = arith.index_cast %add3A_366 : i32 to index
        %swap3A_409 = arith.constant 80 : index
        %swap3A_410 = tpu.vector_load %arg14[%swap3A_408, %swap3A_409] {strides = array<i32>} : memref<128x128xf32, #tpu.memory_space<vmem>>, vector<16xf32>,
        tpu.vector_store %arg14[%swap3A_408, %swap3A_409], %mul3A_407 {strides = array<i32>} : memref<128x128xf32, #tpu.memory_space<vmem>>, vector<16xf32>,
        %get3A_411 = arith.index_cast %add3A_366 : i32 to index
        %get3A_412 = arith.constant 96 : index
        %get3A_413 = tpu.vector_load %arg14[%get3A_411, %get3A_412] {strides = array<i32>} : memref<128x128xf32, #tpu.memory_space<vmem>>, vector<16xf32>,
        %mul3A_414 = arith.mulf %get3A_413, %gather3A_368 : vector<16xf32>
        %swap3A_415 = arith.index_cast %add3A_366 : i32 to index
        %swap3A_416 = arith.constant 96 : index
        %swap3A_417 = tpu.vector_load %arg14[%swap3A_415, %swap3A_416] {strides = array<i32>} : memref<128x128xf32, #tpu.memory_space<vmem>>, vector<16xf32>,
        tpu.vector_store %arg14[%swap3A_415, %swap3A_416], %mul3A_414 {strides = array<i32>} : memref<128x128xf32, #tpu.memory_space<vmem>>, vector<16xf32>,
        %get3A_418 = arith.index_cast %add3A_366 : i32 to index
        %get3A_419 = arith.constant 112 : index
        %get3A_420 = tpu.vector_load %arg14[%get3A_418, %get3A_419] {strides = array<i32>} : memref<128x128xf32, #tpu.memory_space<vmem>>, vector<16xf32>,
        %mul3A_421 = arith.mulf %get3A_420, %gather3A_368 : vector<16xf32>
        %swap3A_422 = arith.index_cast %add3A_366 : i32 to index
        %swap3A_423 = arith.constant 112 : index
        %swap3A_424 = tpu.vector_load %arg14[%swap3A_422, %swap3A_423] {strides = array<i32>} : memref<128x128xf32, #tpu.memory_space<vmem>>, vector<16xf32>,
        tpu.vector_store %arg14[%swap3A_422, %swap3A_423], %mul3A_421 {strides = array<i32>} : memref<128x128xf32, #tpu.memory_space<vmem>>, vector<16xf32>,
        %add3A_425 = arith.constant 5 : i32
        %add3A_426 = arith.addi %add3A_128, %add3A_425 : i32
        %broadcast_in_dim3A_427 = vector.broadcast %add3A_426 : i32 to vector<16xi32>
        %gather3A_428 = tpu.vector_load_idx %arg10[%broadcast_in_dim3A_427] : memref<128xf32, #tpu.memory_space<vmem>>[vector<16xi32>], vector<16xf32>,
        %get3A_429 = arith.index_cast %add3A_426 : i32 to index
        %get3A_430 = arith.constant 0 : index
        %get3A_431 = tpu.vector_load %arg14[%get3A_429, %get3A_430] {strides = array<i32>} : memref<128x128xf32, #tpu.memory_space<vmem>>, vector<16xf32>,
        %mul3A_432 = arith.mulf %get3A_431, %gather3A_428 : vector<16xf32>
        %swap3A_433 = arith.index_cast %add3A_426 : i32 to index
        %swap3A_434 = arith.constant 0 : index
        %swap3A_435 = tpu.vector_load %arg14[%swap3A_433, %swap3A_434] {strides = array<i32>} : memref<128x128xf32, #tpu.memory_space<vmem>>, vector<16xf32>,
        tpu.vector_store %arg14[%swap3A_433, %swap3A_434], %mul3A_432 {strides = array<i32>} : memref<128x128xf32, #tpu.memory_space<vmem>>, vector<16xf32>,
        %get3A_436 = arith.index_cast %add3A_426 : i32 to index
        %get3A_437 = arith.constant 16 : index
        %get3A_438 = tpu.vector_load %arg14[%get3A_436, %get3A_437] {strides = array<i32>} : memref<128x128xf32, #tpu.memory_space<vmem>>, vector<16xf32>,
        %mul3A_439 = arith.mulf %get3A_438, %gather3A_428 : vector<16xf32>
        %swap3A_440 = arith.index_cast %add3A_426 : i32 to index
        %swap3A_441 = arith.constant 16 : index
        %swap3A_442 = tpu.vector_load %arg14[%swap3A_440, %swap3A_441] {strides = array<i32>} : memref<128x128xf32, #tpu.memory_space<vmem>>, vector<16xf32>,
        tpu.vector_store %arg14[%swap3A_440, %swap3A_441], %mul3A_439 {strides = array<i32>} : memref<128x128xf32, #tpu.memory_space<vmem>>, vector<16xf32>,
        %get3A_443 = arith.index_cast %add3A_426 : i32 to index
        %get3A_444 = arith.constant 32 : index
        %get3A_445 = tpu.vector_load %arg14[%get3A_443, %get3A_444] {strides = array<i32>} : memref<128x128xf32, #tpu.memory_space<vmem>>, vector<16xf32>,
        %mul3A_446 = arith.mulf %get3A_445, %gather3A_428 : vector<16xf32>
        %swap3A_447 = arith.index_cast %add3A_426 : i32 to index
        %swap3A_448 = arith.constant 32 : index
        %swap3A_449 = tpu.vector_load %arg14[%swap3A_447, %swap3A_448] {strides = array<i32>} : memref<128x128xf32, #tpu.memory_space<vmem>>, vector<16xf32>,
        tpu.vector_store %arg14[%swap3A_447, %swap3A_448], %mul3A_446 {strides = array<i32>} : memref<128x128xf32, #tpu.memory_space<vmem>>, vector<16xf32>,
        %get3A_450 = arith.index_cast %add3A_426 : i32 to index
        %get3A_451 = arith.constant 48 : index
        %get3A_452 = tpu.vector_load %arg14[%get3A_450, %get3A_451] {strides = array<i32>} : memref<128x128xf32, #tpu.memory_space<vmem>>, vector<16xf32>,
        %mul3A_453 = arith.mulf %get3A_452, %gather3A_428 : vector<16xf32>
        %swap3A_454 = arith.index_cast %add3A_426 : i32 to index
        %swap3A_455 = arith.constant 48 : index
        %swap3A_456 = tpu.vector_load %arg14[%swap3A_454, %swap3A_455] {strides = array<i32>} : memref<128x128xf32, #tpu.memory_space<vmem>>, vector<16xf32>,
        tpu.vector_store %arg14[%swap3A_454, %swap3A_455], %mul3A_453 {strides = array<i32>} : memref<128x128xf32, #tpu.memory_space<vmem>>, vector<16xf32>,
        %get3A_457 = arith.index_cast %add3A_426 : i32 to index
        %get3A_458 = arith.constant 64 : index
        %get3A_459 = tpu.vector_load %arg14[%get3A_457, %get3A_458] {strides = array<i32>} : memref<128x128xf32, #tpu.memory_space<vmem>>, vector<16xf32>,
        %mul3A_460 = arith.mulf %get3A_459, %gather3A_428 : vector<16xf32>
        %swap3A_461 = arith.index_cast %add3A_426 : i32 to index
        %swap3A_462 = arith.constant 64 : index
        %swap3A_463 = tpu.vector_load %arg14[%swap3A_461, %swap3A_462] {strides = array<i32>} : memref<128x128xf32, #tpu.memory_space<vmem>>, vector<16xf32>,
        tpu.vector_store %arg14[%swap3A_461, %swap3A_462], %mul3A_460 {strides = array<i32>} : memref<128x128xf32, #tpu.memory_space<vmem>>, vector<16xf32>,
        %get3A_464 = arith.index_cast %add3A_426 : i32 to index
        %get3A_465 = arith.constant 80 : index
        %get3A_466 = tpu.vector_load %arg14[%get3A_464, %get3A_465] {strides = array<i32>} : memref<128x128xf32, #tpu.memory_space<vmem>>, vector<16xf32>,
        %mul3A_467 = arith.mulf %get3A_466, %gather3A_428 : vector<16xf32>
        %swap3A_468 = arith.index_cast %add3A_426 : i32 to index
        %swap3A_469 = arith.constant 80 : index
        %swap3A_470 = tpu.vector_load %arg14[%swap3A_468, %swap3A_469] {strides = array<i32>} : memref<128x128xf32, #tpu.memory_space<vmem>>, vector<16xf32>,
        tpu.vector_store %arg14[%swap3A_468, %swap3A_469], %mul3A_467 {strides = array<i32>} : memref<128x128xf32, #tpu.memory_space<vmem>>, vector<16xf32>,
        %get3A_471 = arith.index_cast %add3A_426 : i32 to index
        %get3A_472 = arith.constant 96 : index
        %get3A_473 = tpu.vector_load %arg14[%get3A_471, %get3A_472] {strides = array<i32>} : memref<128x128xf32, #tpu.memory_space<vmem>>, vector<16xf32>,
        %mul3A_474 = arith.mulf %get3A_473, %gather3A_428 : vector<16xf32>
        %swap3A_475 = arith.index_cast %add3A_426 : i32 to index
        %swap3A_476 = arith.constant 96 : index
        %swap3A_477 = tpu.vector_load %arg14[%swap3A_475, %swap3A_476] {strides = array<i32>} : memref<128x128xf32, #tpu.memory_space<vmem>>, vector<16xf32>,
        tpu.vector_store %arg14[%swap3A_475, %swap3A_476], %mul3A_474 {strides = array<i32>} : memref<128x128xf32, #tpu.memory_space<vmem>>, vector<16xf32>,
        %get3A_478 = arith.index_cast %add3A_426 : i32 to index
        %get3A_479 = arith.constant 112 : index
        %get3A_480 = tpu.vector_load %arg14[%get3A_478, %get3A_479] {strides = array<i32>} : memref<128x128xf32, #tpu.memory_space<vmem>>, vector<16xf32>,
        %mul3A_481 = arith.mulf %get3A_480, %gather3A_428 : vector<16xf32>
        %swap3A_482 = arith.index_cast %add3A_426 : i32 to index
        %swap3A_483 = arith.constant 112 : index
        %swap3A_484 = tpu.vector_load %arg14[%swap3A_482, %swap3A_483] {strides = array<i32>} : memref<128x128xf32, #tpu.memory_space<vmem>>, vector<16xf32>,
        tpu.vector_store %arg14[%swap3A_482, %swap3A_483], %mul3A_481 {strides = array<i32>} : memref<128x128xf32, #tpu.memory_space<vmem>>, vector<16xf32>,
        %add3A_485 = arith.constant 6 : i32
        %add3A_486 = arith.addi %add3A_128, %add3A_485 : i32
        %broadcast_in_dim3A_487 = vector.broadcast %add3A_486 : i32 to vector<16xi32>
        %gather3A_488 = tpu.vector_load_idx %arg10[%broadcast_in_dim3A_487] : memref<128xf32, #tpu.memory_space<vmem>>[vector<16xi32>], vector<16xf32>,
        %get3A_489 = arith.index_cast %add3A_486 : i32 to index
        %get3A_490 = arith.constant 0 : index
        %get3A_491 = tpu.vector_load %arg14[%get3A_489, %get3A_490] {strides = array<i32>} : memref<128x128xf32, #tpu.memory_space<vmem>>, vector<16xf32>,
        %mul3A_492 = arith.mulf %get3A_491, %gather3A_488 : vector<16xf32>
        %swap3A_493 = arith.index_cast %add3A_486 : i32 to index
        %swap3A_494 = arith.constant 0 : index
        %swap3A_495 = tpu.vector_load %arg14[%swap3A_493, %swap3A_494] {strides = array<i32>} : memref<128x128xf32, #tpu.memory_space<vmem>>, vector<16xf32>,
        tpu.vector_store %arg14[%swap3A_493, %swap3A_494], %mul3A_492 {strides = array<i32>} : memref<128x128xf32, #tpu.memory_space<vmem>>, vector<16xf32>,
        %get3A_496 = arith.index_cast %add3A_486 : i32 to index
        %get3A_497 = arith.constant 16 : index
        %get3A_498 = tpu.vector_load %arg14[%get3A_496, %get3A_497] {strides = array<i32>} : memref<128x128xf32, #tpu.memory_space<vmem>>, vector<16xf32>,
        %mul3A_499 = arith.mulf %get3A_498, %gather3A_488 : vector<16xf32>
        %swap3A_500 = arith.index_cast %add3A_486 : i32 to index
        %swap3A_501 = arith.constant 16 : index
        %swap3A_502 = tpu.vector_load %arg14[%swap3A_500, %swap3A_501] {strides = array<i32>} : memref<128x128xf32, #tpu.memory_space<vmem>>, vector<16xf32>,
        tpu.vector_store %arg14[%swap3A_500, %swap3A_501], %mul3A_499 {strides = array<i32>} : memref<128x128xf32, #tpu.memory_space<vmem>>, vector<16xf32>,
        %get3A_503 = arith.index_cast %add3A_486 : i32 to index
        %get3A_504 = arith.constant 32 : index
        %get3A_505 = tpu.vector_load %arg14[%get3A_503, %get3A_504] {strides = array<i32>} : memref<128x128xf32, #tpu.memory_space<vmem>>, vector<16xf32>,
        %mul3A_506 = arith.mulf %get3A_505, %gather3A_488 : vector<16xf32>
        %swap3A_507 = arith.index_cast %add3A_486 : i32 to index
        %swap3A_508 = arith.constant 32 : index
        %swap3A_509 = tpu.vector_load %arg14[%swap3A_507, %swap3A_508] {strides = array<i32>} : memref<128x128xf32, #tpu.memory_space<vmem>>, vector<16xf32>,
        tpu.vector_store %arg14[%swap3A_507, %swap3A_508], %mul3A_506 {strides = array<i32>} : memref<128x128xf32, #tpu.memory_space<vmem>>, vector<16xf32>,
        %get3A_510 = arith.index_cast %add3A_486 : i32 to index
        %get3A_511 = arith.constant 48 : index
        %get3A_512 = tpu.vector_load %arg14[%get3A_510, %get3A_511] {strides = array<i32>} : memref<128x128xf32, #tpu.memory_space<vmem>>, vector<16xf32>,
        %mul3A_513 = arith.mulf %get3A_512, %gather3A_488 : vector<16xf32>
        %swap3A_514 = arith.index_cast %add3A_486 : i32 to index
        %swap3A_515 = arith.constant 48 : index
        %swap3A_516 = tpu.vector_load %arg14[%swap3A_514, %swap3A_515] {strides = array<i32>} : memref<128x128xf32, #tpu.memory_space<vmem>>, vector<16xf32>,
        tpu.vector_store %arg14[%swap3A_514, %swap3A_515], %mul3A_513 {strides = array<i32>} : memref<128x128xf32, #tpu.memory_space<vmem>>, vector<16xf32>,
        %get3A_517 = arith.index_cast %add3A_486 : i32 to index
        %get3A_518 = arith.constant 64 : index
        %get3A_519 = tpu.vector_load %arg14[%get3A_517, %get3A_518] {strides = array<i32>} : memref<128x128xf32, #tpu.memory_space<vmem>>, vector<16xf32>,
        %mul3A_520 = arith.mulf %get3A_519, %gather3A_488 : vector<16xf32>
        %swap3A_521 = arith.index_cast %add3A_486 : i32 to index
        %swap3A_522 = arith.constant 64 : index
        %swap3A_523 = tpu.vector_load %arg14[%swap3A_521, %swap3A_522] {strides = array<i32>} : memref<128x128xf32, #tpu.memory_space<vmem>>, vector<16xf32>,
        tpu.vector_store %arg14[%swap3A_521, %swap3A_522], %mul3A_520 {strides = array<i32>} : memref<128x128xf32, #tpu.memory_space<vmem>>, vector<16xf32>,
        %get3A_524 = arith.index_cast %add3A_486 : i32 to index
        %get3A_525 = arith.constant 80 : index
        %get3A_526 = tpu.vector_load %arg14[%get3A_524, %get3A_525] {strides = array<i32>} : memref<128x128xf32, #tpu.memory_space<vmem>>, vector<16xf32>,
        %mul3A_527 = arith.mulf %get3A_526, %gather3A_488 : vector<16xf32>
        %swap3A_528 = arith.index_cast %add3A_486 : i32 to index
        %swap3A_529 = arith.constant 80 : index
        %swap3A_530 = tpu.vector_load %arg14[%swap3A_528, %swap3A_529] {strides = array<i32>} : memref<128x128xf32, #tpu.memory_space<vmem>>, vector<16xf32>,
        tpu.vector_store %arg14[%swap3A_528, %swap3A_529], %mul3A_527 {strides = array<i32>} : memref<128x128xf32, #tpu.memory_space<vmem>>, vector<16xf32>,
        %get3A_531 = arith.index_cast %add3A_486 : i32 to index
        %get3A_532 = arith.constant 96 : index
        %get3A_533 = tpu.vector_load %arg14[%get3A_531, %get3A_532] {strides = array<i32>} : memref<128x128xf32, #tpu.memory_space<vmem>>, vector<16xf32>,
        %mul3A_534 = arith.mulf %get3A_533, %gather3A_488 : vector<16xf32>
        %swap3A_535 = arith.index_cast %add3A_486 : i32 to index
        %swap3A_536 = arith.constant 96 : index
        %swap3A_537 = tpu.vector_load %arg14[%swap3A_535, %swap3A_536] {strides = array<i32>} : memref<128x128xf32, #tpu.memory_space<vmem>>, vector<16xf32>,
        tpu.vector_store %arg14[%swap3A_535, %swap3A_536], %mul3A_534 {strides = array<i32>} : memref<128x128xf32, #tpu.memory_space<vmem>>, vector<16xf32>,
        %get3A_538 = arith.index_cast %add3A_486 : i32 to index
        %get3A_539 = arith.constant 112 : index
        %get3A_540 = tpu.vector_load %arg14[%get3A_538, %get3A_539] {strides = array<i32>} : memref<128x128xf32, #tpu.memory_space<vmem>>, vector<16xf32>,
        %mul3A_541 = arith.mulf %get3A_540, %gather3A_488 : vector<16xf32>
        %swap3A_542 = arith.index_cast %add3A_486 : i32 to index
        %swap3A_543 = arith.constant 112 : index
        %swap3A_544 = tpu.vector_load %arg14[%swap3A_542, %swap3A_543] {strides = array<i32>} : memref<128x128xf32, #tpu.memory_space<vmem>>, vector<16xf32>,
        tpu.vector_store %arg14[%swap3A_542, %swap3A_543], %mul3A_541 {strides = array<i32>} : memref<128x128xf32, #tpu.memory_space<vmem>>, vector<16xf32>,
        %add3A_545 = arith.constant 7 : i32
        %add3A_546 = arith.addi %add3A_128, %add3A_545 : i32
        %broadcast_in_dim3A_547 = vector.broadcast %add3A_546 : i32 to vector<16xi32>
        %gather3A_548 = tpu.vector_load_idx %arg10[%broadcast_in_dim3A_547] : memref<128xf32, #tpu.memory_space<vmem>>[vector<16xi32>], vector<16xf32>,
        %get3A_549 = arith.index_cast %add3A_546 : i32 to index
        %get3A_550 = arith.constant 0 : index
        %get3A_551 = tpu.vector_load %arg14[%get3A_549, %get3A_550] {strides = array<i32>} : memref<128x128xf32, #tpu.memory_space<vmem>>, vector<16xf32>,
        %mul3A_552 = arith.mulf %get3A_551, %gather3A_548 : vector<16xf32>
        %swap3A_553 = arith.index_cast %add3A_546 : i32 to index
        %swap3A_554 = arith.constant 0 : index
        %swap3A_555 = tpu.vector_load %arg14[%swap3A_553, %swap3A_554] {strides = array<i32>} : memref<128x128xf32, #tpu.memory_space<vmem>>, vector<16xf32>,
        tpu.vector_store %arg14[%swap3A_553, %swap3A_554], %mul3A_552 {strides = array<i32>} : memref<128x128xf32, #tpu.memory_space<vmem>>, vector<16xf32>,
        %get3A_556 = arith.index_cast %add3A_546 : i32 to index
        %get3A_557 = arith.constant 16 : index
        %get3A_558 = tpu.vector_load %arg14[%get3A_556, %get3A_557] {strides = array<i32>} : memref<128x128xf32, #tpu.memory_space<vmem>>, vector<16xf32>,
        %mul3A_559 = arith.mulf %get3A_558, %gather3A_548 : vector<16xf32>
        %swap3A_560 = arith.index_cast %add3A_546 : i32 to index
        %swap3A_561 = arith.constant 16 : index
        %swap3A_562 = tpu.vector_load %arg14[%swap3A_560, %swap3A_561] {strides = array<i32>} : memref<128x128xf32, #tpu.memory_space<vmem>>, vector<16xf32>,
        tpu.vector_store %arg14[%swap3A_560, %swap3A_561], %mul3A_559 {strides = array<i32>} : memref<128x128xf32, #tpu.memory_space<vmem>>, vector<16xf32>,
        %get3A_563 = arith.index_cast %add3A_546 : i32 to index
        %get3A_564 = arith.constant 32 : index
        %get3A_565 = tpu.vector_load %arg14[%get3A_563, %get3A_564] {strides = array<i32>} : memref<128x128xf32, #tpu.memory_space<vmem>>, vector<16xf32>,
        %mul3A_566 = arith.mulf %get3A_565, %gather3A_548 : vector<16xf32>
        %swap3A_567 = arith.index_cast %add3A_546 : i32 to index
        %swap3A_568 = arith.constant 32 : index
        %swap3A_569 = tpu.vector_load %arg14[%swap3A_567, %swap3A_568] {strides = array<i32>} : memref<128x128xf32, #tpu.memory_space<vmem>>, vector<16xf32>,
        tpu.vector_store %arg14[%swap3A_567, %swap3A_568], %mul3A_566 {strides = array<i32>} : memref<128x128xf32, #tpu.memory_space<vmem>>, vector<16xf32>,
        %get3A_570 = arith.index_cast %add3A_546 : i32 to index
        %get3A_571 = arith.constant 48 : index
        %get3A_572 = tpu.vector_load %arg14[%get3A_570, %get3A_571] {strides = array<i32>} : memref<128x128xf32, #tpu.memory_space<vmem>>, vector<16xf32>,
        %mul3A_573 = arith.mulf %get3A_572, %gather3A_548 : vector<16xf32>
        %swap3A_574 = arith.index_cast %add3A_546 : i32 to index
        %swap3A_575 = arith.constant 48 : index
        %swap3A_576 = tpu.vector_load %arg14[%swap3A_574, %swap3A_575] {strides = array<i32>} : memref<128x128xf32, #tpu.memory_space<vmem>>, vector<16xf32>,
        tpu.vector_store %arg14[%swap3A_574, %swap3A_575], %mul3A_573 {strides = array<i32>} : memref<128x128xf32, #tpu.memory_space<vmem>>, vector<16xf32>,
        %get3A_577 = arith.index_cast %add3A_546 : i32 to index
        %get3A_578 = arith.constant 64 : index
        %get3A_579 = tpu.vector_load %arg14[%get3A_577, %get3A_578] {strides = array<i32>} : memref<128x128xf32, #tpu.memory_space<vmem>>, vector<16xf32>,
        %mul3A_580 = arith.mulf %get3A_579, %gather3A_548 : vector<16xf32>
        %swap3A_581 = arith.index_cast %add3A_546 : i32 to index
        %swap3A_582 = arith.constant 64 : index
        %swap3A_583 = tpu.vector_load %arg14[%swap3A_581, %swap3A_582] {strides = array<i32>} : memref<128x128xf32, #tpu.memory_space<vmem>>, vector<16xf32>,
        tpu.vector_store %arg14[%swap3A_581, %swap3A_582], %mul3A_580 {strides = array<i32>} : memref<128x128xf32, #tpu.memory_space<vmem>>, vector<16xf32>,
        %get3A_584 = arith.index_cast %add3A_546 : i32 to index
        %get3A_585 = arith.constant 80 : index
        %get3A_586 = tpu.vector_load %arg14[%get3A_584, %get3A_585] {strides = array<i32>} : memref<128x128xf32, #tpu.memory_space<vmem>>, vector<16xf32>,
        %mul3A_587 = arith.mulf %get3A_586, %gather3A_548 : vector<16xf32>
        %swap3A_588 = arith.index_cast %add3A_546 : i32 to index
        %swap3A_589 = arith.constant 80 : index
        %swap3A_590 = tpu.vector_load %arg14[%swap3A_588, %swap3A_589] {strides = array<i32>} : memref<128x128xf32, #tpu.memory_space<vmem>>, vector<16xf32>,
        tpu.vector_store %arg14[%swap3A_588, %swap3A_589], %mul3A_587 {strides = array<i32>} : memref<128x128xf32, #tpu.memory_space<vmem>>, vector<16xf32>,
        %get3A_591 = arith.index_cast %add3A_546 : i32 to index
        %get3A_592 = arith.constant 96 : index
        %get3A_593 = tpu.vector_load %arg14[%get3A_591, %get3A_592] {strides = array<i32>} : memref<128x128xf32, #tpu.memory_space<vmem>>, vector<16xf32>,
        %mul3A_594 = arith.mulf %get3A_593, %gather3A_548 : vector<16xf32>
        %swap3A_595 = arith.index_cast %add3A_546 : i32 to index
        %swap3A_596 = arith.constant 96 : index
        %swap3A_597 = tpu.vector_load %arg14[%swap3A_595, %swap3A_596] {strides = array<i32>} : memref<128x128xf32, #tpu.memory_space<vmem>>, vector<16xf32>,
        tpu.vector_store %arg14[%swap3A_595, %swap3A_596], %mul3A_594 {strides = array<i32>} : memref<128x128xf32, #tpu.memory_space<vmem>>, vector<16xf32>,
        %get3A_598 = arith.index_cast %add3A_546 : i32 to index
        %get3A_599 = arith.constant 112 : index
        %get3A_600 = tpu.vector_load %arg14[%get3A_598, %get3A_599] {strides = array<i32>} : memref<128x128xf32, #tpu.memory_space<vmem>>, vector<16xf32>,
        %mul3A_601 = arith.mulf %get3A_600, %gather3A_548 : vector<16xf32>
        %swap3A_602 = arith.index_cast %add3A_546 : i32 to index
        %swap3A_603 = arith.constant 112 : index
        %swap3A_604 = tpu.vector_load %arg14[%swap3A_602, %swap3A_603] {strides = array<i32>} : memref<128x128xf32, #tpu.memory_space<vmem>>, vector<16xf32>,
        tpu.vector_store %arg14[%swap3A_602, %swap3A_603], %mul3A_601 {strides = array<i32>} : memref<128x128xf32, #tpu.memory_space<vmem>>, vector<16xf32>,
      }
      %scan3A_87 = arith.constant 16 : i32
      %dma_start3A_88 = arith.constant 0 : i32
      %dma_start3A_89 = arith.constant 0 : i32
      %dma_start3A_90 = tpu.memref_slice %arg16[%dma_start3A_88, %dma_start3A_89] : memref<10000x128xf32, #tpu.memory_space<vmem_shared>> -> memref<10000x128xf32, #tpu.memory_space<vmem_shared>>
      tpu.enqueue_indirect_dma source(%arg14 : memref<128x128xf32, #tpu.memory_space<vmem>>) target(%dma_start3A_90 : memref<10000x128xf32, #tpu.memory_space<vmem_shared>>) offsets(%arg9 : memref<128xi32, #tpu.memory_space<vmem>>) semaphore(%arg19 : memref<!tpu.dma_semaphore, #tpu.memory_space<semaphore_mem>>) {add = true}
      %dma_wait3A_91 = arith.constant 0 : i32
      %dma_wait3A_92 = arith.constant 0 : i32
      %dma_wait3A_93 = tpu.memref_slice %arg2[%dma_wait3A_91, %dma_wait3A_92] : memref<10000x128xf32, #tpu.memory_space<hbm>> -> memref<10000x128xf32, #tpu.memory_space<hbm>>
      tpu.wait_indirect_dma semaphore(%arg18 : memref<!tpu.dma_semaphore, #tpu.memory_space<semaphore_mem>>) src(%dma_wait3A_93 : memref<10000x128xf32, #tpu.memory_space<hbm>>) dst(%arg15 : memref<128x128xf32, #tpu.memory_space<vmem>>)
      %dma_wait3A_94 = arith.constant 0 : i32
      %dma_wait3A_95 = tpu.memref_slice %arg4[%add3A_50, %dma_wait3A_94] : memref<2500x128xi32, #tpu.memory_space<hbm>> -> memref<1x128xi32, #tpu.memory_space<hbm>>
      %dma_wait3A_96 = tpu.memref_squeeze %dma_wait3A_95 : memref<1x128xi32, #tpu.memory_space<hbm>> -> memref<128xi32, #tpu.memory_space<hbm>>
      %dma_wait3A_97 = arith.constant 0 : i32
      %dma_wait3A_98 = tpu.memref_slice %arg4[%add3A_50, %dma_wait3A_97] : memref<2500x128xi32, #tpu.memory_space<hbm>> -> memref<1x128xi32, #tpu.memory_space<hbm>>
      %dma_wait3A_99 = tpu.memref_squeeze %dma_wait3A_98 : memref<1x128xi32, #tpu.memory_space<hbm>> -> memref<128xi32, #tpu.memory_space<hbm>>
      tpu.wait_dma2 semaphore(%arg22 : memref<!tpu.dma_semaphore, #tpu.memory_space<semaphore_mem>>) src(%dma_wait3A_99 : memref<128xi32, #tpu.memory_space<hbm>>) dst(%arg12 : memref<128xi32, #tpu.memory_space<vmem>>)
      %dma_wait3A_100 = arith.constant 0 : i32
      %dma_wait3A_101 = tpu.memref_slice %arg5[%add3A_50, %dma_wait3A_100] : memref<2500x128xf32, #tpu.memory_space<hbm>> -> memref<1x128xf32, #tpu.memory_space<hbm>>
      %dma_wait3A_102 = tpu.memref_squeeze %dma_wait3A_101 : memref<1x128xf32, #tpu.memory_space<hbm>> -> memref<128xf32, #tpu.memory_space<hbm>>
      %dma_wait3A_103 = arith.constant 0 : i32
      %dma_wait3A_104 = tpu.memref_slice %arg5[%add3A_50, %dma_wait3A_103] : memref<2500x128xf32, #tpu.memory_space<hbm>> -> memref<1x128xf32, #tpu.memory_space<hbm>>
      %dma_wait3A_105 = tpu.memref_squeeze %dma_wait3A_104 : memref<1x128xf32, #tpu.memory_space<hbm>> -> memref<128xf32, #tpu.memory_space<hbm>>
      tpu.wait_dma2 semaphore(%arg22 : memref<!tpu.dma_semaphore, #tpu.memory_space<semaphore_mem>>) src(%dma_wait3A_105 : memref<128xf32, #tpu.memory_space<hbm>>) dst(%arg13 : memref<128xf32, #tpu.memory_space<vmem>>)
      %scan3A_106 = arith.constant 0 : i32
      %scan3A_107 = arith.constant 16 : i32
      %scan3A_108 = arith.addi %scan3A_106, %scan3A_107 : i32
      %scan3A_109 = arith.constant 1 : i32
      scf.for %scan3A_124 = %scan3A_106 to %scan3A_108 step %scan3A_109  : i32 {
        %mul3A_125 = arith.constant 8 : i32
        %mul3A_126 = arith.muli %scan3A_124, %mul3A_125 : i32
        %add3A_127 = arith.constant 0 : i32
        %add3A_128 = arith.addi %add3A_127, %mul3A_126 : i32
        %add3A_129 = arith.constant 0 : i32
        %add3A_130 = arith.addi %add3A_128, %add3A_129 : i32
        %broadcast_in_dim3A = vector.broadcast %add3A_130 : i32 to vector<16xi32>
        %gather3A = tpu.vector_load_idx %arg13[%broadcast_in_dim3A] : memref<128xf32, #tpu.memory_space<vmem>>[vector<16xi32>], vector<16xf32>,
        %get3A = arith.index_cast %add3A_130 : i32 to index
        %get3A_131 = arith.constant 0 : index
        %get3A_132 = tpu.vector_load %arg15[%get3A, %get3A_131] {strides = array<i32>} : memref<128x128xf32, #tpu.memory_space<vmem>>, vector<16xf32>,
        %mul3A_133 = arith.mulf %get3A_132, %gather3A : vector<16xf32>
        %swap3A = arith.index_cast %add3A_130 : i32 to index
        %swap3A_134 = arith.constant 0 : index
        %swap3A_135 = tpu.vector_load %arg15[%swap3A, %swap3A_134] {strides = array<i32>} : memref<128x128xf32, #tpu.memory_space<vmem>>, vector<16xf32>,
        tpu.vector_store %arg15[%swap3A, %swap3A_134], %mul3A_133 {strides = array<i32>} : memref<128x128xf32, #tpu.memory_space<vmem>>, vector<16xf32>,
        %get3A_136 = arith.index_cast %add3A_130 : i32 to index
        %get3A_137 = arith.constant 16 : index
        %get3A_138 = tpu.vector_load %arg15[%get3A_136, %get3A_137] {strides = array<i32>} : memref<128x128xf32, #tpu.memory_space<vmem>>, vector<16xf32>,
        %mul3A_139 = arith.mulf %get3A_138, %gather3A : vector<16xf32>
        %swap3A_140 = arith.index_cast %add3A_130 : i32 to index
        %swap3A_141 = arith.constant 16 : index
        %swap3A_142 = tpu.vector_load %arg15[%swap3A_140, %swap3A_141] {strides = array<i32>} : memref<128x128xf32, #tpu.memory_space<vmem>>, vector<16xf32>,
        tpu.vector_store %arg15[%swap3A_140, %swap3A_141], %mul3A_139 {strides = array<i32>} : memref<128x128xf32, #tpu.memory_space<vmem>>, vector<16xf32>,
        %get3A_143 = arith.index_cast %add3A_130 : i32 to index
        %get3A_144 = arith.constant 32 : index
        %get3A_145 = tpu.vector_load %arg15[%get3A_143, %get3A_144] {strides = array<i32>} : memref<128x128xf32, #tpu.memory_space<vmem>>, vector<16xf32>,
        %mul3A_146 = arith.mulf %get3A_145, %gather3A : vector<16xf32>
        %swap3A_147 = arith.index_cast %add3A_130 : i32 to index
        %swap3A_148 = arith.constant 32 : index
        %swap3A_149 = tpu.vector_load %arg15[%swap3A_147, %swap3A_148] {strides = array<i32>} : memref<128x128xf32, #tpu.memory_space<vmem>>, vector<16xf32>,
        tpu.vector_store %arg15[%swap3A_147, %swap3A_148], %mul3A_146 {strides = array<i32>} : memref<128x128xf32, #tpu.memory_space<vmem>>, vector<16xf32>,
        %get3A_150 = arith.index_cast %add3A_130 : i32 to index
        %get3A_151 = arith.constant 48 : index
        %get3A_152 = tpu.vector_load %arg15[%get3A_150, %get3A_151] {strides = array<i32>} : memref<128x128xf32, #tpu.memory_space<vmem>>, vector<16xf32>,
        %mul3A_153 = arith.mulf %get3A_152, %gather3A : vector<16xf32>
        %swap3A_154 = arith.index_cast %add3A_130 : i32 to index
        %swap3A_155 = arith.constant 48 : index
        %swap3A_156 = tpu.vector_load %arg15[%swap3A_154, %swap3A_155] {strides = array<i32>} : memref<128x128xf32, #tpu.memory_space<vmem>>, vector<16xf32>,
        tpu.vector_store %arg15[%swap3A_154, %swap3A_155], %mul3A_153 {strides = array<i32>} : memref<128x128xf32, #tpu.memory_space<vmem>>, vector<16xf32>,
        %get3A_157 = arith.index_cast %add3A_130 : i32 to index
        %get3A_158 = arith.constant 64 : index
        %get3A_159 = tpu.vector_load %arg15[%get3A_157, %get3A_158] {strides = array<i32>} : memref<128x128xf32, #tpu.memory_space<vmem>>, vector<16xf32>,
        %mul3A_160 = arith.mulf %get3A_159, %gather3A : vector<16xf32>
        %swap3A_161 = arith.index_cast %add3A_130 : i32 to index
        %swap3A_162 = arith.constant 64 : index
        %swap3A_163 = tpu.vector_load %arg15[%swap3A_161, %swap3A_162] {strides = array<i32>} : memref<128x128xf32, #tpu.memory_space<vmem>>, vector<16xf32>,
        tpu.vector_store %arg15[%swap3A_161, %swap3A_162], %mul3A_160 {strides = array<i32>} : memref<128x128xf32, #tpu.memory_space<vmem>>, vector<16xf32>,
        %get3A_164 = arith.index_cast %add3A_130 : i32 to index
        %get3A_165 = arith.constant 80 : index
        %get3A_166 = tpu.vector_load %arg15[%get3A_164, %get3A_165] {strides = array<i32>} : memref<128x128xf32, #tpu.memory_space<vmem>>, vector<16xf32>,
        %mul3A_167 = arith.mulf %get3A_166, %gather3A : vector<16xf32>
        %swap3A_168 = arith.index_cast %add3A_130 : i32 to index
        %swap3A_169 = arith.constant 80 : index
        %swap3A_170 = tpu.vector_load %arg15[%swap3A_168, %swap3A_169] {strides = array<i32>} : memref<128x128xf32, #tpu.memory_space<vmem>>, vector<16xf32>,
        tpu.vector_store %arg15[%swap3A_168, %swap3A_169], %mul3A_167 {strides = array<i32>} : memref<128x128xf32, #tpu.memory_space<vmem>>, vector<16xf32>,
        %get3A_171 = arith.index_cast %add3A_130 : i32 to index
        %get3A_172 = arith.constant 96 : index
        %get3A_173 = tpu.vector_load %arg15[%get3A_171, %get3A_172] {strides = array<i32>} : memref<128x128xf32, #tpu.memory_space<vmem>>, vector<16xf32>,
        %mul3A_174 = arith.mulf %get3A_173, %gather3A : vector<16xf32>
        %swap3A_175 = arith.index_cast %add3A_130 : i32 to index
        %swap3A_176 = arith.constant 96 : index
        %swap3A_177 = tpu.vector_load %arg15[%swap3A_175, %swap3A_176] {strides = array<i32>} : memref<128x128xf32, #tpu.memory_space<vmem>>, vector<16xf32>,
        tpu.vector_store %arg15[%swap3A_175, %swap3A_176], %mul3A_174 {strides = array<i32>} : memref<128x128xf32, #tpu.memory_space<vmem>>, vector<16xf32>,
        %get3A_178 = arith.index_cast %add3A_130 : i32 to index
        %get3A_179 = arith.constant 112 : index
        %get3A_180 = tpu.vector_load %arg15[%get3A_178, %get3A_179] {strides = array<i32>} : memref<128x128xf32, #tpu.memory_space<vmem>>, vector<16xf32>,
        %mul3A_181 = arith.mulf %get3A_180, %gather3A : vector<16xf32>
        %swap3A_182 = arith.index_cast %add3A_130 : i32 to index
        %swap3A_183 = arith.constant 112 : index
        %swap3A_184 = tpu.vector_load %arg15[%swap3A_182, %swap3A_183] {strides = array<i32>} : memref<128x128xf32, #tpu.memory_space<vmem>>, vector<16xf32>,
        tpu.vector_store %arg15[%swap3A_182, %swap3A_183], %mul3A_181 {strides = array<i32>} : memref<128x128xf32, #tpu.memory_space<vmem>>, vector<16xf32>,
        %add3A_185 = arith.constant 1 : i32
        %add3A_186 = arith.addi %add3A_128, %add3A_185 : i32
        %broadcast_in_dim3A_187 = vector.broadcast %add3A_186 : i32 to vector<16xi32>
        %gather3A_188 = tpu.vector_load_idx %arg13[%broadcast_in_dim3A_187] : memref<128xf32, #tpu.memory_space<vmem>>[vector<16xi32>], vector<16xf32>,
        %get3A_189 = arith.index_cast %add3A_186 : i32 to index
        %get3A_190 = arith.constant 0 : index
        %get3A_191 = tpu.vector_load %arg15[%get3A_189, %get3A_190] {strides = array<i32>} : memref<128x128xf32, #tpu.memory_space<vmem>>, vector<16xf32>,
        %mul3A_192 = arith.mulf %get3A_191, %gather3A_188 : vector<16xf32>
        %swap3A_193 = arith.index_cast %add3A_186 : i32 to index
        %swap3A_194 = arith.constant 0 : index
        %swap3A_195 = tpu.vector_load %arg15[%swap3A_193, %swap3A_194] {strides = array<i32>} : memref<128x128xf32, #tpu.memory_space<vmem>>, vector<16xf32>,
        tpu.vector_store %arg15[%swap3A_193, %swap3A_194], %mul3A_192 {strides = array<i32>} : memref<128x128xf32, #tpu.memory_space<vmem>>, vector<16xf32>,
        %get3A_196 = arith.index_cast %add3A_186 : i32 to index
        %get3A_197 = arith.constant 16 : index
        %get3A_198 = tpu.vector_load %arg15[%get3A_196, %get3A_197] {strides = array<i32>} : memref<128x128xf32, #tpu.memory_space<vmem>>, vector<16xf32>,
        %mul3A_199 = arith.mulf %get3A_198, %gather3A_188 : vector<16xf32>
        %swap3A_200 = arith.index_cast %add3A_186 : i32 to index
        %swap3A_201 = arith.constant 16 : index
        %swap3A_202 = tpu.vector_load %arg15[%swap3A_200, %swap3A_201] {strides = array<i32>} : memref<128x128xf32, #tpu.memory_space<vmem>>, vector<16xf32>,
        tpu.vector_store %arg15[%swap3A_200, %swap3A_201], %mul3A_199 {strides = array<i32>} : memref<128x128xf32, #tpu.memory_space<vmem>>, vector<16xf32>,
        %get3A_203 = arith.index_cast %add3A_186 : i32 to index
        %get3A_204 = arith.constant 32 : index
        %get3A_205 = tpu.vector_load %arg15[%get3A_203, %get3A_204] {strides = array<i32>} : memref<128x128xf32, #tpu.memory_space<vmem>>, vector<16xf32>,
        %mul3A_206 = arith.mulf %get3A_205, %gather3A_188 : vector<16xf32>
        %swap3A_207 = arith.index_cast %add3A_186 : i32 to index
        %swap3A_208 = arith.constant 32 : index
        %swap3A_209 = tpu.vector_load %arg15[%swap3A_207, %swap3A_208] {strides = array<i32>} : memref<128x128xf32, #tpu.memory_space<vmem>>, vector<16xf32>,
        tpu.vector_store %arg15[%swap3A_207, %swap3A_208], %mul3A_206 {strides = array<i32>} : memref<128x128xf32, #tpu.memory_space<vmem>>, vector<16xf32>,
        %get3A_210 = arith.index_cast %add3A_186 : i32 to index
        %get3A_211 = arith.constant 48 : index
        %get3A_212 = tpu.vector_load %arg15[%get3A_210, %get3A_211] {strides = array<i32>} : memref<128x128xf32, #tpu.memory_space<vmem>>, vector<16xf32>,
        %mul3A_213 = arith.mulf %get3A_212, %gather3A_188 : vector<16xf32>
        %swap3A_214 = arith.index_cast %add3A_186 : i32 to index
        %swap3A_215 = arith.constant 48 : index
        %swap3A_216 = tpu.vector_load %arg15[%swap3A_214, %swap3A_215] {strides = array<i32>} : memref<128x128xf32, #tpu.memory_space<vmem>>, vector<16xf32>,
        tpu.vector_store %arg15[%swap3A_214, %swap3A_215], %mul3A_213 {strides = array<i32>} : memref<128x128xf32, #tpu.memory_space<vmem>>, vector<16xf32>,
        %get3A_217 = arith.index_cast %add3A_186 : i32 to index
        %get3A_218 = arith.constant 64 : index
        %get3A_219 = tpu.vector_load %arg15[%get3A_217, %get3A_218] {strides = array<i32>} : memref<128x128xf32, #tpu.memory_space<vmem>>, vector<16xf32>,
        %mul3A_220 = arith.mulf %get3A_219, %gather3A_188 : vector<16xf32>
        %swap3A_221 = arith.index_cast %add3A_186 : i32 to index
        %swap3A_222 = arith.constant 64 : index
        %swap3A_223 = tpu.vector_load %arg15[%swap3A_221, %swap3A_222] {strides = array<i32>} : memref<128x128xf32, #tpu.memory_space<vmem>>, vector<16xf32>,
        tpu.vector_store %arg15[%swap3A_221, %swap3A_222], %mul3A_220 {strides = array<i32>} : memref<128x128xf32, #tpu.memory_space<vmem>>, vector<16xf32>,
        %get3A_224 = arith.index_cast %add3A_186 : i32 to index
        %get3A_225 = arith.constant 80 : index
        %get3A_226 = tpu.vector_load %arg15[%get3A_224, %get3A_225] {strides = array<i32>} : memref<128x128xf32, #tpu.memory_space<vmem>>, vector<16xf32>,
        %mul3A_227 = arith.mulf %get3A_226, %gather3A_188 : vector<16xf32>
        %swap3A_228 = arith.index_cast %add3A_186 : i32 to index
        %swap3A_229 = arith.constant 80 : index
        %swap3A_230 = tpu.vector_load %arg15[%swap3A_228, %swap3A_229] {strides = array<i32>} : memref<128x128xf32, #tpu.memory_space<vmem>>, vector<16xf32>,
        tpu.vector_store %arg15[%swap3A_228, %swap3A_229], %mul3A_227 {strides = array<i32>} : memref<128x128xf32, #tpu.memory_space<vmem>>, vector<16xf32>,
        %get3A_231 = arith.index_cast %add3A_186 : i32 to index
        %get3A_232 = arith.constant 96 : index
        %get3A_233 = tpu.vector_load %arg15[%get3A_231, %get3A_232] {strides = array<i32>} : memref<128x128xf32, #tpu.memory_space<vmem>>, vector<16xf32>,
        %mul3A_234 = arith.mulf %get3A_233, %gather3A_188 : vector<16xf32>
        %swap3A_235 = arith.index_cast %add3A_186 : i32 to index
        %swap3A_236 = arith.constant 96 : index
        %swap3A_237 = tpu.vector_load %arg15[%swap3A_235, %swap3A_236] {strides = array<i32>} : memref<128x128xf32, #tpu.memory_space<vmem>>, vector<16xf32>,
        tpu.vector_store %arg15[%swap3A_235, %swap3A_236], %mul3A_234 {strides = array<i32>} : memref<128x128xf32, #tpu.memory_space<vmem>>, vector<16xf32>,
        %get3A_238 = arith.index_cast %add3A_186 : i32 to index
        %get3A_239 = arith.constant 112 : index
        %get3A_240 = tpu.vector_load %arg15[%get3A_238, %get3A_239] {strides = array<i32>} : memref<128x128xf32, #tpu.memory_space<vmem>>, vector<16xf32>,
        %mul3A_241 = arith.mulf %get3A_240, %gather3A_188 : vector<16xf32>
        %swap3A_242 = arith.index_cast %add3A_186 : i32 to index
        %swap3A_243 = arith.constant 112 : index
        %swap3A_244 = tpu.vector_load %arg15[%swap3A_242, %swap3A_243] {strides = array<i32>} : memref<128x128xf32, #tpu.memory_space<vmem>>, vector<16xf32>,
        tpu.vector_store %arg15[%swap3A_242, %swap3A_243], %mul3A_241 {strides = array<i32>} : memref<128x128xf32, #tpu.memory_space<vmem>>, vector<16xf32>,
        %add3A_245 = arith.constant 2 : i32
        %add3A_246 = arith.addi %add3A_128, %add3A_245 : i32
        %broadcast_in_dim3A_247 = vector.broadcast %add3A_246 : i32 to vector<16xi32>
        %gather3A_248 = tpu.vector_load_idx %arg13[%broadcast_in_dim3A_247] : memref<128xf32, #tpu.memory_space<vmem>>[vector<16xi32>], vector<16xf32>,
        %get3A_249 = arith.index_cast %add3A_246 : i32 to index
        %get3A_250 = arith.constant 0 : index
        %get3A_251 = tpu.vector_load %arg15[%get3A_249, %get3A_250] {strides = array<i32>} : memref<128x128xf32, #tpu.memory_space<vmem>>, vector<16xf32>,
        %mul3A_252 = arith.mulf %get3A_251, %gather3A_248 : vector<16xf32>
        %swap3A_253 = arith.index_cast %add3A_246 : i32 to index
        %swap3A_254 = arith.constant 0 : index
        %swap3A_255 = tpu.vector_load %arg15[%swap3A_253, %swap3A_254] {strides = array<i32>} : memref<128x128xf32, #tpu.memory_space<vmem>>, vector<16xf32>,
        tpu.vector_store %arg15[%swap3A_253, %swap3A_254], %mul3A_252 {strides = array<i32>} : memref<128x128xf32, #tpu.memory_space<vmem>>, vector<16xf32>,
        %get3A_256 = arith.index_cast %add3A_246 : i32 to index
        %get3A_257 = arith.constant 16 : index
        %get3A_258 = tpu.vector_load %arg15[%get3A_256, %get3A_257] {strides = array<i32>} : memref<128x128xf32, #tpu.memory_space<vmem>>, vector<16xf32>,
        %mul3A_259 = arith.mulf %get3A_258, %gather3A_248 : vector<16xf32>
        %swap3A_260 = arith.index_cast %add3A_246 : i32 to index
        %swap3A_261 = arith.constant 16 : index
        %swap3A_262 = tpu.vector_load %arg15[%swap3A_260, %swap3A_261] {strides = array<i32>} : memref<128x128xf32, #tpu.memory_space<vmem>>, vector<16xf32>,
        tpu.vector_store %arg15[%swap3A_260, %swap3A_261], %mul3A_259 {strides = array<i32>} : memref<128x128xf32, #tpu.memory_space<vmem>>, vector<16xf32>,
        %get3A_263 = arith.index_cast %add3A_246 : i32 to index
        %get3A_264 = arith.constant 32 : index
        %get3A_265 = tpu.vector_load %arg15[%get3A_263, %get3A_264] {strides = array<i32>} : memref<128x128xf32, #tpu.memory_space<vmem>>, vector<16xf32>,
        %mul3A_266 = arith.mulf %get3A_265, %gather3A_248 : vector<16xf32>
        %swap3A_267 = arith.index_cast %add3A_246 : i32 to index
        %swap3A_268 = arith.constant 32 : index
        %swap3A_269 = tpu.vector_load %arg15[%swap3A_267, %swap3A_268] {strides = array<i32>} : memref<128x128xf32, #tpu.memory_space<vmem>>, vector<16xf32>,
        tpu.vector_store %arg15[%swap3A_267, %swap3A_268], %mul3A_266 {strides = array<i32>} : memref<128x128xf32, #tpu.memory_space<vmem>>, vector<16xf32>,
        %get3A_270 = arith.index_cast %add3A_246 : i32 to index
        %get3A_271 = arith.constant 48 : index
        %get3A_272 = tpu.vector_load %arg15[%get3A_270, %get3A_271] {strides = array<i32>} : memref<128x128xf32, #tpu.memory_space<vmem>>, vector<16xf32>,
        %mul3A_273 = arith.mulf %get3A_272, %gather3A_248 : vector<16xf32>
        %swap3A_274 = arith.index_cast %add3A_246 : i32 to index
        %swap3A_275 = arith.constant 48 : index
        %swap3A_276 = tpu.vector_load %arg15[%swap3A_274, %swap3A_275] {strides = array<i32>} : memref<128x128xf32, #tpu.memory_space<vmem>>, vector<16xf32>,
        tpu.vector_store %arg15[%swap3A_274, %swap3A_275], %mul3A_273 {strides = array<i32>} : memref<128x128xf32, #tpu.memory_space<vmem>>, vector<16xf32>,
        %get3A_277 = arith.index_cast %add3A_246 : i32 to index
        %get3A_278 = arith.constant 64 : index
        %get3A_279 = tpu.vector_load %arg15[%get3A_277, %get3A_278] {strides = array<i32>} : memref<128x128xf32, #tpu.memory_space<vmem>>, vector<16xf32>,
        %mul3A_280 = arith.mulf %get3A_279, %gather3A_248 : vector<16xf32>
        %swap3A_281 = arith.index_cast %add3A_246 : i32 to index
        %swap3A_282 = arith.constant 64 : index
        %swap3A_283 = tpu.vector_load %arg15[%swap3A_281, %swap3A_282] {strides = array<i32>} : memref<128x128xf32, #tpu.memory_space<vmem>>, vector<16xf32>,
        tpu.vector_store %arg15[%swap3A_281, %swap3A_282], %mul3A_280 {strides = array<i32>} : memref<128x128xf32, #tpu.memory_space<vmem>>, vector<16xf32>,
        %get3A_284 = arith.index_cast %add3A_246 : i32 to index
        %get3A_285 = arith.constant 80 : index
        %get3A_286 = tpu.vector_load %arg15[%get3A_284, %get3A_285] {strides = array<i32>} : memref<128x128xf32, #tpu.memory_space<vmem>>, vector<16xf32>,
        %mul3A_287 = arith.mulf %get3A_286, %gather3A_248 : vector<16xf32>
        %swap3A_288 = arith.index_cast %add3A_246 : i32 to index
        %swap3A_289 = arith.constant 80 : index
        %swap3A_290 = tpu.vector_load %arg15[%swap3A_288, %swap3A_289] {strides = array<i32>} : memref<128x128xf32, #tpu.memory_space<vmem>>, vector<16xf32>,
        tpu.vector_store %arg15[%swap3A_288, %swap3A_289], %mul3A_287 {strides = array<i32>} : memref<128x128xf32, #tpu.memory_space<vmem>>, vector<16xf32>,
        %get3A_291 = arith.index_cast %add3A_246 : i32 to index
        %get3A_292 = arith.constant 96 : index
        %get3A_293 = tpu.vector_load %arg15[%get3A_291, %get3A_292] {strides = array<i32>} : memref<128x128xf32, #tpu.memory_space<vmem>>, vector<16xf32>,
        %mul3A_294 = arith.mulf %get3A_293, %gather3A_248 : vector<16xf32>
        %swap3A_295 = arith.index_cast %add3A_246 : i32 to index
        %swap3A_296 = arith.constant 96 : index
        %swap3A_297 = tpu.vector_load %arg15[%swap3A_295, %swap3A_296] {strides = array<i32>} : memref<128x128xf32, #tpu.memory_space<vmem>>, vector<16xf32>,
        tpu.vector_store %arg15[%swap3A_295, %swap3A_296], %mul3A_294 {strides = array<i32>} : memref<128x128xf32, #tpu.memory_space<vmem>>, vector<16xf32>,
        %get3A_298 = arith.index_cast %add3A_246 : i32 to index
        %get3A_299 = arith.constant 112 : index
        %get3A_300 = tpu.vector_load %arg15[%get3A_298, %get3A_299] {strides = array<i32>} : memref<128x128xf32, #tpu.memory_space<vmem>>, vector<16xf32>,
        %mul3A_301 = arith.mulf %get3A_300, %gather3A_248 : vector<16xf32>
        %swap3A_302 = arith.index_cast %add3A_246 : i32 to index
        %swap3A_303 = arith.constant 112 : index
        %swap3A_304 = tpu.vector_load %arg15[%swap3A_302, %swap3A_303] {strides = array<i32>} : memref<128x128xf32, #tpu.memory_space<vmem>>, vector<16xf32>,
        tpu.vector_store %arg15[%swap3A_302, %swap3A_303], %mul3A_301 {strides = array<i32>} : memref<128x128xf32, #tpu.memory_space<vmem>>, vector<16xf32>,
        %add3A_305 = arith.constant 3 : i32
        %add3A_306 = arith.addi %add3A_128, %add3A_305 : i32
        %broadcast_in_dim3A_307 = vector.broadcast %add3A_306 : i32 to vector<16xi32>
        %gather3A_308 = tpu.vector_load_idx %arg13[%broadcast_in_dim3A_307] : memref<128xf32, #tpu.memory_space<vmem>>[vector<16xi32>], vector<16xf32>,
        %get3A_309 = arith.index_cast %add3A_306 : i32 to index
        %get3A_310 = arith.constant 0 : index
        %get3A_311 = tpu.vector_load %arg15[%get3A_309, %get3A_310] {strides = array<i32>} : memref<128x128xf32, #tpu.memory_space<vmem>>, vector<16xf32>,
        %mul3A_312 = arith.mulf %get3A_311, %gather3A_308 : vector<16xf32>
        %swap3A_313 = arith.index_cast %add3A_306 : i32 to index
        %swap3A_314 = arith.constant 0 : index
        %swap3A_315 = tpu.vector_load %arg15[%swap3A_313, %swap3A_314] {strides = array<i32>} : memref<128x128xf32, #tpu.memory_space<vmem>>, vector<16xf32>,
        tpu.vector_store %arg15[%swap3A_313, %swap3A_314], %mul3A_312 {strides = array<i32>} : memref<128x128xf32, #tpu.memory_space<vmem>>, vector<16xf32>,
        %get3A_316 = arith.index_cast %add3A_306 : i32 to index
        %get3A_317 = arith.constant 16 : index
        %get3A_318 = tpu.vector_load %arg15[%get3A_316, %get3A_317] {strides = array<i32>} : memref<128x128xf32, #tpu.memory_space<vmem>>, vector<16xf32>,
        %mul3A_319 = arith.mulf %get3A_318, %gather3A_308 : vector<16xf32>
        %swap3A_320 = arith.index_cast %add3A_306 : i32 to index
        %swap3A_321 = arith.constant 16 : index
        %swap3A_322 = tpu.vector_load %arg15[%swap3A_320, %swap3A_321] {strides = array<i32>} : memref<128x128xf32, #tpu.memory_space<vmem>>, vector<16xf32>,
        tpu.vector_store %arg15[%swap3A_320, %swap3A_321], %mul3A_319 {strides = array<i32>} : memref<128x128xf32, #tpu.memory_space<vmem>>, vector<16xf32>,
        %get3A_323 = arith.index_cast %add3A_306 : i32 to index
        %get3A_324 = arith.constant 32 : index
        %get3A_325 = tpu.vector_load %arg15[%get3A_323, %get3A_324] {strides = array<i32>} : memref<128x128xf32, #tpu.memory_space<vmem>>, vector<16xf32>,
        %mul3A_326 = arith.mulf %get3A_325, %gather3A_308 : vector<16xf32>
        %swap3A_327 = arith.index_cast %add3A_306 : i32 to index
        %swap3A_328 = arith.constant 32 : index
        %swap3A_329 = tpu.vector_load %arg15[%swap3A_327, %swap3A_328] {strides = array<i32>} : memref<128x128xf32, #tpu.memory_space<vmem>>, vector<16xf32>,
        tpu.vector_store %arg15[%swap3A_327, %swap3A_328], %mul3A_326 {strides = array<i32>} : memref<128x128xf32, #tpu.memory_space<vmem>>, vector<16xf32>,
        %get3A_330 = arith.index_cast %add3A_306 : i32 to index
        %get3A_331 = arith.constant 48 : index
        %get3A_332 = tpu.vector_load %arg15[%get3A_330, %get3A_331] {strides = array<i32>} : memref<128x128xf32, #tpu.memory_space<vmem>>, vector<16xf32>,
        %mul3A_333 = arith.mulf %get3A_332, %gather3A_308 : vector<16xf32>
        %swap3A_334 = arith.index_cast %add3A_306 : i32 to index
        %swap3A_335 = arith.constant 48 : index
        %swap3A_336 = tpu.vector_load %arg15[%swap3A_334, %swap3A_335] {strides = array<i32>} : memref<128x128xf32, #tpu.memory_space<vmem>>, vector<16xf32>,
        tpu.vector_store %arg15[%swap3A_334, %swap3A_335], %mul3A_333 {strides = array<i32>} : memref<128x128xf32, #tpu.memory_space<vmem>>, vector<16xf32>,
        %get3A_337 = arith.index_cast %add3A_306 : i32 to index
        %get3A_338 = arith.constant 64 : index
        %get3A_339 = tpu.vector_load %arg15[%get3A_337, %get3A_338] {strides = array<i32>} : memref<128x128xf32, #tpu.memory_space<vmem>>, vector<16xf32>,
        %mul3A_340 = arith.mulf %get3A_339, %gather3A_308 : vector<16xf32>
        %swap3A_341 = arith.index_cast %add3A_306 : i32 to index
        %swap3A_342 = arith.constant 64 : index
        %swap3A_343 = tpu.vector_load %arg15[%swap3A_341, %swap3A_342] {strides = array<i32>} : memref<128x128xf32, #tpu.memory_space<vmem>>, vector<16xf32>,
        tpu.vector_store %arg15[%swap3A_341, %swap3A_342], %mul3A_340 {strides = array<i32>} : memref<128x128xf32, #tpu.memory_space<vmem>>, vector<16xf32>,
        %get3A_344 = arith.index_cast %add3A_306 : i32 to index
        %get3A_345 = arith.constant 80 : index
        %get3A_346 = tpu.vector_load %arg15[%get3A_344, %get3A_345] {strides = array<i32>} : memref<128x128xf32, #tpu.memory_space<vmem>>, vector<16xf32>,
        %mul3A_347 = arith.mulf %get3A_346, %gather3A_308 : vector<16xf32>
        %swap3A_348 = arith.index_cast %add3A_306 : i32 to index
        %swap3A_349 = arith.constant 80 : index
        %swap3A_350 = tpu.vector_load %arg15[%swap3A_348, %swap3A_349] {strides = array<i32>} : memref<128x128xf32, #tpu.memory_space<vmem>>, vector<16xf32>,
        tpu.vector_store %arg15[%swap3A_348, %swap3A_349], %mul3A_347 {strides = array<i32>} : memref<128x128xf32, #tpu.memory_space<vmem>>, vector<16xf32>,
        %get3A_351 = arith.index_cast %add3A_306 : i32 to index
        %get3A_352 = arith.constant 96 : index
        %get3A_353 = tpu.vector_load %arg15[%get3A_351, %get3A_352] {strides = array<i32>} : memref<128x128xf32, #tpu.memory_space<vmem>>, vector<16xf32>,
        %mul3A_354 = arith.mulf %get3A_353, %gather3A_308 : vector<16xf32>
        %swap3A_355 = arith.index_cast %add3A_306 : i32 to index
        %swap3A_356 = arith.constant 96 : index
        %swap3A_357 = tpu.vector_load %arg15[%swap3A_355, %swap3A_356] {strides = array<i32>} : memref<128x128xf32, #tpu.memory_space<vmem>>, vector<16xf32>,
        tpu.vector_store %arg15[%swap3A_355, %swap3A_356], %mul3A_354 {strides = array<i32>} : memref<128x128xf32, #tpu.memory_space<vmem>>, vector<16xf32>,
        %get3A_358 = arith.index_cast %add3A_306 : i32 to index
        %get3A_359 = arith.constant 112 : index
        %get3A_360 = tpu.vector_load %arg15[%get3A_358, %get3A_359] {strides = array<i32>} : memref<128x128xf32, #tpu.memory_space<vmem>>, vector<16xf32>,
        %mul3A_361 = arith.mulf %get3A_360, %gather3A_308 : vector<16xf32>
        %swap3A_362 = arith.index_cast %add3A_306 : i32 to index
        %swap3A_363 = arith.constant 112 : index
        %swap3A_364 = tpu.vector_load %arg15[%swap3A_362, %swap3A_363] {strides = array<i32>} : memref<128x128xf32, #tpu.memory_space<vmem>>, vector<16xf32>,
        tpu.vector_store %arg15[%swap3A_362, %swap3A_363], %mul3A_361 {strides = array<i32>} : memref<128x128xf32, #tpu.memory_space<vmem>>, vector<16xf32>,
        %add3A_365 = arith.constant 4 : i32
        %add3A_366 = arith.addi %add3A_128, %add3A_365 : i32
        %broadcast_in_dim3A_367 = vector.broadcast %add3A_366 : i32 to vector<16xi32>
        %gather3A_368 = tpu.vector_load_idx %arg13[%broadcast_in_dim3A_367] : memref<128xf32, #tpu.memory_space<vmem>>[vector<16xi32>], vector<16xf32>,
        %get3A_369 = arith.index_cast %add3A_366 : i32 to index
        %get3A_370 = arith.constant 0 : index
        %get3A_371 = tpu.vector_load %arg15[%get3A_369, %get3A_370] {strides = array<i32>} : memref<128x128xf32, #tpu.memory_space<vmem>>, vector<16xf32>,
        %mul3A_372 = arith.mulf %get3A_371, %gather3A_368 : vector<16xf32>
        %swap3A_373 = arith.index_cast %add3A_366 : i32 to index
        %swap3A_374 = arith.constant 0 : index
        %swap3A_375 = tpu.vector_load %arg15[%swap3A_373, %swap3A_374] {strides = array<i32>} : memref<128x128xf32, #tpu.memory_space<vmem>>, vector<16xf32>,
        tpu.vector_store %arg15[%swap3A_373, %swap3A_374], %mul3A_372 {strides = array<i32>} : memref<128x128xf32, #tpu.memory_space<vmem>>, vector<16xf32>,
        %get3A_376 = arith.index_cast %add3A_366 : i32 to index
        %get3A_377 = arith.constant 16 : index
        %get3A_378 = tpu.vector_load %arg15[%get3A_376, %get3A_377] {strides = array<i32>} : memref<128x128xf32, #tpu.memory_space<vmem>>, vector<16xf32>,
        %mul3A_379 = arith.mulf %get3A_378, %gather3A_368 : vector<16xf32>
        %swap3A_380 = arith.index_cast %add3A_366 : i32 to index
        %swap3A_381 = arith.constant 16 : index
        %swap3A_382 = tpu.vector_load %arg15[%swap3A_380, %swap3A_381] {strides = array<i32>} : memref<128x128xf32, #tpu.memory_space<vmem>>, vector<16xf32>,
        tpu.vector_store %arg15[%swap3A_380, %swap3A_381], %mul3A_379 {strides = array<i32>} : memref<128x128xf32, #tpu.memory_space<vmem>>, vector<16xf32>,
        %get3A_383 = arith.index_cast %add3A_366 : i32 to index
        %get3A_384 = arith.constant 32 : index
        %get3A_385 = tpu.vector_load %arg15[%get3A_383, %get3A_384] {strides = array<i32>} : memref<128x128xf32, #tpu.memory_space<vmem>>, vector<16xf32>,
        %mul3A_386 = arith.mulf %get3A_385, %gather3A_368 : vector<16xf32>
        %swap3A_387 = arith.index_cast %add3A_366 : i32 to index
        %swap3A_388 = arith.constant 32 : index
        %swap3A_389 = tpu.vector_load %arg15[%swap3A_387, %swap3A_388] {strides = array<i32>} : memref<128x128xf32, #tpu.memory_space<vmem>>, vector<16xf32>,
        tpu.vector_store %arg15[%swap3A_387, %swap3A_388], %mul3A_386 {strides = array<i32>} : memref<128x128xf32, #tpu.memory_space<vmem>>, vector<16xf32>,
        %get3A_390 = arith.index_cast %add3A_366 : i32 to index
        %get3A_391 = arith.constant 48 : index
        %get3A_392 = tpu.vector_load %arg15[%get3A_390, %get3A_391] {strides = array<i32>} : memref<128x128xf32, #tpu.memory_space<vmem>>, vector<16xf32>,
        %mul3A_393 = arith.mulf %get3A_392, %gather3A_368 : vector<16xf32>
        %swap3A_394 = arith.index_cast %add3A_366 : i32 to index
        %swap3A_395 = arith.constant 48 : index
        %swap3A_396 = tpu.vector_load %arg15[%swap3A_394, %swap3A_395] {strides = array<i32>} : memref<128x128xf32, #tpu.memory_space<vmem>>, vector<16xf32>,
        tpu.vector_store %arg15[%swap3A_394, %swap3A_395], %mul3A_393 {strides = array<i32>} : memref<128x128xf32, #tpu.memory_space<vmem>>, vector<16xf32>,
        %get3A_397 = arith.index_cast %add3A_366 : i32 to index
        %get3A_398 = arith.constant 64 : index
        %get3A_399 = tpu.vector_load %arg15[%get3A_397, %get3A_398] {strides = array<i32>} : memref<128x128xf32, #tpu.memory_space<vmem>>, vector<16xf32>,
        %mul3A_400 = arith.mulf %get3A_399, %gather3A_368 : vector<16xf32>
        %swap3A_401 = arith.index_cast %add3A_366 : i32 to index
        %swap3A_402 = arith.constant 64 : index
        %swap3A_403 = tpu.vector_load %arg15[%swap3A_401, %swap3A_402] {strides = array<i32>} : memref<128x128xf32, #tpu.memory_space<vmem>>, vector<16xf32>,
        tpu.vector_store %arg15[%swap3A_401, %swap3A_402], %mul3A_400 {strides = array<i32>} : memref<128x128xf32, #tpu.memory_space<vmem>>, vector<16xf32>,
        %get3A_404 = arith.index_cast %add3A_366 : i32 to index
        %get3A_405 = arith.constant 80 : index
        %get3A_406 = tpu.vector_load %arg15[%get3A_404, %get3A_405] {strides = array<i32>} : memref<128x128xf32, #tpu.memory_space<vmem>>, vector<16xf32>,
        %mul3A_407 = arith.mulf %get3A_406, %gather3A_368 : vector<16xf32>
        %swap3A_408 = arith.index_cast %add3A_366 : i32 to index
        %swap3A_409 = arith.constant 80 : index
        %swap3A_410 = tpu.vector_load %arg15[%swap3A_408, %swap3A_409] {strides = array<i32>} : memref<128x128xf32, #tpu.memory_space<vmem>>, vector<16xf32>,
        tpu.vector_store %arg15[%swap3A_408, %swap3A_409], %mul3A_407 {strides = array<i32>} : memref<128x128xf32, #tpu.memory_space<vmem>>, vector<16xf32>,
        %get3A_411 = arith.index_cast %add3A_366 : i32 to index
        %get3A_412 = arith.constant 96 : index
        %get3A_413 = tpu.vector_load %arg15[%get3A_411, %get3A_412] {strides = array<i32>} : memref<128x128xf32, #tpu.memory_space<vmem>>, vector<16xf32>,
        %mul3A_414 = arith.mulf %get3A_413, %gather3A_368 : vector<16xf32>
        %swap3A_415 = arith.index_cast %add3A_366 : i32 to index
        %swap3A_416 = arith.constant 96 : index
        %swap3A_417 = tpu.vector_load %arg15[%swap3A_415, %swap3A_416] {strides = array<i32>} : memref<128x128xf32, #tpu.memory_space<vmem>>, vector<16xf32>,
        tpu.vector_store %arg15[%swap3A_415, %swap3A_416], %mul3A_414 {strides = array<i32>} : memref<128x128xf32, #tpu.memory_space<vmem>>, vector<16xf32>,
        %get3A_418 = arith.index_cast %add3A_366 : i32 to index
        %get3A_419 = arith.constant 112 : index
        %get3A_420 = tpu.vector_load %arg15[%get3A_418, %get3A_419] {strides = array<i32>} : memref<128x128xf32, #tpu.memory_space<vmem>>, vector<16xf32>,
        %mul3A_421 = arith.mulf %get3A_420, %gather3A_368 : vector<16xf32>
        %swap3A_422 = arith.index_cast %add3A_366 : i32 to index
        %swap3A_423 = arith.constant 112 : index
        %swap3A_424 = tpu.vector_load %arg15[%swap3A_422, %swap3A_423] {strides = array<i32>} : memref<128x128xf32, #tpu.memory_space<vmem>>, vector<16xf32>,
        tpu.vector_store %arg15[%swap3A_422, %swap3A_423], %mul3A_421 {strides = array<i32>} : memref<128x128xf32, #tpu.memory_space<vmem>>, vector<16xf32>,
        %add3A_425 = arith.constant 5 : i32
        %add3A_426 = arith.addi %add3A_128, %add3A_425 : i32
        %broadcast_in_dim3A_427 = vector.broadcast %add3A_426 : i32 to vector<16xi32>
        %gather3A_428 = tpu.vector_load_idx %arg13[%broadcast_in_dim3A_427] : memref<128xf32, #tpu.memory_space<vmem>>[vector<16xi32>], vector<16xf32>,
        %get3A_429 = arith.index_cast %add3A_426 : i32 to index
        %get3A_430 = arith.constant 0 : index
        %get3A_431 = tpu.vector_load %arg15[%get3A_429, %get3A_430] {strides = array<i32>} : memref<128x128xf32, #tpu.memory_space<vmem>>, vector<16xf32>,
        %mul3A_432 = arith.mulf %get3A_431, %gather3A_428 : vector<16xf32>
        %swap3A_433 = arith.index_cast %add3A_426 : i32 to index
        %swap3A_434 = arith.constant 0 : index
        %swap3A_435 = tpu.vector_load %arg15[%swap3A_433, %swap3A_434] {strides = array<i32>} : memref<128x128xf32, #tpu.memory_space<vmem>>, vector<16xf32>,
        tpu.vector_store %arg15[%swap3A_433, %swap3A_434], %mul3A_432 {strides = array<i32>} : memref<128x128xf32, #tpu.memory_space<vmem>>, vector<16xf32>,
        %get3A_436 = arith.index_cast %add3A_426 : i32 to index
        %get3A_437 = arith.constant 16 : index
        %get3A_438 = tpu.vector_load %arg15[%get3A_436, %get3A_437] {strides = array<i32>} : memref<128x128xf32, #tpu.memory_space<vmem>>, vector<16xf32>,
        %mul3A_439 = arith.mulf %get3A_438, %gather3A_428 : vector<16xf32>
        %swap3A_440 = arith.index_cast %add3A_426 : i32 to index
        %swap3A_441 = arith.constant 16 : index
        %swap3A_442 = tpu.vector_load %arg15[%swap3A_440, %swap3A_441] {strides = array<i32>} : memref<128x128xf32, #tpu.memory_space<vmem>>, vector<16xf32>,
        tpu.vector_store %arg15[%swap3A_440, %swap3A_441], %mul3A_439 {strides = array<i32>} : memref<128x128xf32, #tpu.memory_space<vmem>>, vector<16xf32>,
        %get3A_443 = arith.index_cast %add3A_426 : i32 to index
        %get3A_444 = arith.constant 32 : index
        %get3A_445 = tpu.vector_load %arg15[%get3A_443, %get3A_444] {strides = array<i32>} : memref<128x128xf32, #tpu.memory_space<vmem>>, vector<16xf32>,
        %mul3A_446 = arith.mulf %get3A_445, %gather3A_428 : vector<16xf32>
        %swap3A_447 = arith.index_cast %add3A_426 : i32 to index
        %swap3A_448 = arith.constant 32 : index
        %swap3A_449 = tpu.vector_load %arg15[%swap3A_447, %swap3A_448] {strides = array<i32>} : memref<128x128xf32, #tpu.memory_space<vmem>>, vector<16xf32>,
        tpu.vector_store %arg15[%swap3A_447, %swap3A_448], %mul3A_446 {strides = array<i32>} : memref<128x128xf32, #tpu.memory_space<vmem>>, vector<16xf32>,
        %get3A_450 = arith.index_cast %add3A_426 : i32 to index
        %get3A_451 = arith.constant 48 : index
        %get3A_452 = tpu.vector_load %arg15[%get3A_450, %get3A_451] {strides = array<i32>} : memref<128x128xf32, #tpu.memory_space<vmem>>, vector<16xf32>,
        %mul3A_453 = arith.mulf %get3A_452, %gather3A_428 : vector<16xf32>
        %swap3A_454 = arith.index_cast %add3A_426 : i32 to index
        %swap3A_455 = arith.constant 48 : index
        %swap3A_456 = tpu.vector_load %arg15[%swap3A_454, %swap3A_455] {strides = array<i32>} : memref<128x128xf32, #tpu.memory_space<vmem>>, vector<16xf32>,
        tpu.vector_store %arg15[%swap3A_454, %swap3A_455], %mul3A_453 {strides = array<i32>} : memref<128x128xf32, #tpu.memory_space<vmem>>, vector<16xf32>,
        %get3A_457 = arith.index_cast %add3A_426 : i32 to index
        %get3A_458 = arith.constant 64 : index
        %get3A_459 = tpu.vector_load %arg15[%get3A_457, %get3A_458] {strides = array<i32>} : memref<128x128xf32, #tpu.memory_space<vmem>>, vector<16xf32>,
        %mul3A_460 = arith.mulf %get3A_459, %gather3A_428 : vector<16xf32>
        %swap3A_461 = arith.index_cast %add3A_426 : i32 to index
        %swap3A_462 = arith.constant 64 : index
        %swap3A_463 = tpu.vector_load %arg15[%swap3A_461, %swap3A_462] {strides = array<i32>} : memref<128x128xf32, #tpu.memory_space<vmem>>, vector<16xf32>,
        tpu.vector_store %arg15[%swap3A_461, %swap3A_462], %mul3A_460 {strides = array<i32>} : memref<128x128xf32, #tpu.memory_space<vmem>>, vector<16xf32>,
        %get3A_464 = arith.index_cast %add3A_426 : i32 to index
        %get3A_465 = arith.constant 80 : index
        %get3A_466 = tpu.vector_load %arg15[%get3A_464, %get3A_465] {strides = array<i32>} : memref<128x128xf32, #tpu.memory_space<vmem>>, vector<16xf32>,
        %mul3A_467 = arith.mulf %get3A_466, %gather3A_428 : vector<16xf32>
        %swap3A_468 = arith.index_cast %add3A_426 : i32 to index
        %swap3A_469 = arith.constant 80 : index
        %swap3A_470 = tpu.vector_load %arg15[%swap3A_468, %swap3A_469] {strides = array<i32>} : memref<128x128xf32, #tpu.memory_space<vmem>>, vector<16xf32>,
        tpu.vector_store %arg15[%swap3A_468, %swap3A_469], %mul3A_467 {strides = array<i32>} : memref<128x128xf32, #tpu.memory_space<vmem>>, vector<16xf32>,
        %get3A_471 = arith.index_cast %add3A_426 : i32 to index
        %get3A_472 = arith.constant 96 : index
        %get3A_473 = tpu.vector_load %arg15[%get3A_471, %get3A_472] {strides = array<i32>} : memref<128x128xf32, #tpu.memory_space<vmem>>, vector<16xf32>,
        %mul3A_474 = arith.mulf %get3A_473, %gather3A_428 : vector<16xf32>
        %swap3A_475 = arith.index_cast %add3A_426 : i32 to index
        %swap3A_476 = arith.constant 96 : index
        %swap3A_477 = tpu.vector_load %arg15[%swap3A_475, %swap3A_476] {strides = array<i32>} : memref<128x128xf32, #tpu.memory_space<vmem>>, vector<16xf32>,
        tpu.vector_store %arg15[%swap3A_475, %swap3A_476], %mul3A_474 {strides = array<i32>} : memref<128x128xf32, #tpu.memory_space<vmem>>, vector<16xf32>,
        %get3A_478 = arith.index_cast %add3A_426 : i32 to index
        %get3A_479 = arith.constant 112 : index
        %get3A_480 = tpu.vector_load %arg15[%get3A_478, %get3A_479] {strides = array<i32>} : memref<128x128xf32, #tpu.memory_space<vmem>>, vector<16xf32>,
        %mul3A_481 = arith.mulf %get3A_480, %gather3A_428 : vector<16xf32>
        %swap3A_482 = arith.index_cast %add3A_426 : i32 to index
        %swap3A_483 = arith.constant 112 : index
        %swap3A_484 = tpu.vector_load %arg15[%swap3A_482, %swap3A_483] {strides = array<i32>} : memref<128x128xf32, #tpu.memory_space<vmem>>, vector<16xf32>,
        tpu.vector_store %arg15[%swap3A_482, %swap3A_483], %mul3A_481 {strides = array<i32>} : memref<128x128xf32, #tpu.memory_space<vmem>>, vector<16xf32>,
        %add3A_485 = arith.constant 6 : i32
        %add3A_486 = arith.addi %add3A_128, %add3A_485 : i32
        %broadcast_in_dim3A_487 = vector.broadcast %add3A_486 : i32 to vector<16xi32>
        %gather3A_488 = tpu.vector_load_idx %arg13[%broadcast_in_dim3A_487] : memref<128xf32, #tpu.memory_space<vmem>>[vector<16xi32>], vector<16xf32>,
        %get3A_489 = arith.index_cast %add3A_486 : i32 to index
        %get3A_490 = arith.constant 0 : index
        %get3A_491 = tpu.vector_load %arg15[%get3A_489, %get3A_490] {strides = array<i32>} : memref<128x128xf32, #tpu.memory_space<vmem>>, vector<16xf32>,
        %mul3A_492 = arith.mulf %get3A_491, %gather3A_488 : vector<16xf32>
        %swap3A_493 = arith.index_cast %add3A_486 : i32 to index
        %swap3A_494 = arith.constant 0 : index
        %swap3A_495 = tpu.vector_load %arg15[%swap3A_493, %swap3A_494] {strides = array<i32>} : memref<128x128xf32, #tpu.memory_space<vmem>>, vector<16xf32>,
        tpu.vector_store %arg15[%swap3A_493, %swap3A_494], %mul3A_492 {strides = array<i32>} : memref<128x128xf32, #tpu.memory_space<vmem>>, vector<16xf32>,
        %get3A_496 = arith.index_cast %add3A_486 : i32 to index
        %get3A_497 = arith.constant 16 : index
        %get3A_498 = tpu.vector_load %arg15[%get3A_496, %get3A_497] {strides = array<i32>} : memref<128x128xf32, #tpu.memory_space<vmem>>, vector<16xf32>,
        %mul3A_499 = arith.mulf %get3A_498, %gather3A_488 : vector<16xf32>
        %swap3A_500 = arith.index_cast %add3A_486 : i32 to index
        %swap3A_501 = arith.constant 16 : index
        %swap3A_502 = tpu.vector_load %arg15[%swap3A_500, %swap3A_501] {strides = array<i32>} : memref<128x128xf32, #tpu.memory_space<vmem>>, vector<16xf32>,
        tpu.vector_store %arg15[%swap3A_500, %swap3A_501], %mul3A_499 {strides = array<i32>} : memref<128x128xf32, #tpu.memory_space<vmem>>, vector<16xf32>,
        %get3A_503 = arith.index_cast %add3A_486 : i32 to index
        %get3A_504 = arith.constant 32 : index
        %get3A_505 = tpu.vector_load %arg15[%get3A_503, %get3A_504] {strides = array<i32>} : memref<128x128xf32, #tpu.memory_space<vmem>>, vector<16xf32>,
        %mul3A_506 = arith.mulf %get3A_505, %gather3A_488 : vector<16xf32>
        %swap3A_507 = arith.index_cast %add3A_486 : i32 to index
        %swap3A_508 = arith.constant 32 : index
        %swap3A_509 = tpu.vector_load %arg15[%swap3A_507, %swap3A_508] {strides = array<i32>} : memref<128x128xf32, #tpu.memory_space<vmem>>, vector<16xf32>,
        tpu.vector_store %arg15[%swap3A_507, %swap3A_508], %mul3A_506 {strides = array<i32>} : memref<128x128xf32, #tpu.memory_space<vmem>>, vector<16xf32>,
        %get3A_510 = arith.index_cast %add3A_486 : i32 to index
        %get3A_511 = arith.constant 48 : index
        %get3A_512 = tpu.vector_load %arg15[%get3A_510, %get3A_511] {strides = array<i32>} : memref<128x128xf32, #tpu.memory_space<vmem>>, vector<16xf32>,
        %mul3A_513 = arith.mulf %get3A_512, %gather3A_488 : vector<16xf32>
        %swap3A_514 = arith.index_cast %add3A_486 : i32 to index
        %swap3A_515 = arith.constant 48 : index
        %swap3A_516 = tpu.vector_load %arg15[%swap3A_514, %swap3A_515] {strides = array<i32>} : memref<128x128xf32, #tpu.memory_space<vmem>>, vector<16xf32>,
        tpu.vector_store %arg15[%swap3A_514, %swap3A_515], %mul3A_513 {strides = array<i32>} : memref<128x128xf32, #tpu.memory_space<vmem>>, vector<16xf32>,
        %get3A_517 = arith.index_cast %add3A_486 : i32 to index
        %get3A_518 = arith.constant 64 : index
        %get3A_519 = tpu.vector_load %arg15[%get3A_517, %get3A_518] {strides = array<i32>} : memref<128x128xf32, #tpu.memory_space<vmem>>, vector<16xf32>,
        %mul3A_520 = arith.mulf %get3A_519, %gather3A_488 : vector<16xf32>
        %swap3A_521 = arith.index_cast %add3A_486 : i32 to index
        %swap3A_522 = arith.constant 64 : index
        %swap3A_523 = tpu.vector_load %arg15[%swap3A_521, %swap3A_522] {strides = array<i32>} : memref<128x128xf32, #tpu.memory_space<vmem>>, vector<16xf32>,
        tpu.vector_store %arg15[%swap3A_521, %swap3A_522], %mul3A_520 {strides = array<i32>} : memref<128x128xf32, #tpu.memory_space<vmem>>, vector<16xf32>,
        %get3A_524 = arith.index_cast %add3A_486 : i32 to index
        %get3A_525 = arith.constant 80 : index
        %get3A_526 = tpu.vector_load %arg15[%get3A_524, %get3A_525] {strides = array<i32>} : memref<128x128xf32, #tpu.memory_space<vmem>>, vector<16xf32>,
        %mul3A_527 = arith.mulf %get3A_526, %gather3A_488 : vector<16xf32>
        %swap3A_528 = arith.index_cast %add3A_486 : i32 to index
        %swap3A_529 = arith.constant 80 : index
        %swap3A_530 = tpu.vector_load %arg15[%swap3A_528, %swap3A_529] {strides = array<i32>} : memref<128x128xf32, #tpu.memory_space<vmem>>, vector<16xf32>,
        tpu.vector_store %arg15[%swap3A_528, %swap3A_529], %mul3A_527 {strides = array<i32>} : memref<128x128xf32, #tpu.memory_space<vmem>>, vector<16xf32>,
        %get3A_531 = arith.index_cast %add3A_486 : i32 to index
        %get3A_532 = arith.constant 96 : index
        %get3A_533 = tpu.vector_load %arg15[%get3A_531, %get3A_532] {strides = array<i32>} : memref<128x128xf32, #tpu.memory_space<vmem>>, vector<16xf32>,
        %mul3A_534 = arith.mulf %get3A_533, %gather3A_488 : vector<16xf32>
        %swap3A_535 = arith.index_cast %add3A_486 : i32 to index
        %swap3A_536 = arith.constant 96 : index
        %swap3A_537 = tpu.vector_load %arg15[%swap3A_535, %swap3A_536] {strides = array<i32>} : memref<128x128xf32, #tpu.memory_space<vmem>>, vector<16xf32>,
        tpu.vector_store %arg15[%swap3A_535, %swap3A_536], %mul3A_534 {strides = array<i32>} : memref<128x128xf32, #tpu.memory_space<vmem>>, vector<16xf32>,
        %get3A_538 = arith.index_cast %add3A_486 : i32 to index
        %get3A_539 = arith.constant 112 : index
        %get3A_540 = tpu.vector_load %arg15[%get3A_538, %get3A_539] {strides = array<i32>} : memref<128x128xf32, #tpu.memory_space<vmem>>, vector<16xf32>,
        %mul3A_541 = arith.mulf %get3A_540, %gather3A_488 : vector<16xf32>
        %swap3A_542 = arith.index_cast %add3A_486 : i32 to index
        %swap3A_543 = arith.constant 112 : index
        %swap3A_544 = tpu.vector_load %arg15[%swap3A_542, %swap3A_543] {strides = array<i32>} : memref<128x128xf32, #tpu.memory_space<vmem>>, vector<16xf32>,
        tpu.vector_store %arg15[%swap3A_542, %swap3A_543], %mul3A_541 {strides = array<i32>} : memref<128x128xf32, #tpu.memory_space<vmem>>, vector<16xf32>,
        %add3A_545 = arith.constant 7 : i32
        %add3A_546 = arith.addi %add3A_128, %add3A_545 : i32
        %broadcast_in_dim3A_547 = vector.broadcast %add3A_546 : i32 to vector<16xi32>
        %gather3A_548 = tpu.vector_load_idx %arg13[%broadcast_in_dim3A_547] : memref<128xf32, #tpu.memory_space<vmem>>[vector<16xi32>], vector<16xf32>,
        %get3A_549 = arith.index_cast %add3A_546 : i32 to index
        %get3A_550 = arith.constant 0 : index
        %get3A_551 = tpu.vector_load %arg15[%get3A_549, %get3A_550] {strides = array<i32>} : memref<128x128xf32, #tpu.memory_space<vmem>>, vector<16xf32>,
        %mul3A_552 = arith.mulf %get3A_551, %gather3A_548 : vector<16xf32>
        %swap3A_553 = arith.index_cast %add3A_546 : i32 to index
        %swap3A_554 = arith.constant 0 : index
        %swap3A_555 = tpu.vector_load %arg15[%swap3A_553, %swap3A_554] {strides = array<i32>} : memref<128x128xf32, #tpu.memory_space<vmem>>, vector<16xf32>,
        tpu.vector_store %arg15[%swap3A_553, %swap3A_554], %mul3A_552 {strides = array<i32>} : memref<128x128xf32, #tpu.memory_space<vmem>>, vector<16xf32>,
        %get3A_556 = arith.index_cast %add3A_546 : i32 to index
        %get3A_557 = arith.constant 16 : index
        %get3A_558 = tpu.vector_load %arg15[%get3A_556, %get3A_557] {strides = array<i32>} : memref<128x128xf32, #tpu.memory_space<vmem>>, vector<16xf32>,
        %mul3A_559 = arith.mulf %get3A_558, %gather3A_548 : vector<16xf32>
        %swap3A_560 = arith.index_cast %add3A_546 : i32 to index
        %swap3A_561 = arith.constant 16 : index
        %swap3A_562 = tpu.vector_load %arg15[%swap3A_560, %swap3A_561] {strides = array<i32>} : memref<128x128xf32, #tpu.memory_space<vmem>>, vector<16xf32>,
        tpu.vector_store %arg15[%swap3A_560, %swap3A_561], %mul3A_559 {strides = array<i32>} : memref<128x128xf32, #tpu.memory_space<vmem>>, vector<16xf32>,
        %get3A_563 = arith.index_cast %add3A_546 : i32 to index
        %get3A_564 = arith.constant 32 : index
        %get3A_565 = tpu.vector_load %arg15[%get3A_563, %get3A_564] {strides = array<i32>} : memref<128x128xf32, #tpu.memory_space<vmem>>, vector<16xf32>,
        %mul3A_566 = arith.mulf %get3A_565, %gather3A_548 : vector<16xf32>
        %swap3A_567 = arith.index_cast %add3A_546 : i32 to index
        %swap3A_568 = arith.constant 32 : index
        %swap3A_569 = tpu.vector_load %arg15[%swap3A_567, %swap3A_568] {strides = array<i32>} : memref<128x128xf32, #tpu.memory_space<vmem>>, vector<16xf32>,
        tpu.vector_store %arg15[%swap3A_567, %swap3A_568], %mul3A_566 {strides = array<i32>} : memref<128x128xf32, #tpu.memory_space<vmem>>, vector<16xf32>,
        %get3A_570 = arith.index_cast %add3A_546 : i32 to index
        %get3A_571 = arith.constant 48 : index
        %get3A_572 = tpu.vector_load %arg15[%get3A_570, %get3A_571] {strides = array<i32>} : memref<128x128xf32, #tpu.memory_space<vmem>>, vector<16xf32>,
        %mul3A_573 = arith.mulf %get3A_572, %gather3A_548 : vector<16xf32>
        %swap3A_574 = arith.index_cast %add3A_546 : i32 to index
        %swap3A_575 = arith.constant 48 : index
        %swap3A_576 = tpu.vector_load %arg15[%swap3A_574, %swap3A_575] {strides = array<i32>} : memref<128x128xf32, #tpu.memory_space<vmem>>, vector<16xf32>,
        tpu.vector_store %arg15[%swap3A_574, %swap3A_575], %mul3A_573 {strides = array<i32>} : memref<128x128xf32, #tpu.memory_space<vmem>>, vector<16xf32>,
        %get3A_577 = arith.index_cast %add3A_546 : i32 to index
        %get3A_578 = arith.constant 64 : index
        %get3A_579 = tpu.vector_load %arg15[%get3A_577, %get3A_578] {strides = array<i32>} : memref<128x128xf32, #tpu.memory_space<vmem>>, vector<16xf32>,
        %mul3A_580 = arith.mulf %get3A_579, %gather3A_548 : vector<16xf32>
        %swap3A_581 = arith.index_cast %add3A_546 : i32 to index
        %swap3A_582 = arith.constant 64 : index
        %swap3A_583 = tpu.vector_load %arg15[%swap3A_581, %swap3A_582] {strides = array<i32>} : memref<128x128xf32, #tpu.memory_space<vmem>>, vector<16xf32>,
        tpu.vector_store %arg15[%swap3A_581, %swap3A_582], %mul3A_580 {strides = array<i32>} : memref<128x128xf32, #tpu.memory_space<vmem>>, vector<16xf32>,
        %get3A_584 = arith.index_cast %add3A_546 : i32 to index
        %get3A_585 = arith.constant 80 : index
        %get3A_586 = tpu.vector_load %arg15[%get3A_584, %get3A_585] {strides = array<i32>} : memref<128x128xf32, #tpu.memory_space<vmem>>, vector<16xf32>,
        %mul3A_587 = arith.mulf %get3A_586, %gather3A_548 : vector<16xf32>
        %swap3A_588 = arith.index_cast %add3A_546 : i32 to index
        %swap3A_589 = arith.constant 80 : index
        %swap3A_590 = tpu.vector_load %arg15[%swap3A_588, %swap3A_589] {strides = array<i32>} : memref<128x128xf32, #tpu.memory_space<vmem>>, vector<16xf32>,
        tpu.vector_store %arg15[%swap3A_588, %swap3A_589], %mul3A_587 {strides = array<i32>} : memref<128x128xf32, #tpu.memory_space<vmem>>, vector<16xf32>,
        %get3A_591 = arith.index_cast %add3A_546 : i32 to index
        %get3A_592 = arith.constant 96 : index
        %get3A_593 = tpu.vector_load %arg15[%get3A_591, %get3A_592] {strides = array<i32>} : memref<128x128xf32, #tpu.memory_space<vmem>>, vector<16xf32>,
        %mul3A_594 = arith.mulf %get3A_593, %gather3A_548 : vector<16xf32>
        %swap3A_595 = arith.index_cast %add3A_546 : i32 to index
        %swap3A_596 = arith.constant 96 : index
        %swap3A_597 = tpu.vector_load %arg15[%swap3A_595, %swap3A_596] {strides = array<i32>} : memref<128x128xf32, #tpu.memory_space<vmem>>, vector<16xf32>,
        tpu.vector_store %arg15[%swap3A_595, %swap3A_596], %mul3A_594 {strides = array<i32>} : memref<128x128xf32, #tpu.memory_space<vmem>>, vector<16xf32>,
        %get3A_598 = arith.index_cast %add3A_546 : i32 to index
        %get3A_599 = arith.constant 112 : index
        %get3A_600 = tpu.vector_load %arg15[%get3A_598, %get3A_599] {strides = array<i32>} : memref<128x128xf32, #tpu.memory_space<vmem>>, vector<16xf32>,
        %mul3A_601 = arith.mulf %get3A_600, %gather3A_548 : vector<16xf32>
        %swap3A_602 = arith.index_cast %add3A_546 : i32 to index
        %swap3A_603 = arith.constant 112 : index
        %swap3A_604 = tpu.vector_load %arg15[%swap3A_602, %swap3A_603] {strides = array<i32>} : memref<128x128xf32, #tpu.memory_space<vmem>>, vector<16xf32>,
        tpu.vector_store %arg15[%swap3A_602, %swap3A_603], %mul3A_601 {strides = array<i32>} : memref<128x128xf32, #tpu.memory_space<vmem>>, vector<16xf32>,
      }
      %scan3A_110 = arith.constant 16 : i32
      %dma_wait3A_111 = arith.constant 0 : i32
      %dma_wait3A_112 = arith.constant 0 : i32
      %dma_wait3A_113 = tpu.memref_slice %arg16[%dma_wait3A_111, %dma_wait3A_112] : memref<10000x128xf32, #tpu.memory_space<vmem_shared>> -> memref<10000x128xf32, #tpu.memory_space<vmem_shared>>
      tpu.wait_indirect_dma semaphore(%arg19 : memref<!tpu.dma_semaphore, #tpu.memory_space<semaphore_mem>>) src(%arg14 : memref<128x128xf32, #tpu.memory_space<vmem>>) dst(%dma_wait3A_113 : memref<10000x128xf32, #tpu.memory_space<vmem_shared>>)
      %add3A_114 = arith.constant 64 : i32
      %add3A_115 = arith.addi %add3A_48, %add3A_114 : i32
      %lt3A_116 = arith.constant 2468 : i32
      %lt3A_117 = arith.cmpi slt, %add3A_115, %lt3A_116 : i32
      %convert_element_type3A_118 = arith.extui %lt3A_117 : i1 to i32
      %cond3A_119 = arith.constant 0 : i32
      %cond3A_120 = arith.cmpi ne, %convert_element_type3A_118, %cond3A_119 : i32
      scf.if %cond3A_120 {
        %add3A_124 = arith.constant 64 : i32
        %add3A_125 = arith.addi %add3A_48, %add3A_124 : i32
        "tpu.region"() ({
          %run_scoped3A = tpu.sem_alloc : memref<!tpu.dma_semaphore, #tpu.memory_space<semaphore_mem>>
          %dma_start3A_141 = arith.constant 0 : i32
          %dma_start3A_142 = tpu.memref_slice %arg3[%add3A_125, %dma_start3A_141] : memref<2500x128xi32, #tpu.memory_space<hbm>> -> memref<1x128xi32, #tpu.memory_space<hbm>>
          %dma_start3A_143 = tpu.memref_squeeze %dma_start3A_142 : memref<1x128xi32, #tpu.memory_space<hbm>> -> memref<128xi32, #tpu.memory_space<hbm>>
          %dma_start3A_144 = arith.constant 0 : i32
          %dma_start3A_145 = tpu.memref_slice %arg3[%add3A_125, %dma_start3A_144] : memref<2500x128xi32, #tpu.memory_space<hbm>> -> memref<1x128xi32, #tpu.memory_space<hbm>>
          %dma_start3A_146 = tpu.memref_squeeze %dma_start3A_145 : memref<1x128xi32, #tpu.memory_space<hbm>> -> memref<128xi32, #tpu.memory_space<hbm>>
          tpu.enqueue_dma source(%dma_start3A_146 : memref<128xi32, #tpu.memory_space<hbm>>) target(%arg8 : memref<128xi32, #tpu.memory_space<vmem>>) target_semaphore(%run_scoped3A : memref<!tpu.dma_semaphore, #tpu.memory_space<semaphore_mem>>)
          %dma_wait3A_147 = arith.constant 0 : i32
          %dma_wait3A_148 = tpu.memref_slice %arg3[%add3A_125, %dma_wait3A_147] : memref<2500x128xi32, #tpu.memory_space<hbm>> -> memref<1x128xi32, #tpu.memory_space<hbm>>
          %dma_wait3A_149 = tpu.memref_squeeze %dma_wait3A_148 : memref<1x128xi32, #tpu.memory_space<hbm>> -> memref<128xi32, #tpu.memory_space<hbm>>
          %dma_wait3A_150 = arith.constant 0 : i32
          %dma_wait3A_151 = tpu.memref_slice %arg3[%add3A_125, %dma_wait3A_150] : memref<2500x128xi32, #tpu.memory_space<hbm>> -> memref<1x128xi32, #tpu.memory_space<hbm>>
          %dma_wait3A_152 = tpu.memref_squeeze %dma_wait3A_151 : memref<1x128xi32, #tpu.memory_space<hbm>> -> memref<128xi32, #tpu.memory_space<hbm>>
          tpu.wait_dma2 semaphore(%run_scoped3A : memref<!tpu.dma_semaphore, #tpu.memory_space<semaphore_mem>>) src(%dma_wait3A_152 : memref<128xi32, #tpu.memory_space<hbm>>) dst(%arg8 : memref<128xi32, #tpu.memory_space<vmem>>)
          tpu.yield
        }) : () -> ()
        %dma_start3A_126 = arith.constant 0 : i32
        %dma_start3A_127 = arith.constant 0 : i32
        %dma_start3A_128 = tpu.memref_slice %arg2[%dma_start3A_126, %dma_start3A_127] : memref<10000x128xf32, #tpu.memory_space<hbm>> -> memref<10000x128xf32, #tpu.memory_space<hbm>>
        tpu.enqueue_indirect_dma source(%dma_start3A_128 : memref<10000x128xf32, #tpu.memory_space<hbm>>) target(%arg14 : memref<128x128xf32, #tpu.memory_space<vmem>>) offsets(%arg8 : memref<128xi32, #tpu.memory_space<vmem>>) semaphore(%arg17 : memref<!tpu.dma_semaphore, #tpu.memory_space<semaphore_mem>>)
        %dma_start3A_129 = arith.constant 0 : i32
        %dma_start3A_130 = tpu.memref_slice %arg4[%add3A_125, %dma_start3A_129] : memref<2500x128xi32, #tpu.memory_space<hbm>> -> memref<1x128xi32, #tpu.memory_space<hbm>>
        %dma_start3A_131 = tpu.memref_squeeze %dma_start3A_130 : memref<1x128xi32, #tpu.memory_space<hbm>> -> memref<128xi32, #tpu.memory_space<hbm>>
        %dma_start3A_132 = arith.constant 0 : i32
        %dma_start3A_133 = tpu.memref_slice %arg4[%add3A_125, %dma_start3A_132] : memref<2500x128xi32, #tpu.memory_space<hbm>> -> memref<1x128xi32, #tpu.memory_space<hbm>>
        %dma_start3A_134 = tpu.memref_squeeze %dma_start3A_133 : memref<1x128xi32, #tpu.memory_space<hbm>> -> memref<128xi32, #tpu.memory_space<hbm>>
        tpu.enqueue_dma source(%dma_start3A_134 : memref<128xi32, #tpu.memory_space<hbm>>) target(%arg9 : memref<128xi32, #tpu.memory_space<vmem>>) target_semaphore(%arg21 : memref<!tpu.dma_semaphore, #tpu.memory_space<semaphore_mem>>)
        %dma_start3A_135 = arith.constant 0 : i32
        %dma_start3A_136 = tpu.memref_slice %arg5[%add3A_125, %dma_start3A_135] : memref<2500x128xf32, #tpu.memory_space<hbm>> -> memref<1x128xf32, #tpu.memory_space<hbm>>
        %dma_start3A_137 = tpu.memref_squeeze %dma_start3A_136 : memref<1x128xf32, #tpu.memory_space<hbm>> -> memref<128xf32, #tpu.memory_space<hbm>>
        %dma_start3A_138 = arith.constant 0 : i32
        %dma_start3A_139 = tpu.memref_slice %arg5[%add3A_125, %dma_start3A_138] : memref<2500x128xf32, #tpu.memory_space<hbm>> -> memref<1x128xf32, #tpu.memory_space<hbm>>
        %dma_start3A_140 = tpu.memref_squeeze %dma_start3A_139 : memref<1x128xf32, #tpu.memory_space<hbm>> -> memref<128xf32, #tpu.memory_space<hbm>>
        tpu.enqueue_dma source(%dma_start3A_140 : memref<128xf32, #tpu.memory_space<hbm>>) target(%arg10 : memref<128xf32, #tpu.memory_space<vmem>>) target_semaphore(%arg21 : memref<!tpu.dma_semaphore, #tpu.memory_space<semaphore_mem>>)
      } else {
      }
      %dma_start3A_121 = arith.constant 0 : i32
      %dma_start3A_122 = arith.constant 0 : i32
      %dma_start3A_123 = tpu.memref_slice %arg16[%dma_start3A_121, %dma_start3A_122] : memref<10000x128xf32, #tpu.memory_space<vmem_shared>> -> memref<10000x128xf32, #tpu.memory_space<vmem_shared>>
      tpu.enqueue_indirect_dma source(%arg15 : memref<128x128xf32, #tpu.memory_space<vmem>>) target(%dma_start3A_123 : memref<10000x128xf32, #tpu.memory_space<vmem_shared>>) offsets(%arg12 : memref<128xi32, #tpu.memory_space<vmem>>) semaphore(%arg20 : memref<!tpu.dma_semaphore, #tpu.memory_space<semaphore_mem>>) {add = true}
    }
    %while3A_33 = arith.constant 1 : i32
    scf.for %while3A_46 = %while3A_31 to %while3A_27 step %while3A_33  : i32 {
      %mul3A_47 = arith.muli %while3A_46, %while3A : i32
      %add3A_48 = arith.addi %add3A, %mul3A_47 : i32
      %add3A_49 = arith.constant 32 : i32
      %add3A_50 = arith.addi %add3A_48, %add3A_49 : i32
      %ne3A = arith.cmpi ne, %add3A_48, %add3A : i32
      %convert_element_type3A_51 = arith.extui %ne3A : i1 to i32
      %cond3A_52 = arith.constant 0 : i32
      %cond3A_53 = arith.cmpi ne, %convert_element_type3A_51, %cond3A_52 : i32
      scf.if %cond3A_53 {
        %dma_wait3A_124 = arith.constant 0 : i32
        %dma_wait3A_125 = arith.constant 0 : i32
        %dma_wait3A_126 = tpu.memref_slice %arg16[%dma_wait3A_124, %dma_wait3A_125] : memref<10000x128xf32, #tpu.memory_space<vmem_shared>> -> memref<10000x128xf32, #tpu.memory_space<vmem_shared>>
        tpu.wait_indirect_dma semaphore(%arg20 : memref<!tpu.dma_semaphore, #tpu.memory_space<semaphore_mem>>) src(%arg15 : memref<128x128xf32, #tpu.memory_space<vmem>>) dst(%dma_wait3A_126 : memref<10000x128xf32, #tpu.memory_space<vmem_shared>>)
      } else {
      }
      "tpu.region"() ({
        %run_scoped3A = tpu.sem_alloc : memref<!tpu.dma_semaphore, #tpu.memory_space<semaphore_mem>>
        %dma_start3A_124 = arith.constant 0 : i32
        %dma_start3A_125 = tpu.memref_slice %arg3[%add3A_50, %dma_start3A_124] : memref<2500x128xi32, #tpu.memory_space<hbm>> -> memref<1x128xi32, #tpu.memory_space<hbm>>
        %dma_start3A_126 = tpu.memref_squeeze %dma_start3A_125 : memref<1x128xi32, #tpu.memory_space<hbm>> -> memref<128xi32, #tpu.memory_space<hbm>>
        %dma_start3A_127 = arith.constant 0 : i32
        %dma_start3A_128 = tpu.memref_slice %arg3[%add3A_50, %dma_start3A_127] : memref<2500x128xi32, #tpu.memory_space<hbm>> -> memref<1x128xi32, #tpu.memory_space<hbm>>
        %dma_start3A_129 = tpu.memref_squeeze %dma_start3A_128 : memref<1x128xi32, #tpu.memory_space<hbm>> -> memref<128xi32, #tpu.memory_space<hbm>>
        tpu.enqueue_dma source(%dma_start3A_129 : memref<128xi32, #tpu.memory_space<hbm>>) target(%arg11 : memref<128xi32, #tpu.memory_space<vmem>>) target_semaphore(%run_scoped3A : memref<!tpu.dma_semaphore, #tpu.memory_space<semaphore_mem>>)
        %dma_wait3A_130 = arith.constant 0 : i32
        %dma_wait3A_131 = tpu.memref_slice %arg3[%add3A_50, %dma_wait3A_130] : memref<2500x128xi32, #tpu.memory_space<hbm>> -> memref<1x128xi32, #tpu.memory_space<hbm>>
        %dma_wait3A_132 = tpu.memref_squeeze %dma_wait3A_131 : memref<1x128xi32, #tpu.memory_space<hbm>> -> memref<128xi32, #tpu.memory_space<hbm>>
        %dma_wait3A_133 = arith.constant 0 : i32
        %dma_wait3A_134 = tpu.memref_slice %arg3[%add3A_50, %dma_wait3A_133] : memref<2500x128xi32, #tpu.memory_space<hbm>> -> memref<1x128xi32, #tpu.memory_space<hbm>>
        %dma_wait3A_135 = tpu.memref_squeeze %dma_wait3A_134 : memref<1x128xi32, #tpu.memory_space<hbm>> -> memref<128xi32, #tpu.memory_space<hbm>>
        tpu.wait_dma2 semaphore(%run_scoped3A : memref<!tpu.dma_semaphore, #tpu.memory_space<semaphore_mem>>) src(%dma_wait3A_135 : memref<128xi32, #tpu.memory_space<hbm>>) dst(%arg11 : memref<128xi32, #tpu.memory_space<vmem>>)
        tpu.yield
      }) : () -> ()
      %dma_start3A_54 = arith.constant 0 : i32
      %dma_start3A_55 = arith.constant 0 : i32
      %dma_start3A_56 = tpu.memref_slice %arg2[%dma_start3A_54, %dma_start3A_55] : memref<10000x128xf32, #tpu.memory_space<hbm>> -> memref<10000x128xf32, #tpu.memory_space<hbm>>
      tpu.enqueue_indirect_dma source(%dma_start3A_56 : memref<10000x128xf32, #tpu.memory_space<hbm>>) target(%arg15 : memref<128x128xf32, #tpu.memory_space<vmem>>) offsets(%arg11 : memref<128xi32, #tpu.memory_space<vmem>>) semaphore(%arg18 : memref<!tpu.dma_semaphore, #tpu.memory_space<semaphore_mem>>)
      %dma_start3A_57 = arith.constant 0 : i32
      %dma_start3A_58 = tpu.memref_slice %arg4[%add3A_50, %dma_start3A_57] : memref<2500x128xi32, #tpu.memory_space<hbm>> -> memref<1x128xi32, #tpu.memory_space<hbm>>
      %dma_start3A_59 = tpu.memref_squeeze %dma_start3A_58 : memref<1x128xi32, #tpu.memory_space<hbm>> -> memref<128xi32, #tpu.memory_space<hbm>>
      %dma_start3A_60 = arith.constant 0 : i32
      %dma_start3A_61 = tpu.memref_slice %arg4[%add3A_50, %dma_start3A_60] : memref<2500x128xi32, #tpu.memory_space<hbm>> -> memref<1x128xi32, #tpu.memory_space<hbm>>
      %dma_start3A_62 = tpu.memref_squeeze %dma_start3A_61 : memref<1x128xi32, #tpu.memory_space<hbm>> -> memref<128xi32, #tpu.memory_space<hbm>>
      tpu.enqueue_dma source(%dma_start3A_62 : memref<128xi32, #tpu.memory_space<hbm>>) target(%arg12 : memref<128xi32, #tpu.memory_space<vmem>>) target_semaphore(%arg22 : memref<!tpu.dma_semaphore, #tpu.memory_space<semaphore_mem>>)
      %dma_start3A_63 = arith.constant 0 : i32
      %dma_start3A_64 = tpu.memref_slice %arg5[%add3A_50, %dma_start3A_63] : memref<2500x128xf32, #tpu.memory_space<hbm>> -> memref<1x128xf32, #tpu.memory_space<hbm>>
      %dma_start3A_65 = tpu.memref_squeeze %dma_start3A_64 : memref<1x128xf32, #tpu.memory_space<hbm>> -> memref<128xf32, #tpu.memory_space<hbm>>
      %dma_start3A_66 = arith.constant 0 : i32
      %dma_start3A_67 = tpu.memref_slice %arg5[%add3A_50, %dma_start3A_66] : memref<2500x128xf32, #tpu.memory_space<hbm>> -> memref<1x128xf32, #tpu.memory_space<hbm>>
      %dma_start3A_68 = tpu.memref_squeeze %dma_start3A_67 : memref<1x128xf32, #tpu.memory_space<hbm>> -> memref<128xf32, #tpu.memory_space<hbm>>
      tpu.enqueue_dma source(%dma_start3A_68 : memref<128xf32, #tpu.memory_space<hbm>>) target(%arg13 : memref<128xf32, #tpu.memory_space<vmem>>) target_semaphore(%arg22 : memref<!tpu.dma_semaphore, #tpu.memory_space<semaphore_mem>>)
      %dma_wait3A_69 = arith.constant 0 : i32
      %dma_wait3A_70 = arith.constant 0 : i32
      %dma_wait3A_71 = tpu.memref_slice %arg2[%dma_wait3A_69, %dma_wait3A_70] : memref<10000x128xf32, #tpu.memory_space<hbm>> -> memref<10000x128xf32, #tpu.memory_space<hbm>>
      tpu.wait_indirect_dma semaphore(%arg17 : memref<!tpu.dma_semaphore, #tpu.memory_space<semaphore_mem>>) src(%dma_wait3A_71 : memref<10000x128xf32, #tpu.memory_space<hbm>>) dst(%arg14 : memref<128x128xf32, #tpu.memory_space<vmem>>)
      %dma_wait3A_72 = arith.constant 0 : i32
      %dma_wait3A_73 = tpu.memref_slice %arg4[%add3A_48, %dma_wait3A_72] : memref<2500x128xi32, #tpu.memory_space<hbm>> -> memref<1x128xi32, #tpu.memory_space<hbm>>
      %dma_wait3A_74 = tpu.memref_squeeze %dma_wait3A_73 : memref<1x128xi32, #tpu.memory_space<hbm>> -> memref<128xi32, #tpu.memory_space<hbm>>
      %dma_wait3A_75 = arith.constant 0 : i32
      %dma_wait3A_76 = tpu.memref_slice %arg4[%add3A_48, %dma_wait3A_75] : memref<2500x128xi32, #tpu.memory_space<hbm>> -> memref<1x128xi32, #tpu.memory_space<hbm>>
      %dma_wait3A_77 = tpu.memref_squeeze %dma_wait3A_76 : memref<1x128xi32, #tpu.memory_space<hbm>> -> memref<128xi32, #tpu.memory_space<hbm>>
      tpu.wait_dma2 semaphore(%arg21 : memref<!tpu.dma_semaphore, #tpu.memory_space<semaphore_mem>>) src(%dma_wait3A_77 : memref<128xi32, #tpu.memory_space<hbm>>) dst(%arg9 : memref<128xi32, #tpu.memory_space<vmem>>)
      %dma_wait3A_78 = arith.constant 0 : i32
      %dma_wait3A_79 = tpu.memref_slice %arg5[%add3A_48, %dma_wait3A_78] : memref<2500x128xf32, #tpu.memory_space<hbm>> -> memref<1x128xf32, #tpu.memory_space<hbm>>
      %dma_wait3A_80 = tpu.memref_squeeze %dma_wait3A_79 : memref<1x128xf32, #tpu.memory_space<hbm>> -> memref<128xf32, #tpu.memory_space<hbm>>
      %dma_wait3A_81 = arith.constant 0 : i32
      %dma_wait3A_82 = tpu.memref_slice %arg5[%add3A_48, %dma_wait3A_81] : memref<2500x128xf32, #tpu.memory_space<hbm>> -> memref<1x128xf32, #tpu.memory_space<hbm>>
      %dma_wait3A_83 = tpu.memref_squeeze %dma_wait3A_82 : memref<1x128xf32, #tpu.memory_space<hbm>> -> memref<128xf32, #tpu.memory_space<hbm>>
      tpu.wait_dma2 semaphore(%arg21 : memref<!tpu.dma_semaphore, #tpu.memory_space<semaphore_mem>>) src(%dma_wait3A_83 : memref<128xf32, #tpu.memory_space<hbm>>) dst(%arg10 : memref<128xf32, #tpu.memory_space<vmem>>)
      %scan3A = arith.constant 0 : i32
      %scan3A_84 = arith.constant 16 : i32
      %scan3A_85 = arith.addi %scan3A, %scan3A_84 : i32
      %scan3A_86 = arith.constant 1 : i32
      scf.for %scan3A_124 = %scan3A to %scan3A_85 step %scan3A_86  : i32 {
        %mul3A_125 = arith.constant 8 : i32
        %mul3A_126 = arith.muli %scan3A_124, %mul3A_125 : i32
        %add3A_127 = arith.constant 0 : i32
        %add3A_128 = arith.addi %add3A_127, %mul3A_126 : i32
        %add3A_129 = arith.constant 0 : i32
        %add3A_130 = arith.addi %add3A_128, %add3A_129 : i32
        %broadcast_in_dim3A = vector.broadcast %add3A_130 : i32 to vector<16xi32>
        %gather3A = tpu.vector_load_idx %arg10[%broadcast_in_dim3A] : memref<128xf32, #tpu.memory_space<vmem>>[vector<16xi32>], vector<16xf32>,
        %get3A = arith.index_cast %add3A_130 : i32 to index
        %get3A_131 = arith.constant 0 : index
        %get3A_132 = tpu.vector_load %arg14[%get3A, %get3A_131] {strides = array<i32>} : memref<128x128xf32, #tpu.memory_space<vmem>>, vector<16xf32>,
        %mul3A_133 = arith.mulf %get3A_132, %gather3A : vector<16xf32>
        %swap3A = arith.index_cast %add3A_130 : i32 to index
        %swap3A_134 = arith.constant 0 : index
        %swap3A_135 = tpu.vector_load %arg14[%swap3A, %swap3A_134] {strides = array<i32>} : memref<128x128xf32, #tpu.memory_space<vmem>>, vector<16xf32>,
        tpu.vector_store %arg14[%swap3A, %swap3A_134], %mul3A_133 {strides = array<i32>} : memref<128x128xf32, #tpu.memory_space<vmem>>, vector<16xf32>,
        %get3A_136 = arith.index_cast %add3A_130 : i32 to index
        %get3A_137 = arith.constant 16 : index
        %get3A_138 = tpu.vector_load %arg14[%get3A_136, %get3A_137] {strides = array<i32>} : memref<128x128xf32, #tpu.memory_space<vmem>>, vector<16xf32>,
        %mul3A_139 = arith.mulf %get3A_138, %gather3A : vector<16xf32>
        %swap3A_140 = arith.index_cast %add3A_130 : i32 to index
        %swap3A_141 = arith.constant 16 : index
        %swap3A_142 = tpu.vector_load %arg14[%swap3A_140, %swap3A_141] {strides = array<i32>} : memref<128x128xf32, #tpu.memory_space<vmem>>, vector<16xf32>,
        tpu.vector_store %arg14[%swap3A_140, %swap3A_141], %mul3A_139 {strides = array<i32>} : memref<128x128xf32, #tpu.memory_space<vmem>>, vector<16xf32>,
        %get3A_143 = arith.index_cast %add3A_130 : i32 to index
        %get3A_144 = arith.constant 32 : index
        %get3A_145 = tpu.vector_load %arg14[%get3A_143, %get3A_144] {strides = array<i32>} : memref<128x128xf32, #tpu.memory_space<vmem>>, vector<16xf32>,
        %mul3A_146 = arith.mulf %get3A_145, %gather3A : vector<16xf32>
        %swap3A_147 = arith.index_cast %add3A_130 : i32 to index
        %swap3A_148 = arith.constant 32 : index
        %swap3A_149 = tpu.vector_load %arg14[%swap3A_147, %swap3A_148] {strides = array<i32>} : memref<128x128xf32, #tpu.memory_space<vmem>>, vector<16xf32>,
        tpu.vector_store %arg14[%swap3A_147, %swap3A_148], %mul3A_146 {strides = array<i32>} : memref<128x128xf32, #tpu.memory_space<vmem>>, vector<16xf32>,
        %get3A_150 = arith.index_cast %add3A_130 : i32 to index
        %get3A_151 = arith.constant 48 : index
        %get3A_152 = tpu.vector_load %arg14[%get3A_150, %get3A_151] {strides = array<i32>} : memref<128x128xf32, #tpu.memory_space<vmem>>, vector<16xf32>,
        %mul3A_153 = arith.mulf %get3A_152, %gather3A : vector<16xf32>
        %swap3A_154 = arith.index_cast %add3A_130 : i32 to index
        %swap3A_155 = arith.constant 48 : index
        %swap3A_156 = tpu.vector_load %arg14[%swap3A_154, %swap3A_155] {strides = array<i32>} : memref<128x128xf32, #tpu.memory_space<vmem>>, vector<16xf32>,
        tpu.vector_store %arg14[%swap3A_154, %swap3A_155], %mul3A_153 {strides = array<i32>} : memref<128x128xf32, #tpu.memory_space<vmem>>, vector<16xf32>,
        %get3A_157 = arith.index_cast %add3A_130 : i32 to index
        %get3A_158 = arith.constant 64 : index
        %get3A_159 = tpu.vector_load %arg14[%get3A_157, %get3A_158] {strides = array<i32>} : memref<128x128xf32, #tpu.memory_space<vmem>>, vector<16xf32>,
        %mul3A_160 = arith.mulf %get3A_159, %gather3A : vector<16xf32>
        %swap3A_161 = arith.index_cast %add3A_130 : i32 to index
        %swap3A_162 = arith.constant 64 : index
        %swap3A_163 = tpu.vector_load %arg14[%swap3A_161, %swap3A_162] {strides = array<i32>} : memref<128x128xf32, #tpu.memory_space<vmem>>, vector<16xf32>,
        tpu.vector_store %arg14[%swap3A_161, %swap3A_162], %mul3A_160 {strides = array<i32>} : memref<128x128xf32, #tpu.memory_space<vmem>>, vector<16xf32>,
        %get3A_164 = arith.index_cast %add3A_130 : i32 to index
        %get3A_165 = arith.constant 80 : index
        %get3A_166 = tpu.vector_load %arg14[%get3A_164, %get3A_165] {strides = array<i32>} : memref<128x128xf32, #tpu.memory_space<vmem>>, vector<16xf32>,
        %mul3A_167 = arith.mulf %get3A_166, %gather3A : vector<16xf32>
        %swap3A_168 = arith.index_cast %add3A_130 : i32 to index
        %swap3A_169 = arith.constant 80 : index
        %swap3A_170 = tpu.vector_load %arg14[%swap3A_168, %swap3A_169] {strides = array<i32>} : memref<128x128xf32, #tpu.memory_space<vmem>>, vector<16xf32>,
        tpu.vector_store %arg14[%swap3A_168, %swap3A_169], %mul3A_167 {strides = array<i32>} : memref<128x128xf32, #tpu.memory_space<vmem>>, vector<16xf32>,
        %get3A_171 = arith.index_cast %add3A_130 : i32 to index
        %get3A_172 = arith.constant 96 : index
        %get3A_173 = tpu.vector_load %arg14[%get3A_171, %get3A_172] {strides = array<i32>} : memref<128x128xf32, #tpu.memory_space<vmem>>, vector<16xf32>,
        %mul3A_174 = arith.mulf %get3A_173, %gather3A : vector<16xf32>
        %swap3A_175 = arith.index_cast %add3A_130 : i32 to index
        %swap3A_176 = arith.constant 96 : index
        %swap3A_177 = tpu.vector_load %arg14[%swap3A_175, %swap3A_176] {strides = array<i32>} : memref<128x128xf32, #tpu.memory_space<vmem>>, vector<16xf32>,
        tpu.vector_store %arg14[%swap3A_175, %swap3A_176], %mul3A_174 {strides = array<i32>} : memref<128x128xf32, #tpu.memory_space<vmem>>, vector<16xf32>,
        %get3A_178 = arith.index_cast %add3A_130 : i32 to index
        %get3A_179 = arith.constant 112 : index
        %get3A_180 = tpu.vector_load %arg14[%get3A_178, %get3A_179] {strides = array<i32>} : memref<128x128xf32, #tpu.memory_space<vmem>>, vector<16xf32>,
        %mul3A_181 = arith.mulf %get3A_180, %gather3A : vector<16xf32>
        %swap3A_182 = arith.index_cast %add3A_130 : i32 to index
        %swap3A_183 = arith.constant 112 : index
        %swap3A_184 = tpu.vector_load %arg14[%swap3A_182, %swap3A_183] {strides = array<i32>} : memref<128x128xf32, #tpu.memory_space<vmem>>, vector<16xf32>,
        tpu.vector_store %arg14[%swap3A_182, %swap3A_183], %mul3A_181 {strides = array<i32>} : memref<128x128xf32, #tpu.memory_space<vmem>>, vector<16xf32>,
        %add3A_185 = arith.constant 1 : i32
        %add3A_186 = arith.addi %add3A_128, %add3A_185 : i32
        %broadcast_in_dim3A_187 = vector.broadcast %add3A_186 : i32 to vector<16xi32>
        %gather3A_188 = tpu.vector_load_idx %arg10[%broadcast_in_dim3A_187] : memref<128xf32, #tpu.memory_space<vmem>>[vector<16xi32>], vector<16xf32>,
        %get3A_189 = arith.index_cast %add3A_186 : i32 to index
        %get3A_190 = arith.constant 0 : index
        %get3A_191 = tpu.vector_load %arg14[%get3A_189, %get3A_190] {strides = array<i32>} : memref<128x128xf32, #tpu.memory_space<vmem>>, vector<16xf32>,
        %mul3A_192 = arith.mulf %get3A_191, %gather3A_188 : vector<16xf32>
        %swap3A_193 = arith.index_cast %add3A_186 : i32 to index
        %swap3A_194 = arith.constant 0 : index
        %swap3A_195 = tpu.vector_load %arg14[%swap3A_193, %swap3A_194] {strides = array<i32>} : memref<128x128xf32, #tpu.memory_space<vmem>>, vector<16xf32>,
        tpu.vector_store %arg14[%swap3A_193, %swap3A_194], %mul3A_192 {strides = array<i32>} : memref<128x128xf32, #tpu.memory_space<vmem>>, vector<16xf32>,
        %get3A_196 = arith.index_cast %add3A_186 : i32 to index
        %get3A_197 = arith.constant 16 : index
        %get3A_198 = tpu.vector_load %arg14[%get3A_196, %get3A_197] {strides = array<i32>} : memref<128x128xf32, #tpu.memory_space<vmem>>, vector<16xf32>,
        %mul3A_199 = arith.mulf %get3A_198, %gather3A_188 : vector<16xf32>
        %swap3A_200 = arith.index_cast %add3A_186 : i32 to index
        %swap3A_201 = arith.constant 16 : index
        %swap3A_202 = tpu.vector_load %arg14[%swap3A_200, %swap3A_201] {strides = array<i32>} : memref<128x128xf32, #tpu.memory_space<vmem>>, vector<16xf32>,
        tpu.vector_store %arg14[%swap3A_200, %swap3A_201], %mul3A_199 {strides = array<i32>} : memref<128x128xf32, #tpu.memory_space<vmem>>, vector<16xf32>,
        %get3A_203 = arith.index_cast %add3A_186 : i32 to index
        %get3A_204 = arith.constant 32 : index
        %get3A_205 = tpu.vector_load %arg14[%get3A_203, %get3A_204] {strides = array<i32>} : memref<128x128xf32, #tpu.memory_space<vmem>>, vector<16xf32>,
        %mul3A_206 = arith.mulf %get3A_205, %gather3A_188 : vector<16xf32>
        %swap3A_207 = arith.index_cast %add3A_186 : i32 to index
        %swap3A_208 = arith.constant 32 : index
        %swap3A_209 = tpu.vector_load %arg14[%swap3A_207, %swap3A_208] {strides = array<i32>} : memref<128x128xf32, #tpu.memory_space<vmem>>, vector<16xf32>,
        tpu.vector_store %arg14[%swap3A_207, %swap3A_208], %mul3A_206 {strides = array<i32>} : memref<128x128xf32, #tpu.memory_space<vmem>>, vector<16xf32>,
        %get3A_210 = arith.index_cast %add3A_186 : i32 to index
        %get3A_211 = arith.constant 48 : index
        %get3A_212 = tpu.vector_load %arg14[%get3A_210, %get3A_211] {strides = array<i32>} : memref<128x128xf32, #tpu.memory_space<vmem>>, vector<16xf32>,
        %mul3A_213 = arith.mulf %get3A_212, %gather3A_188 : vector<16xf32>
        %swap3A_214 = arith.index_cast %add3A_186 : i32 to index
        %swap3A_215 = arith.constant 48 : index
        %swap3A_216 = tpu.vector_load %arg14[%swap3A_214, %swap3A_215] {strides = array<i32>} : memref<128x128xf32, #tpu.memory_space<vmem>>, vector<16xf32>,
        tpu.vector_store %arg14[%swap3A_214, %swap3A_215], %mul3A_213 {strides = array<i32>} : memref<128x128xf32, #tpu.memory_space<vmem>>, vector<16xf32>,
        %get3A_217 = arith.index_cast %add3A_186 : i32 to index
        %get3A_218 = arith.constant 64 : index
        %get3A_219 = tpu.vector_load %arg14[%get3A_217, %get3A_218] {strides = array<i32>} : memref<128x128xf32, #tpu.memory_space<vmem>>, vector<16xf32>,
        %mul3A_220 = arith.mulf %get3A_219, %gather3A_188 : vector<16xf32>
        %swap3A_221 = arith.index_cast %add3A_186 : i32 to index
        %swap3A_222 = arith.constant 64 : index
        %swap3A_223 = tpu.vector_load %arg14[%swap3A_221, %swap3A_222] {strides = array<i32>} : memref<128x128xf32, #tpu.memory_space<vmem>>, vector<16xf32>,
        tpu.vector_store %arg14[%swap3A_221, %swap3A_222], %mul3A_220 {strides = array<i32>} : memref<128x128xf32, #tpu.memory_space<vmem>>, vector<16xf32>,
        %get3A_224 = arith.index_cast %add3A_186 : i32 to index
        %get3A_225 = arith.constant 80 : index
        %get3A_226 = tpu.vector_load %arg14[%get3A_224, %get3A_225] {strides = array<i32>} : memref<128x128xf32, #tpu.memory_space<vmem>>, vector<16xf32>,
        %mul3A_227 = arith.mulf %get3A_226, %gather3A_188 : vector<16xf32>
        %swap3A_228 = arith.index_cast %add3A_186 : i32 to index
        %swap3A_229 = arith.constant 80 : index
        %swap3A_230 = tpu.vector_load %arg14[%swap3A_228, %swap3A_229] {strides = array<i32>} : memref<128x128xf32, #tpu.memory_space<vmem>>, vector<16xf32>,
        tpu.vector_store %arg14[%swap3A_228, %swap3A_229], %mul3A_227 {strides = array<i32>} : memref<128x128xf32, #tpu.memory_space<vmem>>, vector<16xf32>,
        %get3A_231 = arith.index_cast %add3A_186 : i32 to index
        %get3A_232 = arith.constant 96 : index
        %get3A_233 = tpu.vector_load %arg14[%get3A_231, %get3A_232] {strides = array<i32>} : memref<128x128xf32, #tpu.memory_space<vmem>>, vector<16xf32>,
        %mul3A_234 = arith.mulf %get3A_233, %gather3A_188 : vector<16xf32>
        %swap3A_235 = arith.index_cast %add3A_186 : i32 to index
        %swap3A_236 = arith.constant 96 : index
        %swap3A_237 = tpu.vector_load %arg14[%swap3A_235, %swap3A_236] {strides = array<i32>} : memref<128x128xf32, #tpu.memory_space<vmem>>, vector<16xf32>,
        tpu.vector_store %arg14[%swap3A_235, %swap3A_236], %mul3A_234 {strides = array<i32>} : memref<128x128xf32, #tpu.memory_space<vmem>>, vector<16xf32>,
        %get3A_238 = arith.index_cast %add3A_186 : i32 to index
        %get3A_239 = arith.constant 112 : index
        %get3A_240 = tpu.vector_load %arg14[%get3A_238, %get3A_239] {strides = array<i32>} : memref<128x128xf32, #tpu.memory_space<vmem>>, vector<16xf32>,
        %mul3A_241 = arith.mulf %get3A_240, %gather3A_188 : vector<16xf32>
        %swap3A_242 = arith.index_cast %add3A_186 : i32 to index
        %swap3A_243 = arith.constant 112 : index
        %swap3A_244 = tpu.vector_load %arg14[%swap3A_242, %swap3A_243] {strides = array<i32>} : memref<128x128xf32, #tpu.memory_space<vmem>>, vector<16xf32>,
        tpu.vector_store %arg14[%swap3A_242, %swap3A_243], %mul3A_241 {strides = array<i32>} : memref<128x128xf32, #tpu.memory_space<vmem>>, vector<16xf32>,
        %add3A_245 = arith.constant 2 : i32
        %add3A_246 = arith.addi %add3A_128, %add3A_245 : i32
        %broadcast_in_dim3A_247 = vector.broadcast %add3A_246 : i32 to vector<16xi32>
        %gather3A_248 = tpu.vector_load_idx %arg10[%broadcast_in_dim3A_247] : memref<128xf32, #tpu.memory_space<vmem>>[vector<16xi32>], vector<16xf32>,
        %get3A_249 = arith.index_cast %add3A_246 : i32 to index
        %get3A_250 = arith.constant 0 : index
        %get3A_251 = tpu.vector_load %arg14[%get3A_249, %get3A_250] {strides = array<i32>} : memref<128x128xf32, #tpu.memory_space<vmem>>, vector<16xf32>,
        %mul3A_252 = arith.mulf %get3A_251, %gather3A_248 : vector<16xf32>
        %swap3A_253 = arith.index_cast %add3A_246 : i32 to index
        %swap3A_254 = arith.constant 0 : index
        %swap3A_255 = tpu.vector_load %arg14[%swap3A_253, %swap3A_254] {strides = array<i32>} : memref<128x128xf32, #tpu.memory_space<vmem>>, vector<16xf32>,
        tpu.vector_store %arg14[%swap3A_253, %swap3A_254], %mul3A_252 {strides = array<i32>} : memref<128x128xf32, #tpu.memory_space<vmem>>, vector<16xf32>,
        %get3A_256 = arith.index_cast %add3A_246 : i32 to index
        %get3A_257 = arith.constant 16 : index
        %get3A_258 = tpu.vector_load %arg14[%get3A_256, %get3A_257] {strides = array<i32>} : memref<128x128xf32, #tpu.memory_space<vmem>>, vector<16xf32>,
        %mul3A_259 = arith.mulf %get3A_258, %gather3A_248 : vector<16xf32>
        %swap3A_260 = arith.index_cast %add3A_246 : i32 to index
        %swap3A_261 = arith.constant 16 : index
        %swap3A_262 = tpu.vector_load %arg14[%swap3A_260, %swap3A_261] {strides = array<i32>} : memref<128x128xf32, #tpu.memory_space<vmem>>, vector<16xf32>,
        tpu.vector_store %arg14[%swap3A_260, %swap3A_261], %mul3A_259 {strides = array<i32>} : memref<128x128xf32, #tpu.memory_space<vmem>>, vector<16xf32>,
        %get3A_263 = arith.index_cast %add3A_246 : i32 to index
        %get3A_264 = arith.constant 32 : index
        %get3A_265 = tpu.vector_load %arg14[%get3A_263, %get3A_264] {strides = array<i32>} : memref<128x128xf32, #tpu.memory_space<vmem>>, vector<16xf32>,
        %mul3A_266 = arith.mulf %get3A_265, %gather3A_248 : vector<16xf32>
        %swap3A_267 = arith.index_cast %add3A_246 : i32 to index
        %swap3A_268 = arith.constant 32 : index
        %swap3A_269 = tpu.vector_load %arg14[%swap3A_267, %swap3A_268] {strides = array<i32>} : memref<128x128xf32, #tpu.memory_space<vmem>>, vector<16xf32>,
        tpu.vector_store %arg14[%swap3A_267, %swap3A_268], %mul3A_266 {strides = array<i32>} : memref<128x128xf32, #tpu.memory_space<vmem>>, vector<16xf32>,
        %get3A_270 = arith.index_cast %add3A_246 : i32 to index
        %get3A_271 = arith.constant 48 : index
        %get3A_272 = tpu.vector_load %arg14[%get3A_270, %get3A_271] {strides = array<i32>} : memref<128x128xf32, #tpu.memory_space<vmem>>, vector<16xf32>,
        %mul3A_273 = arith.mulf %get3A_272, %gather3A_248 : vector<16xf32>
        %swap3A_274 = arith.index_cast %add3A_246 : i32 to index
        %swap3A_275 = arith.constant 48 : index
        %swap3A_276 = tpu.vector_load %arg14[%swap3A_274, %swap3A_275] {strides = array<i32>} : memref<128x128xf32, #tpu.memory_space<vmem>>, vector<16xf32>,
        tpu.vector_store %arg14[%swap3A_274, %swap3A_275], %mul3A_273 {strides = array<i32>} : memref<128x128xf32, #tpu.memory_space<vmem>>, vector<16xf32>,
        %get3A_277 = arith.index_cast %add3A_246 : i32 to index
        %get3A_278 = arith.constant 64 : index
        %get3A_279 = tpu.vector_load %arg14[%get3A_277, %get3A_278] {strides = array<i32>} : memref<128x128xf32, #tpu.memory_space<vmem>>, vector<16xf32>,
        %mul3A_280 = arith.mulf %get3A_279, %gather3A_248 : vector<16xf32>
        %swap3A_281 = arith.index_cast %add3A_246 : i32 to index
        %swap3A_282 = arith.constant 64 : index
        %swap3A_283 = tpu.vector_load %arg14[%swap3A_281, %swap3A_282] {strides = array<i32>} : memref<128x128xf32, #tpu.memory_space<vmem>>, vector<16xf32>,
        tpu.vector_store %arg14[%swap3A_281, %swap3A_282], %mul3A_280 {strides = array<i32>} : memref<128x128xf32, #tpu.memory_space<vmem>>, vector<16xf32>,
        %get3A_284 = arith.index_cast %add3A_246 : i32 to index
        %get3A_285 = arith.constant 80 : index
        %get3A_286 = tpu.vector_load %arg14[%get3A_284, %get3A_285] {strides = array<i32>} : memref<128x128xf32, #tpu.memory_space<vmem>>, vector<16xf32>,
        %mul3A_287 = arith.mulf %get3A_286, %gather3A_248 : vector<16xf32>
        %swap3A_288 = arith.index_cast %add3A_246 : i32 to index
        %swap3A_289 = arith.constant 80 : index
        %swap3A_290 = tpu.vector_load %arg14[%swap3A_288, %swap3A_289] {strides = array<i32>} : memref<128x128xf32, #tpu.memory_space<vmem>>, vector<16xf32>,
        tpu.vector_store %arg14[%swap3A_288, %swap3A_289], %mul3A_287 {strides = array<i32>} : memref<128x128xf32, #tpu.memory_space<vmem>>, vector<16xf32>,
        %get3A_291 = arith.index_cast %add3A_246 : i32 to index
        %get3A_292 = arith.constant 96 : index
        %get3A_293 = tpu.vector_load %arg14[%get3A_291, %get3A_292] {strides = array<i32>} : memref<128x128xf32, #tpu.memory_space<vmem>>, vector<16xf32>,
        %mul3A_294 = arith.mulf %get3A_293, %gather3A_248 : vector<16xf32>
        %swap3A_295 = arith.index_cast %add3A_246 : i32 to index
        %swap3A_296 = arith.constant 96 : index
        %swap3A_297 = tpu.vector_load %arg14[%swap3A_295, %swap3A_296] {strides = array<i32>} : memref<128x128xf32, #tpu.memory_space<vmem>>, vector<16xf32>,
        tpu.vector_store %arg14[%swap3A_295, %swap3A_296], %mul3A_294 {strides = array<i32>} : memref<128x128xf32, #tpu.memory_space<vmem>>, vector<16xf32>,
        %get3A_298 = arith.index_cast %add3A_246 : i32 to index
        %get3A_299 = arith.constant 112 : index
        %get3A_300 = tpu.vector_load %arg14[%get3A_298, %get3A_299] {strides = array<i32>} : memref<128x128xf32, #tpu.memory_space<vmem>>, vector<16xf32>,
        %mul3A_301 = arith.mulf %get3A_300, %gather3A_248 : vector<16xf32>
        %swap3A_302 = arith.index_cast %add3A_246 : i32 to index
        %swap3A_303 = arith.constant 112 : index
        %swap3A_304 = tpu.vector_load %arg14[%swap3A_302, %swap3A_303] {strides = array<i32>} : memref<128x128xf32, #tpu.memory_space<vmem>>, vector<16xf32>,
        tpu.vector_store %arg14[%swap3A_302, %swap3A_303], %mul3A_301 {strides = array<i32>} : memref<128x128xf32, #tpu.memory_space<vmem>>, vector<16xf32>,
        %add3A_305 = arith.constant 3 : i32
        %add3A_306 = arith.addi %add3A_128, %add3A_305 : i32
        %broadcast_in_dim3A_307 = vector.broadcast %add3A_306 : i32 to vector<16xi32>
        %gather3A_308 = tpu.vector_load_idx %arg10[%broadcast_in_dim3A_307] : memref<128xf32, #tpu.memory_space<vmem>>[vector<16xi32>], vector<16xf32>,
        %get3A_309 = arith.index_cast %add3A_306 : i32 to index
        %get3A_310 = arith.constant 0 : index
        %get3A_311 = tpu.vector_load %arg14[%get3A_309, %get3A_310] {strides = array<i32>} : memref<128x128xf32, #tpu.memory_space<vmem>>, vector<16xf32>,
        %mul3A_312 = arith.mulf %get3A_311, %gather3A_308 : vector<16xf32>
        %swap3A_313 = arith.index_cast %add3A_306 : i32 to index
        %swap3A_314 = arith.constant 0 : index
        %swap3A_315 = tpu.vector_load %arg14[%swap3A_313, %swap3A_314] {strides = array<i32>} : memref<128x128xf32, #tpu.memory_space<vmem>>, vector<16xf32>,
        tpu.vector_store %arg14[%swap3A_313, %swap3A_314], %mul3A_312 {strides = array<i32>} : memref<128x128xf32, #tpu.memory_space<vmem>>, vector<16xf32>,
        %get3A_316 = arith.index_cast %add3A_306 : i32 to index
        %get3A_317 = arith.constant 16 : index
        %get3A_318 = tpu.vector_load %arg14[%get3A_316, %get3A_317] {strides = array<i32>} : memref<128x128xf32, #tpu.memory_space<vmem>>, vector<16xf32>,
        %mul3A_319 = arith.mulf %get3A_318, %gather3A_308 : vector<16xf32>
        %swap3A_320 = arith.index_cast %add3A_306 : i32 to index
        %swap3A_321 = arith.constant 16 : index
        %swap3A_322 = tpu.vector_load %arg14[%swap3A_320, %swap3A_321] {strides = array<i32>} : memref<128x128xf32, #tpu.memory_space<vmem>>, vector<16xf32>,
        tpu.vector_store %arg14[%swap3A_320, %swap3A_321], %mul3A_319 {strides = array<i32>} : memref<128x128xf32, #tpu.memory_space<vmem>>, vector<16xf32>,
        %get3A_323 = arith.index_cast %add3A_306 : i32 to index
        %get3A_324 = arith.constant 32 : index
        %get3A_325 = tpu.vector_load %arg14[%get3A_323, %get3A_324] {strides = array<i32>} : memref<128x128xf32, #tpu.memory_space<vmem>>, vector<16xf32>,
        %mul3A_326 = arith.mulf %get3A_325, %gather3A_308 : vector<16xf32>
        %swap3A_327 = arith.index_cast %add3A_306 : i32 to index
        %swap3A_328 = arith.constant 32 : index
        %swap3A_329 = tpu.vector_load %arg14[%swap3A_327, %swap3A_328] {strides = array<i32>} : memref<128x128xf32, #tpu.memory_space<vmem>>, vector<16xf32>,
        tpu.vector_store %arg14[%swap3A_327, %swap3A_328], %mul3A_326 {strides = array<i32>} : memref<128x128xf32, #tpu.memory_space<vmem>>, vector<16xf32>,
        %get3A_330 = arith.index_cast %add3A_306 : i32 to index
        %get3A_331 = arith.constant 48 : index
        %get3A_332 = tpu.vector_load %arg14[%get3A_330, %get3A_331] {strides = array<i32>} : memref<128x128xf32, #tpu.memory_space<vmem>>, vector<16xf32>,
        %mul3A_333 = arith.mulf %get3A_332, %gather3A_308 : vector<16xf32>
        %swap3A_334 = arith.index_cast %add3A_306 : i32 to index
        %swap3A_335 = arith.constant 48 : index
        %swap3A_336 = tpu.vector_load %arg14[%swap3A_334, %swap3A_335] {strides = array<i32>} : memref<128x128xf32, #tpu.memory_space<vmem>>, vector<16xf32>,
        tpu.vector_store %arg14[%swap3A_334, %swap3A_335], %mul3A_333 {strides = array<i32>} : memref<128x128xf32, #tpu.memory_space<vmem>>, vector<16xf32>,
        %get3A_337 = arith.index_cast %add3A_306 : i32 to index
        %get3A_338 = arith.constant 64 : index
        %get3A_339 = tpu.vector_load %arg14[%get3A_337, %get3A_338] {strides = array<i32>} : memref<128x128xf32, #tpu.memory_space<vmem>>, vector<16xf32>,
        %mul3A_340 = arith.mulf %get3A_339, %gather3A_308 : vector<16xf32>
        %swap3A_341 = arith.index_cast %add3A_306 : i32 to index
        %swap3A_342 = arith.constant 64 : index
        %swap3A_343 = tpu.vector_load %arg14[%swap3A_341, %swap3A_342] {strides = array<i32>} : memref<128x128xf32, #tpu.memory_space<vmem>>, vector<16xf32>,
        tpu.vector_store %arg14[%swap3A_341, %swap3A_342], %mul3A_340 {strides = array<i32>} : memref<128x128xf32, #tpu.memory_space<vmem>>, vector<16xf32>,
        %get3A_344 = arith.index_cast %add3A_306 : i32 to index
        %get3A_345 = arith.constant 80 : index
        %get3A_346 = tpu.vector_load %arg14[%get3A_344, %get3A_345] {strides = array<i32>} : memref<128x128xf32, #tpu.memory_space<vmem>>, vector<16xf32>,
        %mul3A_347 = arith.mulf %get3A_346, %gather3A_308 : vector<16xf32>
        %swap3A_348 = arith.index_cast %add3A_306 : i32 to index
        %swap3A_349 = arith.constant 80 : index
        %swap3A_350 = tpu.vector_load %arg14[%swap3A_348, %swap3A_349] {strides = array<i32>} : memref<128x128xf32, #tpu.memory_space<vmem>>, vector<16xf32>,
        tpu.vector_store %arg14[%swap3A_348, %swap3A_349], %mul3A_347 {strides = array<i32>} : memref<128x128xf32, #tpu.memory_space<vmem>>, vector<16xf32>,
        %get3A_351 = arith.index_cast %add3A_306 : i32 to index
        %get3A_352 = arith.constant 96 : index
        %get3A_353 = tpu.vector_load %arg14[%get3A_351, %get3A_352] {strides = array<i32>} : memref<128x128xf32, #tpu.memory_space<vmem>>, vector<16xf32>,
        %mul3A_354 = arith.mulf %get3A_353, %gather3A_308 : vector<16xf32>
        %swap3A_355 = arith.index_cast %add3A_306 : i32 to index
        %swap3A_356 = arith.constant 96 : index
        %swap3A_357 = tpu.vector_load %arg14[%swap3A_355, %swap3A_356] {strides = array<i32>} : memref<128x128xf32, #tpu.memory_space<vmem>>, vector<16xf32>,
        tpu.vector_store %arg14[%swap3A_355, %swap3A_356], %mul3A_354 {strides = array<i32>} : memref<128x128xf32, #tpu.memory_space<vmem>>, vector<16xf32>,
        %get3A_358 = arith.index_cast %add3A_306 : i32 to index
        %get3A_359 = arith.constant 112 : index
        %get3A_360 = tpu.vector_load %arg14[%get3A_358, %get3A_359] {strides = array<i32>} : memref<128x128xf32, #tpu.memory_space<vmem>>, vector<16xf32>,
        %mul3A_361 = arith.mulf %get3A_360, %gather3A_308 : vector<16xf32>
        %swap3A_362 = arith.index_cast %add3A_306 : i32 to index
        %swap3A_363 = arith.constant 112 : index
        %swap3A_364 = tpu.vector_load %arg14[%swap3A_362, %swap3A_363] {strides = array<i32>} : memref<128x128xf32, #tpu.memory_space<vmem>>, vector<16xf32>,
        tpu.vector_store %arg14[%swap3A_362, %swap3A_363], %mul3A_361 {strides = array<i32>} : memref<128x128xf32, #tpu.memory_space<vmem>>, vector<16xf32>,
        %add3A_365 = arith.constant 4 : i32
        %add3A_366 = arith.addi %add3A_128, %add3A_365 : i32
        %broadcast_in_dim3A_367 = vector.broadcast %add3A_366 : i32 to vector<16xi32>
        %gather3A_368 = tpu.vector_load_idx %arg10[%broadcast_in_dim3A_367] : memref<128xf32, #tpu.memory_space<vmem>>[vector<16xi32>], vector<16xf32>,
        %get3A_369 = arith.index_cast %add3A_366 : i32 to index
        %get3A_370 = arith.constant 0 : index
        %get3A_371 = tpu.vector_load %arg14[%get3A_369, %get3A_370] {strides = array<i32>} : memref<128x128xf32, #tpu.memory_space<vmem>>, vector<16xf32>,
        %mul3A_372 = arith.mulf %get3A_371, %gather3A_368 : vector<16xf32>
        %swap3A_373 = arith.index_cast %add3A_366 : i32 to index
        %swap3A_374 = arith.constant 0 : index
        %swap3A_375 = tpu.vector_load %arg14[%swap3A_373, %swap3A_374] {strides = array<i32>} : memref<128x128xf32, #tpu.memory_space<vmem>>, vector<16xf32>,
        tpu.vector_store %arg14[%swap3A_373, %swap3A_374], %mul3A_372 {strides = array<i32>} : memref<128x128xf32, #tpu.memory_space<vmem>>, vector<16xf32>,
        %get3A_376 = arith.index_cast %add3A_366 : i32 to index
        %get3A_377 = arith.constant 16 : index
        %get3A_378 = tpu.vector_load %arg14[%get3A_376, %get3A_377] {strides = array<i32>} : memref<128x128xf32, #tpu.memory_space<vmem>>, vector<16xf32>,
        %mul3A_379 = arith.mulf %get3A_378, %gather3A_368 : vector<16xf32>
        %swap3A_380 = arith.index_cast %add3A_366 : i32 to index
        %swap3A_381 = arith.constant 16 : index
        %swap3A_382 = tpu.vector_load %arg14[%swap3A_380, %swap3A_381] {strides = array<i32>} : memref<128x128xf32, #tpu.memory_space<vmem>>, vector<16xf32>,
        tpu.vector_store %arg14[%swap3A_380, %swap3A_381], %mul3A_379 {strides = array<i32>} : memref<128x128xf32, #tpu.memory_space<vmem>>, vector<16xf32>,
        %get3A_383 = arith.index_cast %add3A_366 : i32 to index
        %get3A_384 = arith.constant 32 : index
        %get3A_385 = tpu.vector_load %arg14[%get3A_383, %get3A_384] {strides = array<i32>} : memref<128x128xf32, #tpu.memory_space<vmem>>, vector<16xf32>,
        %mul3A_386 = arith.mulf %get3A_385, %gather3A_368 : vector<16xf32>
        %swap3A_387 = arith.index_cast %add3A_366 : i32 to index
        %swap3A_388 = arith.constant 32 : index
        %swap3A_389 = tpu.vector_load %arg14[%swap3A_387, %swap3A_388] {strides = array<i32>} : memref<128x128xf32, #tpu.memory_space<vmem>>, vector<16xf32>,
        tpu.vector_store %arg14[%swap3A_387, %swap3A_388], %mul3A_386 {strides = array<i32>} : memref<128x128xf32, #tpu.memory_space<vmem>>, vector<16xf32>,
        %get3A_390 = arith.index_cast %add3A_366 : i32 to index
        %get3A_391 = arith.constant 48 : index
        %get3A_392 = tpu.vector_load %arg14[%get3A_390, %get3A_391] {strides = array<i32>} : memref<128x128xf32, #tpu.memory_space<vmem>>, vector<16xf32>,
        %mul3A_393 = arith.mulf %get3A_392, %gather3A_368 : vector<16xf32>
        %swap3A_394 = arith.index_cast %add3A_366 : i32 to index
        %swap3A_395 = arith.constant 48 : index
        %swap3A_396 = tpu.vector_load %arg14[%swap3A_394, %swap3A_395] {strides = array<i32>} : memref<128x128xf32, #tpu.memory_space<vmem>>, vector<16xf32>,
        tpu.vector_store %arg14[%swap3A_394, %swap3A_395], %mul3A_393 {strides = array<i32>} : memref<128x128xf32, #tpu.memory_space<vmem>>, vector<16xf32>,
        %get3A_397 = arith.index_cast %add3A_366 : i32 to index
        %get3A_398 = arith.constant 64 : index
        %get3A_399 = tpu.vector_load %arg14[%get3A_397, %get3A_398] {strides = array<i32>} : memref<128x128xf32, #tpu.memory_space<vmem>>, vector<16xf32>,
        %mul3A_400 = arith.mulf %get3A_399, %gather3A_368 : vector<16xf32>
        %swap3A_401 = arith.index_cast %add3A_366 : i32 to index
        %swap3A_402 = arith.constant 64 : index
        %swap3A_403 = tpu.vector_load %arg14[%swap3A_401, %swap3A_402] {strides = array<i32>} : memref<128x128xf32, #tpu.memory_space<vmem>>, vector<16xf32>,
        tpu.vector_store %arg14[%swap3A_401, %swap3A_402], %mul3A_400 {strides = array<i32>} : memref<128x128xf32, #tpu.memory_space<vmem>>, vector<16xf32>,
        %get3A_404 = arith.index_cast %add3A_366 : i32 to index
        %get3A_405 = arith.constant 80 : index
        %get3A_406 = tpu.vector_load %arg14[%get3A_404, %get3A_405] {strides = array<i32>} : memref<128x128xf32, #tpu.memory_space<vmem>>, vector<16xf32>,
        %mul3A_407 = arith.mulf %get3A_406, %gather3A_368 : vector<16xf32>
        %swap3A_408 = arith.index_cast %add3A_366 : i32 to index
        %swap3A_409 = arith.constant 80 : index
        %swap3A_410 = tpu.vector_load %arg14[%swap3A_408, %swap3A_409] {strides = array<i32>} : memref<128x128xf32, #tpu.memory_space<vmem>>, vector<16xf32>,
        tpu.vector_store %arg14[%swap3A_408, %swap3A_409], %mul3A_407 {strides = array<i32>} : memref<128x128xf32, #tpu.memory_space<vmem>>, vector<16xf32>,
        %get3A_411 = arith.index_cast %add3A_366 : i32 to index
        %get3A_412 = arith.constant 96 : index
        %get3A_413 = tpu.vector_load %arg14[%get3A_411, %get3A_412] {strides = array<i32>} : memref<128x128xf32, #tpu.memory_space<vmem>>, vector<16xf32>,
        %mul3A_414 = arith.mulf %get3A_413, %gather3A_368 : vector<16xf32>
        %swap3A_415 = arith.index_cast %add3A_366 : i32 to index
        %swap3A_416 = arith.constant 96 : index
        %swap3A_417 = tpu.vector_load %arg14[%swap3A_415, %swap3A_416] {strides = array<i32>} : memref<128x128xf32, #tpu.memory_space<vmem>>, vector<16xf32>,
        tpu.vector_store %arg14[%swap3A_415, %swap3A_416], %mul3A_414 {strides = array<i32>} : memref<128x128xf32, #tpu.memory_space<vmem>>, vector<16xf32>,
        %get3A_418 = arith.index_cast %add3A_366 : i32 to index
        %get3A_419 = arith.constant 112 : index
        %get3A_420 = tpu.vector_load %arg14[%get3A_418, %get3A_419] {strides = array<i32>} : memref<128x128xf32, #tpu.memory_space<vmem>>, vector<16xf32>,
        %mul3A_421 = arith.mulf %get3A_420, %gather3A_368 : vector<16xf32>
        %swap3A_422 = arith.index_cast %add3A_366 : i32 to index
        %swap3A_423 = arith.constant 112 : index
        %swap3A_424 = tpu.vector_load %arg14[%swap3A_422, %swap3A_423] {strides = array<i32>} : memref<128x128xf32, #tpu.memory_space<vmem>>, vector<16xf32>,
        tpu.vector_store %arg14[%swap3A_422, %swap3A_423], %mul3A_421 {strides = array<i32>} : memref<128x128xf32, #tpu.memory_space<vmem>>, vector<16xf32>,
        %add3A_425 = arith.constant 5 : i32
        %add3A_426 = arith.addi %add3A_128, %add3A_425 : i32
        %broadcast_in_dim3A_427 = vector.broadcast %add3A_426 : i32 to vector<16xi32>
        %gather3A_428 = tpu.vector_load_idx %arg10[%broadcast_in_dim3A_427] : memref<128xf32, #tpu.memory_space<vmem>>[vector<16xi32>], vector<16xf32>,
        %get3A_429 = arith.index_cast %add3A_426 : i32 to index
        %get3A_430 = arith.constant 0 : index
        %get3A_431 = tpu.vector_load %arg14[%get3A_429, %get3A_430] {strides = array<i32>} : memref<128x128xf32, #tpu.memory_space<vmem>>, vector<16xf32>,
        %mul3A_432 = arith.mulf %get3A_431, %gather3A_428 : vector<16xf32>
        %swap3A_433 = arith.index_cast %add3A_426 : i32 to index
        %swap3A_434 = arith.constant 0 : index
        %swap3A_435 = tpu.vector_load %arg14[%swap3A_433, %swap3A_434] {strides = array<i32>} : memref<128x128xf32, #tpu.memory_space<vmem>>, vector<16xf32>,
        tpu.vector_store %arg14[%swap3A_433, %swap3A_434], %mul3A_432 {strides = array<i32>} : memref<128x128xf32, #tpu.memory_space<vmem>>, vector<16xf32>,
        %get3A_436 = arith.index_cast %add3A_426 : i32 to index
        %get3A_437 = arith.constant 16 : index
        %get3A_438 = tpu.vector_load %arg14[%get3A_436, %get3A_437] {strides = array<i32>} : memref<128x128xf32, #tpu.memory_space<vmem>>, vector<16xf32>,
        %mul3A_439 = arith.mulf %get3A_438, %gather3A_428 : vector<16xf32>
        %swap3A_440 = arith.index_cast %add3A_426 : i32 to index
        %swap3A_441 = arith.constant 16 : index
        %swap3A_442 = tpu.vector_load %arg14[%swap3A_440, %swap3A_441] {strides = array<i32>} : memref<128x128xf32, #tpu.memory_space<vmem>>, vector<16xf32>,
        tpu.vector_store %arg14[%swap3A_440, %swap3A_441], %mul3A_439 {strides = array<i32>} : memref<128x128xf32, #tpu.memory_space<vmem>>, vector<16xf32>,
        %get3A_443 = arith.index_cast %add3A_426 : i32 to index
        %get3A_444 = arith.constant 32 : index
        %get3A_445 = tpu.vector_load %arg14[%get3A_443, %get3A_444] {strides = array<i32>} : memref<128x128xf32, #tpu.memory_space<vmem>>, vector<16xf32>,
        %mul3A_446 = arith.mulf %get3A_445, %gather3A_428 : vector<16xf32>
        %swap3A_447 = arith.index_cast %add3A_426 : i32 to index
        %swap3A_448 = arith.constant 32 : index
        %swap3A_449 = tpu.vector_load %arg14[%swap3A_447, %swap3A_448] {strides = array<i32>} : memref<128x128xf32, #tpu.memory_space<vmem>>, vector<16xf32>,
        tpu.vector_store %arg14[%swap3A_447, %swap3A_448], %mul3A_446 {strides = array<i32>} : memref<128x128xf32, #tpu.memory_space<vmem>>, vector<16xf32>,
        %get3A_450 = arith.index_cast %add3A_426 : i32 to index
        %get3A_451 = arith.constant 48 : index
        %get3A_452 = tpu.vector_load %arg14[%get3A_450, %get3A_451] {strides = array<i32>} : memref<128x128xf32, #tpu.memory_space<vmem>>, vector<16xf32>,
        %mul3A_453 = arith.mulf %get3A_452, %gather3A_428 : vector<16xf32>
        %swap3A_454 = arith.index_cast %add3A_426 : i32 to index
        %swap3A_455 = arith.constant 48 : index
        %swap3A_456 = tpu.vector_load %arg14[%swap3A_454, %swap3A_455] {strides = array<i32>} : memref<128x128xf32, #tpu.memory_space<vmem>>, vector<16xf32>,
        tpu.vector_store %arg14[%swap3A_454, %swap3A_455], %mul3A_453 {strides = array<i32>} : memref<128x128xf32, #tpu.memory_space<vmem>>, vector<16xf32>,
        %get3A_457 = arith.index_cast %add3A_426 : i32 to index
        %get3A_458 = arith.constant 64 : index
        %get3A_459 = tpu.vector_load %arg14[%get3A_457, %get3A_458] {strides = array<i32>} : memref<128x128xf32, #tpu.memory_space<vmem>>, vector<16xf32>,
        %mul3A_460 = arith.mulf %get3A_459, %gather3A_428 : vector<16xf32>
        %swap3A_461 = arith.index_cast %add3A_426 : i32 to index
        %swap3A_462 = arith.constant 64 : index
        %swap3A_463 = tpu.vector_load %arg14[%swap3A_461, %swap3A_462] {strides = array<i32>} : memref<128x128xf32, #tpu.memory_space<vmem>>, vector<16xf32>,
        tpu.vector_store %arg14[%swap3A_461, %swap3A_462], %mul3A_460 {strides = array<i32>} : memref<128x128xf32, #tpu.memory_space<vmem>>, vector<16xf32>,
        %get3A_464 = arith.index_cast %add3A_426 : i32 to index
        %get3A_465 = arith.constant 80 : index
        %get3A_466 = tpu.vector_load %arg14[%get3A_464, %get3A_465] {strides = array<i32>} : memref<128x128xf32, #tpu.memory_space<vmem>>, vector<16xf32>,
        %mul3A_467 = arith.mulf %get3A_466, %gather3A_428 : vector<16xf32>
        %swap3A_468 = arith.index_cast %add3A_426 : i32 to index
        %swap3A_469 = arith.constant 80 : index
        %swap3A_470 = tpu.vector_load %arg14[%swap3A_468, %swap3A_469] {strides = array<i32>} : memref<128x128xf32, #tpu.memory_space<vmem>>, vector<16xf32>,
        tpu.vector_store %arg14[%swap3A_468, %swap3A_469], %mul3A_467 {strides = array<i32>} : memref<128x128xf32, #tpu.memory_space<vmem>>, vector<16xf32>,
        %get3A_471 = arith.index_cast %add3A_426 : i32 to index
        %get3A_472 = arith.constant 96 : index
        %get3A_473 = tpu.vector_load %arg14[%get3A_471, %get3A_472] {strides = array<i32>} : memref<128x128xf32, #tpu.memory_space<vmem>>, vector<16xf32>,
        %mul3A_474 = arith.mulf %get3A_473, %gather3A_428 : vector<16xf32>
        %swap3A_475 = arith.index_cast %add3A_426 : i32 to index
        %swap3A_476 = arith.constant 96 : index
        %swap3A_477 = tpu.vector_load %arg14[%swap3A_475, %swap3A_476] {strides = array<i32>} : memref<128x128xf32, #tpu.memory_space<vmem>>, vector<16xf32>,
        tpu.vector_store %arg14[%swap3A_475, %swap3A_476], %mul3A_474 {strides = array<i32>} : memref<128x128xf32, #tpu.memory_space<vmem>>, vector<16xf32>,
        %get3A_478 = arith.index_cast %add3A_426 : i32 to index
        %get3A_479 = arith.constant 112 : index
        %get3A_480 = tpu.vector_load %arg14[%get3A_478, %get3A_479] {strides = array<i32>} : memref<128x128xf32, #tpu.memory_space<vmem>>, vector<16xf32>,
        %mul3A_481 = arith.mulf %get3A_480, %gather3A_428 : vector<16xf32>
        %swap3A_482 = arith.index_cast %add3A_426 : i32 to index
        %swap3A_483 = arith.constant 112 : index
        %swap3A_484 = tpu.vector_load %arg14[%swap3A_482, %swap3A_483] {strides = array<i32>} : memref<128x128xf32, #tpu.memory_space<vmem>>, vector<16xf32>,
        tpu.vector_store %arg14[%swap3A_482, %swap3A_483], %mul3A_481 {strides = array<i32>} : memref<128x128xf32, #tpu.memory_space<vmem>>, vector<16xf32>,
        %add3A_485 = arith.constant 6 : i32
        %add3A_486 = arith.addi %add3A_128, %add3A_485 : i32
        %broadcast_in_dim3A_487 = vector.broadcast %add3A_486 : i32 to vector<16xi32>
        %gather3A_488 = tpu.vector_load_idx %arg10[%broadcast_in_dim3A_487] : memref<128xf32, #tpu.memory_space<vmem>>[vector<16xi32>], vector<16xf32>,
        %get3A_489 = arith.index_cast %add3A_486 : i32 to index
        %get3A_490 = arith.constant 0 : index
        %get3A_491 = tpu.vector_load %arg14[%get3A_489, %get3A_490] {strides = array<i32>} : memref<128x128xf32, #tpu.memory_space<vmem>>, vector<16xf32>,
        %mul3A_492 = arith.mulf %get3A_491, %gather3A_488 : vector<16xf32>
        %swap3A_493 = arith.index_cast %add3A_486 : i32 to index
        %swap3A_494 = arith.constant 0 : index
        %swap3A_495 = tpu.vector_load %arg14[%swap3A_493, %swap3A_494] {strides = array<i32>} : memref<128x128xf32, #tpu.memory_space<vmem>>, vector<16xf32>,
        tpu.vector_store %arg14[%swap3A_493, %swap3A_494], %mul3A_492 {strides = array<i32>} : memref<128x128xf32, #tpu.memory_space<vmem>>, vector<16xf32>,
        %get3A_496 = arith.index_cast %add3A_486 : i32 to index
        %get3A_497 = arith.constant 16 : index
        %get3A_498 = tpu.vector_load %arg14[%get3A_496, %get3A_497] {strides = array<i32>} : memref<128x128xf32, #tpu.memory_space<vmem>>, vector<16xf32>,
        %mul3A_499 = arith.mulf %get3A_498, %gather3A_488 : vector<16xf32>
        %swap3A_500 = arith.index_cast %add3A_486 : i32 to index
        %swap3A_501 = arith.constant 16 : index
        %swap3A_502 = tpu.vector_load %arg14[%swap3A_500, %swap3A_501] {strides = array<i32>} : memref<128x128xf32, #tpu.memory_space<vmem>>, vector<16xf32>,
        tpu.vector_store %arg14[%swap3A_500, %swap3A_501], %mul3A_499 {strides = array<i32>} : memref<128x128xf32, #tpu.memory_space<vmem>>, vector<16xf32>,
        %get3A_503 = arith.index_cast %add3A_486 : i32 to index
        %get3A_504 = arith.constant 32 : index
        %get3A_505 = tpu.vector_load %arg14[%get3A_503, %get3A_504] {strides = array<i32>} : memref<128x128xf32, #tpu.memory_space<vmem>>, vector<16xf32>,
        %mul3A_506 = arith.mulf %get3A_505, %gather3A_488 : vector<16xf32>
        %swap3A_507 = arith.index_cast %add3A_486 : i32 to index
        %swap3A_508 = arith.constant 32 : index
        %swap3A_509 = tpu.vector_load %arg14[%swap3A_507, %swap3A_508] {strides = array<i32>} : memref<128x128xf32, #tpu.memory_space<vmem>>, vector<16xf32>,
        tpu.vector_store %arg14[%swap3A_507, %swap3A_508], %mul3A_506 {strides = array<i32>} : memref<128x128xf32, #tpu.memory_space<vmem>>, vector<16xf32>,
        %get3A_510 = arith.index_cast %add3A_486 : i32 to index
        %get3A_511 = arith.constant 48 : index
        %get3A_512 = tpu.vector_load %arg14[%get3A_510, %get3A_511] {strides = array<i32>} : memref<128x128xf32, #tpu.memory_space<vmem>>, vector<16xf32>,
        %mul3A_513 = arith.mulf %get3A_512, %gather3A_488 : vector<16xf32>
        %swap3A_514 = arith.index_cast %add3A_486 : i32 to index
        %swap3A_515 = arith.constant 48 : index
        %swap3A_516 = tpu.vector_load %arg14[%swap3A_514, %swap3A_515] {strides = array<i32>} : memref<128x128xf32, #tpu.memory_space<vmem>>, vector<16xf32>,
        tpu.vector_store %arg14[%swap3A_514, %swap3A_515], %mul3A_513 {strides = array<i32>} : memref<128x128xf32, #tpu.memory_space<vmem>>, vector<16xf32>,
        %get3A_517 = arith.index_cast %add3A_486 : i32 to index
        %get3A_518 = arith.constant 64 : index
        %get3A_519 = tpu.vector_load %arg14[%get3A_517, %get3A_518] {strides = array<i32>} : memref<128x128xf32, #tpu.memory_space<vmem>>, vector<16xf32>,
        %mul3A_520 = arith.mulf %get3A_519, %gather3A_488 : vector<16xf32>
        %swap3A_521 = arith.index_cast %add3A_486 : i32 to index
        %swap3A_522 = arith.constant 64 : index
        %swap3A_523 = tpu.vector_load %arg14[%swap3A_521, %swap3A_522] {strides = array<i32>} : memref<128x128xf32, #tpu.memory_space<vmem>>, vector<16xf32>,
        tpu.vector_store %arg14[%swap3A_521, %swap3A_522], %mul3A_520 {strides = array<i32>} : memref<128x128xf32, #tpu.memory_space<vmem>>, vector<16xf32>,
        %get3A_524 = arith.index_cast %add3A_486 : i32 to index
        %get3A_525 = arith.constant 80 : index
        %get3A_526 = tpu.vector_load %arg14[%get3A_524, %get3A_525] {strides = array<i32>} : memref<128x128xf32, #tpu.memory_space<vmem>>, vector<16xf32>,
        %mul3A_527 = arith.mulf %get3A_526, %gather3A_488 : vector<16xf32>
        %swap3A_528 = arith.index_cast %add3A_486 : i32 to index
        %swap3A_529 = arith.constant 80 : index
        %swap3A_530 = tpu.vector_load %arg14[%swap3A_528, %swap3A_529] {strides = array<i32>} : memref<128x128xf32, #tpu.memory_space<vmem>>, vector<16xf32>,
        tpu.vector_store %arg14[%swap3A_528, %swap3A_529], %mul3A_527 {strides = array<i32>} : memref<128x128xf32, #tpu.memory_space<vmem>>, vector<16xf32>,
        %get3A_531 = arith.index_cast %add3A_486 : i32 to index
        %get3A_532 = arith.constant 96 : index
        %get3A_533 = tpu.vector_load %arg14[%get3A_531, %get3A_532] {strides = array<i32>} : memref<128x128xf32, #tpu.memory_space<vmem>>, vector<16xf32>,
        %mul3A_534 = arith.mulf %get3A_533, %gather3A_488 : vector<16xf32>
        %swap3A_535 = arith.index_cast %add3A_486 : i32 to index
        %swap3A_536 = arith.constant 96 : index
        %swap3A_537 = tpu.vector_load %arg14[%swap3A_535, %swap3A_536] {strides = array<i32>} : memref<128x128xf32, #tpu.memory_space<vmem>>, vector<16xf32>,
        tpu.vector_store %arg14[%swap3A_535, %swap3A_536], %mul3A_534 {strides = array<i32>} : memref<128x128xf32, #tpu.memory_space<vmem>>, vector<16xf32>,
        %get3A_538 = arith.index_cast %add3A_486 : i32 to index
        %get3A_539 = arith.constant 112 : index
        %get3A_540 = tpu.vector_load %arg14[%get3A_538, %get3A_539] {strides = array<i32>} : memref<128x128xf32, #tpu.memory_space<vmem>>, vector<16xf32>,
        %mul3A_541 = arith.mulf %get3A_540, %gather3A_488 : vector<16xf32>
        %swap3A_542 = arith.index_cast %add3A_486 : i32 to index
        %swap3A_543 = arith.constant 112 : index
        %swap3A_544 = tpu.vector_load %arg14[%swap3A_542, %swap3A_543] {strides = array<i32>} : memref<128x128xf32, #tpu.memory_space<vmem>>, vector<16xf32>,
        tpu.vector_store %arg14[%swap3A_542, %swap3A_543], %mul3A_541 {strides = array<i32>} : memref<128x128xf32, #tpu.memory_space<vmem>>, vector<16xf32>,
        %add3A_545 = arith.constant 7 : i32
        %add3A_546 = arith.addi %add3A_128, %add3A_545 : i32
        %broadcast_in_dim3A_547 = vector.broadcast %add3A_546 : i32 to vector<16xi32>
        %gather3A_548 = tpu.vector_load_idx %arg10[%broadcast_in_dim3A_547] : memref<128xf32, #tpu.memory_space<vmem>>[vector<16xi32>], vector<16xf32>,
        %get3A_549 = arith.index_cast %add3A_546 : i32 to index
        %get3A_550 = arith.constant 0 : index
        %get3A_551 = tpu.vector_load %arg14[%get3A_549, %get3A_550] {strides = array<i32>} : memref<128x128xf32, #tpu.memory_space<vmem>>, vector<16xf32>,
        %mul3A_552 = arith.mulf %get3A_551, %gather3A_548 : vector<16xf32>
        %swap3A_553 = arith.index_cast %add3A_546 : i32 to index
        %swap3A_554 = arith.constant 0 : index
        %swap3A_555 = tpu.vector_load %arg14[%swap3A_553, %swap3A_554] {strides = array<i32>} : memref<128x128xf32, #tpu.memory_space<vmem>>, vector<16xf32>,
        tpu.vector_store %arg14[%swap3A_553, %swap3A_554], %mul3A_552 {strides = array<i32>} : memref<128x128xf32, #tpu.memory_space<vmem>>, vector<16xf32>,
        %get3A_556 = arith.index_cast %add3A_546 : i32 to index
        %get3A_557 = arith.constant 16 : index
        %get3A_558 = tpu.vector_load %arg14[%get3A_556, %get3A_557] {strides = array<i32>} : memref<128x128xf32, #tpu.memory_space<vmem>>, vector<16xf32>,
        %mul3A_559 = arith.mulf %get3A_558, %gather3A_548 : vector<16xf32>
        %swap3A_560 = arith.index_cast %add3A_546 : i32 to index
        %swap3A_561 = arith.constant 16 : index
        %swap3A_562 = tpu.vector_load %arg14[%swap3A_560, %swap3A_561] {strides = array<i32>} : memref<128x128xf32, #tpu.memory_space<vmem>>, vector<16xf32>,
        tpu.vector_store %arg14[%swap3A_560, %swap3A_561], %mul3A_559 {strides = array<i32>} : memref<128x128xf32, #tpu.memory_space<vmem>>, vector<16xf32>,
        %get3A_563 = arith.index_cast %add3A_546 : i32 to index
        %get3A_564 = arith.constant 32 : index
        %get3A_565 = tpu.vector_load %arg14[%get3A_563, %get3A_564] {strides = array<i32>} : memref<128x128xf32, #tpu.memory_space<vmem>>, vector<16xf32>,
        %mul3A_566 = arith.mulf %get3A_565, %gather3A_548 : vector<16xf32>
        %swap3A_567 = arith.index_cast %add3A_546 : i32 to index
        %swap3A_568 = arith.constant 32 : index
        %swap3A_569 = tpu.vector_load %arg14[%swap3A_567, %swap3A_568] {strides = array<i32>} : memref<128x128xf32, #tpu.memory_space<vmem>>, vector<16xf32>,
        tpu.vector_store %arg14[%swap3A_567, %swap3A_568], %mul3A_566 {strides = array<i32>} : memref<128x128xf32, #tpu.memory_space<vmem>>, vector<16xf32>,
        %get3A_570 = arith.index_cast %add3A_546 : i32 to index
        %get3A_571 = arith.constant 48 : index
        %get3A_572 = tpu.vector_load %arg14[%get3A_570, %get3A_571] {strides = array<i32>} : memref<128x128xf32, #tpu.memory_space<vmem>>, vector<16xf32>,
        %mul3A_573 = arith.mulf %get3A_572, %gather3A_548 : vector<16xf32>
        %swap3A_574 = arith.index_cast %add3A_546 : i32 to index
        %swap3A_575 = arith.constant 48 : index
        %swap3A_576 = tpu.vector_load %arg14[%swap3A_574, %swap3A_575] {strides = array<i32>} : memref<128x128xf32, #tpu.memory_space<vmem>>, vector<16xf32>,
        tpu.vector_store %arg14[%swap3A_574, %swap3A_575], %mul3A_573 {strides = array<i32>} : memref<128x128xf32, #tpu.memory_space<vmem>>, vector<16xf32>,
        %get3A_577 = arith.index_cast %add3A_546 : i32 to index
        %get3A_578 = arith.constant 64 : index
        %get3A_579 = tpu.vector_load %arg14[%get3A_577, %get3A_578] {strides = array<i32>} : memref<128x128xf32, #tpu.memory_space<vmem>>, vector<16xf32>,
        %mul3A_580 = arith.mulf %get3A_579, %gather3A_548 : vector<16xf32>
        %swap3A_581 = arith.index_cast %add3A_546 : i32 to index
        %swap3A_582 = arith.constant 64 : index
        %swap3A_583 = tpu.vector_load %arg14[%swap3A_581, %swap3A_582] {strides = array<i32>} : memref<128x128xf32, #tpu.memory_space<vmem>>, vector<16xf32>,
        tpu.vector_store %arg14[%swap3A_581, %swap3A_582], %mul3A_580 {strides = array<i32>} : memref<128x128xf32, #tpu.memory_space<vmem>>, vector<16xf32>,
        %get3A_584 = arith.index_cast %add3A_546 : i32 to index
        %get3A_585 = arith.constant 80 : index
        %get3A_586 = tpu.vector_load %arg14[%get3A_584, %get3A_585] {strides = array<i32>} : memref<128x128xf32, #tpu.memory_space<vmem>>, vector<16xf32>,
        %mul3A_587 = arith.mulf %get3A_586, %gather3A_548 : vector<16xf32>
        %swap3A_588 = arith.index_cast %add3A_546 : i32 to index
        %swap3A_589 = arith.constant 80 : index
        %swap3A_590 = tpu.vector_load %arg14[%swap3A_588, %swap3A_589] {strides = array<i32>} : memref<128x128xf32, #tpu.memory_space<vmem>>, vector<16xf32>,
        tpu.vector_store %arg14[%swap3A_588, %swap3A_589], %mul3A_587 {strides = array<i32>} : memref<128x128xf32, #tpu.memory_space<vmem>>, vector<16xf32>,
        %get3A_591 = arith.index_cast %add3A_546 : i32 to index
        %get3A_592 = arith.constant 96 : index
        %get3A_593 = tpu.vector_load %arg14[%get3A_591, %get3A_592] {strides = array<i32>} : memref<128x128xf32, #tpu.memory_space<vmem>>, vector<16xf32>,
        %mul3A_594 = arith.mulf %get3A_593, %gather3A_548 : vector<16xf32>
        %swap3A_595 = arith.index_cast %add3A_546 : i32 to index
        %swap3A_596 = arith.constant 96 : index
        %swap3A_597 = tpu.vector_load %arg14[%swap3A_595, %swap3A_596] {strides = array<i32>} : memref<128x128xf32, #tpu.memory_space<vmem>>, vector<16xf32>,
        tpu.vector_store %arg14[%swap3A_595, %swap3A_596], %mul3A_594 {strides = array<i32>} : memref<128x128xf32, #tpu.memory_space<vmem>>, vector<16xf32>,
        %get3A_598 = arith.index_cast %add3A_546 : i32 to index
        %get3A_599 = arith.constant 112 : index
        %get3A_600 = tpu.vector_load %arg14[%get3A_598, %get3A_599] {strides = array<i32>} : memref<128x128xf32, #tpu.memory_space<vmem>>, vector<16xf32>,
        %mul3A_601 = arith.mulf %get3A_600, %gather3A_548 : vector<16xf32>
        %swap3A_602 = arith.index_cast %add3A_546 : i32 to index
        %swap3A_603 = arith.constant 112 : index
        %swap3A_604 = tpu.vector_load %arg14[%swap3A_602, %swap3A_603] {strides = array<i32>} : memref<128x128xf32, #tpu.memory_space<vmem>>, vector<16xf32>,
        tpu.vector_store %arg14[%swap3A_602, %swap3A_603], %mul3A_601 {strides = array<i32>} : memref<128x128xf32, #tpu.memory_space<vmem>>, vector<16xf32>,
      }
      %scan3A_87 = arith.constant 16 : i32
      %dma_start3A_88 = arith.constant 0 : i32
      %dma_start3A_89 = arith.constant 0 : i32
      %dma_start3A_90 = tpu.memref_slice %arg16[%dma_start3A_88, %dma_start3A_89] : memref<10000x128xf32, #tpu.memory_space<vmem_shared>> -> memref<10000x128xf32, #tpu.memory_space<vmem_shared>>
      tpu.enqueue_indirect_dma source(%arg14 : memref<128x128xf32, #tpu.memory_space<vmem>>) target(%dma_start3A_90 : memref<10000x128xf32, #tpu.memory_space<vmem_shared>>) offsets(%arg9 : memref<128xi32, #tpu.memory_space<vmem>>) semaphore(%arg19 : memref<!tpu.dma_semaphore, #tpu.memory_space<semaphore_mem>>) {add = true}
      %dma_wait3A_91 = arith.constant 0 : i32
      %dma_wait3A_92 = arith.constant 0 : i32
      %dma_wait3A_93 = tpu.memref_slice %arg2[%dma_wait3A_91, %dma_wait3A_92] : memref<10000x128xf32, #tpu.memory_space<hbm>> -> memref<10000x128xf32, #tpu.memory_space<hbm>>
      tpu.wait_indirect_dma semaphore(%arg18 : memref<!tpu.dma_semaphore, #tpu.memory_space<semaphore_mem>>) src(%dma_wait3A_93 : memref<10000x128xf32, #tpu.memory_space<hbm>>) dst(%arg15 : memref<128x128xf32, #tpu.memory_space<vmem>>)
      %dma_wait3A_94 = arith.constant 0 : i32
      %dma_wait3A_95 = tpu.memref_slice %arg4[%add3A_50, %dma_wait3A_94] : memref<2500x128xi32, #tpu.memory_space<hbm>> -> memref<1x128xi32, #tpu.memory_space<hbm>>
      %dma_wait3A_96 = tpu.memref_squeeze %dma_wait3A_95 : memref<1x128xi32, #tpu.memory_space<hbm>> -> memref<128xi32, #tpu.memory_space<hbm>>
      %dma_wait3A_97 = arith.constant 0 : i32
      %dma_wait3A_98 = tpu.memref_slice %arg4[%add3A_50, %dma_wait3A_97] : memref<2500x128xi32, #tpu.memory_space<hbm>> -> memref<1x128xi32, #tpu.memory_space<hbm>>
      %dma_wait3A_99 = tpu.memref_squeeze %dma_wait3A_98 : memref<1x128xi32, #tpu.memory_space<hbm>> -> memref<128xi32, #tpu.memory_space<hbm>>
      tpu.wait_dma2 semaphore(%arg22 : memref<!tpu.dma_semaphore, #tpu.memory_space<semaphore_mem>>) src(%dma_wait3A_99 : memref<128xi32, #tpu.memory_space<hbm>>) dst(%arg12 : memref<128xi32, #tpu.memory_space<vmem>>)
      %dma_wait3A_100 = arith.constant 0 : i32
      %dma_wait3A_101 = tpu.memref_slice %arg5[%add3A_50, %dma_wait3A_100] : memref<2500x128xf32, #tpu.memory_space<hbm>> -> memref<1x128xf32, #tpu.memory_space<hbm>>
      %dma_wait3A_102 = tpu.memref_squeeze %dma_wait3A_101 : memref<1x128xf32, #tpu.memory_space<hbm>> -> memref<128xf32, #tpu.memory_space<hbm>>
      %dma_wait3A_103 = arith.constant 0 : i32
      %dma_wait3A_104 = tpu.memref_slice %arg5[%add3A_50, %dma_wait3A_103] : memref<2500x128xf32, #tpu.memory_space<hbm>> -> memref<1x128xf32, #tpu.memory_space<hbm>>
      %dma_wait3A_105 = tpu.memref_squeeze %dma_wait3A_104 : memref<1x128xf32, #tpu.memory_space<hbm>> -> memref<128xf32, #tpu.memory_space<hbm>>
      tpu.wait_dma2 semaphore(%arg22 : memref<!tpu.dma_semaphore, #tpu.memory_space<semaphore_mem>>) src(%dma_wait3A_105 : memref<128xf32, #tpu.memory_space<hbm>>) dst(%arg13 : memref<128xf32, #tpu.memory_space<vmem>>)
      %scan3A_106 = arith.constant 0 : i32
      %scan3A_107 = arith.constant 16 : i32
      %scan3A_108 = arith.addi %scan3A_106, %scan3A_107 : i32
      %scan3A_109 = arith.constant 1 : i32
      scf.for %scan3A_124 = %scan3A_106 to %scan3A_108 step %scan3A_109  : i32 {
        %mul3A_125 = arith.constant 8 : i32
        %mul3A_126 = arith.muli %scan3A_124, %mul3A_125 : i32
        %add3A_127 = arith.constant 0 : i32
        %add3A_128 = arith.addi %add3A_127, %mul3A_126 : i32
        %add3A_129 = arith.constant 0 : i32
        %add3A_130 = arith.addi %add3A_128, %add3A_129 : i32
        %broadcast_in_dim3A = vector.broadcast %add3A_130 : i32 to vector<16xi32>
        %gather3A = tpu.vector_load_idx %arg13[%broadcast_in_dim3A] : memref<128xf32, #tpu.memory_space<vmem>>[vector<16xi32>], vector<16xf32>,
        %get3A = arith.index_cast %add3A_130 : i32 to index
        %get3A_131 = arith.constant 0 : index
        %get3A_132 = tpu.vector_load %arg15[%get3A, %get3A_131] {strides = array<i32>} : memref<128x128xf32, #tpu.memory_space<vmem>>, vector<16xf32>,
        %mul3A_133 = arith.mulf %get3A_132, %gather3A : vector<16xf32>
        %swap3A = arith.index_cast %add3A_130 : i32 to index
        %swap3A_134 = arith.constant 0 : index
        %swap3A_135 = tpu.vector_load %arg15[%swap3A, %swap3A_134] {strides = array<i32>} : memref<128x128xf32, #tpu.memory_space<vmem>>, vector<16xf32>,
        tpu.vector_store %arg15[%swap3A, %swap3A_134], %mul3A_133 {strides = array<i32>} : memref<128x128xf32, #tpu.memory_space<vmem>>, vector<16xf32>,
        %get3A_136 = arith.index_cast %add3A_130 : i32 to index
        %get3A_137 = arith.constant 16 : index
        %get3A_138 = tpu.vector_load %arg15[%get3A_136, %get3A_137] {strides = array<i32>} : memref<128x128xf32, #tpu.memory_space<vmem>>, vector<16xf32>,
        %mul3A_139 = arith.mulf %get3A_138, %gather3A : vector<16xf32>
        %swap3A_140 = arith.index_cast %add3A_130 : i32 to index
        %swap3A_141 = arith.constant 16 : index
        %swap3A_142 = tpu.vector_load %arg15[%swap3A_140, %swap3A_141] {strides = array<i32>} : memref<128x128xf32, #tpu.memory_space<vmem>>, vector<16xf32>,
        tpu.vector_store %arg15[%swap3A_140, %swap3A_141], %mul3A_139 {strides = array<i32>} : memref<128x128xf32, #tpu.memory_space<vmem>>, vector<16xf32>,
        %get3A_143 = arith.index_cast %add3A_130 : i32 to index
        %get3A_144 = arith.constant 32 : index
        %get3A_145 = tpu.vector_load %arg15[%get3A_143, %get3A_144] {strides = array<i32>} : memref<128x128xf32, #tpu.memory_space<vmem>>, vector<16xf32>,
        %mul3A_146 = arith.mulf %get3A_145, %gather3A : vector<16xf32>
        %swap3A_147 = arith.index_cast %add3A_130 : i32 to index
        %swap3A_148 = arith.constant 32 : index
        %swap3A_149 = tpu.vector_load %arg15[%swap3A_147, %swap3A_148] {strides = array<i32>} : memref<128x128xf32, #tpu.memory_space<vmem>>, vector<16xf32>,
        tpu.vector_store %arg15[%swap3A_147, %swap3A_148], %mul3A_146 {strides = array<i32>} : memref<128x128xf32, #tpu.memory_space<vmem>>, vector<16xf32>,
        %get3A_150 = arith.index_cast %add3A_130 : i32 to index
        %get3A_151 = arith.constant 48 : index
        %get3A_152 = tpu.vector_load %arg15[%get3A_150, %get3A_151] {strides = array<i32>} : memref<128x128xf32, #tpu.memory_space<vmem>>, vector<16xf32>,
        %mul3A_153 = arith.mulf %get3A_152, %gather3A : vector<16xf32>
        %swap3A_154 = arith.index_cast %add3A_130 : i32 to index
        %swap3A_155 = arith.constant 48 : index
        %swap3A_156 = tpu.vector_load %arg15[%swap3A_154, %swap3A_155] {strides = array<i32>} : memref<128x128xf32, #tpu.memory_space<vmem>>, vector<16xf32>,
        tpu.vector_store %arg15[%swap3A_154, %swap3A_155], %mul3A_153 {strides = array<i32>} : memref<128x128xf32, #tpu.memory_space<vmem>>, vector<16xf32>,
        %get3A_157 = arith.index_cast %add3A_130 : i32 to index
        %get3A_158 = arith.constant 64 : index
        %get3A_159 = tpu.vector_load %arg15[%get3A_157, %get3A_158] {strides = array<i32>} : memref<128x128xf32, #tpu.memory_space<vmem>>, vector<16xf32>,
        %mul3A_160 = arith.mulf %get3A_159, %gather3A : vector<16xf32>
        %swap3A_161 = arith.index_cast %add3A_130 : i32 to index
        %swap3A_162 = arith.constant 64 : index
        %swap3A_163 = tpu.vector_load %arg15[%swap3A_161, %swap3A_162] {strides = array<i32>} : memref<128x128xf32, #tpu.memory_space<vmem>>, vector<16xf32>,
        tpu.vector_store %arg15[%swap3A_161, %swap3A_162], %mul3A_160 {strides = array<i32>} : memref<128x128xf32, #tpu.memory_space<vmem>>, vector<16xf32>,
        %get3A_164 = arith.index_cast %add3A_130 : i32 to index
        %get3A_165 = arith.constant 80 : index
        %get3A_166 = tpu.vector_load %arg15[%get3A_164, %get3A_165] {strides = array<i32>} : memref<128x128xf32, #tpu.memory_space<vmem>>, vector<16xf32>,
        %mul3A_167 = arith.mulf %get3A_166, %gather3A : vector<16xf32>
        %swap3A_168 = arith.index_cast %add3A_130 : i32 to index
        %swap3A_169 = arith.constant 80 : index
        %swap3A_170 = tpu.vector_load %arg15[%swap3A_168, %swap3A_169] {strides = array<i32>} : memref<128x128xf32, #tpu.memory_space<vmem>>, vector<16xf32>,
        tpu.vector_store %arg15[%swap3A_168, %swap3A_169], %mul3A_167 {strides = array<i32>} : memref<128x128xf32, #tpu.memory_space<vmem>>, vector<16xf32>,
        %get3A_171 = arith.index_cast %add3A_130 : i32 to index
        %get3A_172 = arith.constant 96 : index
        %get3A_173 = tpu.vector_load %arg15[%get3A_171, %get3A_172] {strides = array<i32>} : memref<128x128xf32, #tpu.memory_space<vmem>>, vector<16xf32>,
        %mul3A_174 = arith.mulf %get3A_173, %gather3A : vector<16xf32>
        %swap3A_175 = arith.index_cast %add3A_130 : i32 to index
        %swap3A_176 = arith.constant 96 : index
        %swap3A_177 = tpu.vector_load %arg15[%swap3A_175, %swap3A_176] {strides = array<i32>} : memref<128x128xf32, #tpu.memory_space<vmem>>, vector<16xf32>,
        tpu.vector_store %arg15[%swap3A_175, %swap3A_176], %mul3A_174 {strides = array<i32>} : memref<128x128xf32, #tpu.memory_space<vmem>>, vector<16xf32>,
        %get3A_178 = arith.index_cast %add3A_130 : i32 to index
        %get3A_179 = arith.constant 112 : index
        %get3A_180 = tpu.vector_load %arg15[%get3A_178, %get3A_179] {strides = array<i32>} : memref<128x128xf32, #tpu.memory_space<vmem>>, vector<16xf32>,
        %mul3A_181 = arith.mulf %get3A_180, %gather3A : vector<16xf32>
        %swap3A_182 = arith.index_cast %add3A_130 : i32 to index
        %swap3A_183 = arith.constant 112 : index
        %swap3A_184 = tpu.vector_load %arg15[%swap3A_182, %swap3A_183] {strides = array<i32>} : memref<128x128xf32, #tpu.memory_space<vmem>>, vector<16xf32>,
        tpu.vector_store %arg15[%swap3A_182, %swap3A_183], %mul3A_181 {strides = array<i32>} : memref<128x128xf32, #tpu.memory_space<vmem>>, vector<16xf32>,
        %add3A_185 = arith.constant 1 : i32
        %add3A_186 = arith.addi %add3A_128, %add3A_185 : i32
        %broadcast_in_dim3A_187 = vector.broadcast %add3A_186 : i32 to vector<16xi32>
        %gather3A_188 = tpu.vector_load_idx %arg13[%broadcast_in_dim3A_187] : memref<128xf32, #tpu.memory_space<vmem>>[vector<16xi32>], vector<16xf32>,
        %get3A_189 = arith.index_cast %add3A_186 : i32 to index
        %get3A_190 = arith.constant 0 : index
        %get3A_191 = tpu.vector_load %arg15[%get3A_189, %get3A_190] {strides = array<i32>} : memref<128x128xf32, #tpu.memory_space<vmem>>, vector<16xf32>,
        %mul3A_192 = arith.mulf %get3A_191, %gather3A_188 : vector<16xf32>
        %swap3A_193 = arith.index_cast %add3A_186 : i32 to index
        %swap3A_194 = arith.constant 0 : index
        %swap3A_195 = tpu.vector_load %arg15[%swap3A_193, %swap3A_194] {strides = array<i32>} : memref<128x128xf32, #tpu.memory_space<vmem>>, vector<16xf32>,
        tpu.vector_store %arg15[%swap3A_193, %swap3A_194], %mul3A_192 {strides = array<i32>} : memref<128x128xf32, #tpu.memory_space<vmem>>, vector<16xf32>,
        %get3A_196 = arith.index_cast %add3A_186 : i32 to index
        %get3A_197 = arith.constant 16 : index
        %get3A_198 = tpu.vector_load %arg15[%get3A_196, %get3A_197] {strides = array<i32>} : memref<128x128xf32, #tpu.memory_space<vmem>>, vector<16xf32>,
        %mul3A_199 = arith.mulf %get3A_198, %gather3A_188 : vector<16xf32>
        %swap3A_200 = arith.index_cast %add3A_186 : i32 to index
        %swap3A_201 = arith.constant 16 : index
        %swap3A_202 = tpu.vector_load %arg15[%swap3A_200, %swap3A_201] {strides = array<i32>} : memref<128x128xf32, #tpu.memory_space<vmem>>, vector<16xf32>,
        tpu.vector_store %arg15[%swap3A_200, %swap3A_201], %mul3A_199 {strides = array<i32>} : memref<128x128xf32, #tpu.memory_space<vmem>>, vector<16xf32>,
        %get3A_203 = arith.index_cast %add3A_186 : i32 to index
        %get3A_204 = arith.constant 32 : index
        %get3A_205 = tpu.vector_load %arg15[%get3A_203, %get3A_204] {strides = array<i32>} : memref<128x128xf32, #tpu.memory_space<vmem>>, vector<16xf32>,
        %mul3A_206 = arith.mulf %get3A_205, %gather3A_188 : vector<16xf32>
        %swap3A_207 = arith.index_cast %add3A_186 : i32 to index
        %swap3A_208 = arith.constant 32 : index
        %swap3A_209 = tpu.vector_load %arg15[%swap3A_207, %swap3A_208] {strides = array<i32>} : memref<128x128xf32, #tpu.memory_space<vmem>>, vector<16xf32>,
        tpu.vector_store %arg15[%swap3A_207, %swap3A_208], %mul3A_206 {strides = array<i32>} : memref<128x128xf32, #tpu.memory_space<vmem>>, vector<16xf32>,
        %get3A_210 = arith.index_cast %add3A_186 : i32 to index
        %get3A_211 = arith.constant 48 : index
        %get3A_212 = tpu.vector_load %arg15[%get3A_210, %get3A_211] {strides = array<i32>} : memref<128x128xf32, #tpu.memory_space<vmem>>, vector<16xf32>,
        %mul3A_213 = arith.mulf %get3A_212, %gather3A_188 : vector<16xf32>
        %swap3A_214 = arith.index_cast %add3A_186 : i32 to index
        %swap3A_215 = arith.constant 48 : index
        %swap3A_216 = tpu.vector_load %arg15[%swap3A_214, %swap3A_215] {strides = array<i32>} : memref<128x128xf32, #tpu.memory_space<vmem>>, vector<16xf32>,
        tpu.vector_store %arg15[%swap3A_214, %swap3A_215], %mul3A_213 {strides = array<i32>} : memref<128x128xf32, #tpu.memory_space<vmem>>, vector<16xf32>,
        %get3A_217 = arith.index_cast %add3A_186 : i32 to index
        %get3A_218 = arith.constant 64 : index
        %get3A_219 = tpu.vector_load %arg15[%get3A_217, %get3A_218] {strides = array<i32>} : memref<128x128xf32, #tpu.memory_space<vmem>>, vector<16xf32>,
        %mul3A_220 = arith.mulf %get3A_219, %gather3A_188 : vector<16xf32>
        %swap3A_221 = arith.index_cast %add3A_186 : i32 to index
        %swap3A_222 = arith.constant 64 : index
        %swap3A_223 = tpu.vector_load %arg15[%swap3A_221, %swap3A_222] {strides = array<i32>} : memref<128x128xf32, #tpu.memory_space<vmem>>, vector<16xf32>,
        tpu.vector_store %arg15[%swap3A_221, %swap3A_222], %mul3A_220 {strides = array<i32>} : memref<128x128xf32, #tpu.memory_space<vmem>>, vector<16xf32>,
        %get3A_224 = arith.index_cast %add3A_186 : i32 to index
        %get3A_225 = arith.constant 80 : index
        %get3A_226 = tpu.vector_load %arg15[%get3A_224, %get3A_225] {strides = array<i32>} : memref<128x128xf32, #tpu.memory_space<vmem>>, vector<16xf32>,
        %mul3A_227 = arith.mulf %get3A_226, %gather3A_188 : vector<16xf32>
        %swap3A_228 = arith.index_cast %add3A_186 : i32 to index
        %swap3A_229 = arith.constant 80 : index
        %swap3A_230 = tpu.vector_load %arg15[%swap3A_228, %swap3A_229] {strides = array<i32>} : memref<128x128xf32, #tpu.memory_space<vmem>>, vector<16xf32>,
        tpu.vector_store %arg15[%swap3A_228, %swap3A_229], %mul3A_227 {strides = array<i32>} : memref<128x128xf32, #tpu.memory_space<vmem>>, vector<16xf32>,
        %get3A_231 = arith.index_cast %add3A_186 : i32 to index
        %get3A_232 = arith.constant 96 : index
        %get3A_233 = tpu.vector_load %arg15[%get3A_231, %get3A_232] {strides = array<i32>} : memref<128x128xf32, #tpu.memory_space<vmem>>, vector<16xf32>,
        %mul3A_234 = arith.mulf %get3A_233, %gather3A_188 : vector<16xf32>
        %swap3A_235 = arith.index_cast %add3A_186 : i32 to index
        %swap3A_236 = arith.constant 96 : index
        %swap3A_237 = tpu.vector_load %arg15[%swap3A_235, %swap3A_236] {strides = array<i32>} : memref<128x128xf32, #tpu.memory_space<vmem>>, vector<16xf32>,
        tpu.vector_store %arg15[%swap3A_235, %swap3A_236], %mul3A_234 {strides = array<i32>} : memref<128x128xf32, #tpu.memory_space<vmem>>, vector<16xf32>,
        %get3A_238 = arith.index_cast %add3A_186 : i32 to index
        %get3A_239 = arith.constant 112 : index
        %get3A_240 = tpu.vector_load %arg15[%get3A_238, %get3A_239] {strides = array<i32>} : memref<128x128xf32, #tpu.memory_space<vmem>>, vector<16xf32>,
        %mul3A_241 = arith.mulf %get3A_240, %gather3A_188 : vector<16xf32>
        %swap3A_242 = arith.index_cast %add3A_186 : i32 to index
        %swap3A_243 = arith.constant 112 : index
        %swap3A_244 = tpu.vector_load %arg15[%swap3A_242, %swap3A_243] {strides = array<i32>} : memref<128x128xf32, #tpu.memory_space<vmem>>, vector<16xf32>,
        tpu.vector_store %arg15[%swap3A_242, %swap3A_243], %mul3A_241 {strides = array<i32>} : memref<128x128xf32, #tpu.memory_space<vmem>>, vector<16xf32>,
        %add3A_245 = arith.constant 2 : i32
        %add3A_246 = arith.addi %add3A_128, %add3A_245 : i32
        %broadcast_in_dim3A_247 = vector.broadcast %add3A_246 : i32 to vector<16xi32>
        %gather3A_248 = tpu.vector_load_idx %arg13[%broadcast_in_dim3A_247] : memref<128xf32, #tpu.memory_space<vmem>>[vector<16xi32>], vector<16xf32>,
        %get3A_249 = arith.index_cast %add3A_246 : i32 to index
        %get3A_250 = arith.constant 0 : index
        %get3A_251 = tpu.vector_load %arg15[%get3A_249, %get3A_250] {strides = array<i32>} : memref<128x128xf32, #tpu.memory_space<vmem>>, vector<16xf32>,
        %mul3A_252 = arith.mulf %get3A_251, %gather3A_248 : vector<16xf32>
        %swap3A_253 = arith.index_cast %add3A_246 : i32 to index
        %swap3A_254 = arith.constant 0 : index
        %swap3A_255 = tpu.vector_load %arg15[%swap3A_253, %swap3A_254] {strides = array<i32>} : memref<128x128xf32, #tpu.memory_space<vmem>>, vector<16xf32>,
        tpu.vector_store %arg15[%swap3A_253, %swap3A_254], %mul3A_252 {strides = array<i32>} : memref<128x128xf32, #tpu.memory_space<vmem>>, vector<16xf32>,
        %get3A_256 = arith.index_cast %add3A_246 : i32 to index
        %get3A_257 = arith.constant 16 : index
        %get3A_258 = tpu.vector_load %arg15[%get3A_256, %get3A_257] {strides = array<i32>} : memref<128x128xf32, #tpu.memory_space<vmem>>, vector<16xf32>,
        %mul3A_259 = arith.mulf %get3A_258, %gather3A_248 : vector<16xf32>
        %swap3A_260 = arith.index_cast %add3A_246 : i32 to index
        %swap3A_261 = arith.constant 16 : index
        %swap3A_262 = tpu.vector_load %arg15[%swap3A_260, %swap3A_261] {strides = array<i32>} : memref<128x128xf32, #tpu.memory_space<vmem>>, vector<16xf32>,
        tpu.vector_store %arg15[%swap3A_260, %swap3A_261], %mul3A_259 {strides = array<i32>} : memref<128x128xf32, #tpu.memory_space<vmem>>, vector<16xf32>,
        %get3A_263 = arith.index_cast %add3A_246 : i32 to index
        %get3A_264 = arith.constant 32 : index
        %get3A_265 = tpu.vector_load %arg15[%get3A_263, %get3A_264] {strides = array<i32>} : memref<128x128xf32, #tpu.memory_space<vmem>>, vector<16xf32>,
        %mul3A_266 = arith.mulf %get3A_265, %gather3A_248 : vector<16xf32>
        %swap3A_267 = arith.index_cast %add3A_246 : i32 to index
        %swap3A_268 = arith.constant 32 : index
        %swap3A_269 = tpu.vector_load %arg15[%swap3A_267, %swap3A_268] {strides = array<i32>} : memref<128x128xf32, #tpu.memory_space<vmem>>, vector<16xf32>,
        tpu.vector_store %arg15[%swap3A_267, %swap3A_268], %mul3A_266 {strides = array<i32>} : memref<128x128xf32, #tpu.memory_space<vmem>>, vector<16xf32>,
        %get3A_270 = arith.index_cast %add3A_246 : i32 to index
        %get3A_271 = arith.constant 48 : index
        %get3A_272 = tpu.vector_load %arg15[%get3A_270, %get3A_271] {strides = array<i32>} : memref<128x128xf32, #tpu.memory_space<vmem>>, vector<16xf32>,
        %mul3A_273 = arith.mulf %get3A_272, %gather3A_248 : vector<16xf32>
        %swap3A_274 = arith.index_cast %add3A_246 : i32 to index
        %swap3A_275 = arith.constant 48 : index
        %swap3A_276 = tpu.vector_load %arg15[%swap3A_274, %swap3A_275] {strides = array<i32>} : memref<128x128xf32, #tpu.memory_space<vmem>>, vector<16xf32>,
        tpu.vector_store %arg15[%swap3A_274, %swap3A_275], %mul3A_273 {strides = array<i32>} : memref<128x128xf32, #tpu.memory_space<vmem>>, vector<16xf32>,
        %get3A_277 = arith.index_cast %add3A_246 : i32 to index
        %get3A_278 = arith.constant 64 : index
        %get3A_279 = tpu.vector_load %arg15[%get3A_277, %get3A_278] {strides = array<i32>} : memref<128x128xf32, #tpu.memory_space<vmem>>, vector<16xf32>,
        %mul3A_280 = arith.mulf %get3A_279, %gather3A_248 : vector<16xf32>
        %swap3A_281 = arith.index_cast %add3A_246 : i32 to index
        %swap3A_282 = arith.constant 64 : index
        %swap3A_283 = tpu.vector_load %arg15[%swap3A_281, %swap3A_282] {strides = array<i32>} : memref<128x128xf32, #tpu.memory_space<vmem>>, vector<16xf32>,
        tpu.vector_store %arg15[%swap3A_281, %swap3A_282], %mul3A_280 {strides = array<i32>} : memref<128x128xf32, #tpu.memory_space<vmem>>, vector<16xf32>,
        %get3A_284 = arith.index_cast %add3A_246 : i32 to index
        %get3A_285 = arith.constant 80 : index
        %get3A_286 = tpu.vector_load %arg15[%get3A_284, %get3A_285] {strides = array<i32>} : memref<128x128xf32, #tpu.memory_space<vmem>>, vector<16xf32>,
        %mul3A_287 = arith.mulf %get3A_286, %gather3A_248 : vector<16xf32>
        %swap3A_288 = arith.index_cast %add3A_246 : i32 to index
        %swap3A_289 = arith.constant 80 : index
        %swap3A_290 = tpu.vector_load %arg15[%swap3A_288, %swap3A_289] {strides = array<i32>} : memref<128x128xf32, #tpu.memory_space<vmem>>, vector<16xf32>,
        tpu.vector_store %arg15[%swap3A_288, %swap3A_289], %mul3A_287 {strides = array<i32>} : memref<128x128xf32, #tpu.memory_space<vmem>>, vector<16xf32>,
        %get3A_291 = arith.index_cast %add3A_246 : i32 to index
        %get3A_292 = arith.constant 96 : index
        %get3A_293 = tpu.vector_load %arg15[%get3A_291, %get3A_292] {strides = array<i32>} : memref<128x128xf32, #tpu.memory_space<vmem>>, vector<16xf32>,
        %mul3A_294 = arith.mulf %get3A_293, %gather3A_248 : vector<16xf32>
        %swap3A_295 = arith.index_cast %add3A_246 : i32 to index
        %swap3A_296 = arith.constant 96 : index
        %swap3A_297 = tpu.vector_load %arg15[%swap3A_295, %swap3A_296] {strides = array<i32>} : memref<128x128xf32, #tpu.memory_space<vmem>>, vector<16xf32>,
        tpu.vector_store %arg15[%swap3A_295, %swap3A_296], %mul3A_294 {strides = array<i32>} : memref<128x128xf32, #tpu.memory_space<vmem>>, vector<16xf32>,
        %get3A_298 = arith.index_cast %add3A_246 : i32 to index
        %get3A_299 = arith.constant 112 : index
        %get3A_300 = tpu.vector_load %arg15[%get3A_298, %get3A_299] {strides = array<i32>} : memref<128x128xf32, #tpu.memory_space<vmem>>, vector<16xf32>,
        %mul3A_301 = arith.mulf %get3A_300, %gather3A_248 : vector<16xf32>
        %swap3A_302 = arith.index_cast %add3A_246 : i32 to index
        %swap3A_303 = arith.constant 112 : index
        %swap3A_304 = tpu.vector_load %arg15[%swap3A_302, %swap3A_303] {strides = array<i32>} : memref<128x128xf32, #tpu.memory_space<vmem>>, vector<16xf32>,
        tpu.vector_store %arg15[%swap3A_302, %swap3A_303], %mul3A_301 {strides = array<i32>} : memref<128x128xf32, #tpu.memory_space<vmem>>, vector<16xf32>,
        %add3A_305 = arith.constant 3 : i32
        %add3A_306 = arith.addi %add3A_128, %add3A_305 : i32
        %broadcast_in_dim3A_307 = vector.broadcast %add3A_306 : i32 to vector<16xi32>
        %gather3A_308 = tpu.vector_load_idx %arg13[%broadcast_in_dim3A_307] : memref<128xf32, #tpu.memory_space<vmem>>[vector<16xi32>], vector<16xf32>,
        %get3A_309 = arith.index_cast %add3A_306 : i32 to index
        %get3A_310 = arith.constant 0 : index
        %get3A_311 = tpu.vector_load %arg15[%get3A_309, %get3A_310] {strides = array<i32>} : memref<128x128xf32, #tpu.memory_space<vmem>>, vector<16xf32>,
        %mul3A_312 = arith.mulf %get3A_311, %gather3A_308 : vector<16xf32>
        %swap3A_313 = arith.index_cast %add3A_306 : i32 to index
        %swap3A_314 = arith.constant 0 : index
        %swap3A_315 = tpu.vector_load %arg15[%swap3A_313, %swap3A_314] {strides = array<i32>} : memref<128x128xf32, #tpu.memory_space<vmem>>, vector<16xf32>,
        tpu.vector_store %arg15[%swap3A_313, %swap3A_314], %mul3A_312 {strides = array<i32>} : memref<128x128xf32, #tpu.memory_space<vmem>>, vector<16xf32>,
        %get3A_316 = arith.index_cast %add3A_306 : i32 to index
        %get3A_317 = arith.constant 16 : index
        %get3A_318 = tpu.vector_load %arg15[%get3A_316, %get3A_317] {strides = array<i32>} : memref<128x128xf32, #tpu.memory_space<vmem>>, vector<16xf32>,
        %mul3A_319 = arith.mulf %get3A_318, %gather3A_308 : vector<16xf32>
        %swap3A_320 = arith.index_cast %add3A_306 : i32 to index
        %swap3A_321 = arith.constant 16 : index
        %swap3A_322 = tpu.vector_load %arg15[%swap3A_320, %swap3A_321] {strides = array<i32>} : memref<128x128xf32, #tpu.memory_space<vmem>>, vector<16xf32>,
        tpu.vector_store %arg15[%swap3A_320, %swap3A_321], %mul3A_319 {strides = array<i32>} : memref<128x128xf32, #tpu.memory_space<vmem>>, vector<16xf32>,
        %get3A_323 = arith.index_cast %add3A_306 : i32 to index
        %get3A_324 = arith.constant 32 : index
        %get3A_325 = tpu.vector_load %arg15[%get3A_323, %get3A_324] {strides = array<i32>} : memref<128x128xf32, #tpu.memory_space<vmem>>, vector<16xf32>,
        %mul3A_326 = arith.mulf %get3A_325, %gather3A_308 : vector<16xf32>
        %swap3A_327 = arith.index_cast %add3A_306 : i32 to index
        %swap3A_328 = arith.constant 32 : index
        %swap3A_329 = tpu.vector_load %arg15[%swap3A_327, %swap3A_328] {strides = array<i32>} : memref<128x128xf32, #tpu.memory_space<vmem>>, vector<16xf32>,
        tpu.vector_store %arg15[%swap3A_327, %swap3A_328], %mul3A_326 {strides = array<i32>} : memref<128x128xf32, #tpu.memory_space<vmem>>, vector<16xf32>,
        %get3A_330 = arith.index_cast %add3A_306 : i32 to index
        %get3A_331 = arith.constant 48 : index
        %get3A_332 = tpu.vector_load %arg15[%get3A_330, %get3A_331] {strides = array<i32>} : memref<128x128xf32, #tpu.memory_space<vmem>>, vector<16xf32>,
        %mul3A_333 = arith.mulf %get3A_332, %gather3A_308 : vector<16xf32>
        %swap3A_334 = arith.index_cast %add3A_306 : i32 to index
        %swap3A_335 = arith.constant 48 : index
        %swap3A_336 = tpu.vector_load %arg15[%swap3A_334, %swap3A_335] {strides = array<i32>} : memref<128x128xf32, #tpu.memory_space<vmem>>, vector<16xf32>,
        tpu.vector_store %arg15[%swap3A_334, %swap3A_335], %mul3A_333 {strides = array<i32>} : memref<128x128xf32, #tpu.memory_space<vmem>>, vector<16xf32>,
        %get3A_337 = arith.index_cast %add3A_306 : i32 to index
        %get3A_338 = arith.constant 64 : index
        %get3A_339 = tpu.vector_load %arg15[%get3A_337, %get3A_338] {strides = array<i32>} : memref<128x128xf32, #tpu.memory_space<vmem>>, vector<16xf32>,
        %mul3A_340 = arith.mulf %get3A_339, %gather3A_308 : vector<16xf32>
        %swap3A_341 = arith.index_cast %add3A_306 : i32 to index
        %swap3A_342 = arith.constant 64 : index
        %swap3A_343 = tpu.vector_load %arg15[%swap3A_341, %swap3A_342] {strides = array<i32>} : memref<128x128xf32, #tpu.memory_space<vmem>>, vector<16xf32>,
        tpu.vector_store %arg15[%swap3A_341, %swap3A_342], %mul3A_340 {strides = array<i32>} : memref<128x128xf32, #tpu.memory_space<vmem>>, vector<16xf32>,
        %get3A_344 = arith.index_cast %add3A_306 : i32 to index
        %get3A_345 = arith.constant 80 : index
        %get3A_346 = tpu.vector_load %arg15[%get3A_344, %get3A_345] {strides = array<i32>} : memref<128x128xf32, #tpu.memory_space<vmem>>, vector<16xf32>,
        %mul3A_347 = arith.mulf %get3A_346, %gather3A_308 : vector<16xf32>
        %swap3A_348 = arith.index_cast %add3A_306 : i32 to index
        %swap3A_349 = arith.constant 80 : index
        %swap3A_350 = tpu.vector_load %arg15[%swap3A_348, %swap3A_349] {strides = array<i32>} : memref<128x128xf32, #tpu.memory_space<vmem>>, vector<16xf32>,
        tpu.vector_store %arg15[%swap3A_348, %swap3A_349], %mul3A_347 {strides = array<i32>} : memref<128x128xf32, #tpu.memory_space<vmem>>, vector<16xf32>,
        %get3A_351 = arith.index_cast %add3A_306 : i32 to index
        %get3A_352 = arith.constant 96 : index
        %get3A_353 = tpu.vector_load %arg15[%get3A_351, %get3A_352] {strides = array<i32>} : memref<128x128xf32, #tpu.memory_space<vmem>>, vector<16xf32>,
        %mul3A_354 = arith.mulf %get3A_353, %gather3A_308 : vector<16xf32>
        %swap3A_355 = arith.index_cast %add3A_306 : i32 to index
        %swap3A_356 = arith.constant 96 : index
        %swap3A_357 = tpu.vector_load %arg15[%swap3A_355, %swap3A_356] {strides = array<i32>} : memref<128x128xf32, #tpu.memory_space<vmem>>, vector<16xf32>,
        tpu.vector_store %arg15[%swap3A_355, %swap3A_356], %mul3A_354 {strides = array<i32>} : memref<128x128xf32, #tpu.memory_space<vmem>>, vector<16xf32>,
        %get3A_358 = arith.index_cast %add3A_306 : i32 to index
        %get3A_359 = arith.constant 112 : index
        %get3A_360 = tpu.vector_load %arg15[%get3A_358, %get3A_359] {strides = array<i32>} : memref<128x128xf32, #tpu.memory_space<vmem>>, vector<16xf32>,
        %mul3A_361 = arith.mulf %get3A_360, %gather3A_308 : vector<16xf32>
        %swap3A_362 = arith.index_cast %add3A_306 : i32 to index
        %swap3A_363 = arith.constant 112 : index
        %swap3A_364 = tpu.vector_load %arg15[%swap3A_362, %swap3A_363] {strides = array<i32>} : memref<128x128xf32, #tpu.memory_space<vmem>>, vector<16xf32>,
        tpu.vector_store %arg15[%swap3A_362, %swap3A_363], %mul3A_361 {strides = array<i32>} : memref<128x128xf32, #tpu.memory_space<vmem>>, vector<16xf32>,
        %add3A_365 = arith.constant 4 : i32
        %add3A_366 = arith.addi %add3A_128, %add3A_365 : i32
        %broadcast_in_dim3A_367 = vector.broadcast %add3A_366 : i32 to vector<16xi32>
        %gather3A_368 = tpu.vector_load_idx %arg13[%broadcast_in_dim3A_367] : memref<128xf32, #tpu.memory_space<vmem>>[vector<16xi32>], vector<16xf32>,
        %get3A_369 = arith.index_cast %add3A_366 : i32 to index
        %get3A_370 = arith.constant 0 : index
        %get3A_371 = tpu.vector_load %arg15[%get3A_369, %get3A_370] {strides = array<i32>} : memref<128x128xf32, #tpu.memory_space<vmem>>, vector<16xf32>,
        %mul3A_372 = arith.mulf %get3A_371, %gather3A_368 : vector<16xf32>
        %swap3A_373 = arith.index_cast %add3A_366 : i32 to index
        %swap3A_374 = arith.constant 0 : index
        %swap3A_375 = tpu.vector_load %arg15[%swap3A_373, %swap3A_374] {strides = array<i32>} : memref<128x128xf32, #tpu.memory_space<vmem>>, vector<16xf32>,
        tpu.vector_store %arg15[%swap3A_373, %swap3A_374], %mul3A_372 {strides = array<i32>} : memref<128x128xf32, #tpu.memory_space<vmem>>, vector<16xf32>,
        %get3A_376 = arith.index_cast %add3A_366 : i32 to index
        %get3A_377 = arith.constant 16 : index
        %get3A_378 = tpu.vector_load %arg15[%get3A_376, %get3A_377] {strides = array<i32>} : memref<128x128xf32, #tpu.memory_space<vmem>>, vector<16xf32>,
        %mul3A_379 = arith.mulf %get3A_378, %gather3A_368 : vector<16xf32>
        %swap3A_380 = arith.index_cast %add3A_366 : i32 to index
        %swap3A_381 = arith.constant 16 : index
        %swap3A_382 = tpu.vector_load %arg15[%swap3A_380, %swap3A_381] {strides = array<i32>} : memref<128x128xf32, #tpu.memory_space<vmem>>, vector<16xf32>,
        tpu.vector_store %arg15[%swap3A_380, %swap3A_381], %mul3A_379 {strides = array<i32>} : memref<128x128xf32, #tpu.memory_space<vmem>>, vector<16xf32>,
        %get3A_383 = arith.index_cast %add3A_366 : i32 to index
        %get3A_384 = arith.constant 32 : index
        %get3A_385 = tpu.vector_load %arg15[%get3A_383, %get3A_384] {strides = array<i32>} : memref<128x128xf32, #tpu.memory_space<vmem>>, vector<16xf32>,
        %mul3A_386 = arith.mulf %get3A_385, %gather3A_368 : vector<16xf32>
        %swap3A_387 = arith.index_cast %add3A_366 : i32 to index
        %swap3A_388 = arith.constant 32 : index
        %swap3A_389 = tpu.vector_load %arg15[%swap3A_387, %swap3A_388] {strides = array<i32>} : memref<128x128xf32, #tpu.memory_space<vmem>>, vector<16xf32>,
        tpu.vector_store %arg15[%swap3A_387, %swap3A_388], %mul3A_386 {strides = array<i32>} : memref<128x128xf32, #tpu.memory_space<vmem>>, vector<16xf32>,
        %get3A_390 = arith.index_cast %add3A_366 : i32 to index
        %get3A_391 = arith.constant 48 : index
        %get3A_392 = tpu.vector_load %arg15[%get3A_390, %get3A_391] {strides = array<i32>} : memref<128x128xf32, #tpu.memory_space<vmem>>, vector<16xf32>,
        %mul3A_393 = arith.mulf %get3A_392, %gather3A_368 : vector<16xf32>
        %swap3A_394 = arith.index_cast %add3A_366 : i32 to index
        %swap3A_395 = arith.constant 48 : index
        %swap3A_396 = tpu.vector_load %arg15[%swap3A_394, %swap3A_395] {strides = array<i32>} : memref<128x128xf32, #tpu.memory_space<vmem>>, vector<16xf32>,
        tpu.vector_store %arg15[%swap3A_394, %swap3A_395], %mul3A_393 {strides = array<i32>} : memref<128x128xf32, #tpu.memory_space<vmem>>, vector<16xf32>,
        %get3A_397 = arith.index_cast %add3A_366 : i32 to index
        %get3A_398 = arith.constant 64 : index
        %get3A_399 = tpu.vector_load %arg15[%get3A_397, %get3A_398] {strides = array<i32>} : memref<128x128xf32, #tpu.memory_space<vmem>>, vector<16xf32>,
        %mul3A_400 = arith.mulf %get3A_399, %gather3A_368 : vector<16xf32>
        %swap3A_401 = arith.index_cast %add3A_366 : i32 to index
        %swap3A_402 = arith.constant 64 : index
        %swap3A_403 = tpu.vector_load %arg15[%swap3A_401, %swap3A_402] {strides = array<i32>} : memref<128x128xf32, #tpu.memory_space<vmem>>, vector<16xf32>,
        tpu.vector_store %arg15[%swap3A_401, %swap3A_402], %mul3A_400 {strides = array<i32>} : memref<128x128xf32, #tpu.memory_space<vmem>>, vector<16xf32>,
        %get3A_404 = arith.index_cast %add3A_366 : i32 to index
        %get3A_405 = arith.constant 80 : index
        %get3A_406 = tpu.vector_load %arg15[%get3A_404, %get3A_405] {strides = array<i32>} : memref<128x128xf32, #tpu.memory_space<vmem>>, vector<16xf32>,
        %mul3A_407 = arith.mulf %get3A_406, %gather3A_368 : vector<16xf32>
        %swap3A_408 = arith.index_cast %add3A_366 : i32 to index
        %swap3A_409 = arith.constant 80 : index
        %swap3A_410 = tpu.vector_load %arg15[%swap3A_408, %swap3A_409] {strides = array<i32>} : memref<128x128xf32, #tpu.memory_space<vmem>>, vector<16xf32>,
        tpu.vector_store %arg15[%swap3A_408, %swap3A_409], %mul3A_407 {strides = array<i32>} : memref<128x128xf32, #tpu.memory_space<vmem>>, vector<16xf32>,
        %get3A_411 = arith.index_cast %add3A_366 : i32 to index
        %get3A_412 = arith.constant 96 : index
        %get3A_413 = tpu.vector_load %arg15[%get3A_411, %get3A_412] {strides = array<i32>} : memref<128x128xf32, #tpu.memory_space<vmem>>, vector<16xf32>,
        %mul3A_414 = arith.mulf %get3A_413, %gather3A_368 : vector<16xf32>
        %swap3A_415 = arith.index_cast %add3A_366 : i32 to index
        %swap3A_416 = arith.constant 96 : index
        %swap3A_417 = tpu.vector_load %arg15[%swap3A_415, %swap3A_416] {strides = array<i32>} : memref<128x128xf32, #tpu.memory_space<vmem>>, vector<16xf32>,
        tpu.vector_store %arg15[%swap3A_415, %swap3A_416], %mul3A_414 {strides = array<i32>} : memref<128x128xf32, #tpu.memory_space<vmem>>, vector<16xf32>,
        %get3A_418 = arith.index_cast %add3A_366 : i32 to index
        %get3A_419 = arith.constant 112 : index
        %get3A_420 = tpu.vector_load %arg15[%get3A_418, %get3A_419] {strides = array<i32>} : memref<128x128xf32, #tpu.memory_space<vmem>>, vector<16xf32>,
        %mul3A_421 = arith.mulf %get3A_420, %gather3A_368 : vector<16xf32>
        %swap3A_422 = arith.index_cast %add3A_366 : i32 to index
        %swap3A_423 = arith.constant 112 : index
        %swap3A_424 = tpu.vector_load %arg15[%swap3A_422, %swap3A_423] {strides = array<i32>} : memref<128x128xf32, #tpu.memory_space<vmem>>, vector<16xf32>,
        tpu.vector_store %arg15[%swap3A_422, %swap3A_423], %mul3A_421 {strides = array<i32>} : memref<128x128xf32, #tpu.memory_space<vmem>>, vector<16xf32>,
        %add3A_425 = arith.constant 5 : i32
        %add3A_426 = arith.addi %add3A_128, %add3A_425 : i32
        %broadcast_in_dim3A_427 = vector.broadcast %add3A_426 : i32 to vector<16xi32>
        %gather3A_428 = tpu.vector_load_idx %arg13[%broadcast_in_dim3A_427] : memref<128xf32, #tpu.memory_space<vmem>>[vector<16xi32>], vector<16xf32>,
        %get3A_429 = arith.index_cast %add3A_426 : i32 to index
        %get3A_430 = arith.constant 0 : index
        %get3A_431 = tpu.vector_load %arg15[%get3A_429, %get3A_430] {strides = array<i32>} : memref<128x128xf32, #tpu.memory_space<vmem>>, vector<16xf32>,
        %mul3A_432 = arith.mulf %get3A_431, %gather3A_428 : vector<16xf32>
        %swap3A_433 = arith.index_cast %add3A_426 : i32 to index
        %swap3A_434 = arith.constant 0 : index
        %swap3A_435 = tpu.vector_load %arg15[%swap3A_433, %swap3A_434] {strides = array<i32>} : memref<128x128xf32, #tpu.memory_space<vmem>>, vector<16xf32>,
        tpu.vector_store %arg15[%swap3A_433, %swap3A_434], %mul3A_432 {strides = array<i32>} : memref<128x128xf32, #tpu.memory_space<vmem>>, vector<16xf32>,
        %get3A_436 = arith.index_cast %add3A_426 : i32 to index
        %get3A_437 = arith.constant 16 : index
        %get3A_438 = tpu.vector_load %arg15[%get3A_436, %get3A_437] {strides = array<i32>} : memref<128x128xf32, #tpu.memory_space<vmem>>, vector<16xf32>,
        %mul3A_439 = arith.mulf %get3A_438, %gather3A_428 : vector<16xf32>
        %swap3A_440 = arith.index_cast %add3A_426 : i32 to index
        %swap3A_441 = arith.constant 16 : index
        %swap3A_442 = tpu.vector_load %arg15[%swap3A_440, %swap3A_441] {strides = array<i32>} : memref<128x128xf32, #tpu.memory_space<vmem>>, vector<16xf32>,
        tpu.vector_store %arg15[%swap3A_440, %swap3A_441], %mul3A_439 {strides = array<i32>} : memref<128x128xf32, #tpu.memory_space<vmem>>, vector<16xf32>,
        %get3A_443 = arith.index_cast %add3A_426 : i32 to index
        %get3A_444 = arith.constant 32 : index
        %get3A_445 = tpu.vector_load %arg15[%get3A_443, %get3A_444] {strides = array<i32>} : memref<128x128xf32, #tpu.memory_space<vmem>>, vector<16xf32>,
        %mul3A_446 = arith.mulf %get3A_445, %gather3A_428 : vector<16xf32>
        %swap3A_447 = arith.index_cast %add3A_426 : i32 to index
        %swap3A_448 = arith.constant 32 : index
        %swap3A_449 = tpu.vector_load %arg15[%swap3A_447, %swap3A_448] {strides = array<i32>} : memref<128x128xf32, #tpu.memory_space<vmem>>, vector<16xf32>,
        tpu.vector_store %arg15[%swap3A_447, %swap3A_448], %mul3A_446 {strides = array<i32>} : memref<128x128xf32, #tpu.memory_space<vmem>>, vector<16xf32>,
        %get3A_450 = arith.index_cast %add3A_426 : i32 to index
        %get3A_451 = arith.constant 48 : index
        %get3A_452 = tpu.vector_load %arg15[%get3A_450, %get3A_451] {strides = array<i32>} : memref<128x128xf32, #tpu.memory_space<vmem>>, vector<16xf32>,
        %mul3A_453 = arith.mulf %get3A_452, %gather3A_428 : vector<16xf32>
        %swap3A_454 = arith.index_cast %add3A_426 : i32 to index
        %swap3A_455 = arith.constant 48 : index
        %swap3A_456 = tpu.vector_load %arg15[%swap3A_454, %swap3A_455] {strides = array<i32>} : memref<128x128xf32, #tpu.memory_space<vmem>>, vector<16xf32>,
        tpu.vector_store %arg15[%swap3A_454, %swap3A_455], %mul3A_453 {strides = array<i32>} : memref<128x128xf32, #tpu.memory_space<vmem>>, vector<16xf32>,
        %get3A_457 = arith.index_cast %add3A_426 : i32 to index
        %get3A_458 = arith.constant 64 : index
        %get3A_459 = tpu.vector_load %arg15[%get3A_457, %get3A_458] {strides = array<i32>} : memref<128x128xf32, #tpu.memory_space<vmem>>, vector<16xf32>,
        %mul3A_460 = arith.mulf %get3A_459, %gather3A_428 : vector<16xf32>
        %swap3A_461 = arith.index_cast %add3A_426 : i32 to index
        %swap3A_462 = arith.constant 64 : index
        %swap3A_463 = tpu.vector_load %arg15[%swap3A_461, %swap3A_462] {strides = array<i32>} : memref<128x128xf32, #tpu.memory_space<vmem>>, vector<16xf32>,
        tpu.vector_store %arg15[%swap3A_461, %swap3A_462], %mul3A_460 {strides = array<i32>} : memref<128x128xf32, #tpu.memory_space<vmem>>, vector<16xf32>,
        %get3A_464 = arith.index_cast %add3A_426 : i32 to index
        %get3A_465 = arith.constant 80 : index
        %get3A_466 = tpu.vector_load %arg15[%get3A_464, %get3A_465] {strides = array<i32>} : memref<128x128xf32, #tpu.memory_space<vmem>>, vector<16xf32>,
        %mul3A_467 = arith.mulf %get3A_466, %gather3A_428 : vector<16xf32>
        %swap3A_468 = arith.index_cast %add3A_426 : i32 to index
        %swap3A_469 = arith.constant 80 : index
        %swap3A_470 = tpu.vector_load %arg15[%swap3A_468, %swap3A_469] {strides = array<i32>} : memref<128x128xf32, #tpu.memory_space<vmem>>, vector<16xf32>,
        tpu.vector_store %arg15[%swap3A_468, %swap3A_469], %mul3A_467 {strides = array<i32>} : memref<128x128xf32, #tpu.memory_space<vmem>>, vector<16xf32>,
        %get3A_471 = arith.index_cast %add3A_426 : i32 to index
        %get3A_472 = arith.constant 96 : index
        %get3A_473 = tpu.vector_load %arg15[%get3A_471, %get3A_472] {strides = array<i32>} : memref<128x128xf32, #tpu.memory_space<vmem>>, vector<16xf32>,
        %mul3A_474 = arith.mulf %get3A_473, %gather3A_428 : vector<16xf32>
        %swap3A_475 = arith.index_cast %add3A_426 : i32 to index
        %swap3A_476 = arith.constant 96 : index
        %swap3A_477 = tpu.vector_load %arg15[%swap3A_475, %swap3A_476] {strides = array<i32>} : memref<128x128xf32, #tpu.memory_space<vmem>>, vector<16xf32>,
        tpu.vector_store %arg15[%swap3A_475, %swap3A_476], %mul3A_474 {strides = array<i32>} : memref<128x128xf32, #tpu.memory_space<vmem>>, vector<16xf32>,
        %get3A_478 = arith.index_cast %add3A_426 : i32 to index
        %get3A_479 = arith.constant 112 : index
        %get3A_480 = tpu.vector_load %arg15[%get3A_478, %get3A_479] {strides = array<i32>} : memref<128x128xf32, #tpu.memory_space<vmem>>, vector<16xf32>,
        %mul3A_481 = arith.mulf %get3A_480, %gather3A_428 : vector<16xf32>
        %swap3A_482 = arith.index_cast %add3A_426 : i32 to index
        %swap3A_483 = arith.constant 112 : index
        %swap3A_484 = tpu.vector_load %arg15[%swap3A_482, %swap3A_483] {strides = array<i32>} : memref<128x128xf32, #tpu.memory_space<vmem>>, vector<16xf32>,
        tpu.vector_store %arg15[%swap3A_482, %swap3A_483], %mul3A_481 {strides = array<i32>} : memref<128x128xf32, #tpu.memory_space<vmem>>, vector<16xf32>,
        %add3A_485 = arith.constant 6 : i32
        %add3A_486 = arith.addi %add3A_128, %add3A_485 : i32
        %broadcast_in_dim3A_487 = vector.broadcast %add3A_486 : i32 to vector<16xi32>
        %gather3A_488 = tpu.vector_load_idx %arg13[%broadcast_in_dim3A_487] : memref<128xf32, #tpu.memory_space<vmem>>[vector<16xi32>], vector<16xf32>,
        %get3A_489 = arith.index_cast %add3A_486 : i32 to index
        %get3A_490 = arith.constant 0 : index
        %get3A_491 = tpu.vector_load %arg15[%get3A_489, %get3A_490] {strides = array<i32>} : memref<128x128xf32, #tpu.memory_space<vmem>>, vector<16xf32>,
        %mul3A_492 = arith.mulf %get3A_491, %gather3A_488 : vector<16xf32>
        %swap3A_493 = arith.index_cast %add3A_486 : i32 to index
        %swap3A_494 = arith.constant 0 : index
        %swap3A_495 = tpu.vector_load %arg15[%swap3A_493, %swap3A_494] {strides = array<i32>} : memref<128x128xf32, #tpu.memory_space<vmem>>, vector<16xf32>,
        tpu.vector_store %arg15[%swap3A_493, %swap3A_494], %mul3A_492 {strides = array<i32>} : memref<128x128xf32, #tpu.memory_space<vmem>>, vector<16xf32>,
        %get3A_496 = arith.index_cast %add3A_486 : i32 to index
        %get3A_497 = arith.constant 16 : index
        %get3A_498 = tpu.vector_load %arg15[%get3A_496, %get3A_497] {strides = array<i32>} : memref<128x128xf32, #tpu.memory_space<vmem>>, vector<16xf32>,
        %mul3A_499 = arith.mulf %get3A_498, %gather3A_488 : vector<16xf32>
        %swap3A_500 = arith.index_cast %add3A_486 : i32 to index
        %swap3A_501 = arith.constant 16 : index
        %swap3A_502 = tpu.vector_load %arg15[%swap3A_500, %swap3A_501] {strides = array<i32>} : memref<128x128xf32, #tpu.memory_space<vmem>>, vector<16xf32>,
        tpu.vector_store %arg15[%swap3A_500, %swap3A_501], %mul3A_499 {strides = array<i32>} : memref<128x128xf32, #tpu.memory_space<vmem>>, vector<16xf32>,
        %get3A_503 = arith.index_cast %add3A_486 : i32 to index
        %get3A_504 = arith.constant 32 : index
        %get3A_505 = tpu.vector_load %arg15[%get3A_503, %get3A_504] {strides = array<i32>} : memref<128x128xf32, #tpu.memory_space<vmem>>, vector<16xf32>,
        %mul3A_506 = arith.mulf %get3A_505, %gather3A_488 : vector<16xf32>
        %swap3A_507 = arith.index_cast %add3A_486 : i32 to index
        %swap3A_508 = arith.constant 32 : index
        %swap3A_509 = tpu.vector_load %arg15[%swap3A_507, %swap3A_508] {strides = array<i32>} : memref<128x128xf32, #tpu.memory_space<vmem>>, vector<16xf32>,
        tpu.vector_store %arg15[%swap3A_507, %swap3A_508], %mul3A_506 {strides = array<i32>} : memref<128x128xf32, #tpu.memory_space<vmem>>, vector<16xf32>,
        %get3A_510 = arith.index_cast %add3A_486 : i32 to index
        %get3A_511 = arith.constant 48 : index
        %get3A_512 = tpu.vector_load %arg15[%get3A_510, %get3A_511] {strides = array<i32>} : memref<128x128xf32, #tpu.memory_space<vmem>>, vector<16xf32>,
        %mul3A_513 = arith.mulf %get3A_512, %gather3A_488 : vector<16xf32>
        %swap3A_514 = arith.index_cast %add3A_486 : i32 to index
        %swap3A_515 = arith.constant 48 : index
        %swap3A_516 = tpu.vector_load %arg15[%swap3A_514, %swap3A_515] {strides = array<i32>} : memref<128x128xf32, #tpu.memory_space<vmem>>, vector<16xf32>,
        tpu.vector_store %arg15[%swap3A_514, %swap3A_515], %mul3A_513 {strides = array<i32>} : memref<128x128xf32, #tpu.memory_space<vmem>>, vector<16xf32>,
        %get3A_517 = arith.index_cast %add3A_486 : i32 to index
        %get3A_518 = arith.constant 64 : index
        %get3A_519 = tpu.vector_load %arg15[%get3A_517, %get3A_518] {strides = array<i32>} : memref<128x128xf32, #tpu.memory_space<vmem>>, vector<16xf32>,
        %mul3A_520 = arith.mulf %get3A_519, %gather3A_488 : vector<16xf32>
        %swap3A_521 = arith.index_cast %add3A_486 : i32 to index
        %swap3A_522 = arith.constant 64 : index
        %swap3A_523 = tpu.vector_load %arg15[%swap3A_521, %swap3A_522] {strides = array<i32>} : memref<128x128xf32, #tpu.memory_space<vmem>>, vector<16xf32>,
        tpu.vector_store %arg15[%swap3A_521, %swap3A_522], %mul3A_520 {strides = array<i32>} : memref<128x128xf32, #tpu.memory_space<vmem>>, vector<16xf32>,
        %get3A_524 = arith.index_cast %add3A_486 : i32 to index
        %get3A_525 = arith.constant 80 : index
        %get3A_526 = tpu.vector_load %arg15[%get3A_524, %get3A_525] {strides = array<i32>} : memref<128x128xf32, #tpu.memory_space<vmem>>, vector<16xf32>,
        %mul3A_527 = arith.mulf %get3A_526, %gather3A_488 : vector<16xf32>
        %swap3A_528 = arith.index_cast %add3A_486 : i32 to index
        %swap3A_529 = arith.constant 80 : index
        %swap3A_530 = tpu.vector_load %arg15[%swap3A_528, %swap3A_529] {strides = array<i32>} : memref<128x128xf32, #tpu.memory_space<vmem>>, vector<16xf32>,
        tpu.vector_store %arg15[%swap3A_528, %swap3A_529], %mul3A_527 {strides = array<i32>} : memref<128x128xf32, #tpu.memory_space<vmem>>, vector<16xf32>,
        %get3A_531 = arith.index_cast %add3A_486 : i32 to index
        %get3A_532 = arith.constant 96 : index
        %get3A_533 = tpu.vector_load %arg15[%get3A_531, %get3A_532] {strides = array<i32>} : memref<128x128xf32, #tpu.memory_space<vmem>>, vector<16xf32>,
        %mul3A_534 = arith.mulf %get3A_533, %gather3A_488 : vector<16xf32>
        %swap3A_535 = arith.index_cast %add3A_486 : i32 to index
        %swap3A_536 = arith.constant 96 : index
        %swap3A_537 = tpu.vector_load %arg15[%swap3A_535, %swap3A_536] {strides = array<i32>} : memref<128x128xf32, #tpu.memory_space<vmem>>, vector<16xf32>,
        tpu.vector_store %arg15[%swap3A_535, %swap3A_536], %mul3A_534 {strides = array<i32>} : memref<128x128xf32, #tpu.memory_space<vmem>>, vector<16xf32>,
        %get3A_538 = arith.index_cast %add3A_486 : i32 to index
        %get3A_539 = arith.constant 112 : index
        %get3A_540 = tpu.vector_load %arg15[%get3A_538, %get3A_539] {strides = array<i32>} : memref<128x128xf32, #tpu.memory_space<vmem>>, vector<16xf32>,
        %mul3A_541 = arith.mulf %get3A_540, %gather3A_488 : vector<16xf32>
        %swap3A_542 = arith.index_cast %add3A_486 : i32 to index
        %swap3A_543 = arith.constant 112 : index
        %swap3A_544 = tpu.vector_load %arg15[%swap3A_542, %swap3A_543] {strides = array<i32>} : memref<128x128xf32, #tpu.memory_space<vmem>>, vector<16xf32>,
        tpu.vector_store %arg15[%swap3A_542, %swap3A_543], %mul3A_541 {strides = array<i32>} : memref<128x128xf32, #tpu.memory_space<vmem>>, vector<16xf32>,
        %add3A_545 = arith.constant 7 : i32
        %add3A_546 = arith.addi %add3A_128, %add3A_545 : i32
        %broadcast_in_dim3A_547 = vector.broadcast %add3A_546 : i32 to vector<16xi32>
        %gather3A_548 = tpu.vector_load_idx %arg13[%broadcast_in_dim3A_547] : memref<128xf32, #tpu.memory_space<vmem>>[vector<16xi32>], vector<16xf32>,
        %get3A_549 = arith.index_cast %add3A_546 : i32 to index
        %get3A_550 = arith.constant 0 : index
        %get3A_551 = tpu.vector_load %arg15[%get3A_549, %get3A_550] {strides = array<i32>} : memref<128x128xf32, #tpu.memory_space<vmem>>, vector<16xf32>,
        %mul3A_552 = arith.mulf %get3A_551, %gather3A_548 : vector<16xf32>
        %swap3A_553 = arith.index_cast %add3A_546 : i32 to index
        %swap3A_554 = arith.constant 0 : index
        %swap3A_555 = tpu.vector_load %arg15[%swap3A_553, %swap3A_554] {strides = array<i32>} : memref<128x128xf32, #tpu.memory_space<vmem>>, vector<16xf32>,
        tpu.vector_store %arg15[%swap3A_553, %swap3A_554], %mul3A_552 {strides = array<i32>} : memref<128x128xf32, #tpu.memory_space<vmem>>, vector<16xf32>,
        %get3A_556 = arith.index_cast %add3A_546 : i32 to index
        %get3A_557 = arith.constant 16 : index
        %get3A_558 = tpu.vector_load %arg15[%get3A_556, %get3A_557] {strides = array<i32>} : memref<128x128xf32, #tpu.memory_space<vmem>>, vector<16xf32>,
        %mul3A_559 = arith.mulf %get3A_558, %gather3A_548 : vector<16xf32>
        %swap3A_560 = arith.index_cast %add3A_546 : i32 to index
        %swap3A_561 = arith.constant 16 : index
        %swap3A_562 = tpu.vector_load %arg15[%swap3A_560, %swap3A_561] {strides = array<i32>} : memref<128x128xf32, #tpu.memory_space<vmem>>, vector<16xf32>,
        tpu.vector_store %arg15[%swap3A_560, %swap3A_561], %mul3A_559 {strides = array<i32>} : memref<128x128xf32, #tpu.memory_space<vmem>>, vector<16xf32>,
        %get3A_563 = arith.index_cast %add3A_546 : i32 to index
        %get3A_564 = arith.constant 32 : index
        %get3A_565 = tpu.vector_load %arg15[%get3A_563, %get3A_564] {strides = array<i32>} : memref<128x128xf32, #tpu.memory_space<vmem>>, vector<16xf32>,
        %mul3A_566 = arith.mulf %get3A_565, %gather3A_548 : vector<16xf32>
        %swap3A_567 = arith.index_cast %add3A_546 : i32 to index
        %swap3A_568 = arith.constant 32 : index
        %swap3A_569 = tpu.vector_load %arg15[%swap3A_567, %swap3A_568] {strides = array<i32>} : memref<128x128xf32, #tpu.memory_space<vmem>>, vector<16xf32>,
        tpu.vector_store %arg15[%swap3A_567, %swap3A_568], %mul3A_566 {strides = array<i32>} : memref<128x128xf32, #tpu.memory_space<vmem>>, vector<16xf32>,
        %get3A_570 = arith.index_cast %add3A_546 : i32 to index
        %get3A_571 = arith.constant 48 : index
        %get3A_572 = tpu.vector_load %arg15[%get3A_570, %get3A_571] {strides = array<i32>} : memref<128x128xf32, #tpu.memory_space<vmem>>, vector<16xf32>,
        %mul3A_573 = arith.mulf %get3A_572, %gather3A_548 : vector<16xf32>
        %swap3A_574 = arith.index_cast %add3A_546 : i32 to index
        %swap3A_575 = arith.constant 48 : index
        %swap3A_576 = tpu.vector_load %arg15[%swap3A_574, %swap3A_575] {strides = array<i32>} : memref<128x128xf32, #tpu.memory_space<vmem>>, vector<16xf32>,
        tpu.vector_store %arg15[%swap3A_574, %swap3A_575], %mul3A_573 {strides = array<i32>} : memref<128x128xf32, #tpu.memory_space<vmem>>, vector<16xf32>,
        %get3A_577 = arith.index_cast %add3A_546 : i32 to index
        %get3A_578 = arith.constant 64 : index
        %get3A_579 = tpu.vector_load %arg15[%get3A_577, %get3A_578] {strides = array<i32>} : memref<128x128xf32, #tpu.memory_space<vmem>>, vector<16xf32>,
        %mul3A_580 = arith.mulf %get3A_579, %gather3A_548 : vector<16xf32>
        %swap3A_581 = arith.index_cast %add3A_546 : i32 to index
        %swap3A_582 = arith.constant 64 : index
        %swap3A_583 = tpu.vector_load %arg15[%swap3A_581, %swap3A_582] {strides = array<i32>} : memref<128x128xf32, #tpu.memory_space<vmem>>, vector<16xf32>,
        tpu.vector_store %arg15[%swap3A_581, %swap3A_582], %mul3A_580 {strides = array<i32>} : memref<128x128xf32, #tpu.memory_space<vmem>>, vector<16xf32>,
        %get3A_584 = arith.index_cast %add3A_546 : i32 to index
        %get3A_585 = arith.constant 80 : index
        %get3A_586 = tpu.vector_load %arg15[%get3A_584, %get3A_585] {strides = array<i32>} : memref<128x128xf32, #tpu.memory_space<vmem>>, vector<16xf32>,
        %mul3A_587 = arith.mulf %get3A_586, %gather3A_548 : vector<16xf32>
        %swap3A_588 = arith.index_cast %add3A_546 : i32 to index
        %swap3A_589 = arith.constant 80 : index
        %swap3A_590 = tpu.vector_load %arg15[%swap3A_588, %swap3A_589] {strides = array<i32>} : memref<128x128xf32, #tpu.memory_space<vmem>>, vector<16xf32>,
        tpu.vector_store %arg15[%swap3A_588, %swap3A_589], %mul3A_587 {strides = array<i32>} : memref<128x128xf32, #tpu.memory_space<vmem>>, vector<16xf32>,
        %get3A_591 = arith.index_cast %add3A_546 : i32 to index
        %get3A_592 = arith.constant 96 : index
        %get3A_593 = tpu.vector_load %arg15[%get3A_591, %get3A_592] {strides = array<i32>} : memref<128x128xf32, #tpu.memory_space<vmem>>, vector<16xf32>,
        %mul3A_594 = arith.mulf %get3A_593, %gather3A_548 : vector<16xf32>
        %swap3A_595 = arith.index_cast %add3A_546 : i32 to index
        %swap3A_596 = arith.constant 96 : index
        %swap3A_597 = tpu.vector_load %arg15[%swap3A_595, %swap3A_596] {strides = array<i32>} : memref<128x128xf32, #tpu.memory_space<vmem>>, vector<16xf32>,
        tpu.vector_store %arg15[%swap3A_595, %swap3A_596], %mul3A_594 {strides = array<i32>} : memref<128x128xf32, #tpu.memory_space<vmem>>, vector<16xf32>,
        %get3A_598 = arith.index_cast %add3A_546 : i32 to index
        %get3A_599 = arith.constant 112 : index
        %get3A_600 = tpu.vector_load %arg15[%get3A_598, %get3A_599] {strides = array<i32>} : memref<128x128xf32, #tpu.memory_space<vmem>>, vector<16xf32>,
        %mul3A_601 = arith.mulf %get3A_600, %gather3A_548 : vector<16xf32>
        %swap3A_602 = arith.index_cast %add3A_546 : i32 to index
        %swap3A_603 = arith.constant 112 : index
        %swap3A_604 = tpu.vector_load %arg15[%swap3A_602, %swap3A_603] {strides = array<i32>} : memref<128x128xf32, #tpu.memory_space<vmem>>, vector<16xf32>,
        tpu.vector_store %arg15[%swap3A_602, %swap3A_603], %mul3A_601 {strides = array<i32>} : memref<128x128xf32, #tpu.memory_space<vmem>>, vector<16xf32>,
      }
      %scan3A_110 = arith.constant 16 : i32
      %dma_wait3A_111 = arith.constant 0 : i32
      %dma_wait3A_112 = arith.constant 0 : i32
      %dma_wait3A_113 = tpu.memref_slice %arg16[%dma_wait3A_111, %dma_wait3A_112] : memref<10000x128xf32, #tpu.memory_space<vmem_shared>> -> memref<10000x128xf32, #tpu.memory_space<vmem_shared>>
      tpu.wait_indirect_dma semaphore(%arg19 : memref<!tpu.dma_semaphore, #tpu.memory_space<semaphore_mem>>) src(%arg14 : memref<128x128xf32, #tpu.memory_space<vmem>>) dst(%dma_wait3A_113 : memref<10000x128xf32, #tpu.memory_space<vmem_shared>>)
      %add3A_114 = arith.constant 64 : i32
      %add3A_115 = arith.addi %add3A_48, %add3A_114 : i32
      %lt3A_116 = arith.constant 2468 : i32
      %lt3A_117 = arith.cmpi slt, %add3A_115, %lt3A_116 : i32
      %convert_element_type3A_118 = arith.extui %lt3A_117 : i1 to i32
      %cond3A_119 = arith.constant 0 : i32
      %cond3A_120 = arith.cmpi ne, %convert_element_type3A_118, %cond3A_119 : i32
      scf.if %cond3A_120 {
        %add3A_124 = arith.constant 64 : i32
        %add3A_125 = arith.addi %add3A_48, %add3A_124 : i32
        "tpu.region"() ({
          %run_scoped3A = tpu.sem_alloc : memref<!tpu.dma_semaphore, #tpu.memory_space<semaphore_mem>>
          %dma_start3A_141 = arith.constant 0 : i32
          %dma_start3A_142 = tpu.memref_slice %arg3[%add3A_125, %dma_start3A_141] : memref<2500x128xi32, #tpu.memory_space<hbm>> -> memref<1x128xi32, #tpu.memory_space<hbm>>
          %dma_start3A_143 = tpu.memref_squeeze %dma_start3A_142 : memref<1x128xi32, #tpu.memory_space<hbm>> -> memref<128xi32, #tpu.memory_space<hbm>>
          %dma_start3A_144 = arith.constant 0 : i32
          %dma_start3A_145 = tpu.memref_slice %arg3[%add3A_125, %dma_start3A_144] : memref<2500x128xi32, #tpu.memory_space<hbm>> -> memref<1x128xi32, #tpu.memory_space<hbm>>
          %dma_start3A_146 = tpu.memref_squeeze %dma_start3A_145 : memref<1x128xi32, #tpu.memory_space<hbm>> -> memref<128xi32, #tpu.memory_space<hbm>>
          tpu.enqueue_dma source(%dma_start3A_146 : memref<128xi32, #tpu.memory_space<hbm>>) target(%arg8 : memref<128xi32, #tpu.memory_space<vmem>>) target_semaphore(%run_scoped3A : memref<!tpu.dma_semaphore, #tpu.memory_space<semaphore_mem>>)
          %dma_wait3A_147 = arith.constant 0 : i32
          %dma_wait3A_148 = tpu.memref_slice %arg3[%add3A_125, %dma_wait3A_147] : memref<2500x128xi32, #tpu.memory_space<hbm>> -> memref<1x128xi32, #tpu.memory_space<hbm>>
          %dma_wait3A_149 = tpu.memref_squeeze %dma_wait3A_148 : memref<1x128xi32, #tpu.memory_space<hbm>> -> memref<128xi32, #tpu.memory_space<hbm>>
          %dma_wait3A_150 = arith.constant 0 : i32
          %dma_wait3A_151 = tpu.memref_slice %arg3[%add3A_125, %dma_wait3A_150] : memref<2500x128xi32, #tpu.memory_space<hbm>> -> memref<1x128xi32, #tpu.memory_space<hbm>>
          %dma_wait3A_152 = tpu.memref_squeeze %dma_wait3A_151 : memref<1x128xi32, #tpu.memory_space<hbm>> -> memref<128xi32, #tpu.memory_space<hbm>>
          tpu.wait_dma2 semaphore(%run_scoped3A : memref<!tpu.dma_semaphore, #tpu.memory_space<semaphore_mem>>) src(%dma_wait3A_152 : memref<128xi32, #tpu.memory_space<hbm>>) dst(%arg8 : memref<128xi32, #tpu.memory_space<vmem>>)
          tpu.yield
        }) : () -> ()
        %dma_start3A_126 = arith.constant 0 : i32
        %dma_start3A_127 = arith.constant 0 : i32
        %dma_start3A_128 = tpu.memref_slice %arg2[%dma_start3A_126, %dma_start3A_127] : memref<10000x128xf32, #tpu.memory_space<hbm>> -> memref<10000x128xf32, #tpu.memory_space<hbm>>
        tpu.enqueue_indirect_dma source(%dma_start3A_128 : memref<10000x128xf32, #tpu.memory_space<hbm>>) target(%arg14 : memref<128x128xf32, #tpu.memory_space<vmem>>) offsets(%arg8 : memref<128xi32, #tpu.memory_space<vmem>>) semaphore(%arg17 : memref<!tpu.dma_semaphore, #tpu.memory_space<semaphore_mem>>)
        %dma_start3A_129 = arith.constant 0 : i32
        %dma_start3A_130 = tpu.memref_slice %arg4[%add3A_125, %dma_start3A_129] : memref<2500x128xi32, #tpu.memory_space<hbm>> -> memref<1x128xi32, #tpu.memory_space<hbm>>
        %dma_start3A_131 = tpu.memref_squeeze %dma_start3A_130 : memref<1x128xi32, #tpu.memory_space<hbm>> -> memref<128xi32, #tpu.memory_space<hbm>>
        %dma_start3A_132 = arith.constant 0 : i32
        %dma_start3A_133 = tpu.memref_slice %arg4[%add3A_125, %dma_start3A_132] : memref<2500x128xi32, #tpu.memory_space<hbm>> -> memref<1x128xi32, #tpu.memory_space<hbm>>
        %dma_start3A_134 = tpu.memref_squeeze %dma_start3A_133 : memref<1x128xi32, #tpu.memory_space<hbm>> -> memref<128xi32, #tpu.memory_space<hbm>>
        tpu.enqueue_dma source(%dma_start3A_134 : memref<128xi32, #tpu.memory_space<hbm>>) target(%arg9 : memref<128xi32, #tpu.memory_space<vmem>>) target_semaphore(%arg21 : memref<!tpu.dma_semaphore, #tpu.memory_space<semaphore_mem>>)
        %dma_start3A_135 = arith.constant 0 : i32
        %dma_start3A_136 = tpu.memref_slice %arg5[%add3A_125, %dma_start3A_135] : memref<2500x128xf32, #tpu.memory_space<hbm>> -> memref<1x128xf32, #tpu.memory_space<hbm>>
        %dma_start3A_137 = tpu.memref_squeeze %dma_start3A_136 : memref<1x128xf32, #tpu.memory_space<hbm>> -> memref<128xf32, #tpu.memory_space<hbm>>
        %dma_start3A_138 = arith.constant 0 : i32
        %dma_start3A_139 = tpu.memref_slice %arg5[%add3A_125, %dma_start3A_138] : memref<2500x128xf32, #tpu.memory_space<hbm>> -> memref<1x128xf32, #tpu.memory_space<hbm>>
        %dma_start3A_140 = tpu.memref_squeeze %dma_start3A_139 : memref<1x128xf32, #tpu.memory_space<hbm>> -> memref<128xf32, #tpu.memory_space<hbm>>
        tpu.enqueue_dma source(%dma_start3A_140 : memref<128xf32, #tpu.memory_space<hbm>>) target(%arg10 : memref<128xf32, #tpu.memory_space<vmem>>) target_semaphore(%arg21 : memref<!tpu.dma_semaphore, #tpu.memory_space<semaphore_mem>>)
      } else {
      }
      %dma_start3A_121 = arith.constant 0 : i32
      %dma_start3A_122 = arith.constant 0 : i32
      %dma_start3A_123 = tpu.memref_slice %arg16[%dma_start3A_121, %dma_start3A_122] : memref<10000x128xf32, #tpu.memory_space<vmem_shared>> -> memref<10000x128xf32, #tpu.memory_space<vmem_shared>>
      tpu.enqueue_indirect_dma source(%arg15 : memref<128x128xf32, #tpu.memory_space<vmem>>) target(%dma_start3A_123 : memref<10000x128xf32, #tpu.memory_space<vmem_shared>>) offsets(%arg12 : memref<128xi32, #tpu.memory_space<vmem>>) semaphore(%arg20 : memref<!tpu.dma_semaphore, #tpu.memory_space<semaphore_mem>>) {add = true}
    }
    %dma_wait3A = arith.constant 0 : i32
    %dma_wait3A_34 = arith.constant 0 : i32
    %dma_wait3A_35 = tpu.memref_slice %arg16[%dma_wait3A, %dma_wait3A_34] : memref<10000x128xf32, #tpu.memory_space<vmem_shared>> -> memref<10000x128xf32, #tpu.memory_space<vmem_shared>>
    tpu.wait_indirect_dma semaphore(%arg20 : memref<!tpu.dma_semaphore, #tpu.memory_space<semaphore_mem>>) src(%arg15 : memref<128x128xf32, #tpu.memory_space<vmem>>) dst(%dma_wait3A_35 : memref<10000x128xf32, #tpu.memory_space<vmem_shared>>)
    %lt3A = arith.constant 4 : i32
    %lt3A_36 = arith.cmpi slt, %add3A, %lt3A : i32
    %convert_element_type3A_37 = arith.extui %lt3A_36 : i1 to i32
    %cond3A_38 = arith.constant 0 : i32
    %cond3A_39 = arith.cmpi ne, %convert_element_type3A_37, %cond3A_38 : i32
    scf.if %cond3A_39 {
      %add3A_46 = arith.constant 2496 : i32
      %add3A_47 = arith.addi %add3A_46, %add3A : i32
      "tpu.region"() ({
        %run_scoped3A = tpu.sem_alloc : memref<!tpu.dma_semaphore, #tpu.memory_space<semaphore_mem>>
        %dma_start3A_58 = arith.constant 0 : i32
        %dma_start3A_59 = tpu.memref_slice %arg3[%add3A_47, %dma_start3A_58] : memref<2500x128xi32, #tpu.memory_space<hbm>> -> memref<1x128xi32, #tpu.memory_space<hbm>>
        %dma_start3A_60 = tpu.memref_squeeze %dma_start3A_59 : memref<1x128xi32, #tpu.memory_space<hbm>> -> memref<128xi32, #tpu.memory_space<hbm>>
        %dma_start3A_61 = arith.constant 0 : i32
        %dma_start3A_62 = tpu.memref_slice %arg3[%add3A_47, %dma_start3A_61] : memref<2500x128xi32, #tpu.memory_space<hbm>> -> memref<1x128xi32, #tpu.memory_space<hbm>>
        %dma_start3A_63 = tpu.memref_squeeze %dma_start3A_62 : memref<1x128xi32, #tpu.memory_space<hbm>> -> memref<128xi32, #tpu.memory_space<hbm>>
        tpu.enqueue_dma source(%dma_start3A_63 : memref<128xi32, #tpu.memory_space<hbm>>) target(%arg8 : memref<128xi32, #tpu.memory_space<vmem>>) target_semaphore(%run_scoped3A : memref<!tpu.dma_semaphore, #tpu.memory_space<semaphore_mem>>)
        %dma_wait3A_64 = arith.constant 0 : i32
        %dma_wait3A_65 = tpu.memref_slice %arg3[%add3A_47, %dma_wait3A_64] : memref<2500x128xi32, #tpu.memory_space<hbm>> -> memref<1x128xi32, #tpu.memory_space<hbm>>
        %dma_wait3A_66 = tpu.memref_squeeze %dma_wait3A_65 : memref<1x128xi32, #tpu.memory_space<hbm>> -> memref<128xi32, #tpu.memory_space<hbm>>
        %dma_wait3A_67 = arith.constant 0 : i32
        %dma_wait3A_68 = tpu.memref_slice %arg3[%add3A_47, %dma_wait3A_67] : memref<2500x128xi32, #tpu.memory_space<hbm>> -> memref<1x128xi32, #tpu.memory_space<hbm>>
        %dma_wait3A_69 = tpu.memref_squeeze %dma_wait3A_68 : memref<1x128xi32, #tpu.memory_space<hbm>> -> memref<128xi32, #tpu.memory_space<hbm>>
        tpu.wait_dma2 semaphore(%run_scoped3A : memref<!tpu.dma_semaphore, #tpu.memory_space<semaphore_mem>>) src(%dma_wait3A_69 : memref<128xi32, #tpu.memory_space<hbm>>) dst(%arg8 : memref<128xi32, #tpu.memory_space<vmem>>)
        tpu.yield
      }) : () -> ()
      "tpu.region"() ({
        %run_scoped3A = tpu.sem_alloc : memref<!tpu.dma_semaphore, #tpu.memory_space<semaphore_mem>>
        %dma_start3A_58 = arith.constant 0 : i32
        %dma_start3A_59 = tpu.memref_slice %arg4[%add3A_47, %dma_start3A_58] : memref<2500x128xi32, #tpu.memory_space<hbm>> -> memref<1x128xi32, #tpu.memory_space<hbm>>
        %dma_start3A_60 = tpu.memref_squeeze %dma_start3A_59 : memref<1x128xi32, #tpu.memory_space<hbm>> -> memref<128xi32, #tpu.memory_space<hbm>>
        %dma_start3A_61 = arith.constant 0 : i32
        %dma_start3A_62 = tpu.memref_slice %arg4[%add3A_47, %dma_start3A_61] : memref<2500x128xi32, #tpu.memory_space<hbm>> -> memref<1x128xi32, #tpu.memory_space<hbm>>
        %dma_start3A_63 = tpu.memref_squeeze %dma_start3A_62 : memref<1x128xi32, #tpu.memory_space<hbm>> -> memref<128xi32, #tpu.memory_space<hbm>>
        tpu.enqueue_dma source(%dma_start3A_63 : memref<128xi32, #tpu.memory_space<hbm>>) target(%arg9 : memref<128xi32, #tpu.memory_space<vmem>>) target_semaphore(%run_scoped3A : memref<!tpu.dma_semaphore, #tpu.memory_space<semaphore_mem>>)
        %dma_wait3A_64 = arith.constant 0 : i32
        %dma_wait3A_65 = tpu.memref_slice %arg4[%add3A_47, %dma_wait3A_64] : memref<2500x128xi32, #tpu.memory_space<hbm>> -> memref<1x128xi32, #tpu.memory_space<hbm>>
        %dma_wait3A_66 = tpu.memref_squeeze %dma_wait3A_65 : memref<1x128xi32, #tpu.memory_space<hbm>> -> memref<128xi32, #tpu.memory_space<hbm>>
        %dma_wait3A_67 = arith.constant 0 : i32
        %dma_wait3A_68 = tpu.memref_slice %arg4[%add3A_47, %dma_wait3A_67] : memref<2500x128xi32, #tpu.memory_space<hbm>> -> memref<1x128xi32, #tpu.memory_space<hbm>>
        %dma_wait3A_69 = tpu.memref_squeeze %dma_wait3A_68 : memref<1x128xi32, #tpu.memory_space<hbm>> -> memref<128xi32, #tpu.memory_space<hbm>>
        tpu.wait_dma2 semaphore(%run_scoped3A : memref<!tpu.dma_semaphore, #tpu.memory_space<semaphore_mem>>) src(%dma_wait3A_69 : memref<128xi32, #tpu.memory_space<hbm>>) dst(%arg9 : memref<128xi32, #tpu.memory_space<vmem>>)
        tpu.yield
      }) : () -> ()
      "tpu.region"() ({
        %run_scoped3A = tpu.sem_alloc : memref<!tpu.dma_semaphore, #tpu.memory_space<semaphore_mem>>
        %dma_start3A_58 = arith.constant 0 : i32
        %dma_start3A_59 = tpu.memref_slice %arg5[%add3A_47, %dma_start3A_58] : memref<2500x128xf32, #tpu.memory_space<hbm>> -> memref<1x128xf32, #tpu.memory_space<hbm>>
        %dma_start3A_60 = tpu.memref_squeeze %dma_start3A_59 : memref<1x128xf32, #tpu.memory_space<hbm>> -> memref<128xf32, #tpu.memory_space<hbm>>
        %dma_start3A_61 = arith.constant 0 : i32
        %dma_start3A_62 = tpu.memref_slice %arg5[%add3A_47, %dma_start3A_61] : memref<2500x128xf32, #tpu.memory_space<hbm>> -> memref<1x128xf32, #tpu.memory_space<hbm>>
        %dma_start3A_63 = tpu.memref_squeeze %dma_start3A_62 : memref<1x128xf32, #tpu.memory_space<hbm>> -> memref<128xf32, #tpu.memory_space<hbm>>
        tpu.enqueue_dma source(%dma_start3A_63 : memref<128xf32, #tpu.memory_space<hbm>>) target(%arg10 : memref<128xf32, #tpu.memory_space<vmem>>) target_semaphore(%run_scoped3A : memref<!tpu.dma_semaphore, #tpu.memory_space<semaphore_mem>>)
        %dma_wait3A_64 = arith.constant 0 : i32
        %dma_wait3A_65 = tpu.memref_slice %arg5[%add3A_47, %dma_wait3A_64] : memref<2500x128xf32, #tpu.memory_space<hbm>> -> memref<1x128xf32, #tpu.memory_space<hbm>>
        %dma_wait3A_66 = tpu.memref_squeeze %dma_wait3A_65 : memref<1x128xf32, #tpu.memory_space<hbm>> -> memref<128xf32, #tpu.memory_space<hbm>>
        %dma_wait3A_67 = arith.constant 0 : i32
        %dma_wait3A_68 = tpu.memref_slice %arg5[%add3A_47, %dma_wait3A_67] : memref<2500x128xf32, #tpu.memory_space<hbm>> -> memref<1x128xf32, #tpu.memory_space<hbm>>
        %dma_wait3A_69 = tpu.memref_squeeze %dma_wait3A_68 : memref<1x128xf32, #tpu.memory_space<hbm>> -> memref<128xf32, #tpu.memory_space<hbm>>
        tpu.wait_dma2 semaphore(%run_scoped3A : memref<!tpu.dma_semaphore, #tpu.memory_space<semaphore_mem>>) src(%dma_wait3A_69 : memref<128xf32, #tpu.memory_space<hbm>>) dst(%arg10 : memref<128xf32, #tpu.memory_space<vmem>>)
        tpu.yield
      }) : () -> ()
      %dma_start3A_48 = arith.constant 0 : i32
      %dma_start3A_49 = arith.constant 0 : i32
      %dma_start3A_50 = tpu.memref_slice %arg2[%dma_start3A_48, %dma_start3A_49] : memref<10000x128xf32, #tpu.memory_space<hbm>> -> memref<10000x128xf32, #tpu.memory_space<hbm>>
      tpu.enqueue_indirect_dma source(%dma_start3A_50 : memref<10000x128xf32, #tpu.memory_space<hbm>>) target(%arg14 : memref<128x128xf32, #tpu.memory_space<vmem>>) offsets(%arg8 : memref<128xi32, #tpu.memory_space<vmem>>) semaphore(%arg17 : memref<!tpu.dma_semaphore, #tpu.memory_space<semaphore_mem>>)
      %dma_wait3A_51 = arith.constant 0 : i32
      %dma_wait3A_52 = arith.constant 0 : i32
      %dma_wait3A_53 = tpu.memref_slice %arg2[%dma_wait3A_51, %dma_wait3A_52] : memref<10000x128xf32, #tpu.memory_space<hbm>> -> memref<10000x128xf32, #tpu.memory_space<hbm>>
      tpu.wait_indirect_dma semaphore(%arg17 : memref<!tpu.dma_semaphore, #tpu.memory_space<semaphore_mem>>) src(%dma_wait3A_53 : memref<10000x128xf32, #tpu.memory_space<hbm>>) dst(%arg14 : memref<128x128xf32, #tpu.memory_space<vmem>>)
      %scan3A = arith.constant 0 : i32
      %scan3A_54 = arith.constant 16 : i32
      %scan3A_55 = arith.addi %scan3A, %scan3A_54 : i32
      %scan3A_56 = arith.constant 1 : i32
      scf.for %scan3A_58 = %scan3A to %scan3A_55 step %scan3A_56  : i32 {
        %mul3A_59 = arith.constant 8 : i32
        %mul3A_60 = arith.muli %scan3A_58, %mul3A_59 : i32
        %add3A_61 = arith.constant 0 : i32
        %add3A_62 = arith.addi %add3A_61, %mul3A_60 : i32
        %add3A_63 = arith.constant 0 : i32
        %add3A_64 = arith.addi %add3A_62, %add3A_63 : i32
        %broadcast_in_dim3A = vector.broadcast %add3A_64 : i32 to vector<16xi32>
        %gather3A = tpu.vector_load_idx %arg10[%broadcast_in_dim3A] : memref<128xf32, #tpu.memory_space<vmem>>[vector<16xi32>], vector<16xf32>,
        %get3A = arith.index_cast %add3A_64 : i32 to index
        %get3A_65 = arith.constant 0 : index
        %get3A_66 = tpu.vector_load %arg14[%get3A, %get3A_65] {strides = array<i32>} : memref<128x128xf32, #tpu.memory_space<vmem>>, vector<16xf32>,
        %mul3A_67 = arith.mulf %get3A_66, %gather3A : vector<16xf32>
        %swap3A = arith.index_cast %add3A_64 : i32 to index
        %swap3A_68 = arith.constant 0 : index
        %swap3A_69 = tpu.vector_load %arg14[%swap3A, %swap3A_68] {strides = array<i32>} : memref<128x128xf32, #tpu.memory_space<vmem>>, vector<16xf32>,
        tpu.vector_store %arg14[%swap3A, %swap3A_68], %mul3A_67 {strides = array<i32>} : memref<128x128xf32, #tpu.memory_space<vmem>>, vector<16xf32>,
        %get3A_70 = arith.index_cast %add3A_64 : i32 to index
        %get3A_71 = arith.constant 16 : index
        %get3A_72 = tpu.vector_load %arg14[%get3A_70, %get3A_71] {strides = array<i32>} : memref<128x128xf32, #tpu.memory_space<vmem>>, vector<16xf32>,
        %mul3A_73 = arith.mulf %get3A_72, %gather3A : vector<16xf32>
        %swap3A_74 = arith.index_cast %add3A_64 : i32 to index
        %swap3A_75 = arith.constant 16 : index
        %swap3A_76 = tpu.vector_load %arg14[%swap3A_74, %swap3A_75] {strides = array<i32>} : memref<128x128xf32, #tpu.memory_space<vmem>>, vector<16xf32>,
        tpu.vector_store %arg14[%swap3A_74, %swap3A_75], %mul3A_73 {strides = array<i32>} : memref<128x128xf32, #tpu.memory_space<vmem>>, vector<16xf32>,
        %get3A_77 = arith.index_cast %add3A_64 : i32 to index
        %get3A_78 = arith.constant 32 : index
        %get3A_79 = tpu.vector_load %arg14[%get3A_77, %get3A_78] {strides = array<i32>} : memref<128x128xf32, #tpu.memory_space<vmem>>, vector<16xf32>,
        %mul3A_80 = arith.mulf %get3A_79, %gather3A : vector<16xf32>
        %swap3A_81 = arith.index_cast %add3A_64 : i32 to index
        %swap3A_82 = arith.constant 32 : index
        %swap3A_83 = tpu.vector_load %arg14[%swap3A_81, %swap3A_82] {strides = array<i32>} : memref<128x128xf32, #tpu.memory_space<vmem>>, vector<16xf32>,
        tpu.vector_store %arg14[%swap3A_81, %swap3A_82], %mul3A_80 {strides = array<i32>} : memref<128x128xf32, #tpu.memory_space<vmem>>, vector<16xf32>,
        %get3A_84 = arith.index_cast %add3A_64 : i32 to index
        %get3A_85 = arith.constant 48 : index
        %get3A_86 = tpu.vector_load %arg14[%get3A_84, %get3A_85] {strides = array<i32>} : memref<128x128xf32, #tpu.memory_space<vmem>>, vector<16xf32>,
        %mul3A_87 = arith.mulf %get3A_86, %gather3A : vector<16xf32>
        %swap3A_88 = arith.index_cast %add3A_64 : i32 to index
        %swap3A_89 = arith.constant 48 : index
        %swap3A_90 = tpu.vector_load %arg14[%swap3A_88, %swap3A_89] {strides = array<i32>} : memref<128x128xf32, #tpu.memory_space<vmem>>, vector<16xf32>,
        tpu.vector_store %arg14[%swap3A_88, %swap3A_89], %mul3A_87 {strides = array<i32>} : memref<128x128xf32, #tpu.memory_space<vmem>>, vector<16xf32>,
        %get3A_91 = arith.index_cast %add3A_64 : i32 to index
        %get3A_92 = arith.constant 64 : index
        %get3A_93 = tpu.vector_load %arg14[%get3A_91, %get3A_92] {strides = array<i32>} : memref<128x128xf32, #tpu.memory_space<vmem>>, vector<16xf32>,
        %mul3A_94 = arith.mulf %get3A_93, %gather3A : vector<16xf32>
        %swap3A_95 = arith.index_cast %add3A_64 : i32 to index
        %swap3A_96 = arith.constant 64 : index
        %swap3A_97 = tpu.vector_load %arg14[%swap3A_95, %swap3A_96] {strides = array<i32>} : memref<128x128xf32, #tpu.memory_space<vmem>>, vector<16xf32>,
        tpu.vector_store %arg14[%swap3A_95, %swap3A_96], %mul3A_94 {strides = array<i32>} : memref<128x128xf32, #tpu.memory_space<vmem>>, vector<16xf32>,
        %get3A_98 = arith.index_cast %add3A_64 : i32 to index
        %get3A_99 = arith.constant 80 : index
        %get3A_100 = tpu.vector_load %arg14[%get3A_98, %get3A_99] {strides = array<i32>} : memref<128x128xf32, #tpu.memory_space<vmem>>, vector<16xf32>,
        %mul3A_101 = arith.mulf %get3A_100, %gather3A : vector<16xf32>
        %swap3A_102 = arith.index_cast %add3A_64 : i32 to index
        %swap3A_103 = arith.constant 80 : index
        %swap3A_104 = tpu.vector_load %arg14[%swap3A_102, %swap3A_103] {strides = array<i32>} : memref<128x128xf32, #tpu.memory_space<vmem>>, vector<16xf32>,
        tpu.vector_store %arg14[%swap3A_102, %swap3A_103], %mul3A_101 {strides = array<i32>} : memref<128x128xf32, #tpu.memory_space<vmem>>, vector<16xf32>,
        %get3A_105 = arith.index_cast %add3A_64 : i32 to index
        %get3A_106 = arith.constant 96 : index
        %get3A_107 = tpu.vector_load %arg14[%get3A_105, %get3A_106] {strides = array<i32>} : memref<128x128xf32, #tpu.memory_space<vmem>>, vector<16xf32>,
        %mul3A_108 = arith.mulf %get3A_107, %gather3A : vector<16xf32>
        %swap3A_109 = arith.index_cast %add3A_64 : i32 to index
        %swap3A_110 = arith.constant 96 : index
        %swap3A_111 = tpu.vector_load %arg14[%swap3A_109, %swap3A_110] {strides = array<i32>} : memref<128x128xf32, #tpu.memory_space<vmem>>, vector<16xf32>,
        tpu.vector_store %arg14[%swap3A_109, %swap3A_110], %mul3A_108 {strides = array<i32>} : memref<128x128xf32, #tpu.memory_space<vmem>>, vector<16xf32>,
        %get3A_112 = arith.index_cast %add3A_64 : i32 to index
        %get3A_113 = arith.constant 112 : index
        %get3A_114 = tpu.vector_load %arg14[%get3A_112, %get3A_113] {strides = array<i32>} : memref<128x128xf32, #tpu.memory_space<vmem>>, vector<16xf32>,
        %mul3A_115 = arith.mulf %get3A_114, %gather3A : vector<16xf32>
        %swap3A_116 = arith.index_cast %add3A_64 : i32 to index
        %swap3A_117 = arith.constant 112 : index
        %swap3A_118 = tpu.vector_load %arg14[%swap3A_116, %swap3A_117] {strides = array<i32>} : memref<128x128xf32, #tpu.memory_space<vmem>>, vector<16xf32>,
        tpu.vector_store %arg14[%swap3A_116, %swap3A_117], %mul3A_115 {strides = array<i32>} : memref<128x128xf32, #tpu.memory_space<vmem>>, vector<16xf32>,
        %add3A_119 = arith.constant 1 : i32
        %add3A_120 = arith.addi %add3A_62, %add3A_119 : i32
        %broadcast_in_dim3A_121 = vector.broadcast %add3A_120 : i32 to vector<16xi32>
        %gather3A_122 = tpu.vector_load_idx %arg10[%broadcast_in_dim3A_121] : memref<128xf32, #tpu.memory_space<vmem>>[vector<16xi32>], vector<16xf32>,
        %get3A_123 = arith.index_cast %add3A_120 : i32 to index
        %get3A_124 = arith.constant 0 : index
        %get3A_125 = tpu.vector_load %arg14[%get3A_123, %get3A_124] {strides = array<i32>} : memref<128x128xf32, #tpu.memory_space<vmem>>, vector<16xf32>,
        %mul3A_126 = arith.mulf %get3A_125, %gather3A_122 : vector<16xf32>
        %swap3A_127 = arith.index_cast %add3A_120 : i32 to index
        %swap3A_128 = arith.constant 0 : index
        %swap3A_129 = tpu.vector_load %arg14[%swap3A_127, %swap3A_128] {strides = array<i32>} : memref<128x128xf32, #tpu.memory_space<vmem>>, vector<16xf32>,
        tpu.vector_store %arg14[%swap3A_127, %swap3A_128], %mul3A_126 {strides = array<i32>} : memref<128x128xf32, #tpu.memory_space<vmem>>, vector<16xf32>,
        %get3A_130 = arith.index_cast %add3A_120 : i32 to index
        %get3A_131 = arith.constant 16 : index
        %get3A_132 = tpu.vector_load %arg14[%get3A_130, %get3A_131] {strides = array<i32>} : memref<128x128xf32, #tpu.memory_space<vmem>>, vector<16xf32>,
        %mul3A_133 = arith.mulf %get3A_132, %gather3A_122 : vector<16xf32>
        %swap3A_134 = arith.index_cast %add3A_120 : i32 to index
        %swap3A_135 = arith.constant 16 : index
        %swap3A_136 = tpu.vector_load %arg14[%swap3A_134, %swap3A_135] {strides = array<i32>} : memref<128x128xf32, #tpu.memory_space<vmem>>, vector<16xf32>,
        tpu.vector_store %arg14[%swap3A_134, %swap3A_135], %mul3A_133 {strides = array<i32>} : memref<128x128xf32, #tpu.memory_space<vmem>>, vector<16xf32>,
        %get3A_137 = arith.index_cast %add3A_120 : i32 to index
        %get3A_138 = arith.constant 32 : index
        %get3A_139 = tpu.vector_load %arg14[%get3A_137, %get3A_138] {strides = array<i32>} : memref<128x128xf32, #tpu.memory_space<vmem>>, vector<16xf32>,
        %mul3A_140 = arith.mulf %get3A_139, %gather3A_122 : vector<16xf32>
        %swap3A_141 = arith.index_cast %add3A_120 : i32 to index
        %swap3A_142 = arith.constant 32 : index
        %swap3A_143 = tpu.vector_load %arg14[%swap3A_141, %swap3A_142] {strides = array<i32>} : memref<128x128xf32, #tpu.memory_space<vmem>>, vector<16xf32>,
        tpu.vector_store %arg14[%swap3A_141, %swap3A_142], %mul3A_140 {strides = array<i32>} : memref<128x128xf32, #tpu.memory_space<vmem>>, vector<16xf32>,
        %get3A_144 = arith.index_cast %add3A_120 : i32 to index
        %get3A_145 = arith.constant 48 : index
        %get3A_146 = tpu.vector_load %arg14[%get3A_144, %get3A_145] {strides = array<i32>} : memref<128x128xf32, #tpu.memory_space<vmem>>, vector<16xf32>,
        %mul3A_147 = arith.mulf %get3A_146, %gather3A_122 : vector<16xf32>
        %swap3A_148 = arith.index_cast %add3A_120 : i32 to index
        %swap3A_149 = arith.constant 48 : index
        %swap3A_150 = tpu.vector_load %arg14[%swap3A_148, %swap3A_149] {strides = array<i32>} : memref<128x128xf32, #tpu.memory_space<vmem>>, vector<16xf32>,
        tpu.vector_store %arg14[%swap3A_148, %swap3A_149], %mul3A_147 {strides = array<i32>} : memref<128x128xf32, #tpu.memory_space<vmem>>, vector<16xf32>,
        %get3A_151 = arith.index_cast %add3A_120 : i32 to index
        %get3A_152 = arith.constant 64 : index
        %get3A_153 = tpu.vector_load %arg14[%get3A_151, %get3A_152] {strides = array<i32>} : memref<128x128xf32, #tpu.memory_space<vmem>>, vector<16xf32>,
        %mul3A_154 = arith.mulf %get3A_153, %gather3A_122 : vector<16xf32>
        %swap3A_155 = arith.index_cast %add3A_120 : i32 to index
        %swap3A_156 = arith.constant 64 : index
        %swap3A_157 = tpu.vector_load %arg14[%swap3A_155, %swap3A_156] {strides = array<i32>} : memref<128x128xf32, #tpu.memory_space<vmem>>, vector<16xf32>,
        tpu.vector_store %arg14[%swap3A_155, %swap3A_156], %mul3A_154 {strides = array<i32>} : memref<128x128xf32, #tpu.memory_space<vmem>>, vector<16xf32>,
        %get3A_158 = arith.index_cast %add3A_120 : i32 to index
        %get3A_159 = arith.constant 80 : index
        %get3A_160 = tpu.vector_load %arg14[%get3A_158, %get3A_159] {strides = array<i32>} : memref<128x128xf32, #tpu.memory_space<vmem>>, vector<16xf32>,
        %mul3A_161 = arith.mulf %get3A_160, %gather3A_122 : vector<16xf32>
        %swap3A_162 = arith.index_cast %add3A_120 : i32 to index
        %swap3A_163 = arith.constant 80 : index
        %swap3A_164 = tpu.vector_load %arg14[%swap3A_162, %swap3A_163] {strides = array<i32>} : memref<128x128xf32, #tpu.memory_space<vmem>>, vector<16xf32>,
        tpu.vector_store %arg14[%swap3A_162, %swap3A_163], %mul3A_161 {strides = array<i32>} : memref<128x128xf32, #tpu.memory_space<vmem>>, vector<16xf32>,
        %get3A_165 = arith.index_cast %add3A_120 : i32 to index
        %get3A_166 = arith.constant 96 : index
        %get3A_167 = tpu.vector_load %arg14[%get3A_165, %get3A_166] {strides = array<i32>} : memref<128x128xf32, #tpu.memory_space<vmem>>, vector<16xf32>,
        %mul3A_168 = arith.mulf %get3A_167, %gather3A_122 : vector<16xf32>
        %swap3A_169 = arith.index_cast %add3A_120 : i32 to index
        %swap3A_170 = arith.constant 96 : index
        %swap3A_171 = tpu.vector_load %arg14[%swap3A_169, %swap3A_170] {strides = array<i32>} : memref<128x128xf32, #tpu.memory_space<vmem>>, vector<16xf32>,
        tpu.vector_store %arg14[%swap3A_169, %swap3A_170], %mul3A_168 {strides = array<i32>} : memref<128x128xf32, #tpu.memory_space<vmem>>, vector<16xf32>,
        %get3A_172 = arith.index_cast %add3A_120 : i32 to index
        %get3A_173 = arith.constant 112 : index
        %get3A_174 = tpu.vector_load %arg14[%get3A_172, %get3A_173] {strides = array<i32>} : memref<128x128xf32, #tpu.memory_space<vmem>>, vector<16xf32>,
        %mul3A_175 = arith.mulf %get3A_174, %gather3A_122 : vector<16xf32>
        %swap3A_176 = arith.index_cast %add3A_120 : i32 to index
        %swap3A_177 = arith.constant 112 : index
        %swap3A_178 = tpu.vector_load %arg14[%swap3A_176, %swap3A_177] {strides = array<i32>} : memref<128x128xf32, #tpu.memory_space<vmem>>, vector<16xf32>,
        tpu.vector_store %arg14[%swap3A_176, %swap3A_177], %mul3A_175 {strides = array<i32>} : memref<128x128xf32, #tpu.memory_space<vmem>>, vector<16xf32>,
        %add3A_179 = arith.constant 2 : i32
        %add3A_180 = arith.addi %add3A_62, %add3A_179 : i32
        %broadcast_in_dim3A_181 = vector.broadcast %add3A_180 : i32 to vector<16xi32>
        %gather3A_182 = tpu.vector_load_idx %arg10[%broadcast_in_dim3A_181] : memref<128xf32, #tpu.memory_space<vmem>>[vector<16xi32>], vector<16xf32>,
        %get3A_183 = arith.index_cast %add3A_180 : i32 to index
        %get3A_184 = arith.constant 0 : index
        %get3A_185 = tpu.vector_load %arg14[%get3A_183, %get3A_184] {strides = array<i32>} : memref<128x128xf32, #tpu.memory_space<vmem>>, vector<16xf32>,
        %mul3A_186 = arith.mulf %get3A_185, %gather3A_182 : vector<16xf32>
        %swap3A_187 = arith.index_cast %add3A_180 : i32 to index
        %swap3A_188 = arith.constant 0 : index
        %swap3A_189 = tpu.vector_load %arg14[%swap3A_187, %swap3A_188] {strides = array<i32>} : memref<128x128xf32, #tpu.memory_space<vmem>>, vector<16xf32>,
        tpu.vector_store %arg14[%swap3A_187, %swap3A_188], %mul3A_186 {strides = array<i32>} : memref<128x128xf32, #tpu.memory_space<vmem>>, vector<16xf32>,
        %get3A_190 = arith.index_cast %add3A_180 : i32 to index
        %get3A_191 = arith.constant 16 : index
        %get3A_192 = tpu.vector_load %arg14[%get3A_190, %get3A_191] {strides = array<i32>} : memref<128x128xf32, #tpu.memory_space<vmem>>, vector<16xf32>,
        %mul3A_193 = arith.mulf %get3A_192, %gather3A_182 : vector<16xf32>
        %swap3A_194 = arith.index_cast %add3A_180 : i32 to index
        %swap3A_195 = arith.constant 16 : index
        %swap3A_196 = tpu.vector_load %arg14[%swap3A_194, %swap3A_195] {strides = array<i32>} : memref<128x128xf32, #tpu.memory_space<vmem>>, vector<16xf32>,
        tpu.vector_store %arg14[%swap3A_194, %swap3A_195], %mul3A_193 {strides = array<i32>} : memref<128x128xf32, #tpu.memory_space<vmem>>, vector<16xf32>,
        %get3A_197 = arith.index_cast %add3A_180 : i32 to index
        %get3A_198 = arith.constant 32 : index
        %get3A_199 = tpu.vector_load %arg14[%get3A_197, %get3A_198] {strides = array<i32>} : memref<128x128xf32, #tpu.memory_space<vmem>>, vector<16xf32>,
        %mul3A_200 = arith.mulf %get3A_199, %gather3A_182 : vector<16xf32>
        %swap3A_201 = arith.index_cast %add3A_180 : i32 to index
        %swap3A_202 = arith.constant 32 : index
        %swap3A_203 = tpu.vector_load %arg14[%swap3A_201, %swap3A_202] {strides = array<i32>} : memref<128x128xf32, #tpu.memory_space<vmem>>, vector<16xf32>,
        tpu.vector_store %arg14[%swap3A_201, %swap3A_202], %mul3A_200 {strides = array<i32>} : memref<128x128xf32, #tpu.memory_space<vmem>>, vector<16xf32>,
        %get3A_204 = arith.index_cast %add3A_180 : i32 to index
        %get3A_205 = arith.constant 48 : index
        %get3A_206 = tpu.vector_load %arg14[%get3A_204, %get3A_205] {strides = array<i32>} : memref<128x128xf32, #tpu.memory_space<vmem>>, vector<16xf32>,
        %mul3A_207 = arith.mulf %get3A_206, %gather3A_182 : vector<16xf32>
        %swap3A_208 = arith.index_cast %add3A_180 : i32 to index
        %swap3A_209 = arith.constant 48 : index
        %swap3A_210 = tpu.vector_load %arg14[%swap3A_208, %swap3A_209] {strides = array<i32>} : memref<128x128xf32, #tpu.memory_space<vmem>>, vector<16xf32>,
        tpu.vector_store %arg14[%swap3A_208, %swap3A_209], %mul3A_207 {strides = array<i32>} : memref<128x128xf32, #tpu.memory_space<vmem>>, vector<16xf32>,
        %get3A_211 = arith.index_cast %add3A_180 : i32 to index
        %get3A_212 = arith.constant 64 : index
        %get3A_213 = tpu.vector_load %arg14[%get3A_211, %get3A_212] {strides = array<i32>} : memref<128x128xf32, #tpu.memory_space<vmem>>, vector<16xf32>,
        %mul3A_214 = arith.mulf %get3A_213, %gather3A_182 : vector<16xf32>
        %swap3A_215 = arith.index_cast %add3A_180 : i32 to index
        %swap3A_216 = arith.constant 64 : index
        %swap3A_217 = tpu.vector_load %arg14[%swap3A_215, %swap3A_216] {strides = array<i32>} : memref<128x128xf32, #tpu.memory_space<vmem>>, vector<16xf32>,
        tpu.vector_store %arg14[%swap3A_215, %swap3A_216], %mul3A_214 {strides = array<i32>} : memref<128x128xf32, #tpu.memory_space<vmem>>, vector<16xf32>,
        %get3A_218 = arith.index_cast %add3A_180 : i32 to index
        %get3A_219 = arith.constant 80 : index
        %get3A_220 = tpu.vector_load %arg14[%get3A_218, %get3A_219] {strides = array<i32>} : memref<128x128xf32, #tpu.memory_space<vmem>>, vector<16xf32>,
        %mul3A_221 = arith.mulf %get3A_220, %gather3A_182 : vector<16xf32>
        %swap3A_222 = arith.index_cast %add3A_180 : i32 to index
        %swap3A_223 = arith.constant 80 : index
        %swap3A_224 = tpu.vector_load %arg14[%swap3A_222, %swap3A_223] {strides = array<i32>} : memref<128x128xf32, #tpu.memory_space<vmem>>, vector<16xf32>,
        tpu.vector_store %arg14[%swap3A_222, %swap3A_223], %mul3A_221 {strides = array<i32>} : memref<128x128xf32, #tpu.memory_space<vmem>>, vector<16xf32>,
        %get3A_225 = arith.index_cast %add3A_180 : i32 to index
        %get3A_226 = arith.constant 96 : index
        %get3A_227 = tpu.vector_load %arg14[%get3A_225, %get3A_226] {strides = array<i32>} : memref<128x128xf32, #tpu.memory_space<vmem>>, vector<16xf32>,
        %mul3A_228 = arith.mulf %get3A_227, %gather3A_182 : vector<16xf32>
        %swap3A_229 = arith.index_cast %add3A_180 : i32 to index
        %swap3A_230 = arith.constant 96 : index
        %swap3A_231 = tpu.vector_load %arg14[%swap3A_229, %swap3A_230] {strides = array<i32>} : memref<128x128xf32, #tpu.memory_space<vmem>>, vector<16xf32>,
        tpu.vector_store %arg14[%swap3A_229, %swap3A_230], %mul3A_228 {strides = array<i32>} : memref<128x128xf32, #tpu.memory_space<vmem>>, vector<16xf32>,
        %get3A_232 = arith.index_cast %add3A_180 : i32 to index
        %get3A_233 = arith.constant 112 : index
        %get3A_234 = tpu.vector_load %arg14[%get3A_232, %get3A_233] {strides = array<i32>} : memref<128x128xf32, #tpu.memory_space<vmem>>, vector<16xf32>,
        %mul3A_235 = arith.mulf %get3A_234, %gather3A_182 : vector<16xf32>
        %swap3A_236 = arith.index_cast %add3A_180 : i32 to index
        %swap3A_237 = arith.constant 112 : index
        %swap3A_238 = tpu.vector_load %arg14[%swap3A_236, %swap3A_237] {strides = array<i32>} : memref<128x128xf32, #tpu.memory_space<vmem>>, vector<16xf32>,
        tpu.vector_store %arg14[%swap3A_236, %swap3A_237], %mul3A_235 {strides = array<i32>} : memref<128x128xf32, #tpu.memory_space<vmem>>, vector<16xf32>,
        %add3A_239 = arith.constant 3 : i32
        %add3A_240 = arith.addi %add3A_62, %add3A_239 : i32
        %broadcast_in_dim3A_241 = vector.broadcast %add3A_240 : i32 to vector<16xi32>
        %gather3A_242 = tpu.vector_load_idx %arg10[%broadcast_in_dim3A_241] : memref<128xf32, #tpu.memory_space<vmem>>[vector<16xi32>], vector<16xf32>,
        %get3A_243 = arith.index_cast %add3A_240 : i32 to index
        %get3A_244 = arith.constant 0 : index
        %get3A_245 = tpu.vector_load %arg14[%get3A_243, %get3A_244] {strides = array<i32>} : memref<128x128xf32, #tpu.memory_space<vmem>>, vector<16xf32>,
        %mul3A_246 = arith.mulf %get3A_245, %gather3A_242 : vector<16xf32>
        %swap3A_247 = arith.index_cast %add3A_240 : i32 to index
        %swap3A_248 = arith.constant 0 : index
        %swap3A_249 = tpu.vector_load %arg14[%swap3A_247, %swap3A_248] {strides = array<i32>} : memref<128x128xf32, #tpu.memory_space<vmem>>, vector<16xf32>,
        tpu.vector_store %arg14[%swap3A_247, %swap3A_248], %mul3A_246 {strides = array<i32>} : memref<128x128xf32, #tpu.memory_space<vmem>>, vector<16xf32>,
        %get3A_250 = arith.index_cast %add3A_240 : i32 to index
        %get3A_251 = arith.constant 16 : index
        %get3A_252 = tpu.vector_load %arg14[%get3A_250, %get3A_251] {strides = array<i32>} : memref<128x128xf32, #tpu.memory_space<vmem>>, vector<16xf32>,
        %mul3A_253 = arith.mulf %get3A_252, %gather3A_242 : vector<16xf32>
        %swap3A_254 = arith.index_cast %add3A_240 : i32 to index
        %swap3A_255 = arith.constant 16 : index
        %swap3A_256 = tpu.vector_load %arg14[%swap3A_254, %swap3A_255] {strides = array<i32>} : memref<128x128xf32, #tpu.memory_space<vmem>>, vector<16xf32>,
        tpu.vector_store %arg14[%swap3A_254, %swap3A_255], %mul3A_253 {strides = array<i32>} : memref<128x128xf32, #tpu.memory_space<vmem>>, vector<16xf32>,
        %get3A_257 = arith.index_cast %add3A_240 : i32 to index
        %get3A_258 = arith.constant 32 : index
        %get3A_259 = tpu.vector_load %arg14[%get3A_257, %get3A_258] {strides = array<i32>} : memref<128x128xf32, #tpu.memory_space<vmem>>, vector<16xf32>,
        %mul3A_260 = arith.mulf %get3A_259, %gather3A_242 : vector<16xf32>
        %swap3A_261 = arith.index_cast %add3A_240 : i32 to index
        %swap3A_262 = arith.constant 32 : index
        %swap3A_263 = tpu.vector_load %arg14[%swap3A_261, %swap3A_262] {strides = array<i32>} : memref<128x128xf32, #tpu.memory_space<vmem>>, vector<16xf32>,
        tpu.vector_store %arg14[%swap3A_261, %swap3A_262], %mul3A_260 {strides = array<i32>} : memref<128x128xf32, #tpu.memory_space<vmem>>, vector<16xf32>,
        %get3A_264 = arith.index_cast %add3A_240 : i32 to index
        %get3A_265 = arith.constant 48 : index
        %get3A_266 = tpu.vector_load %arg14[%get3A_264, %get3A_265] {strides = array<i32>} : memref<128x128xf32, #tpu.memory_space<vmem>>, vector<16xf32>,
        %mul3A_267 = arith.mulf %get3A_266, %gather3A_242 : vector<16xf32>
        %swap3A_268 = arith.index_cast %add3A_240 : i32 to index
        %swap3A_269 = arith.constant 48 : index
        %swap3A_270 = tpu.vector_load %arg14[%swap3A_268, %swap3A_269] {strides = array<i32>} : memref<128x128xf32, #tpu.memory_space<vmem>>, vector<16xf32>,
        tpu.vector_store %arg14[%swap3A_268, %swap3A_269], %mul3A_267 {strides = array<i32>} : memref<128x128xf32, #tpu.memory_space<vmem>>, vector<16xf32>,
        %get3A_271 = arith.index_cast %add3A_240 : i32 to index
        %get3A_272 = arith.constant 64 : index
        %get3A_273 = tpu.vector_load %arg14[%get3A_271, %get3A_272] {strides = array<i32>} : memref<128x128xf32, #tpu.memory_space<vmem>>, vector<16xf32>,
        %mul3A_274 = arith.mulf %get3A_273, %gather3A_242 : vector<16xf32>
        %swap3A_275 = arith.index_cast %add3A_240 : i32 to index
        %swap3A_276 = arith.constant 64 : index
        %swap3A_277 = tpu.vector_load %arg14[%swap3A_275, %swap3A_276] {strides = array<i32>} : memref<128x128xf32, #tpu.memory_space<vmem>>, vector<16xf32>,
        tpu.vector_store %arg14[%swap3A_275, %swap3A_276], %mul3A_274 {strides = array<i32>} : memref<128x128xf32, #tpu.memory_space<vmem>>, vector<16xf32>,
        %get3A_278 = arith.index_cast %add3A_240 : i32 to index
        %get3A_279 = arith.constant 80 : index
        %get3A_280 = tpu.vector_load %arg14[%get3A_278, %get3A_279] {strides = array<i32>} : memref<128x128xf32, #tpu.memory_space<vmem>>, vector<16xf32>,
        %mul3A_281 = arith.mulf %get3A_280, %gather3A_242 : vector<16xf32>
        %swap3A_282 = arith.index_cast %add3A_240 : i32 to index
        %swap3A_283 = arith.constant 80 : index
        %swap3A_284 = tpu.vector_load %arg14[%swap3A_282, %swap3A_283] {strides = array<i32>} : memref<128x128xf32, #tpu.memory_space<vmem>>, vector<16xf32>,
        tpu.vector_store %arg14[%swap3A_282, %swap3A_283], %mul3A_281 {strides = array<i32>} : memref<128x128xf32, #tpu.memory_space<vmem>>, vector<16xf32>,
        %get3A_285 = arith.index_cast %add3A_240 : i32 to index
        %get3A_286 = arith.constant 96 : index
        %get3A_287 = tpu.vector_load %arg14[%get3A_285, %get3A_286] {strides = array<i32>} : memref<128x128xf32, #tpu.memory_space<vmem>>, vector<16xf32>,
        %mul3A_288 = arith.mulf %get3A_287, %gather3A_242 : vector<16xf32>
        %swap3A_289 = arith.index_cast %add3A_240 : i32 to index
        %swap3A_290 = arith.constant 96 : index
        %swap3A_291 = tpu.vector_load %arg14[%swap3A_289, %swap3A_290] {strides = array<i32>} : memref<128x128xf32, #tpu.memory_space<vmem>>, vector<16xf32>,
        tpu.vector_store %arg14[%swap3A_289, %swap3A_290], %mul3A_288 {strides = array<i32>} : memref<128x128xf32, #tpu.memory_space<vmem>>, vector<16xf32>,
        %get3A_292 = arith.index_cast %add3A_240 : i32 to index
        %get3A_293 = arith.constant 112 : index
        %get3A_294 = tpu.vector_load %arg14[%get3A_292, %get3A_293] {strides = array<i32>} : memref<128x128xf32, #tpu.memory_space<vmem>>, vector<16xf32>,
        %mul3A_295 = arith.mulf %get3A_294, %gather3A_242 : vector<16xf32>
        %swap3A_296 = arith.index_cast %add3A_240 : i32 to index
        %swap3A_297 = arith.constant 112 : index
        %swap3A_298 = tpu.vector_load %arg14[%swap3A_296, %swap3A_297] {strides = array<i32>} : memref<128x128xf32, #tpu.memory_space<vmem>>, vector<16xf32>,
        tpu.vector_store %arg14[%swap3A_296, %swap3A_297], %mul3A_295 {strides = array<i32>} : memref<128x128xf32, #tpu.memory_space<vmem>>, vector<16xf32>,
        %add3A_299 = arith.constant 4 : i32
        %add3A_300 = arith.addi %add3A_62, %add3A_299 : i32
        %broadcast_in_dim3A_301 = vector.broadcast %add3A_300 : i32 to vector<16xi32>
        %gather3A_302 = tpu.vector_load_idx %arg10[%broadcast_in_dim3A_301] : memref<128xf32, #tpu.memory_space<vmem>>[vector<16xi32>], vector<16xf32>,
        %get3A_303 = arith.index_cast %add3A_300 : i32 to index
        %get3A_304 = arith.constant 0 : index
        %get3A_305 = tpu.vector_load %arg14[%get3A_303, %get3A_304] {strides = array<i32>} : memref<128x128xf32, #tpu.memory_space<vmem>>, vector<16xf32>,
        %mul3A_306 = arith.mulf %get3A_305, %gather3A_302 : vector<16xf32>
        %swap3A_307 = arith.index_cast %add3A_300 : i32 to index
        %swap3A_308 = arith.constant 0 : index
        %swap3A_309 = tpu.vector_load %arg14[%swap3A_307, %swap3A_308] {strides = array<i32>} : memref<128x128xf32, #tpu.memory_space<vmem>>, vector<16xf32>,
        tpu.vector_store %arg14[%swap3A_307, %swap3A_308], %mul3A_306 {strides = array<i32>} : memref<128x128xf32, #tpu.memory_space<vmem>>, vector<16xf32>,
        %get3A_310 = arith.index_cast %add3A_300 : i32 to index
        %get3A_311 = arith.constant 16 : index
        %get3A_312 = tpu.vector_load %arg14[%get3A_310, %get3A_311] {strides = array<i32>} : memref<128x128xf32, #tpu.memory_space<vmem>>, vector<16xf32>,
        %mul3A_313 = arith.mulf %get3A_312, %gather3A_302 : vector<16xf32>
        %swap3A_314 = arith.index_cast %add3A_300 : i32 to index
        %swap3A_315 = arith.constant 16 : index
        %swap3A_316 = tpu.vector_load %arg14[%swap3A_314, %swap3A_315] {strides = array<i32>} : memref<128x128xf32, #tpu.memory_space<vmem>>, vector<16xf32>,
        tpu.vector_store %arg14[%swap3A_314, %swap3A_315], %mul3A_313 {strides = array<i32>} : memref<128x128xf32, #tpu.memory_space<vmem>>, vector<16xf32>,
        %get3A_317 = arith.index_cast %add3A_300 : i32 to index
        %get3A_318 = arith.constant 32 : index
        %get3A_319 = tpu.vector_load %arg14[%get3A_317, %get3A_318] {strides = array<i32>} : memref<128x128xf32, #tpu.memory_space<vmem>>, vector<16xf32>,
        %mul3A_320 = arith.mulf %get3A_319, %gather3A_302 : vector<16xf32>
        %swap3A_321 = arith.index_cast %add3A_300 : i32 to index
        %swap3A_322 = arith.constant 32 : index
        %swap3A_323 = tpu.vector_load %arg14[%swap3A_321, %swap3A_322] {strides = array<i32>} : memref<128x128xf32, #tpu.memory_space<vmem>>, vector<16xf32>,
        tpu.vector_store %arg14[%swap3A_321, %swap3A_322], %mul3A_320 {strides = array<i32>} : memref<128x128xf32, #tpu.memory_space<vmem>>, vector<16xf32>,
        %get3A_324 = arith.index_cast %add3A_300 : i32 to index
        %get3A_325 = arith.constant 48 : index
        %get3A_326 = tpu.vector_load %arg14[%get3A_324, %get3A_325] {strides = array<i32>} : memref<128x128xf32, #tpu.memory_space<vmem>>, vector<16xf32>,
        %mul3A_327 = arith.mulf %get3A_326, %gather3A_302 : vector<16xf32>
        %swap3A_328 = arith.index_cast %add3A_300 : i32 to index
        %swap3A_329 = arith.constant 48 : index
        %swap3A_330 = tpu.vector_load %arg14[%swap3A_328, %swap3A_329] {strides = array<i32>} : memref<128x128xf32, #tpu.memory_space<vmem>>, vector<16xf32>,
        tpu.vector_store %arg14[%swap3A_328, %swap3A_329], %mul3A_327 {strides = array<i32>} : memref<128x128xf32, #tpu.memory_space<vmem>>, vector<16xf32>,
        %get3A_331 = arith.index_cast %add3A_300 : i32 to index
        %get3A_332 = arith.constant 64 : index
        %get3A_333 = tpu.vector_load %arg14[%get3A_331, %get3A_332] {strides = array<i32>} : memref<128x128xf32, #tpu.memory_space<vmem>>, vector<16xf32>,
        %mul3A_334 = arith.mulf %get3A_333, %gather3A_302 : vector<16xf32>
        %swap3A_335 = arith.index_cast %add3A_300 : i32 to index
        %swap3A_336 = arith.constant 64 : index
        %swap3A_337 = tpu.vector_load %arg14[%swap3A_335, %swap3A_336] {strides = array<i32>} : memref<128x128xf32, #tpu.memory_space<vmem>>, vector<16xf32>,
        tpu.vector_store %arg14[%swap3A_335, %swap3A_336], %mul3A_334 {strides = array<i32>} : memref<128x128xf32, #tpu.memory_space<vmem>>, vector<16xf32>,
        %get3A_338 = arith.index_cast %add3A_300 : i32 to index
        %get3A_339 = arith.constant 80 : index
        %get3A_340 = tpu.vector_load %arg14[%get3A_338, %get3A_339] {strides = array<i32>} : memref<128x128xf32, #tpu.memory_space<vmem>>, vector<16xf32>,
        %mul3A_341 = arith.mulf %get3A_340, %gather3A_302 : vector<16xf32>
        %swap3A_342 = arith.index_cast %add3A_300 : i32 to index
        %swap3A_343 = arith.constant 80 : index
        %swap3A_344 = tpu.vector_load %arg14[%swap3A_342, %swap3A_343] {strides = array<i32>} : memref<128x128xf32, #tpu.memory_space<vmem>>, vector<16xf32>,
        tpu.vector_store %arg14[%swap3A_342, %swap3A_343], %mul3A_341 {strides = array<i32>} : memref<128x128xf32, #tpu.memory_space<vmem>>, vector<16xf32>,
        %get3A_345 = arith.index_cast %add3A_300 : i32 to index
        %get3A_346 = arith.constant 96 : index
        %get3A_347 = tpu.vector_load %arg14[%get3A_345, %get3A_346] {strides = array<i32>} : memref<128x128xf32, #tpu.memory_space<vmem>>, vector<16xf32>,
        %mul3A_348 = arith.mulf %get3A_347, %gather3A_302 : vector<16xf32>
        %swap3A_349 = arith.index_cast %add3A_300 : i32 to index
        %swap3A_350 = arith.constant 96 : index
        %swap3A_351 = tpu.vector_load %arg14[%swap3A_349, %swap3A_350] {strides = array<i32>} : memref<128x128xf32, #tpu.memory_space<vmem>>, vector<16xf32>,
        tpu.vector_store %arg14[%swap3A_349, %swap3A_350], %mul3A_348 {strides = array<i32>} : memref<128x128xf32, #tpu.memory_space<vmem>>, vector<16xf32>,
        %get3A_352 = arith.index_cast %add3A_300 : i32 to index
        %get3A_353 = arith.constant 112 : index
        %get3A_354 = tpu.vector_load %arg14[%get3A_352, %get3A_353] {strides = array<i32>} : memref<128x128xf32, #tpu.memory_space<vmem>>, vector<16xf32>,
        %mul3A_355 = arith.mulf %get3A_354, %gather3A_302 : vector<16xf32>
        %swap3A_356 = arith.index_cast %add3A_300 : i32 to index
        %swap3A_357 = arith.constant 112 : index
        %swap3A_358 = tpu.vector_load %arg14[%swap3A_356, %swap3A_357] {strides = array<i32>} : memref<128x128xf32, #tpu.memory_space<vmem>>, vector<16xf32>,
        tpu.vector_store %arg14[%swap3A_356, %swap3A_357], %mul3A_355 {strides = array<i32>} : memref<128x128xf32, #tpu.memory_space<vmem>>, vector<16xf32>,
        %add3A_359 = arith.constant 5 : i32
        %add3A_360 = arith.addi %add3A_62, %add3A_359 : i32
        %broadcast_in_dim3A_361 = vector.broadcast %add3A_360 : i32 to vector<16xi32>
        %gather3A_362 = tpu.vector_load_idx %arg10[%broadcast_in_dim3A_361] : memref<128xf32, #tpu.memory_space<vmem>>[vector<16xi32>], vector<16xf32>,
        %get3A_363 = arith.index_cast %add3A_360 : i32 to index
        %get3A_364 = arith.constant 0 : index
        %get3A_365 = tpu.vector_load %arg14[%get3A_363, %get3A_364] {strides = array<i32>} : memref<128x128xf32, #tpu.memory_space<vmem>>, vector<16xf32>,
        %mul3A_366 = arith.mulf %get3A_365, %gather3A_362 : vector<16xf32>
        %swap3A_367 = arith.index_cast %add3A_360 : i32 to index
        %swap3A_368 = arith.constant 0 : index
        %swap3A_369 = tpu.vector_load %arg14[%swap3A_367, %swap3A_368] {strides = array<i32>} : memref<128x128xf32, #tpu.memory_space<vmem>>, vector<16xf32>,
        tpu.vector_store %arg14[%swap3A_367, %swap3A_368], %mul3A_366 {strides = array<i32>} : memref<128x128xf32, #tpu.memory_space<vmem>>, vector<16xf32>,
        %get3A_370 = arith.index_cast %add3A_360 : i32 to index
        %get3A_371 = arith.constant 16 : index
        %get3A_372 = tpu.vector_load %arg14[%get3A_370, %get3A_371] {strides = array<i32>} : memref<128x128xf32, #tpu.memory_space<vmem>>, vector<16xf32>,
        %mul3A_373 = arith.mulf %get3A_372, %gather3A_362 : vector<16xf32>
        %swap3A_374 = arith.index_cast %add3A_360 : i32 to index
        %swap3A_375 = arith.constant 16 : index
        %swap3A_376 = tpu.vector_load %arg14[%swap3A_374, %swap3A_375] {strides = array<i32>} : memref<128x128xf32, #tpu.memory_space<vmem>>, vector<16xf32>,
        tpu.vector_store %arg14[%swap3A_374, %swap3A_375], %mul3A_373 {strides = array<i32>} : memref<128x128xf32, #tpu.memory_space<vmem>>, vector<16xf32>,
        %get3A_377 = arith.index_cast %add3A_360 : i32 to index
        %get3A_378 = arith.constant 32 : index
        %get3A_379 = tpu.vector_load %arg14[%get3A_377, %get3A_378] {strides = array<i32>} : memref<128x128xf32, #tpu.memory_space<vmem>>, vector<16xf32>,
        %mul3A_380 = arith.mulf %get3A_379, %gather3A_362 : vector<16xf32>
        %swap3A_381 = arith.index_cast %add3A_360 : i32 to index
        %swap3A_382 = arith.constant 32 : index
        %swap3A_383 = tpu.vector_load %arg14[%swap3A_381, %swap3A_382] {strides = array<i32>} : memref<128x128xf32, #tpu.memory_space<vmem>>, vector<16xf32>,
        tpu.vector_store %arg14[%swap3A_381, %swap3A_382], %mul3A_380 {strides = array<i32>} : memref<128x128xf32, #tpu.memory_space<vmem>>, vector<16xf32>,
        %get3A_384 = arith.index_cast %add3A_360 : i32 to index
        %get3A_385 = arith.constant 48 : index
        %get3A_386 = tpu.vector_load %arg14[%get3A_384, %get3A_385] {strides = array<i32>} : memref<128x128xf32, #tpu.memory_space<vmem>>, vector<16xf32>,
        %mul3A_387 = arith.mulf %get3A_386, %gather3A_362 : vector<16xf32>
        %swap3A_388 = arith.index_cast %add3A_360 : i32 to index
        %swap3A_389 = arith.constant 48 : index
        %swap3A_390 = tpu.vector_load %arg14[%swap3A_388, %swap3A_389] {strides = array<i32>} : memref<128x128xf32, #tpu.memory_space<vmem>>, vector<16xf32>,
        tpu.vector_store %arg14[%swap3A_388, %swap3A_389], %mul3A_387 {strides = array<i32>} : memref<128x128xf32, #tpu.memory_space<vmem>>, vector<16xf32>,
        %get3A_391 = arith.index_cast %add3A_360 : i32 to index
        %get3A_392 = arith.constant 64 : index
        %get3A_393 = tpu.vector_load %arg14[%get3A_391, %get3A_392] {strides = array<i32>} : memref<128x128xf32, #tpu.memory_space<vmem>>, vector<16xf32>,
        %mul3A_394 = arith.mulf %get3A_393, %gather3A_362 : vector<16xf32>
        %swap3A_395 = arith.index_cast %add3A_360 : i32 to index
        %swap3A_396 = arith.constant 64 : index
        %swap3A_397 = tpu.vector_load %arg14[%swap3A_395, %swap3A_396] {strides = array<i32>} : memref<128x128xf32, #tpu.memory_space<vmem>>, vector<16xf32>,
        tpu.vector_store %arg14[%swap3A_395, %swap3A_396], %mul3A_394 {strides = array<i32>} : memref<128x128xf32, #tpu.memory_space<vmem>>, vector<16xf32>,
        %get3A_398 = arith.index_cast %add3A_360 : i32 to index
        %get3A_399 = arith.constant 80 : index
        %get3A_400 = tpu.vector_load %arg14[%get3A_398, %get3A_399] {strides = array<i32>} : memref<128x128xf32, #tpu.memory_space<vmem>>, vector<16xf32>,
        %mul3A_401 = arith.mulf %get3A_400, %gather3A_362 : vector<16xf32>
        %swap3A_402 = arith.index_cast %add3A_360 : i32 to index
        %swap3A_403 = arith.constant 80 : index
        %swap3A_404 = tpu.vector_load %arg14[%swap3A_402, %swap3A_403] {strides = array<i32>} : memref<128x128xf32, #tpu.memory_space<vmem>>, vector<16xf32>,
        tpu.vector_store %arg14[%swap3A_402, %swap3A_403], %mul3A_401 {strides = array<i32>} : memref<128x128xf32, #tpu.memory_space<vmem>>, vector<16xf32>,
        %get3A_405 = arith.index_cast %add3A_360 : i32 to index
        %get3A_406 = arith.constant 96 : index
        %get3A_407 = tpu.vector_load %arg14[%get3A_405, %get3A_406] {strides = array<i32>} : memref<128x128xf32, #tpu.memory_space<vmem>>, vector<16xf32>,
        %mul3A_408 = arith.mulf %get3A_407, %gather3A_362 : vector<16xf32>
        %swap3A_409 = arith.index_cast %add3A_360 : i32 to index
        %swap3A_410 = arith.constant 96 : index
        %swap3A_411 = tpu.vector_load %arg14[%swap3A_409, %swap3A_410] {strides = array<i32>} : memref<128x128xf32, #tpu.memory_space<vmem>>, vector<16xf32>,
        tpu.vector_store %arg14[%swap3A_409, %swap3A_410], %mul3A_408 {strides = array<i32>} : memref<128x128xf32, #tpu.memory_space<vmem>>, vector<16xf32>,
        %get3A_412 = arith.index_cast %add3A_360 : i32 to index
        %get3A_413 = arith.constant 112 : index
        %get3A_414 = tpu.vector_load %arg14[%get3A_412, %get3A_413] {strides = array<i32>} : memref<128x128xf32, #tpu.memory_space<vmem>>, vector<16xf32>,
        %mul3A_415 = arith.mulf %get3A_414, %gather3A_362 : vector<16xf32>
        %swap3A_416 = arith.index_cast %add3A_360 : i32 to index
        %swap3A_417 = arith.constant 112 : index
        %swap3A_418 = tpu.vector_load %arg14[%swap3A_416, %swap3A_417] {strides = array<i32>} : memref<128x128xf32, #tpu.memory_space<vmem>>, vector<16xf32>,
        tpu.vector_store %arg14[%swap3A_416, %swap3A_417], %mul3A_415 {strides = array<i32>} : memref<128x128xf32, #tpu.memory_space<vmem>>, vector<16xf32>,
        %add3A_419 = arith.constant 6 : i32
        %add3A_420 = arith.addi %add3A_62, %add3A_419 : i32
        %broadcast_in_dim3A_421 = vector.broadcast %add3A_420 : i32 to vector<16xi32>
        %gather3A_422 = tpu.vector_load_idx %arg10[%broadcast_in_dim3A_421] : memref<128xf32, #tpu.memory_space<vmem>>[vector<16xi32>], vector<16xf32>,
        %get3A_423 = arith.index_cast %add3A_420 : i32 to index
        %get3A_424 = arith.constant 0 : index
        %get3A_425 = tpu.vector_load %arg14[%get3A_423, %get3A_424] {strides = array<i32>} : memref<128x128xf32, #tpu.memory_space<vmem>>, vector<16xf32>,
        %mul3A_426 = arith.mulf %get3A_425, %gather3A_422 : vector<16xf32>
        %swap3A_427 = arith.index_cast %add3A_420 : i32 to index
        %swap3A_428 = arith.constant 0 : index
        %swap3A_429 = tpu.vector_load %arg14[%swap3A_427, %swap3A_428] {strides = array<i32>} : memref<128x128xf32, #tpu.memory_space<vmem>>, vector<16xf32>,
        tpu.vector_store %arg14[%swap3A_427, %swap3A_428], %mul3A_426 {strides = array<i32>} : memref<128x128xf32, #tpu.memory_space<vmem>>, vector<16xf32>,
        %get3A_430 = arith.index_cast %add3A_420 : i32 to index
        %get3A_431 = arith.constant 16 : index
        %get3A_432 = tpu.vector_load %arg14[%get3A_430, %get3A_431] {strides = array<i32>} : memref<128x128xf32, #tpu.memory_space<vmem>>, vector<16xf32>,
        %mul3A_433 = arith.mulf %get3A_432, %gather3A_422 : vector<16xf32>
        %swap3A_434 = arith.index_cast %add3A_420 : i32 to index
        %swap3A_435 = arith.constant 16 : index
        %swap3A_436 = tpu.vector_load %arg14[%swap3A_434, %swap3A_435] {strides = array<i32>} : memref<128x128xf32, #tpu.memory_space<vmem>>, vector<16xf32>,
        tpu.vector_store %arg14[%swap3A_434, %swap3A_435], %mul3A_433 {strides = array<i32>} : memref<128x128xf32, #tpu.memory_space<vmem>>, vector<16xf32>,
        %get3A_437 = arith.index_cast %add3A_420 : i32 to index
        %get3A_438 = arith.constant 32 : index
        %get3A_439 = tpu.vector_load %arg14[%get3A_437, %get3A_438] {strides = array<i32>} : memref<128x128xf32, #tpu.memory_space<vmem>>, vector<16xf32>,
        %mul3A_440 = arith.mulf %get3A_439, %gather3A_422 : vector<16xf32>
        %swap3A_441 = arith.index_cast %add3A_420 : i32 to index
        %swap3A_442 = arith.constant 32 : index
        %swap3A_443 = tpu.vector_load %arg14[%swap3A_441, %swap3A_442] {strides = array<i32>} : memref<128x128xf32, #tpu.memory_space<vmem>>, vector<16xf32>,
        tpu.vector_store %arg14[%swap3A_441, %swap3A_442], %mul3A_440 {strides = array<i32>} : memref<128x128xf32, #tpu.memory_space<vmem>>, vector<16xf32>,
        %get3A_444 = arith.index_cast %add3A_420 : i32 to index
        %get3A_445 = arith.constant 48 : index
        %get3A_446 = tpu.vector_load %arg14[%get3A_444, %get3A_445] {strides = array<i32>} : memref<128x128xf32, #tpu.memory_space<vmem>>, vector<16xf32>,
        %mul3A_447 = arith.mulf %get3A_446, %gather3A_422 : vector<16xf32>
        %swap3A_448 = arith.index_cast %add3A_420 : i32 to index
        %swap3A_449 = arith.constant 48 : index
        %swap3A_450 = tpu.vector_load %arg14[%swap3A_448, %swap3A_449] {strides = array<i32>} : memref<128x128xf32, #tpu.memory_space<vmem>>, vector<16xf32>,
        tpu.vector_store %arg14[%swap3A_448, %swap3A_449], %mul3A_447 {strides = array<i32>} : memref<128x128xf32, #tpu.memory_space<vmem>>, vector<16xf32>,
        %get3A_451 = arith.index_cast %add3A_420 : i32 to index
        %get3A_452 = arith.constant 64 : index
        %get3A_453 = tpu.vector_load %arg14[%get3A_451, %get3A_452] {strides = array<i32>} : memref<128x128xf32, #tpu.memory_space<vmem>>, vector<16xf32>,
        %mul3A_454 = arith.mulf %get3A_453, %gather3A_422 : vector<16xf32>
        %swap3A_455 = arith.index_cast %add3A_420 : i32 to index
        %swap3A_456 = arith.constant 64 : index
        %swap3A_457 = tpu.vector_load %arg14[%swap3A_455, %swap3A_456] {strides = array<i32>} : memref<128x128xf32, #tpu.memory_space<vmem>>, vector<16xf32>,
        tpu.vector_store %arg14[%swap3A_455, %swap3A_456], %mul3A_454 {strides = array<i32>} : memref<128x128xf32, #tpu.memory_space<vmem>>, vector<16xf32>,
        %get3A_458 = arith.index_cast %add3A_420 : i32 to index
        %get3A_459 = arith.constant 80 : index
        %get3A_460 = tpu.vector_load %arg14[%get3A_458, %get3A_459] {strides = array<i32>} : memref<128x128xf32, #tpu.memory_space<vmem>>, vector<16xf32>,
        %mul3A_461 = arith.mulf %get3A_460, %gather3A_422 : vector<16xf32>
        %swap3A_462 = arith.index_cast %add3A_420 : i32 to index
        %swap3A_463 = arith.constant 80 : index
        %swap3A_464 = tpu.vector_load %arg14[%swap3A_462, %swap3A_463] {strides = array<i32>} : memref<128x128xf32, #tpu.memory_space<vmem>>, vector<16xf32>,
        tpu.vector_store %arg14[%swap3A_462, %swap3A_463], %mul3A_461 {strides = array<i32>} : memref<128x128xf32, #tpu.memory_space<vmem>>, vector<16xf32>,
        %get3A_465 = arith.index_cast %add3A_420 : i32 to index
        %get3A_466 = arith.constant 96 : index
        %get3A_467 = tpu.vector_load %arg14[%get3A_465, %get3A_466] {strides = array<i32>} : memref<128x128xf32, #tpu.memory_space<vmem>>, vector<16xf32>,
        %mul3A_468 = arith.mulf %get3A_467, %gather3A_422 : vector<16xf32>
        %swap3A_469 = arith.index_cast %add3A_420 : i32 to index
        %swap3A_470 = arith.constant 96 : index
        %swap3A_471 = tpu.vector_load %arg14[%swap3A_469, %swap3A_470] {strides = array<i32>} : memref<128x128xf32, #tpu.memory_space<vmem>>, vector<16xf32>,
        tpu.vector_store %arg14[%swap3A_469, %swap3A_470], %mul3A_468 {strides = array<i32>} : memref<128x128xf32, #tpu.memory_space<vmem>>, vector<16xf32>,
        %get3A_472 = arith.index_cast %add3A_420 : i32 to index
        %get3A_473 = arith.constant 112 : index
        %get3A_474 = tpu.vector_load %arg14[%get3A_472, %get3A_473] {strides = array<i32>} : memref<128x128xf32, #tpu.memory_space<vmem>>, vector<16xf32>,
        %mul3A_475 = arith.mulf %get3A_474, %gather3A_422 : vector<16xf32>
        %swap3A_476 = arith.index_cast %add3A_420 : i32 to index
        %swap3A_477 = arith.constant 112 : index
        %swap3A_478 = tpu.vector_load %arg14[%swap3A_476, %swap3A_477] {strides = array<i32>} : memref<128x128xf32, #tpu.memory_space<vmem>>, vector<16xf32>,
        tpu.vector_store %arg14[%swap3A_476, %swap3A_477], %mul3A_475 {strides = array<i32>} : memref<128x128xf32, #tpu.memory_space<vmem>>, vector<16xf32>,
        %add3A_479 = arith.constant 7 : i32
        %add3A_480 = arith.addi %add3A_62, %add3A_479 : i32
        %broadcast_in_dim3A_481 = vector.broadcast %add3A_480 : i32 to vector<16xi32>
        %gather3A_482 = tpu.vector_load_idx %arg10[%broadcast_in_dim3A_481] : memref<128xf32, #tpu.memory_space<vmem>>[vector<16xi32>], vector<16xf32>,
        %get3A_483 = arith.index_cast %add3A_480 : i32 to index
        %get3A_484 = arith.constant 0 : index
        %get3A_485 = tpu.vector_load %arg14[%get3A_483, %get3A_484] {strides = array<i32>} : memref<128x128xf32, #tpu.memory_space<vmem>>, vector<16xf32>,
        %mul3A_486 = arith.mulf %get3A_485, %gather3A_482 : vector<16xf32>
        %swap3A_487 = arith.index_cast %add3A_480 : i32 to index
        %swap3A_488 = arith.constant 0 : index
        %swap3A_489 = tpu.vector_load %arg14[%swap3A_487, %swap3A_488] {strides = array<i32>} : memref<128x128xf32, #tpu.memory_space<vmem>>, vector<16xf32>,
        tpu.vector_store %arg14[%swap3A_487, %swap3A_488], %mul3A_486 {strides = array<i32>} : memref<128x128xf32, #tpu.memory_space<vmem>>, vector<16xf32>,
        %get3A_490 = arith.index_cast %add3A_480 : i32 to index
        %get3A_491 = arith.constant 16 : index
        %get3A_492 = tpu.vector_load %arg14[%get3A_490, %get3A_491] {strides = array<i32>} : memref<128x128xf32, #tpu.memory_space<vmem>>, vector<16xf32>,
        %mul3A_493 = arith.mulf %get3A_492, %gather3A_482 : vector<16xf32>
        %swap3A_494 = arith.index_cast %add3A_480 : i32 to index
        %swap3A_495 = arith.constant 16 : index
        %swap3A_496 = tpu.vector_load %arg14[%swap3A_494, %swap3A_495] {strides = array<i32>} : memref<128x128xf32, #tpu.memory_space<vmem>>, vector<16xf32>,
        tpu.vector_store %arg14[%swap3A_494, %swap3A_495], %mul3A_493 {strides = array<i32>} : memref<128x128xf32, #tpu.memory_space<vmem>>, vector<16xf32>,
        %get3A_497 = arith.index_cast %add3A_480 : i32 to index
        %get3A_498 = arith.constant 32 : index
        %get3A_499 = tpu.vector_load %arg14[%get3A_497, %get3A_498] {strides = array<i32>} : memref<128x128xf32, #tpu.memory_space<vmem>>, vector<16xf32>,
        %mul3A_500 = arith.mulf %get3A_499, %gather3A_482 : vector<16xf32>
        %swap3A_501 = arith.index_cast %add3A_480 : i32 to index
        %swap3A_502 = arith.constant 32 : index
        %swap3A_503 = tpu.vector_load %arg14[%swap3A_501, %swap3A_502] {strides = array<i32>} : memref<128x128xf32, #tpu.memory_space<vmem>>, vector<16xf32>,
        tpu.vector_store %arg14[%swap3A_501, %swap3A_502], %mul3A_500 {strides = array<i32>} : memref<128x128xf32, #tpu.memory_space<vmem>>, vector<16xf32>,
        %get3A_504 = arith.index_cast %add3A_480 : i32 to index
        %get3A_505 = arith.constant 48 : index
        %get3A_506 = tpu.vector_load %arg14[%get3A_504, %get3A_505] {strides = array<i32>} : memref<128x128xf32, #tpu.memory_space<vmem>>, vector<16xf32>,
        %mul3A_507 = arith.mulf %get3A_506, %gather3A_482 : vector<16xf32>
        %swap3A_508 = arith.index_cast %add3A_480 : i32 to index
        %swap3A_509 = arith.constant 48 : index
        %swap3A_510 = tpu.vector_load %arg14[%swap3A_508, %swap3A_509] {strides = array<i32>} : memref<128x128xf32, #tpu.memory_space<vmem>>, vector<16xf32>,
        tpu.vector_store %arg14[%swap3A_508, %swap3A_509], %mul3A_507 {strides = array<i32>} : memref<128x128xf32, #tpu.memory_space<vmem>>, vector<16xf32>,
        %get3A_511 = arith.index_cast %add3A_480 : i32 to index
        %get3A_512 = arith.constant 64 : index
        %get3A_513 = tpu.vector_load %arg14[%get3A_511, %get3A_512] {strides = array<i32>} : memref<128x128xf32, #tpu.memory_space<vmem>>, vector<16xf32>,
        %mul3A_514 = arith.mulf %get3A_513, %gather3A_482 : vector<16xf32>
        %swap3A_515 = arith.index_cast %add3A_480 : i32 to index
        %swap3A_516 = arith.constant 64 : index
        %swap3A_517 = tpu.vector_load %arg14[%swap3A_515, %swap3A_516] {strides = array<i32>} : memref<128x128xf32, #tpu.memory_space<vmem>>, vector<16xf32>,
        tpu.vector_store %arg14[%swap3A_515, %swap3A_516], %mul3A_514 {strides = array<i32>} : memref<128x128xf32, #tpu.memory_space<vmem>>, vector<16xf32>,
        %get3A_518 = arith.index_cast %add3A_480 : i32 to index
        %get3A_519 = arith.constant 80 : index
        %get3A_520 = tpu.vector_load %arg14[%get3A_518, %get3A_519] {strides = array<i32>} : memref<128x128xf32, #tpu.memory_space<vmem>>, vector<16xf32>,
        %mul3A_521 = arith.mulf %get3A_520, %gather3A_482 : vector<16xf32>
        %swap3A_522 = arith.index_cast %add3A_480 : i32 to index
        %swap3A_523 = arith.constant 80 : index
        %swap3A_524 = tpu.vector_load %arg14[%swap3A_522, %swap3A_523] {strides = array<i32>} : memref<128x128xf32, #tpu.memory_space<vmem>>, vector<16xf32>,
        tpu.vector_store %arg14[%swap3A_522, %swap3A_523], %mul3A_521 {strides = array<i32>} : memref<128x128xf32, #tpu.memory_space<vmem>>, vector<16xf32>,
        %get3A_525 = arith.index_cast %add3A_480 : i32 to index
        %get3A_526 = arith.constant 96 : index
        %get3A_527 = tpu.vector_load %arg14[%get3A_525, %get3A_526] {strides = array<i32>} : memref<128x128xf32, #tpu.memory_space<vmem>>, vector<16xf32>,
        %mul3A_528 = arith.mulf %get3A_527, %gather3A_482 : vector<16xf32>
        %swap3A_529 = arith.index_cast %add3A_480 : i32 to index
        %swap3A_530 = arith.constant 96 : index
        %swap3A_531 = tpu.vector_load %arg14[%swap3A_529, %swap3A_530] {strides = array<i32>} : memref<128x128xf32, #tpu.memory_space<vmem>>, vector<16xf32>,
        tpu.vector_store %arg14[%swap3A_529, %swap3A_530], %mul3A_528 {strides = array<i32>} : memref<128x128xf32, #tpu.memory_space<vmem>>, vector<16xf32>,
        %get3A_532 = arith.index_cast %add3A_480 : i32 to index
        %get3A_533 = arith.constant 112 : index
        %get3A_534 = tpu.vector_load %arg14[%get3A_532, %get3A_533] {strides = array<i32>} : memref<128x128xf32, #tpu.memory_space<vmem>>, vector<16xf32>,
        %mul3A_535 = arith.mulf %get3A_534, %gather3A_482 : vector<16xf32>
        %swap3A_536 = arith.index_cast %add3A_480 : i32 to index
        %swap3A_537 = arith.constant 112 : index
        %swap3A_538 = tpu.vector_load %arg14[%swap3A_536, %swap3A_537] {strides = array<i32>} : memref<128x128xf32, #tpu.memory_space<vmem>>, vector<16xf32>,
        tpu.vector_store %arg14[%swap3A_536, %swap3A_537], %mul3A_535 {strides = array<i32>} : memref<128x128xf32, #tpu.memory_space<vmem>>, vector<16xf32>,
      }
      %scan3A_57 = arith.constant 16 : i32
      "tpu.region"() ({
        %run_scoped3A = tpu.sem_alloc : memref<!tpu.dma_semaphore, #tpu.memory_space<semaphore_mem>>
        %dma_start3A_58 = arith.constant 0 : i32
        %dma_start3A_59 = arith.constant 0 : i32
        %dma_start3A_60 = tpu.memref_slice %arg16[%dma_start3A_58, %dma_start3A_59] : memref<10000x128xf32, #tpu.memory_space<vmem_shared>> -> memref<10000x128xf32, #tpu.memory_space<vmem_shared>>
        tpu.enqueue_indirect_dma source(%arg14 : memref<128x128xf32, #tpu.memory_space<vmem>>) target(%dma_start3A_60 : memref<10000x128xf32, #tpu.memory_space<vmem_shared>>) offsets(%arg9 : memref<128xi32, #tpu.memory_space<vmem>>) semaphore(%run_scoped3A : memref<!tpu.dma_semaphore, #tpu.memory_space<semaphore_mem>>) {add = true}
        %dma_wait3A_61 = arith.constant 0 : i32
        %dma_wait3A_62 = arith.constant 0 : i32
        %dma_wait3A_63 = tpu.memref_slice %arg16[%dma_wait3A_61, %dma_wait3A_62] : memref<10000x128xf32, #tpu.memory_space<vmem_shared>> -> memref<10000x128xf32, #tpu.memory_space<vmem_shared>>
        tpu.wait_indirect_dma semaphore(%run_scoped3A : memref<!tpu.dma_semaphore, #tpu.memory_space<semaphore_mem>>) src(%arg14 : memref<128x128xf32, #tpu.memory_space<vmem>>) dst(%dma_wait3A_63 : memref<10000x128xf32, #tpu.memory_space<vmem_shared>>)
        tpu.yield
      }) : () -> ()
    } else {
    }
    %barrier3A_40 = arith.constant 0 : index
    tpu.barrier barrier_id(%barrier3A_40)
    "tpu.region"() ({
      %run_scoped3A = tpu.sem_alloc : memref<!tpu.dma_semaphore, #tpu.memory_space<semaphore_mem>>
      %dma_start3A_46 = arith.constant 0 : i32
      %dma_start3A_47 = tpu.memref_slice %arg7[%arg0, %mul3A_2, %dma_start3A_46] : memref<2x10000x128xf32, #tpu.memory_space<hbm>> -> memref<1x624x128xf32, #tpu.memory_space<hbm>>
      %dma_start3A_48 = tpu.memref_squeeze %dma_start3A_47 : memref<1x624x128xf32, #tpu.memory_space<hbm>> -> memref<624x128xf32, #tpu.memory_space<hbm>>
      %dma_start3A_49 = arith.constant 0 : i32
      %dma_start3A_50 = tpu.memref_slice %arg16[%mul3A_2, %dma_start3A_49] : memref<10000x128xf32, #tpu.memory_space<vmem_shared>> -> memref<624x128xf32, #tpu.memory_space<vmem_shared>>
      tpu.enqueue_dma source(%dma_start3A_50 : memref<624x128xf32, #tpu.memory_space<vmem_shared>>) target(%dma_start3A_48 : memref<624x128xf32, #tpu.memory_space<hbm>>) target_semaphore(%run_scoped3A : memref<!tpu.dma_semaphore, #tpu.memory_space<semaphore_mem>>)
      %dma_wait3A_51 = arith.constant 0 : i32
      %dma_wait3A_52 = tpu.memref_slice %arg7[%arg0, %mul3A_2, %dma_wait3A_51] : memref<2x10000x128xf32, #tpu.memory_space<hbm>> -> memref<1x624x128xf32, #tpu.memory_space<hbm>>
      %dma_wait3A_53 = tpu.memref_squeeze %dma_wait3A_52 : memref<1x624x128xf32, #tpu.memory_space<hbm>> -> memref<624x128xf32, #tpu.memory_space<hbm>>
      %dma_wait3A_54 = arith.constant 0 : i32
      %dma_wait3A_55 = tpu.memref_slice %arg16[%mul3A_2, %dma_wait3A_54] : memref<10000x128xf32, #tpu.memory_space<vmem_shared>> -> memref<624x128xf32, #tpu.memory_space<vmem_shared>>
      tpu.wait_dma2 semaphore(%run_scoped3A : memref<!tpu.dma_semaphore, #tpu.memory_space<semaphore_mem>>) src(%dma_wait3A_55 : memref<624x128xf32, #tpu.memory_space<vmem_shared>>) dst(%dma_wait3A_53 : memref<624x128xf32, #tpu.memory_space<hbm>>)
      tpu.yield
    }) : () -> ()
    %eq3A_41 = arith.constant 15 : i32
    %eq3A_42 = arith.cmpi eq, %arg1, %eq3A_41 : i32
    %convert_element_type3A_43 = arith.extui %eq3A_42 : i1 to i32
    %cond3A_44 = arith.constant 0 : i32
    %cond3A_45 = arith.cmpi ne, %convert_element_type3A_43, %cond3A_44 : i32
    scf.if %cond3A_45 {
      "tpu.region"() ({
        %run_scoped3A = tpu.sem_alloc : memref<!tpu.dma_semaphore, #tpu.memory_space<semaphore_mem>>
        %dma_start3A_46 = arith.constant 9984 : i32
        %dma_start3A_47 = arith.constant 0 : i32
        %dma_start3A_48 = tpu.memref_slice %arg7[%arg0, %dma_start3A_46, %dma_start3A_47] : memref<2x10000x128xf32, #tpu.memory_space<hbm>> -> memref<1x16x128xf32, #tpu.memory_space<hbm>>
        %dma_start3A_49 = tpu.memref_squeeze %dma_start3A_48 : memref<1x16x128xf32, #tpu.memory_space<hbm>> -> memref<16x128xf32, #tpu.memory_space<hbm>>
        %dma_start3A_50 = arith.constant 9984 : i32
        %dma_start3A_51 = arith.constant 0 : i32
        %dma_start3A_52 = tpu.memref_slice %arg16[%dma_start3A_50, %dma_start3A_51] : memref<10000x128xf32, #tpu.memory_space<vmem_shared>> -> memref<16x128xf32, #tpu.memory_space<vmem_shared>>
        tpu.enqueue_dma source(%dma_start3A_52 : memref<16x128xf32, #tpu.memory_space<vmem_shared>>) target(%dma_start3A_49 : memref<16x128xf32, #tpu.memory_space<hbm>>) target_semaphore(%run_scoped3A : memref<!tpu.dma_semaphore, #tpu.memory_space<semaphore_mem>>)
        %dma_wait3A_53 = arith.constant 9984 : i32
        %dma_wait3A_54 = arith.constant 0 : i32
        %dma_wait3A_55 = tpu.memref_slice %arg7[%arg0, %dma_wait3A_53, %dma_wait3A_54] : memref<2x10000x128xf32, #tpu.memory_space<hbm>> -> memref<1x16x128xf32, #tpu.memory_space<hbm>>
        %dma_wait3A_56 = tpu.memref_squeeze %dma_wait3A_55 : memref<1x16x128xf32, #tpu.memory_space<hbm>> -> memref<16x128xf32, #tpu.memory_space<hbm>>
        %dma_wait3A_57 = arith.constant 9984 : i32
        %dma_wait3A_58 = arith.constant 0 : i32
        %dma_wait3A_59 = tpu.memref_slice %arg16[%dma_wait3A_57, %dma_wait3A_58] : memref<10000x128xf32, #tpu.memory_space<vmem_shared>> -> memref<16x128xf32, #tpu.memory_space<vmem_shared>>
        tpu.wait_dma2 semaphore(%run_scoped3A : memref<!tpu.dma_semaphore, #tpu.memory_space<semaphore_mem>>) src(%dma_wait3A_59 : memref<16x128xf32, #tpu.memory_space<vmem_shared>>) dst(%dma_wait3A_56 : memref<16x128xf32, #tpu.memory_space<hbm>>)
        tpu.yield
      }) : () -> ()
    } else {
    }
    return
  }
}

module attributes {stable_mosaic.version = 14 : i64} {
  func.func @body(%arg0: i32, %arg1: memref<1000x128xf32, #tpu.memory_space<vmem>>, %arg2: memref<1000x128xf32, #tpu.memory_space<vmem>>, %arg3: memref<1000x128xf32, #tpu.memory_space<vmem>>, %arg4: memref<128x128xf32, #tpu.memory_space<vmem>>, %arg5: memref<128x128xf32, #tpu.memory_space<vmem>>, %arg6: memref<1000x128xf32, #tpu.memory_space<vmem>>) attributes {dimension_semantics = [#tpu.dimension_semantics<arbitrary>], iteration_bounds = array<i64: 10>, scalar_prefetch = 0 : i64, scratch_operands = 0 : i64, tpu.core_type = #tpu.core_type<tc>, window_params = [{transform_indices = @transform_0, window_bounds = array<i64: 1000, 128>}, {transform_indices = @transform_1, window_bounds = array<i64: 1000, 128>}, {transform_indices = @transform_2, window_bounds = array<i64: 1000, 128>}, {pipeline_mode = #tpu.pipeline_mode<synchronous>, transform_indices = @transform_3, window_bounds = array<i64: 128, 128>}, {pipeline_mode = #tpu.pipeline_mode<synchronous>, transform_indices = @transform_4, window_bounds = array<i64: 128, 128>}, {transform_indices = @transform_5, window_bounds = array<i64: 1000, 128>}]} {
    %get3A = arith.constant 0 : index
    %get3A_0 = arith.constant 0 : index
    %get3A_1 = vector.load %arg1[%get3A, %get3A_0] : memref<1000x128xf32, #tpu.memory_space<vmem>>, vector<1000x128xf32>
    %get3A_2 = arith.constant 0 : index
    %get3A_3 = arith.constant 0 : index
    %get3A_4 = vector.load %arg2[%get3A_2, %get3A_3] : memref<1000x128xf32, #tpu.memory_space<vmem>>, vector<1000x128xf32>
    %add3A = arith.addf %get3A_1, %get3A_4 : vector<1000x128xf32>
    %get3A_5 = arith.constant 0 : index
    %get3A_6 = arith.constant 0 : index
    %get3A_7 = vector.load %arg4[%get3A_5, %get3A_6] : memref<128x128xf32, #tpu.memory_space<vmem>>, vector<128x128xf32>
    %dot_general3A = arith.constant dense<0.000000e+00> : vector<1000x128xf32>
    %dot_general3A_8 = tpu.matmul %add3A, %get3A_7, %dot_general3A {dimension_numbers = #tpu.dot_dimension_numbers<[1], [0], [0], [1], [0, 0, 1, 1], [], []>, transpose_lhs_hint = false} : vector<1000x128xf32>, vector<128x128xf32>, vector<1000x128xf32> -> vector<1000x128xf32>
    %get3A_9 = arith.constant 0 : index
    %get3A_10 = arith.constant 0 : index
    %get3A_11 = vector.load %arg3[%get3A_9, %get3A_10] : memref<1000x128xf32, #tpu.memory_space<vmem>>, vector<1000x128xf32>
    %get3A_12 = arith.constant 0 : index
    %get3A_13 = arith.constant 0 : index
    %get3A_14 = vector.load %arg5[%get3A_12, %get3A_13] : memref<128x128xf32, #tpu.memory_space<vmem>>, vector<128x128xf32>
    %dot_general3A_15 = arith.constant dense<0.000000e+00> : vector<1000x128xf32>
    %dot_general3A_16 = tpu.matmul %get3A_11, %get3A_14, %dot_general3A_15 {dimension_numbers = #tpu.dot_dimension_numbers<[1], [0], [0], [1], [0, 0, 1, 1], [], []>, transpose_lhs_hint = false} : vector<1000x128xf32>, vector<128x128xf32>, vector<1000x128xf32> -> vector<1000x128xf32>
    %add3A_17 = arith.addf %dot_general3A_8, %dot_general3A_16 : vector<1000x128xf32>
    %max3A = arith.constant 0.000000e+00 : f32
    %max3A_18 = vector.broadcast %max3A : f32 to vector<1000x128xf32>
    %max3A_19 = arith.maximumf %add3A_17, %max3A_18 : vector<1000x128xf32>
    %swap3A = arith.constant 0 : index
    %swap3A_20 = arith.constant 0 : index
    %swap3A_21 = vector.load %arg6[%swap3A, %swap3A_20] : memref<1000x128xf32, #tpu.memory_space<vmem>>, vector<1000x128xf32>
    tpu.vector_store %arg6[%swap3A, %swap3A_20], %max3A_19 {strides = array<i32>} : memref<1000x128xf32, #tpu.memory_space<vmem>>, vector<1000x128xf32>,
    return
  }
  func.func @transform_0(%arg0: i32) -> (i32, i32) {
    %c0_i32 = arith.constant 0 : i32
    %c0_i32_0 = arith.constant 0 : i32
    return %arg0, %c0_i32 : i32, i32
  }
  func.func @transform_1(%arg0: i32) -> (i32, i32) {
    %c0_i32 = arith.constant 0 : i32
    %c0_i32_0 = arith.constant 0 : i32
    return %arg0, %c0_i32 : i32, i32
  }
  func.func @transform_2(%arg0: i32) -> (i32, i32) {
    %c0_i32 = arith.constant 0 : i32
    %c0_i32_0 = arith.constant 0 : i32
    return %arg0, %c0_i32 : i32, i32
  }
  func.func @transform_3(%arg0: i32) -> (i32, i32) {
    %c0_i32 = arith.constant 0 : i32
    %c0_i32_0 = arith.constant 0 : i32
    %c0_i32_1 = arith.constant 0 : i32
    return %c0_i32, %c0_i32_0 : i32, i32
  }
  func.func @transform_4(%arg0: i32) -> (i32, i32) {
    %c0_i32 = arith.constant 0 : i32
    %c0_i32_0 = arith.constant 0 : i32
    %c0_i32_1 = arith.constant 0 : i32
    return %c0_i32, %c0_i32_0 : i32, i32
  }
  func.func @transform_5(%arg0: i32) -> (i32, i32) {
    %c0_i32 = arith.constant 0 : i32
    %c0_i32_0 = arith.constant 0 : i32
    return %arg0, %c0_i32 : i32, i32
  }
}

</mosaic_0001>

<sc_bundles>
// kernel: kernel.4.cloned.1.call-start
scs
__scs_entry_jumppad:
0x0: {  	(pc) =	sbr.rel $0x88, $3  }
0x1: {  	(tag) =	ssettag $0x0;
	lr =	simm.s32 $0x1  }
0x2: {  	[smem:$0x3F9D] =	sst lr;
	_ =	strace $0xD0000000  }
0x3: {  	_ = 	snop  }
0x4: {  	_ = 	snop  }
0x5: {  	_ = 	snop  }
0x6: {  	_ = 	snop  }
0x7: {  	_ = 	snop  }
__scs_overlays_trampoline_lowered:
0x8: {  	[smem:$0x3FAC] =	sst s0  }
0x9: {  	[smem:$0x3FAD] =	sst s1  }
0xa: {  	[smem:$0x3FAE] =	sst s2  }
0xb: {  	[smem:$0x3FAF] =	sst s3  }
0xc: {  	[smem:$0x3FB0] =	sst s4  }
0xd: {  	[smem:$0x3FB1] =	sst s5  }
0xe: {  	[smem:$0x3FB2] =	sst s6  }
0xf: {  	[smem:$0x3FB3] =	sst s7  }
0x10: {  	[smem:$0x3FB4] =	sst s8  }
0x11: {  	[smem:$0x3FB5] =	sst s9;
	s0 =	simm.s32 @!p0 $0x0  }
0x12: {  	s1 =	sld [smem:$0x3F9B];
	s0 =	simm.s32 @p0 $0x1  }
0x13: {  	[smem:$0x3FB6] =	sst s0;
	s0 =	simm.s32 @!p1 $0x0  }
0x14: {  	s2 =	sld [smem:$0x3F9A];
	s0 =	simm.s32 @p1 $0x1  }
0x15: {  	[smem:$0x3FB7] =	sst s0;
	s0 =	simm.s32 @!p2 $0x0  }
0x16: {  	s3 =	sld [smem:$0x3FDB];
	s0 =	simm.s32 @p2 $0x1  }
0x17: {  	s4 =	simm.s32 $0x1BF5;
	[smem:$0x3FB9] =	sst s0  }
0x18: {  	s0 =	sld [smem:$0x3F9C];
	_ =	swait.ge [sflag:s4], $0x0  }
0x19: {  	s7 =	sld [smem:$0x3F9D]  }
0x1a: {  	s8 =	sadd.s32 $0xFFFFE003, lr  }
0x1b: {  	s9 =	sadd.s32 $0xFFFFFEF7, lr;
	s5 =	simm.s32 $0xFFFFFFFF;
	p2 =	slt.u32 s8, $0xFFFFF086  }
0x1c: {  	p1 =	slt.u32 s9, $0xF7A;
	s5 =	simm.s32 @!p2 $0x0  }
0x1d: {  	s5 =	simm.s32 @p1 $0x1;
	p0 =	seq.s32 s7, s2  }
0x1e: {  	s7 =	smul.u32 @!p0 $0xF7A, s2;
	p2 =	seq.s32 @!p0 s5, $0x0  }
0x1f: {  	s9 =	smul.u32 $0xF7A, s1;
	s8 =	simm.s32 @!p0 $0x1BF5;
	p2 =	por !p2, p0  }
0x20: {  	[sflag:s8] =	ssyncset.s32 @!p0 $0xFFFFF086;
	s6 =	sadd.s32 @!p0 s3, s7;
	s7 =	simm.s32 @!p0 $0x108  }
0x21: {  	s3 =	sadd.s32 s3, s9;
	s6 =	sadd.s32 @!p0 $0x88, s6;
	s7 =	simm.s32 @p2 $0x1082  }
0x22: {  	[simem:s7], [sflag:s8] =	dma.local @!p0 [hbm:s6], $0xF7A  }
0x23: {  	s9 =	sor.u32 $0xD0000000, s2;
	s6 =	simm.s32 $0x108;
	_ =	swait.ge @!p0 [sflag:s8], $0x0  }
0x24: {  	s3 =	sadd.s32 $0x88, s3;
	s6 =	simm.s32 @!p1 $0x1082;
	[sflag:s4] =	ssyncset.s32 $0xFFFFF086  }
0x25: {  	[simem:s6], [sflag:s4] =	dma.local [hbm:s3], $0xF7A  }
0x26: {  	[smem:$0x3F9D] =	sst s1;
	(tag) =	ssettag s2;
	_ =	strace s9  }
0x27: {  	s1 =	sld [smem:$0x3FAD]  }
0x28: {  	s2 =	sld [smem:$0x3FAE]  }
0x29: {  	s4 =	sld [smem:$0x3FB0]  }
0x2a: {  	p0 =	seq.s32 s5, $0x0;
	s5 =	sld [smem:$0x3FB1]  }
0x2b: {  	s6 =	sld [smem:$0x3FB2]  }
0x2c: {  	s7 =	sld [smem:$0x3FB3]  }
0x2d: {  	s3 =	simm.s32 $0x108;
	s8 =	sld [smem:$0x3FB4]  }
0x2e: {  	s3 =	simm.s32 @!p0 $0x1082;
	s9 =	sld [smem:$0x3FB5]  }
0x2f: {  	lr =	sadd.s32 s0, s3;
	s0 =	sld [smem:$0x3FAC]  }
0x30: {  	s3 =	sld [smem:$0x3FAF]  }
0x31: {  	[smem:$0x3FB8] =	sst s10  }
0x32: {  	s10 =	sld [smem:$0x3FB6];
	_ =	sdelay $0x3  }
0x33: {  	p0 =	seq.s32 s10, $0x1;
	s10 =	sld [smem:$0x3FB8];
	_ =	sdelay $0x3  }
0x34: {  	[smem:$0x3FB8] =	sst s10  }
0x35: {  	s10 =	sld [smem:$0x3FB7];
	_ =	sdelay $0x3  }
0x36: {  	p1 =	seq.s32 s10, $0x1;
	s10 =	sld [smem:$0x3FB8];
	_ =	sdelay $0x3  }
0x37: {  	[smem:$0x3FB8] =	sst s10  }
0x38: {  	s10 =	sld [smem:$0x3FB9]  }
0x39: {  	_ = 	snop;
	(pc) =	sbr.ind lr, $3  }
0x3a: {  	_ = 	snop  }
0x3b: {  	_ = 	snop  }
0x3c: {  	p2 =	seq.s32 s10, $0x1;
	s10 =	sld [smem:$0x3FB8]  }
0x3d: {  	_ =	shalt  }
0x3e: {  	_ =	shalt  }
0x3f: {  	_ =	shalt  }
0x40: {  	_ =	shalt  }
0x41: {  	_ =	shalt  }
0x42: {  	_ =	shalt  }
0x43: {  	_ =	shalt  }
0x44: {  	_ =	shalt  }
0x45: {  	_ =	shalt  }
0x46: {  	_ =	shalt  }
0x47: {  	_ =	shalt  }
0x48: {  	_ =	shalt  }
0x49: {  	_ =	shalt  }
0x4a: {  	_ =	shalt  }
0x4b: {  	_ =	shalt  }
0x4c: {  	_ =	shalt  }
0x4d: {  	_ =	shalt  }
0x4e: {  	_ =	shalt  }
0x4f: {  	_ =	shalt  }
0x50: {  	_ =	shalt  }
0x51: {  	_ =	shalt  }
0x52: {  	_ =	shalt  }
0x53: {  	_ =	shalt  }
0x54: {  	_ =	shalt  }
0x55: {  	_ =	shalt  }
0x56: {  	_ =	shalt  }
0x57: {  	_ =	shalt  }
0x58: {  	_ =	shalt  }
0x59: {  	_ =	shalt  }
0x5a: {  	_ =	shalt  }
0x5b: {  	_ =	shalt  }
0x5c: {  	_ =	shalt  }
0x5d: {  	_ =	shalt  }
0x5e: {  	_ =	shalt  }
0x5f: {  	_ =	shalt  }
0x60: {  	_ =	shalt  }
0x61: {  	_ =	shalt  }
0x62: {  	_ =	shalt  }
0x63: {  	_ =	shalt  }
0x64: {  	_ =	shalt  }
0x65: {  	_ =	shalt  }
0x66: {  	_ =	shalt  }
0x67: {  	_ =	shalt  }
0x68: {  	_ =	shalt  }
0x69: {  	_ =	shalt  }
0x6a: {  	_ =	shalt  }
0x6b: {  	_ =	shalt  }
0x6c: {  	_ =	shalt  }
0x6d: {  	_ =	shalt  }
0x6e: {  	_ =	shalt  }
0x6f: {  	_ =	shalt  }
0x70: {  	_ =	shalt  }
0x71: {  	_ =	shalt  }
0x72: {  	_ =	shalt  }
0x73: {  	_ =	shalt  }
0x74: {  	_ =	shalt  }
0x75: {  	_ =	shalt  }
0x76: {  	_ =	shalt  }
0x77: {  	_ =	shalt  }
0x78: {  	_ =	shalt  }
0x79: {  	_ =	shalt  }
0x7a: {  	_ =	shalt  }
0x7b: {  	_ =	shalt  }
0x7c: {  	_ =	shalt  }
0x7d: {  	_ =	shalt  }
0x7e: {  	_ =	shalt  }
0x7f: {  	_ =	shalt  }
0x80: {  	_ =	shalt  }
0x81: {  	_ =	shalt  }
0x82: {  	_ =	shalt  }
0x83: {  	_ =	shalt  }
0x84: {  	_ =	shalt  }
0x85: {  	_ =	shalt  }
0x86: {  	_ =	shalt  }
0x87: {  	_ =	shalt  }
.Lfunc_end0:
.L_simem_size_0:
called_computation_lowered:
.L_overlay_start_0:
0x88: {  	s2 =	sld [smem:$0x3FD9]  }
0x89: {  	s3 =	sld [smem:$0x3FFE];
	_ =	sdelay $0x1  }
0x8a: {  	s1 =	srdreg.scid  }
0x8b: {  	s0 =	sand.u32 $0x1, s1  }
0x8c: {  	s17 =	sshll.u32 s0, $0xA;
	s2 =	sadd.s32 s3, s2  }
0x8d: {  	s2 =	sadd.s32 s2, s17  }
0x8e: {  	[smem:$0x3FC4] =	sst s2  }
0x8f: {  	_ = 	snop  }
0x90: {  	s2 =	sld [smem:$0x3FC9]  }
0x91: {  	s18 =	sld [smem:$0x3FC7]  }
0x92: {  	s4 =	sld [smem:$0x3FD0];
	(tm) =	ssettm $0x1  }
0x93: {  	s5 =	sld [smem:$0x3FFB];
	_ =	sdelay $0x3  }
0x94: {  	_ =	strace s5  }
0x95: {  	s5 =	sld [smem:$0x3FFC];
	_ =	sdelay $0x3  }
0x96: {  	_ =	strace s5  }
0x97: {  	s5 =	sld [smem:$0x3FFD];
	_ =	sdelay $0x3  }
0x98: {  	_ =	strace s5  }
0x99: {  	_ =	strace $0x8FFFFFFF  }
0x9a: {  	s19 =	sld [smem:$0x3FDB];
	_ =	sdelay $0x1  }
0x9b: {  	s6 =	simm.s32 $_scs_section_size  }
0x9c: {  	s7 =	simm.s32 $_size__tile_overlayer_lowered;
	s8 =	simm.s32 $_tile_overlayer_lowered  }
0x9d: {  	s22 =	simm.s32 $0x1BFF;
	s21 =	sshll.u32 s8, $0x1;
	s5 =	sadd.s32 s6, s19  }
0x9e: {  	s9 =	simm.s32 $0x0;
	s20 =	sshll.u32 s7, $0x1;
	s7 =	sadd.s32 s21, s5  }
0x9f: {  	[timem:s9], [sflag:s22] =	dma.local [hbm:s7], s20  }
0xa0: {  	_ =	swait.ge [sflag:s22], s20  }
0xa1: {  	s6 =	ssub.s32 $0x0, s20;
	[sflag:s22] =	ssyncset.done $0x0  }
0xa2: {  	[sflag:s22] =	ssyncadd.s32 s6;
	_ =	sdelay $0x1  }
0xa3: {  	s23 =	simm.s32 $0x1B8B  }
0xa4: {  	_ =	swait.ge [sflag:s23], $0x1  }
0xa5: {  	[sflag:s23] =	ssyncset.done $0x0  }
0xa6: {  	s25 =	simm.s32 $0x1B8E;
	s24 =	sld [smem:$0x3FFE];
	[sflag:s23] =	ssyncadd.s32 $0xFFFFFFFF  }
0xa7: {  	s26 =	simm.s32 $execute0_lowered;
	[smem:$0x3FD2] =	sst s25  }
0xa8: {  	s7 =	sshll.u32 s26, $0x1;
	_ =	strace $0x80000046;
	[dreg:$0x1] =	wrdreg $0xFFFFFFFF  }
0xa9: {  	s28 =	simm.s32 $_size_execute0_lowered;
	s5 =	sadd.s32 s5, s7;
	[dreg:$0x0] =	wrdreg $0x0  }
0xaa: {  	s7 =	sshll.u32 s28, $0x1;
	[dreg:$0x2] =	wrdreg s5  }
0xab: {  	[dreg:$0x3] =	wrdreg s7  }
0xac: {  	[dreg:$0x4] =	wrdreg $0xC0  }
0xad: {  	_ =	task [dreg:s9], $0x5FFFF  }
0xae: {  	[dreg:$0x1] =	wrdreg $0xFFFFFFFF  }
0xaf: {  	[dreg:$0x0] =	wrdreg $0x60  }
0xb0: {  	[dreg:$0x2] =	wrdreg s2  }
0xb1: {  	[dreg:$0x3] =	wrdreg s24  }
0xb2: {  	[dreg:$0x4] =	wrdreg s18  }
0xb3: {  	[dreg:$0x5] =	wrdreg s4  }
0xb4: {  	[dreg:$0x6] =	wrdreg $0x83000  }
0xb5: {  	[dreg:$0x7] =	wrdreg $0x9  }
0xb6: {  	_ =	task.clear_ibuf [dreg:s9], $0x8FFFF;
	_ =	strace $0x90000046  }
0xb7: {  	s29 =	simm.s32 $0x9;
	_ =	strace $0x80000048  }
0xb8: {  	_ =	swait.ge [sflag:s29], $0x1  }
0xb9: {  	[sflag:s29] =	ssyncadd.s32 $0xFFFFFFFF  }
0xba: {  	_ =	strace $0x90000048  }
0xbb: {  	_ =	sfence  }
0xbc: {  	s30 =	sld [smem:$0x0];
	_ =	sdelay $0x2  }
0xbd: {  	s31 =	sshll.u32 s1, $0xD;
	s1 =	sshrl.u32 s1, $0x2  }
0xbe: {  	s3 =	sand.u32 $0x4000, s31;
	s1 =	sadd.s32 s1, s30  }
0xbf: {  	s0 =	sor.u32 s3, s0;
	s1 =	sshll.u32 s1, $0x11  }
0xc0: {  	s0 =	sor.u32 s1, s0  }
0xc1: {  	s0 =	sadd.s32 $0x8F2B, s0  }
0xc2: {  	[sflag:s0] =	ssyncadd.remote.s32 $0x1  }
0xc3: {  	_ =	sfence.sel $0xFFFF  }
0xc4: {  	[dreg:$0x0] =	wrdreg $0xFFFFFFFF;
	(pc) =	sbr.abs _section_cstart, $3  }
0xc5: {  	[dreg:$0x1] =	wrdreg $0xFFFFFFFF  }
0xc6: {  	_ =	task.clear_ibuf [dreg:s9], $0x2FFFF;
	_ =	strace $0x9FFFFFFF  }
0xc7: {  	(tm) =	ssettm $0x7FFFFFFF  }
tec
execute0_lowered:
.L_overlay_start_1:
0x0: {  	(tag) =	ssettag $0x1  }
0x1: {  	s1 =	rddreg [dreg:$0x0]  }
0x2: {  	s0 =	rddreg [dreg:$0x1]  }
0x3: {  	s2 =	rddreg [dreg:$0x2]  }
0x4: {  	s5 =	rddreg [dreg:$0x3]  }
0x5: {  	s3 =	rddreg [dreg:$0x4];
	s4 =	simm.s32 $0x0  }
0x6: {  	s8 =	srdreg.scid;
	s14 =	stileid.u32;
	s28 =	simm.s32 $0x300  }
0x7: {  	s29 =	simm.s32 $0x100;
	s30 =	simm.s32 $0x180;
	s31 =	simm.s32 $0x4300  }
0x8: {  	[smem:$0x7FF] =	sst s4;
	s6 =	sadd.s32 $0xA800, s0;
	s7 =	sadd.s32 $0xA00, s0  }
0x9: {  	s9 =	sand.u32 $0x1, s8;
	s0 =	sadd.s32 $0x14600, s0;
	s10 =	smul.u32 $0x4E000, s14  }
0xa: {  	s12 =	sshll.u32 s14, $0x1;
	s13 =	smul.u32 $0x13800, s14;
	s8 =	ssub.s32 $0x2, s9  }
0xb: {  	s15 =	sshll.u32 s14, $0x6;
	p0 =	sne.s32 s14, $0xF;
	s11 =	sshrl.u32 s8, $0x1  }
0xc: {  	p1 =	sgt.u32 s14, $0x1;
	s10 =	sshrl.u32 s10, $0x2;
	s11 =	ssub.s32 s8, s11  }
0xd: {  	s8 =	sor.u32 s9, s12;
	s10 =	sadd.s32 s10, s3;
	s12 =	sshrl.u32 s13, $0x3  }
0xe: {  	_ =	strace $0x80000047;
	[dreg:$0x6] =	wrdreg s10;
	s10 =	sadd.s32 s5, s12  }
0xf: {  	s12 =	sor.u32 $0x1C07, s15;
	s15 =	sadd.s32 $0x138000, s3;
	[dreg:$0x7] =	wrdreg s10  }
0x10: {  	s9 =	smul.u32 $0x138800, s9;
	s5 =	sadd.s32 $0x27000, s5;
	[dreg:$0x9] =	wrdreg s15  }
0x11: {  	s16 =	sshll.u32 s8, $0x4;
	s26 =	smax.u32 s11, $0x1;
	[dreg:$0xa] =	wrdreg s5  }
0x12: {  	s17 =	sadd.s32 s6, s16;
	s18 =	sadd.s32 s7, s16;
	[dreg:$0x13] =	wrdreg s26  }
0x13: {  	s19 =	sor.u32 $0x9C00, s16;
	s20 =	sadd.s32 s2, s16;
	[dreg:$0x8] =	wrdreg s12  }
0x14: {  	s23 =	sadd.s32 s13, s9;
	s9 =	sshrl.u32 s9, $0x3;
	[dreg:$0xb] =	wrdreg s17  }
0x15: {  	s26 =	simm.s32 $0x80;
	s10 =	simm.s32 $0x3;
	[dreg:$0xc] =	wrdreg s18  }
0x16: {  	s13 =	simm.s32 $0x0;
	[dreg:$0xd] =	wrdreg s20;
	s17 =	sand.u32 $0x70, s16  }
0x17: {  	s21 =	sadd.s32 s6, s19;
	s22 =	sadd.s32 s7, s19;
	s5 =	sadd.s32 s2, s19  }
0x18: {  	s24 =	sshrl.u32 s23, $0x3;
	s9 =	sadd.s32 s0, s9;
	[dreg:$0xe] =	wrdreg s21  }
.Ltmp0:
0x19: {  	s18 =	simm.s32 $0x1;
	[dreg:$0xf] =	wrdreg s22;
	(pc) =	sbr.rel .LBB2_1-.Ltmp0, $4  }
0x1a: {  	s19 =	simm.s32 $0x5;
	s20 =	simm.s32 $0x2;
	[dreg:$0x10] =	wrdreg s5  }
0x1b: {  	s0 =	sadd.s32 s0, s24;
	s25 =	sadd.s32 $0x27000, s9;
	s24 =	sor.u32 $0x200, s17  }
0x1c: {  	s22 =	simm.s32 $0x7;
	s5 =	simm.s32 $0x280;
	[dreg:$0x11] =	wrdreg s0  }
0x1d: {  	s9 =	simm.s32 $0x6;
	[dreg:$0x12] =	wrdreg s25;
	s0 =	simm.s32 $0x200  }
.LBB2_11:
0x1e: {  	[bflag:$0x0] =	sbarrier.arrive $0xFFFF  }
0x1f: {  	s12 =	rddreg [dreg:$0x8]  }
0x20: {  	s11 =	rddreg [dreg:$0x11]  }
0x21: {  	s14 =	rddreg [dreg:$0x14]  }
0x22: {  	[hbm:s11], [sflag:s12] =	dma.local [spmem:s14], $0x2700  }
0x23: {  	_ =	swait.ge [sflag:s22], $0x2700  }
0x24: {  	[sflag:s22] =	ssyncset.done $0x0;
	s11 =	rddreg [dreg:$0x12]  }
0x25: {  	s14 =	rddreg [dreg:$0x15];
	[sflag:s22] =	ssyncadd.s32 $0xFFFFD900  }
0x26: {  	[hbm:s11], [sflag:s12] =	dma.local @!p0 [spmem:s14], $0x100  }
0x27: {  	s11 =	simm.s32 @!p0 $0x7  }
0x28: {  	_ =	swait.ge @!p0 [sflag:s11], $0x100  }
0x29: {  	s13 =	sadd.s32 $0x1, s13;
	s25 =	rddreg [dreg:$0x13]  }
0x2a: {  	p2 =	sne.s32 s13, s25  }
.Ltmp1:
0x2b: {  	_ = 	snop;
	(pc) =	sbr.rel @!p2 .LBB2_12-.Ltmp1, $3  }
0x2c: {  	_ =	sdelay $0x1  }
0x2d: {  	[sflag:s11] =	ssyncset.done @!p0 $0x0  }
0x2e: {  	[sflag:s11] =	ssyncadd.s32 @!p0 $0xFFFFFF00  }
.LBB2_1:
0x2f: {  	s11 =	rddreg [dreg:$0x6]  }
0x30: {  	s16 =	rddreg [dreg:$0x7];
	s14 =	sshrl.u32 s11, $0x3  }
0x31: {  	[dreg:$0x14] =	wrdreg s14  }
0x32: {  	[spmem:s14], [sflag:s12] =	dma.local [hbm:s16], $0x2700  }
0x33: {  	_ =	swait.ge [sflag:s22], $0x2700  }
0x34: {  	s11 =	rddreg [dreg:$0x9]  }
0x35: {  	[sflag:s22] =	ssyncset.done $0x0;
	s14 =	sshrl.u32 @!p0 s11, $0x3;
	s11 =	rddreg [dreg:$0xa]  }
0x36: {  	[sflag:s22] =	ssyncadd.s32 $0xFFFFD900;
	[dreg:$0x15] =	wrdreg s14  }
0x37: {  	[spmem:s14], [sflag:s12] =	dma.local @!p0 [hbm:s11], $0x100  }
0x38: {  	s11 =	simm.s32 @!p0 $0x7  }
0x39: {  	_ =	swait.ge @!p0 [sflag:s11], $0x100  }
0x3a: {  	[sflag:s11] =	ssyncset.done @!p0 $0x0  }
0x3b: {  	[sflag:s11] =	ssyncadd.s32 @!p0 $0xFFFFFF00  }
0x3c: {  	[bflag:$0x0] =	sbarrier.arrive $0xFFFF  }
0x3d: {  	s21 =	rddreg [dreg:$0xb]  }
0x3e: {  	[tilespmem:s4], [sflag:$0x7] =	stream.linear.gather [hbm4b:s21+s4], $0x80, $0x38;
	[tilespmem:$0x1BB80] =	vst v63  }
0x3f: {  	_ =	swait.ge [sflag:s22], $0x80  }
0x40: {  	[sflag:s22] =	ssyncset.done $0x0  }
0x41: {  	[sflag:s22] =	ssyncadd.s32 $0xFFFFFF80  }
0x42: {  	[tilespmem:s28], [sflag:$0x1] =	stream.indirect.gather [hbm4b:s1+s26], $0x80, s4, s26, $0xb8;
	[tilespmem:$0x1BB80] =	vst v63  }
0x43: {  	s23 =	rddreg [dreg:$0xc]  }
0x44: {  	[tilespmem:s26], [sflag:$0x5] =	stream.linear.gather [hbm4b:s23+s4], $0x80, $0x38;
	[tilespmem:$0x1BB80] =	vst v63  }
0x45: {  	s16 =	simm.s32 $0x0;
	s25 =	rddreg [dreg:$0xd]  }
0x46: {  	[tilespmem:s29], [sflag:$0x5] =	stream.linear.gather [hbm4b:s25+s4], $0x80, $0x38;
	[tilespmem:$0x1BB80] =	vst v63  }
.LBB2_2:
0x47: {  	s11 =	sshll.u32 s16, $0x6  }
0x48: {  	p2 =	seq.s32 s16, $0x0;
	s21 =	sor.u32 s8, s11  }
0x49: {  	s11 =	simm.s32 @!p2 $0x4;
	s22 =	sshll.u32 s21, $0x4  }
0x4a: {  	_ =	swait.ge @!p2 [sflag:s11], $0x4000;
	s12 =	sand.u32 $0xFD80, s22  }
0x4b: {  	[sflag:s11] =	ssyncset.done @!p2 $0x0;
	s12 =	sor.u32 s24, s12  }
0x4c: {  	[sflag:s11] =	ssyncadd.s32 @!p2 $0xFFFFC000;
	s23 =	sadd.s32 s6, s12  }
0x4d: {  	[tilespmem:s30], [sflag:$0x7] =	stream.linear.gather [hbm4b:s23+s4], $0x80, $0x38;
	[tilespmem:$0x1BB80] =	vst v63  }
0x4e: {  	s23 =	simm.s32 $0x7  }
0x4f: {  	_ =	swait.ge [sflag:s23], $0x80  }
0x50: {  	[sflag:s23] =	ssyncset.done $0x0  }
0x51: {  	[sflag:s23] =	ssyncadd.s32 $0xFFFFFF80  }
0x52: {  	[tilespmem:s31], [sflag:$0x2] =	stream.indirect.gather [hbm4b:s1+s26], $0x80, s30, s26, $0xb8;
	[tilespmem:$0x1BB80] =	vst v63  }
0x53: {  	s25 =	sadd.s32 s7, s12  }
0x54: {  	[tilespmem:s0], [sflag:$0x6] =	stream.linear.gather [hbm4b:s25+s4], $0x80, $0x38;
	[tilespmem:$0x1BB80] =	vst v63  }
0x55: {  	s14 =	sadd.s32 s2, s12  }
0x56: {  	[tilespmem:s5], [sflag:$0x6] =	stream.linear.gather [hbm4b:s14+s4], $0x80, $0x38;
	[tilespmem:$0x1BB80] =	vst v63  }
0x57: {  	_ =	swait.ge [sflag:s18], $0x4000  }
0x58: {  	s15 =	simm.s32 $0x0;
	[sflag:s18] =	ssyncset.done $0x0  }
0x59: {  	v0 =	vmov s15;
	[sflag:s18] =	ssyncadd.s32 $0xFFFFC000  }
0x5a: {  	v0 =	vand.u32 $0xFFFFFFF8, v0;
	_ =	swait.ge [sflag:s19], $0x80  }
0x5b: {  	v0 =	vbroadcast v0, $0x0;
	[sflag:s19] =	ssyncset.done $0x0  }
0x5c: {  	[sflag:s19] =	ssyncadd.s32 $0xFFFFFF80  }
0x5d: {  	_ =	swait.ge [sflag:s19], $0x80  }
0x5e: {  	[sflag:s19] =	ssyncset.done $0x0  }
0x5f: {  	s12 =	simm.s32 $0x500;
	[sflag:s19] =	ssyncadd.s32 $0xFFFFFF80  }
0x60: {  	v2 =	vld [tilespmem:s12+$0xFFFFFE70]  }
0x61: {  	v0 =	vld.idx.msk [tilespmem:v0+s29+$0x0], $0xffff  }
0x62: {  	v3 =	vld [tilespmem:s12+$0xFFFFFE00]  }
0x63: {  	v4 =	vld [tilespmem:s12+$0xFFFFFE20]  }
0x64: {  	v5 =	vld [tilespmem:s12+$0xFFFFFE30]  }
0x65: {  	v1 =	vld [tilespmem:s12+$0xFFFFFE50]  }
0x66: {  	v7 =	vld [tilespmem:s12+$0xFFFFFE10];
	v2 =	vmul.f32 v2, v0  }
0x67: {  	s25 =	simm.s32 $0x1;
	v6 =	vld [tilespmem:s12+$0xFFFFFE60];
	v3 =	vmul.f32 v3, v0  }
0x68: {  	v8 =	vld [tilespmem:s12+$0xFFFFFE40];
	v4 =	vmul.f32 v4, v0;
	[tilespmem:s12+$0xFFFFFE70] =	vst v2;
	v2 =	vmov s25  }
0x69: {  	v5 =	vmul.f32 v5, v0;
	[tilespmem:s12+$0xFFFFFE00] =	vst v3;
	v2 =	vand.u32 $0xFFFFFFF9, v2  }
0x6a: {  	v1 =	vmul.f32 v1, v0;
	[tilespmem:s12+$0xFFFFFE20] =	vst v4;
	v2 =	vbroadcast v2, $0x0  }
0x6b: {  	v3 =	vmul.f32 v7, v0;
	[tilespmem:s12+$0xFFFFFE30] =	vst v5  }
0x6c: {  	v4 =	vmul.f32 v6, v0;
	[tilespmem:s12+$0xFFFFFE50] =	vst v1  }
0x6d: {  	v0 =	vmul.f32 v8, v0;
	[tilespmem:s12+$0xFFFFFE10] =	vst v3  }
0x6e: {  	[tilespmem:s12+$0xFFFFFE60] =	vst v4  }
0x6f: {  	[tilespmem:s12+$0xFFFFFE40] =	vst v0  }
0x70: {  	v0 =	vld.idx.msk [tilespmem:v2+s29+$0x0], $0xffff  }
0x71: {  	v2 =	vld [tilespmem:s12+$0xFFFFFE90]  }
0x72: {  	v3 =	vld [tilespmem:s12+$0xFFFFFEC0]  }
0x73: {  	v4 =	vld [tilespmem:s12+$0xFFFFFE80]  }
0x74: {  	v5 =	vld [tilespmem:s12+$0xFFFFFED0]  }
0x75: {  	v1 =	vld [tilespmem:s12+$0xFFFFFEF0]  }
0x76: {  	v6 =	vld [tilespmem:s12+$0xFFFFFEE0];
	v2 =	vmul.f32 v2, v0  }
0x77: {  	s14 =	simm.s32 $0x2;
	v7 =	vld [tilespmem:s12+$0xFFFFFEB0];
	v3 =	vmul.f32 v3, v0  }
0x78: {  	v8 =	vld [tilespmem:s12+$0xFFFFFEA0];
	v4 =	vmul.f32 v4, v0;
	[tilespmem:s12+$0xFFFFFE90] =	vst v2;
	v2 =	vmov s14  }
0x79: {  	v5 =	vmul.f32 v5, v0;
	[tilespmem:s12+$0xFFFFFEC0] =	vst v3;
	v2 =	vand.u32 $0xFFFFFFFA, v2  }
0x7a: {  	v1 =	vmul.f32 v1, v0;
	[tilespmem:s12+$0xFFFFFE80] =	vst v4;
	v2 =	vbroadcast v2, $0x0  }
0x7b: {  	v3 =	vmul.f32 v6, v0;
	[tilespmem:s12+$0xFFFFFED0] =	vst v5  }
0x7c: {  	v4 =	vmul.f32 v7, v0;
	[tilespmem:s12+$0xFFFFFEF0] =	vst v1  }
0x7d: {  	v0 =	vmul.f32 v8, v0;
	[tilespmem:s12+$0xFFFFFEE0] =	vst v3  }
0x7e: {  	[tilespmem:s12+$0xFFFFFEB0] =	vst v4  }
0x7f: {  	v1 =	vld [tilespmem:s12+$0xFFFFFF00];
	[tilespmem:s12+$0xFFFFFEA0] =	vst v0  }
0x80: {  	v0 =	vld.idx.msk [tilespmem:v2+s29+$0x0], $0xffff  }
0x81: {  	v2 =	vld [tilespmem:s12+$0xFFFFFF60]  }
0x82: {  	v3 =	vld [tilespmem:s12+$0xFFFFFF10]  }
0x83: {  	v4 =	vld [tilespmem:s12+$0xFFFFFF50]  }
0x84: {  	v5 =	vld [tilespmem:s12+$0xFFFFFF70]  }
0x85: {  	v6 =	vld [tilespmem:s12+$0xFFFFFF20];
	v1 =	vmul.f32 v1, v0  }
0x86: {  	s15 =	simm.s32 $0x3;
	v7 =	vld [tilespmem:s12+$0xFFFFFF30];
	v2 =	vmul.f32 v2, v0  }
0x87: {  	v8 =	vld [tilespmem:s12+$0xFFFFFF40];
	v3 =	vmul.f32 v3, v0;
	[tilespmem:s12+$0xFFFFFF00] =	vst v1;
	v1 =	vmov s15  }
0x88: {  	v4 =	vmul.f32 v4, v0;
	[tilespmem:s12+$0xFFFFFF60] =	vst v2;
	v1 =	vand.u32 $0xFFFFFFFB, v1  }
0x89: {  	v2 =	vmul.f32 v5, v0;
	[tilespmem:s12+$0xFFFFFF10] =	vst v3;
	v1 =	vbroadcast v1, $0x0  }
0x8a: {  	v3 =	vmul.f32 v6, v0;
	[tilespmem:s12+$0xFFFFFF50] =	vst v4  }
0x8b: {  	v4 =	vmul.f32 v7, v0;
	[tilespmem:s12+$0xFFFFFF70] =	vst v2  }
0x8c: {  	v0 =	vmul.f32 v8, v0;
	[tilespmem:s12+$0xFFFFFF20] =	vst v3  }
0x8d: {  	[tilespmem:s12+$0xFFFFFF30] =	vst v4  }
0x8e: {  	[tilespmem:s12+$0xFFFFFF40] =	vst v0  }
0x8f: {  	v0 =	vld.idx.msk [tilespmem:v1+s29+$0x0], $0xffff  }
0x90: {  	v1 =	vld [tilespmem:s12+$0xFFFFFFB0]  }
0x91: {  	v3 =	vld [tilespmem:s12+$0xFFFFFFE0]  }
0x92: {  	v4 =	vld [tilespmem:s12+$0xFFFFFF80]  }
0x93: {  	v5 =	vld [tilespmem:s12+$0xFFFFFFD0]  }
0x94: {  	v2 =	vld [tilespmem:s12+$0xFFFFFFF0]  }
0x95: {  	v7 =	vld [tilespmem:s12+$0xFFFFFFA0];
	v1 =	vmul.f32 v1, v0  }
0x96: {  	s25 =	simm.s32 $0x4;
	v6 =	vld [tilespmem:s12+$0xFFFFFF90];
	v3 =	vmul.f32 v3, v0  }
0x97: {  	v8 =	vld [tilespmem:s12+$0xFFFFFFC0];
	v4 =	vmul.f32 v4, v0;
	[tilespmem:s12+$0xFFFFFFB0] =	vst v1;
	v1 =	vmov s25  }
0x98: {  	v5 =	vmul.f32 v5, v0;
	[tilespmem:s12+$0xFFFFFFE0] =	vst v3;
	v1 =	vand.u32 $0xFFFFFFFC, v1  }
0x99: {  	v2 =	vmul.f32 v2, v0;
	[tilespmem:s12+$0xFFFFFF80] =	vst v4;
	v1 =	vbroadcast v1, $0x0  }
0x9a: {  	v9 =	vld [tilespmem:s12+$0x40];
	v3 =	vmul.f32 v7, v0;
	[tilespmem:s12+$0xFFFFFFD0] =	vst v5  }
0x9b: {  	v4 =	vmul.f32 v6, v0;
	[tilespmem:s12+$0xFFFFFFF0] =	vst v2;
	v7 =	vld [tilespmem:s12+$0x0]  }
0x9c: {  	v2 =	vmul.f32 v8, v0;
	v0 =	vld [tilespmem:s12+$0x70];
	[tilespmem:s12+$0xFFFFFFA0] =	vst v3  }
0x9d: {  	v6 =	vld [tilespmem:s12+$0x20];
	[tilespmem:s12+$0xFFFFFF90] =	vst v4  }
0x9e: {  	v5 =	vld [tilespmem:s12+$0x30];
	[tilespmem:s12+$0xFFFFFFC0] =	vst v2  }
0x9f: {  	v1 =	vld.idx.msk [tilespmem:v1+s29+$0x0], $0xffff  }
0xa0: {  	v2 =	vld [tilespmem:s12+$0x50]  }
0xa1: {  	v4 =	vld [tilespmem:s12+$0x10]  }
0xa2: {  	v3 =	vld [tilespmem:s12+$0x60];
	_ =	sdelay $0x1  }
0xa3: {  	s14 =	simm.s32 $0x500;
	s15 =	simm.s32 $0xF;
	v8 =	vmul.f32 v7, v1;
	v7 =	vmul.f32 v9, v1  }
.LBB2_3:
0xa4: {  	p2 =	sne.s32 s15, $0x7F;
	v6 =	vmul.f32 v6, v1;
	v5 =	vmul.f32 v5, v1;
	s11 =	sadd.s32 $0xFFFFFFFE, s23;
	s12 =	sadd.s32 $0x400, s12  }
0xa5: {  	v2 =	vmul.f32 v2, v1;
	[tilespmem:s14+$0x0] =	vst v8;
	v4 =	vmul.f32 v4, v1;
	v8 =	vmov s11;
	s11 =	smov.u32 s15;
	s15 =	sadd.s32 $0x8, s15  }
0xa6: {  	v0 =	vmul.f32 v0, v1;
	[tilespmem:s14+$0x40] =	vst v7;
	v3 =	vmul.f32 v3, v1;
	v1 =	vand.u32 $0xFFFFFFFD, v8  }
0xa7: {  	[tilespmem:s14+$0x20] =	vst v6;
	v1 =	vbroadcast v1, $0x0  }
0xa8: {  	[tilespmem:s14+$0x50] =	vst v2  }
0xa9: {  	[tilespmem:s14+$0x70] =	vst v0;
	v0 =	vld [tilespmem:s14+$0xA0]  }
0xaa: {  	[tilespmem:s14+$0x30] =	vst v5;
	v2 =	vld [tilespmem:s14+$0x80]  }
0xab: {  	[tilespmem:s14+$0x60] =	vst v3;
	v3 =	vld [tilespmem:s14+$0xD0]  }
0xac: {  	[tilespmem:s14+$0x10] =	vst v4;
	v4 =	vld [tilespmem:s14+$0xF0]  }
0xad: {  	v1 =	vld.idx.msk [tilespmem:v1+s29+$0x0], $0xffff  }
0xae: {  	v5 =	vld [tilespmem:s14+$0xC0]  }
0xaf: {  	v6 =	vld [tilespmem:s14+$0xB0]  }
0xb0: {  	v7 =	vld [tilespmem:s14+$0x90]  }
0xb1: {  	v8 =	vld [tilespmem:s14+$0xE0];
	_ =	sdelay $0x1  }
0xb2: {  	v2 =	vmul.f32 v2, v1;
	v5 =	vmul.f32 v5, v1  }
0xb3: {  	s25 =	sadd.s32 $0xFFFFFFFF, s23;
	v0 =	vmul.f32 v0, v1;
	v6 =	vmul.f32 v6, v1  }
0xb4: {  	v3 =	vmul.f32 v3, v1;
	[tilespmem:s14+$0x80] =	vst v2;
	v2 =	vmul.f32 v7, v1;
	v7 =	vmov s25  }
0xb5: {  	[tilespmem:s14+$0xA0] =	vst v0;
	v0 =	vmul.f32 v8, v1;
	v1 =	vmul.f32 v4, v1;
	v4 =	vand.u32 $0xFFFFFFFE, v7  }
0xb6: {  	[tilespmem:s14+$0xD0] =	vst v3;
	v3 =	vbroadcast v4, $0x0  }
0xb7: {  	[tilespmem:s14+$0xC0] =	vst v5  }
0xb8: {  	[tilespmem:s14+$0xF0] =	vst v1;
	v1 =	vld [tilespmem:s14+$0x120]  }
0xb9: {  	[tilespmem:s14+$0xB0] =	vst v6;
	v4 =	vld [tilespmem:s14+$0x100]  }
0xba: {  	[tilespmem:s14+$0x90] =	vst v2;
	v2 =	vld [tilespmem:s14+$0x140]  }
0xbb: {  	[tilespmem:s14+$0xE0] =	vst v0;
	v0 =	vld [tilespmem:s14+$0x130]  }
0xbc: {  	v3 =	vld.idx.msk [tilespmem:v3+s29+$0x0], $0xffff  }
0xbd: {  	v5 =	vld [tilespmem:s14+$0x110]  }
0xbe: {  	v6 =	vld [tilespmem:s14+$0x160]  }
0xbf: {  	v7 =	vld [tilespmem:s14+$0x150]  }
0xc0: {  	v8 =	vld [tilespmem:s14+$0x170];
	_ =	sdelay $0x1  }
0xc1: {  	v4 =	vmul.f32 v4, v3;
	v5 =	vmul.f32 v5, v3  }
0xc2: {  	v1 =	vmul.f32 v1, v3;
	v0 =	vmul.f32 v0, v3  }
0xc3: {  	v2 =	vmul.f32 v2, v3;
	[tilespmem:s14+$0x100] =	vst v4;
	v4 =	vmul.f32 v7, v3  }
0xc4: {  	[tilespmem:s14+$0x120] =	vst v1;
	v1 =	vmul.f32 v6, v3;
	v3 =	vmul.f32 v8, v3  }
0xc5: {  	[tilespmem:s14+$0x130] =	vst v0  }
0xc6: {  	v0 =	vmov s23;
	s23 =	smov.u32 s11;
	[tilespmem:s14+$0x140] =	vst v2  }
0xc7: {  	[tilespmem:s14+$0x160] =	vst v1;
	v1 =	vld [tilespmem:s14+$0x180]  }
0xc8: {  	[tilespmem:s14+$0x110] =	vst v5;
	v2 =	vld [tilespmem:s14+$0x1A0]  }
0xc9: {  	[tilespmem:s14+$0x150] =	vst v4;
	v4 =	vld [tilespmem:s14+$0x1F0]  }
0xca: {  	[tilespmem:s14+$0x170] =	vst v3;
	v3 =	vld [tilespmem:s14+$0x1D0]  }
0xcb: {  	v0 =	vld.idx.msk [tilespmem:v0+s29+$0x0], $0xffff  }
0xcc: {  	v5 =	vld [tilespmem:s14+$0x190]  }
0xcd: {  	v6 =	vld [tilespmem:s14+$0x1B0]  }
0xce: {  	v7 =	vld [tilespmem:s14+$0x1C0]  }
0xcf: {  	v8 =	vld [tilespmem:s14+$0x1E0];
	_ =	sdelay $0x1  }
0xd0: {  	v1 =	vmul.f32 v1, v0;
	v5 =	vmul.f32 v5, v0  }
0xd1: {  	s11 =	sadd.s32 $0xFFFFFFF9, s23;
	v2 =	vmul.f32 v2, v0;
	v6 =	vmul.f32 v6, v0  }
0xd2: {  	v9 =	vmov s11;
	v3 =	vmul.f32 v3, v0;
	[tilespmem:s14+$0x180] =	vst v1;
	v1 =	vmul.f32 v7, v0  }
0xd3: {  	v7 =	vand.u32 $0xFFFFFFF8, v9;
	[tilespmem:s14+$0x190] =	vst v5;
	v5 =	vmul.f32 v8, v0;
	v0 =	vmul.f32 v4, v0  }
0xd4: {  	v4 =	vbroadcast v7, $0x0;
	[tilespmem:s14+$0x1A0] =	vst v2  }
0xd5: {  	[tilespmem:s14+$0x1F0] =	vst v0  }
0xd6: {  	v0 =	vld [tilespmem:s12+$0xFFFFFE50];
	[tilespmem:s14+$0x1D0] =	vst v3  }
0xd7: {  	v2 =	vld [tilespmem:s12+$0xFFFFFE30];
	[tilespmem:s14+$0x1B0] =	vst v6  }
0xd8: {  	v3 =	vld [tilespmem:s12+$0xFFFFFE60];
	[tilespmem:s14+$0x1E0] =	vst v5  }
0xd9: {  	v5 =	vld [tilespmem:s12+$0xFFFFFE70];
	[tilespmem:s14+$0x1C0] =	vst v1;
	s14 =	smov.u32 s12  }
0xda: {  	v1 =	vld.idx.msk [tilespmem:v4+s29+$0x0], $0xffff  }
0xdb: {  	v4 =	vld [tilespmem:s12+$0xFFFFFE00]  }
0xdc: {  	v6 =	vld [tilespmem:s12+$0xFFFFFE20]  }
0xdd: {  	v7 =	vld [tilespmem:s12+$0xFFFFFE10]  }
0xde: {  	v8 =	vld [tilespmem:s12+$0xFFFFFE40];
	_ =	sdelay $0x1  }
0xdf: {  	v5 =	vmul.f32 v5, v1;
	v4 =	vmul.f32 v4, v1  }
0xe0: {  	s11 =	sadd.s32 $0xFFFFFFFA, s23;
	v3 =	vmul.f32 v3, v1;
	v6 =	vmul.f32 v6, v1  }
0xe1: {  	v2 =	vmul.f32 v2, v1;
	v7 =	vmul.f32 v7, v1;
	[tilespmem:s12+$0xFFFFFE70] =	vst v5;
	v5 =	vmov s11  }
0xe2: {  	v0 =	vmul.f32 v0, v1;
	[tilespmem:s12+$0xFFFFFE00] =	vst v4;
	v4 =	vmul.f32 v8, v1;
	v1 =	vand.u32 $0xFFFFFFF9, v5  }
0xe3: {  	[tilespmem:s12+$0xFFFFFE20] =	vst v6;
	v1 =	vbroadcast v1, $0x0  }
0xe4: {  	[tilespmem:s12+$0xFFFFFE30] =	vst v2  }
0xe5: {  	[tilespmem:s12+$0xFFFFFE50] =	vst v0;
	v0 =	vld [tilespmem:s12+$0xFFFFFEF0]  }
0xe6: {  	[tilespmem:s12+$0xFFFFFE10] =	vst v7;
	v2 =	vld [tilespmem:s12+$0xFFFFFED0]  }
0xe7: {  	[tilespmem:s12+$0xFFFFFE60] =	vst v3;
	v3 =	vld [tilespmem:s12+$0xFFFFFEB0]  }
0xe8: {  	[tilespmem:s12+$0xFFFFFE40] =	vst v4;
	v4 =	vld [tilespmem:s12+$0xFFFFFEC0]  }
0xe9: {  	v1 =	vld.idx.msk [tilespmem:v1+s29+$0x0], $0xffff  }
0xea: {  	v5 =	vld [tilespmem:s12+$0xFFFFFE90]  }
0xeb: {  	v6 =	vld [tilespmem:s12+$0xFFFFFE80]  }
0xec: {  	v7 =	vld [tilespmem:s12+$0xFFFFFEA0]  }
0xed: {  	v8 =	vld [tilespmem:s12+$0xFFFFFEE0];
	_ =	sdelay $0x1  }
0xee: {  	v4 =	vmul.f32 v4, v1;
	v5 =	vmul.f32 v5, v1  }
0xef: {  	s11 =	sadd.s32 $0xFFFFFFFB, s23;
	v3 =	vmul.f32 v3, v1;
	v6 =	vmul.f32 v6, v1  }
0xf0: {  	v2 =	vmul.f32 v2, v1;
	[tilespmem:s12+$0xFFFFFE90] =	vst v5;
	v5 =	vmul.f32 v7, v1;
	v7 =	vmov s11  }
0xf1: {  	v0 =	vmul.f32 v0, v1;
	[tilespmem:s12+$0xFFFFFEC0] =	vst v4;
	v4 =	vmul.f32 v8, v1;
	v1 =	vand.u32 $0xFFFFFFFA, v7  }
0xf2: {  	[tilespmem:s12+$0xFFFFFE80] =	vst v6;
	v1 =	vbroadcast v1, $0x0  }
0xf3: {  	[tilespmem:s12+$0xFFFFFED0] =	vst v2  }
0xf4: {  	[tilespmem:s12+$0xFFFFFEE0] =	vst v4;
	v2 =	vld [tilespmem:s12+$0xFFFFFF70]  }
0xf5: {  	[tilespmem:s12+$0xFFFFFEB0] =	vst v3;
	v3 =	vld [tilespmem:s12+$0xFFFFFF50]  }
0xf6: {  	[tilespmem:s12+$0xFFFFFEF0] =	vst v0;
	v0 =	vld [tilespmem:s12+$0xFFFFFF20]  }
0xf7: {  	[tilespmem:s12+$0xFFFFFEA0] =	vst v5;
	v4 =	vld [tilespmem:s12+$0xFFFFFF60]  }
0xf8: {  	v1 =	vld.idx.msk [tilespmem:v1+s29+$0x0], $0xffff  }
0xf9: {  	v5 =	vld [tilespmem:s12+$0xFFFFFF00]  }
0xfa: {  	v6 =	vld [tilespmem:s12+$0xFFFFFF10]  }
0xfb: {  	v7 =	vld [tilespmem:s12+$0xFFFFFF40]  }
0xfc: {  	v8 =	vld [tilespmem:s12+$0xFFFFFF30];
	_ =	sdelay $0x1  }
0xfd: {  	v4 =	vmul.f32 v4, v1;
	v5 =	vmul.f32 v5, v1  }
0xfe: {  	s11 =	sadd.s32 $0xFFFFFFFC, s23;
	v0 =	vmul.f32 v0, v1;
	v6 =	vmul.f32 v6, v1  }
0xff: {  	v3 =	vmul.f32 v3, v1;
	[tilespmem:s12+$0xFFFFFF00] =	vst v5;
	v5 =	vmul.f32 v7, v1;
	v7 =	vmov s11  }
0x100: {  	v8 =	vmul.f32 v8, v1;
	[tilespmem:s12+$0xFFFFFF60] =	vst v4;
	v1 =	vmul.f32 v2, v1;
	v2 =	vand.u32 $0xFFFFFFFB, v7  }
0x101: {  	[tilespmem:s12+$0xFFFFFF10] =	vst v6;
	v2 =	vbroadcast v2, $0x0  }
0x102: {  	[tilespmem:s12+$0xFFFFFF50] =	vst v3  }
0x103: {  	[tilespmem:s12+$0xFFFFFF70] =	vst v1;
	v1 =	vld [tilespmem:s12+$0xFFFFFFF0]  }
0x104: {  	[tilespmem:s12+$0xFFFFFF20] =	vst v0;
	v0 =	vld [tilespmem:s12+$0xFFFFFFD0]  }
0x105: {  	[tilespmem:s12+$0xFFFFFF30] =	vst v8;
	v3 =	vld [tilespmem:s12+$0xFFFFFF90]  }
0x106: {  	[tilespmem:s12+$0xFFFFFF40] =	vst v5;
	v4 =	vld [tilespmem:s12+$0xFFFFFFE0]  }
0x107: {  	v2 =	vld.idx.msk [tilespmem:v2+s29+$0x0], $0xffff  }
0x108: {  	v5 =	vld [tilespmem:s12+$0xFFFFFFB0]  }
0x109: {  	v6 =	vld [tilespmem:s12+$0xFFFFFF80]  }
0x10a: {  	v7 =	vld [tilespmem:s12+$0xFFFFFFC0]  }
0x10b: {  	v8 =	vld [tilespmem:s12+$0xFFFFFFA0];
	_ =	sdelay $0x1  }
0x10c: {  	v4 =	vmul.f32 v4, v2;
	v5 =	vmul.f32 v5, v2  }
0x10d: {  	s11 =	sadd.s32 $0xFFFFFFFD, s23;
	v3 =	vmul.f32 v3, v2;
	v6 =	vmul.f32 v6, v2  }
0x10e: {  	v0 =	vmul.f32 v0, v2;
	[tilespmem:s12+$0xFFFFFFB0] =	vst v5;
	v5 =	vmul.f32 v7, v2;
	v7 =	vmov s11  }
0x10f: {  	v1 =	vmul.f32 v1, v2;
	v8 =	vmul.f32 v8, v2;
	[tilespmem:s12+$0xFFFFFFE0] =	vst v4;
	v2 =	vand.u32 $0xFFFFFFFC, v7  }
0x110: {  	[tilespmem:s12+$0xFFFFFF80] =	vst v6;
	v4 =	vbroadcast v2, $0x0  }
0x111: {  	[tilespmem:s12+$0xFFFFFFD0] =	vst v0  }
0x112: {  	[tilespmem:s12+$0xFFFFFFF0] =	vst v1;
	v7 =	vld [tilespmem:s12+$0x0]  }
0x113: {  	[tilespmem:s12+$0xFFFFFFA0] =	vst v8;
	v0 =	vld [tilespmem:s12+$0x70]  }
0x114: {  	[tilespmem:s12+$0xFFFFFF90] =	vst v3;
	v2 =	vld [tilespmem:s12+$0x50]  }
0x115: {  	[tilespmem:s12+$0xFFFFFFC0] =	vst v5;
	v6 =	vld [tilespmem:s12+$0x20]  }
0x116: {  	v1 =	vld.idx.msk [tilespmem:v4+s29+$0x0], $0xffff  }
0x117: {  	v9 =	vld [tilespmem:s12+$0x40]  }
.Ltmp2:
0x118: {  	v5 =	vld [tilespmem:s12+$0x30];
	(pc) =	sbr.rel @p2 .LBB2_3-.Ltmp2, $3  }
0x119: {  	v4 =	vld [tilespmem:s12+$0x10]  }
0x11a: {  	v3 =	vld [tilespmem:s12+$0x60];
	_ =	sdelay $0x1  }
0x11b: {  	v8 =	vmul.f32 v7, v1;
	v7 =	vmul.f32 v9, v1  }
0x11c: {  	s11 =	sadd.s32 $0xFFFFFFFE, s23  }
0x11d: {  	v6 =	vmul.f32 v6, v1;
	[tilespmem:s14+$0x0] =	vst v8;
	v8 =	vmov s11  }
0x11e: {  	v2 =	vmul.f32 v2, v1;
	[tilespmem:s14+$0x40] =	vst v7;
	v7 =	vand.u32 $0xFFFFFFFD, v8  }
0x11f: {  	v0 =	vmul.f32 v0, v1;
	[tilespmem:s14+$0x20] =	vst v6;
	v6 =	vbroadcast v7, $0x0  }
0x120: {  	v5 =	vmul.f32 v5, v1;
	[tilespmem:s14+$0x50] =	vst v2  }
0x121: {  	v2 =	vmul.f32 v3, v1;
	[tilespmem:s14+$0x70] =	vst v0  }
0x122: {  	v0 =	vmul.f32 v4, v1;
	[tilespmem:s14+$0x30] =	vst v5  }
0x123: {  	[tilespmem:s14+$0x60] =	vst v2  }
0x124: {  	v1 =	vld [tilespmem:s14+$0x80];
	[tilespmem:s14+$0x10] =	vst v0  }
0x125: {  	v0 =	vld.idx.msk [tilespmem:v6+s29+$0x0], $0xffff  }
0x126: {  	v2 =	vld [tilespmem:s14+$0xA0]  }
0x127: {  	v4 =	vld [tilespmem:s14+$0xC0]  }
0x128: {  	v3 =	vld [tilespmem:s14+$0xD0];
	_ =	sdelay $0x1  }
0x129: {  	v7 =	vld [tilespmem:s14+$0x90];
	v1 =	vmul.f32 v1, v0  }
0x12a: {  	v5 =	vld [tilespmem:s14+$0xF0];
	v2 =	vmul.f32 v2, v0  }
0x12b: {  	s15 =	sadd.s32 $0xFFFFFFFF, s23;
	v6 =	vld [tilespmem:s14+$0xB0];
	v4 =	vmul.f32 v4, v0;
	[tilespmem:s14+$0x80] =	vst v1  }
0x12c: {  	v8 =	vld [tilespmem:s14+$0xE0];
	v1 =	vmul.f32 v3, v0;
	v3 =	vmov s15;
	[tilespmem:s14+$0xA0] =	vst v2  }
0x12d: {  	[tilespmem:s14+$0xC0] =	vst v4;
	v2 =	vand.u32 $0xFFFFFFFE, v3  }
0x12e: {  	v4 =	vmul.f32 v7, v0;
	[tilespmem:s14+$0xD0] =	vst v1;
	v1 =	vbroadcast v2, $0x0  }
0x12f: {  	v3 =	vmul.f32 v5, v0  }
0x130: {  	v2 =	vmul.f32 v6, v0;
	[tilespmem:s14+$0x90] =	vst v4  }
0x131: {  	v0 =	vmul.f32 v8, v0;
	[tilespmem:s14+$0xF0] =	vst v3  }
0x132: {  	[tilespmem:s14+$0xB0] =	vst v2  }
0x133: {  	v2 =	vld [tilespmem:s14+$0x100];
	[tilespmem:s14+$0xE0] =	vst v0  }
0x134: {  	v0 =	vld.idx.msk [tilespmem:v1+s29+$0x0], $0xffff  }
0x135: {  	v1 =	vld [tilespmem:s14+$0x120]  }
0x136: {  	v3 =	vld [tilespmem:s14+$0x130]  }
0x137: {  	v4 =	vld [tilespmem:s14+$0x140]  }
0x138: {  	v5 =	vld [tilespmem:s14+$0x160]  }
0x139: {  	v6 =	vld [tilespmem:s14+$0x110];
	v2 =	vmul.f32 v2, v0  }
0x13a: {  	v7 =	vld [tilespmem:s14+$0x150];
	v1 =	vmul.f32 v1, v0  }
0x13b: {  	v8 =	vld [tilespmem:s14+$0x170];
	v3 =	vmul.f32 v3, v0;
	[tilespmem:s14+$0x100] =	vst v2  }
0x13c: {  	v2 =	vmul.f32 v4, v0;
	[tilespmem:s14+$0x120] =	vst v1  }
0x13d: {  	v1 =	vmul.f32 v5, v0;
	[tilespmem:s14+$0x130] =	vst v3  }
0x13e: {  	v3 =	vmul.f32 v6, v0;
	[tilespmem:s14+$0x140] =	vst v2;
	v2 =	vmov s23  }
0x13f: {  	v4 =	vmul.f32 v7, v0;
	[tilespmem:s14+$0x160] =	vst v1  }
0x140: {  	v0 =	vmul.f32 v8, v0;
	[tilespmem:s14+$0x110] =	vst v3  }
0x141: {  	[tilespmem:s14+$0x150] =	vst v4  }
0x142: {  	v1 =	vld [tilespmem:s14+$0x180];
	[tilespmem:s14+$0x170] =	vst v0  }
0x143: {  	v0 =	vld.idx.msk [tilespmem:v2+s29+$0x0], $0xffff  }
0x144: {  	v2 =	vld [tilespmem:s14+$0x190]  }
0x145: {  	v3 =	vld [tilespmem:s14+$0x1A0]  }
0x146: {  	v4 =	vld [tilespmem:s14+$0x1F0]  }
0x147: {  	v5 =	vld [tilespmem:s14+$0x1D0]  }
0x148: {  	v6 =	vld [tilespmem:s14+$0x1B0];
	v1 =	vmul.f32 v1, v0  }
0x149: {  	v7 =	vld [tilespmem:s14+$0x1E0];
	v2 =	vmul.f32 v2, v0  }
0x14a: {  	v8 =	vld [tilespmem:s14+$0x1C0];
	v3 =	vmul.f32 v3, v0;
	[tilespmem:s14+$0x180] =	vst v1  }
0x14b: {  	[tilespmem:s14+$0x190] =	vst v2;
	v1 =	vmul.f32 v4, v0  }
0x14c: {  	v2 =	vmul.f32 v5, v0;
	[tilespmem:s14+$0x1A0] =	vst v3  }
0x14d: {  	v3 =	vmul.f32 v6, v0;
	[tilespmem:s14+$0x1F0] =	vst v1  }
0x14e: {  	v1 =	vmul.f32 v7, v0;
	[tilespmem:s14+$0x1D0] =	vst v2  }
0x14f: {  	v0 =	vmul.f32 v8, v0;
	[tilespmem:s14+$0x1B0] =	vst v3  }
0x150: {  	[tilespmem:s14+$0x1E0] =	vst v1  }
0x151: {  	[tilespmem:s14+$0x1C0] =	vst v0  }
0x152: {  	[spmem:s3] =	stream.indirect.scatter.add.f32 [tilespmem:s28], [sflag:$0x3], $0x80, s26, s26, $0xb8;
	[tilespmem:$0x1BB80] =	vst v63  }
0x153: {  	_ =	swait.ge [sflag:s20], $0x4000  }
0x154: {  	s25 =	simm.s32 $0x0;
	[sflag:s20] =	ssyncset.done $0x0  }
0x155: {  	v0 =	vmov s25;
	[sflag:s20] =	ssyncadd.s32 $0xFFFFC000  }
0x156: {  	v0 =	vand.u32 $0xFFFFFFF8, v0;
	_ =	swait.ge [sflag:s9], $0x80  }
0x157: {  	v0 =	vbroadcast v0, $0x0;
	[sflag:s9] =	ssyncset.done $0x0  }
0x158: {  	[sflag:s9] =	ssyncadd.s32 $0xFFFFFF80  }
0x159: {  	_ =	swait.ge [sflag:s9], $0x80  }
0x15a: {  	[sflag:s9] =	ssyncset.done $0x0  }
0x15b: {  	s23 =	simm.s32 $0x4500;
	[sflag:s9] =	ssyncadd.s32 $0xFFFFFF80  }
0x15c: {  	v2 =	vld [tilespmem:s23+$0xFFFFFE70]  }
0x15d: {  	v0 =	vld.idx.msk [tilespmem:v0+s5+$0x0], $0xffff  }
0x15e: {  	v3 =	vld [tilespmem:s23+$0xFFFFFE00]  }
0x15f: {  	v4 =	vld [tilespmem:s23+$0xFFFFFE20]  }
0x160: {  	v5 =	vld [tilespmem:s23+$0xFFFFFE30]  }
0x161: {  	v1 =	vld [tilespmem:s23+$0xFFFFFE50]  }
0x162: {  	v7 =	vld [tilespmem:s23+$0xFFFFFE10];
	v2 =	vmul.f32 v2, v0  }
0x163: {  	s12 =	simm.s32 $0x1;
	v6 =	vld [tilespmem:s23+$0xFFFFFE60];
	v3 =	vmul.f32 v3, v0  }
0x164: {  	v8 =	vld [tilespmem:s23+$0xFFFFFE40];
	v4 =	vmul.f32 v4, v0;
	[tilespmem:s23+$0xFFFFFE70] =	vst v2;
	v2 =	vmov s12  }
0x165: {  	v5 =	vmul.f32 v5, v0;
	[tilespmem:s23+$0xFFFFFE00] =	vst v3;
	v2 =	vand.u32 $0xFFFFFFF9, v2  }
0x166: {  	v1 =	vmul.f32 v1, v0;
	[tilespmem:s23+$0xFFFFFE20] =	vst v4;
	v2 =	vbroadcast v2, $0x0  }
0x167: {  	v3 =	vmul.f32 v7, v0;
	[tilespmem:s23+$0xFFFFFE30] =	vst v5  }
0x168: {  	v4 =	vmul.f32 v6, v0;
	[tilespmem:s23+$0xFFFFFE50] =	vst v1  }
0x169: {  	v0 =	vmul.f32 v8, v0;
	[tilespmem:s23+$0xFFFFFE10] =	vst v3  }
0x16a: {  	[tilespmem:s23+$0xFFFFFE60] =	vst v4  }
0x16b: {  	[tilespmem:s23+$0xFFFFFE40] =	vst v0  }
0x16c: {  	v0 =	vld.idx.msk [tilespmem:v2+s5+$0x0], $0xffff  }
0x16d: {  	v2 =	vld [tilespmem:s23+$0xFFFFFE90]  }
0x16e: {  	v3 =	vld [tilespmem:s23+$0xFFFFFEC0]  }
0x16f: {  	v4 =	vld [tilespmem:s23+$0xFFFFFE80]  }
0x170: {  	v5 =	vld [tilespmem:s23+$0xFFFFFED0]  }
0x171: {  	v1 =	vld [tilespmem:s23+$0xFFFFFEF0]  }
0x172: {  	v6 =	vld [tilespmem:s23+$0xFFFFFEE0];
	v2 =	vmul.f32 v2, v0  }
0x173: {  	s14 =	simm.s32 $0x2;
	v7 =	vld [tilespmem:s23+$0xFFFFFEB0];
	v3 =	vmul.f32 v3, v0  }
0x174: {  	v8 =	vld [tilespmem:s23+$0xFFFFFEA0];
	v4 =	vmul.f32 v4, v0;
	[tilespmem:s23+$0xFFFFFE90] =	vst v2;
	v2 =	vmov s14  }
0x175: {  	v5 =	vmul.f32 v5, v0;
	[tilespmem:s23+$0xFFFFFEC0] =	vst v3;
	v2 =	vand.u32 $0xFFFFFFFA, v2  }
0x176: {  	v1 =	vmul.f32 v1, v0;
	[tilespmem:s23+$0xFFFFFE80] =	vst v4;
	v2 =	vbroadcast v2, $0x0  }
0x177: {  	v3 =	vmul.f32 v6, v0;
	[tilespmem:s23+$0xFFFFFED0] =	vst v5  }
0x178: {  	v4 =	vmul.f32 v7, v0;
	[tilespmem:s23+$0xFFFFFEF0] =	vst v1  }
0x179: {  	v0 =	vmul.f32 v8, v0;
	[tilespmem:s23+$0xFFFFFEE0] =	vst v3  }
0x17a: {  	[tilespmem:s23+$0xFFFFFEB0] =	vst v4  }
0x17b: {  	v1 =	vld [tilespmem:s23+$0xFFFFFF00];
	[tilespmem:s23+$0xFFFFFEA0] =	vst v0  }
0x17c: {  	v0 =	vld.idx.msk [tilespmem:v2+s5+$0x0], $0xffff  }
0x17d: {  	v2 =	vld [tilespmem:s23+$0xFFFFFF60]  }
0x17e: {  	v3 =	vld [tilespmem:s23+$0xFFFFFF10]  }
0x17f: {  	v4 =	vld [tilespmem:s23+$0xFFFFFF50]  }
0x180: {  	v5 =	vld [tilespmem:s23+$0xFFFFFF70]  }
0x181: {  	v6 =	vld [tilespmem:s23+$0xFFFFFF20];
	v1 =	vmul.f32 v1, v0  }
0x182: {  	s15 =	simm.s32 $0x3;
	v7 =	vld [tilespmem:s23+$0xFFFFFF30];
	v2 =	vmul.f32 v2, v0  }
0x183: {  	v8 =	vld [tilespmem:s23+$0xFFFFFF40];
	v3 =	vmul.f32 v3, v0;
	[tilespmem:s23+$0xFFFFFF00] =	vst v1;
	v1 =	vmov s15  }
0x184: {  	v4 =	vmul.f32 v4, v0;
	[tilespmem:s23+$0xFFFFFF60] =	vst v2;
	v1 =	vand.u32 $0xFFFFFFFB, v1  }
0x185: {  	v2 =	vmul.f32 v5, v0;
	[tilespmem:s23+$0xFFFFFF10] =	vst v3;
	v1 =	vbroadcast v1, $0x0  }
0x186: {  	v3 =	vmul.f32 v6, v0;
	[tilespmem:s23+$0xFFFFFF50] =	vst v4  }
0x187: {  	v4 =	vmul.f32 v7, v0;
	[tilespmem:s23+$0xFFFFFF70] =	vst v2  }
0x188: {  	v0 =	vmul.f32 v8, v0;
	[tilespmem:s23+$0xFFFFFF20] =	vst v3  }
0x189: {  	[tilespmem:s23+$0xFFFFFF30] =	vst v4  }
0x18a: {  	[tilespmem:s23+$0xFFFFFF40] =	vst v0  }
0x18b: {  	v0 =	vld.idx.msk [tilespmem:v1+s5+$0x0], $0xffff  }
0x18c: {  	v1 =	vld [tilespmem:s23+$0xFFFFFFB0]  }
0x18d: {  	v3 =	vld [tilespmem:s23+$0xFFFFFFE0]  }
0x18e: {  	v4 =	vld [tilespmem:s23+$0xFFFFFF80]  }
0x18f: {  	v5 =	vld [tilespmem:s23+$0xFFFFFFD0]  }
0x190: {  	v2 =	vld [tilespmem:s23+$0xFFFFFFF0]  }
0x191: {  	v7 =	vld [tilespmem:s23+$0xFFFFFFA0];
	v1 =	vmul.f32 v1, v0  }
0x192: {  	s25 =	simm.s32 $0x4;
	v6 =	vld [tilespmem:s23+$0xFFFFFF90];
	v3 =	vmul.f32 v3, v0  }
0x193: {  	v8 =	vld [tilespmem:s23+$0xFFFFFFC0];
	v4 =	vmul.f32 v4, v0;
	[tilespmem:s23+$0xFFFFFFB0] =	vst v1;
	v1 =	vmov s25  }
0x194: {  	v5 =	vmul.f32 v5, v0;
	[tilespmem:s23+$0xFFFFFFE0] =	vst v3;
	v1 =	vand.u32 $0xFFFFFFFC, v1  }
0x195: {  	v2 =	vmul.f32 v2, v0;
	[tilespmem:s23+$0xFFFFFF80] =	vst v4;
	v1 =	vbroadcast v1, $0x0  }
0x196: {  	v9 =	vld [tilespmem:s23+$0x40];
	v3 =	vmul.f32 v7, v0;
	[tilespmem:s23+$0xFFFFFFD0] =	vst v5  }
0x197: {  	v4 =	vmul.f32 v6, v0;
	[tilespmem:s23+$0xFFFFFFF0] =	vst v2;
	v7 =	vld [tilespmem:s23+$0x0]  }
0x198: {  	v2 =	vmul.f32 v8, v0;
	v0 =	vld [tilespmem:s23+$0x70];
	[tilespmem:s23+$0xFFFFFFA0] =	vst v3  }
0x199: {  	v6 =	vld [tilespmem:s23+$0x20];
	[tilespmem:s23+$0xFFFFFF90] =	vst v4  }
0x19a: {  	v5 =	vld [tilespmem:s23+$0x30];
	[tilespmem:s23+$0xFFFFFFC0] =	vst v2  }
0x19b: {  	v1 =	vld.idx.msk [tilespmem:v1+s5+$0x0], $0xffff  }
0x19c: {  	v2 =	vld [tilespmem:s23+$0x50]  }
0x19d: {  	v3 =	vld [tilespmem:s23+$0x10]  }
0x19e: {  	v4 =	vld [tilespmem:s23+$0x60];
	_ =	sdelay $0x1  }
0x19f: {  	s12 =	simm.s32 $0x4500;
	s14 =	simm.s32 $0x7;
	s15 =	simm.s32 $0xF;
	v8 =	vmul.f32 v7, v1;
	v7 =	vmul.f32 v9, v1  }
.LBB2_5:
0x1a0: {  	p2 =	sne.s32 s15, $0x7F;
	v6 =	vmul.f32 v6, v1;
	v5 =	vmul.f32 v5, v1;
	s11 =	sadd.s32 $0xFFFFFFFE, s14;
	s23 =	sadd.s32 $0x400, s23  }
0x1a1: {  	v2 =	vmul.f32 v2, v1;
	[tilespmem:s12+$0x0] =	vst v8;
	v3 =	vmul.f32 v3, v1;
	v8 =	vmov s11;
	s11 =	smov.u32 s15;
	s15 =	sadd.s32 $0x8, s15  }
0x1a2: {  	v0 =	vmul.f32 v0, v1;
	[tilespmem:s12+$0x40] =	vst v7;
	v4 =	vmul.f32 v4, v1;
	v1 =	vand.u32 $0xFFFFFFFD, v8  }
0x1a3: {  	[tilespmem:s12+$0x20] =	vst v6;
	v1 =	vbroadcast v1, $0x0  }
0x1a4: {  	[tilespmem:s12+$0x50] =	vst v2  }
0x1a5: {  	[tilespmem:s12+$0x70] =	vst v0;
	v0 =	vld [tilespmem:s12+$0xA0]  }
0x1a6: {  	[tilespmem:s12+$0x30] =	vst v5;
	v2 =	vld [tilespmem:s12+$0x80]  }
0x1a7: {  	[tilespmem:s12+$0x60] =	vst v4;
	v4 =	vld [tilespmem:s12+$0xD0]  }
0x1a8: {  	[tilespmem:s12+$0x10] =	vst v3;
	v3 =	vld [tilespmem:s12+$0xF0]  }
0x1a9: {  	v1 =	vld.idx.msk [tilespmem:v1+s5+$0x0], $0xffff  }
0x1aa: {  	v5 =	vld [tilespmem:s12+$0xC0]  }
0x1ab: {  	v6 =	vld [tilespmem:s12+$0xB0]  }
0x1ac: {  	v7 =	vld [tilespmem:s12+$0x90]  }
0x1ad: {  	v8 =	vld [tilespmem:s12+$0xE0];
	_ =	sdelay $0x1  }
0x1ae: {  	v2 =	vmul.f32 v2, v1;
	v5 =	vmul.f32 v5, v1  }
0x1af: {  	s25 =	sadd.s32 $0xFFFFFFFF, s14;
	v0 =	vmul.f32 v0, v1;
	v6 =	vmul.f32 v6, v1  }
0x1b0: {  	v4 =	vmul.f32 v4, v1;
	[tilespmem:s12+$0x80] =	vst v2;
	v2 =	vmul.f32 v7, v1;
	v7 =	vmov s25  }
0x1b1: {  	[tilespmem:s12+$0xA0] =	vst v0;
	v0 =	vmul.f32 v8, v1;
	v1 =	vmul.f32 v3, v1;
	v3 =	vand.u32 $0xFFFFFFFE, v7  }
0x1b2: {  	[tilespmem:s12+$0xD0] =	vst v4;
	v3 =	vbroadcast v3, $0x0  }
0x1b3: {  	[tilespmem:s12+$0xC0] =	vst v5  }
0x1b4: {  	[tilespmem:s12+$0xF0] =	vst v1;
	v1 =	vld [tilespmem:s12+$0x120]  }
0x1b5: {  	[tilespmem:s12+$0xB0] =	vst v6;
	v4 =	vld [tilespmem:s12+$0x100]  }
0x1b6: {  	[tilespmem:s12+$0x90] =	vst v2;
	v2 =	vld [tilespmem:s12+$0x140]  }
0x1b7: {  	[tilespmem:s12+$0xE0] =	vst v0;
	v0 =	vld [tilespmem:s12+$0x130]  }
0x1b8: {  	v3 =	vld.idx.msk [tilespmem:v3+s5+$0x0], $0xffff  }
0x1b9: {  	v5 =	vld [tilespmem:s12+$0x110]  }
0x1ba: {  	v6 =	vld [tilespmem:s12+$0x160]  }
0x1bb: {  	v7 =	vld [tilespmem:s12+$0x150]  }
0x1bc: {  	v8 =	vld [tilespmem:s12+$0x170];
	_ =	sdelay $0x1  }
0x1bd: {  	v4 =	vmul.f32 v4, v3;
	v5 =	vmul.f32 v5, v3  }
0x1be: {  	v1 =	vmul.f32 v1, v3;
	v0 =	vmul.f32 v0, v3  }
0x1bf: {  	v2 =	vmul.f32 v2, v3;
	[tilespmem:s12+$0x100] =	vst v4;
	v4 =	vmul.f32 v7, v3  }
0x1c0: {  	[tilespmem:s12+$0x120] =	vst v1;
	v1 =	vmul.f32 v6, v3;
	v3 =	vmul.f32 v8, v3  }
0x1c1: {  	[tilespmem:s12+$0x130] =	vst v0  }
0x1c2: {  	v0 =	vmov s14;
	s14 =	smov.u32 s11;
	[tilespmem:s12+$0x140] =	vst v2  }
0x1c3: {  	[tilespmem:s12+$0x160] =	vst v1;
	v1 =	vld [tilespmem:s12+$0x180]  }
0x1c4: {  	[tilespmem:s12+$0x110] =	vst v5;
	v2 =	vld [tilespmem:s12+$0x1A0]  }
0x1c5: {  	[tilespmem:s12+$0x150] =	vst v4;
	v4 =	vld [tilespmem:s12+$0x1F0]  }
0x1c6: {  	[tilespmem:s12+$0x170] =	vst v3;
	v3 =	vld [tilespmem:s12+$0x1D0]  }
0x1c7: {  	v0 =	vld.idx.msk [tilespmem:v0+s5+$0x0], $0xffff  }
0x1c8: {  	v5 =	vld [tilespmem:s12+$0x190]  }
0x1c9: {  	v6 =	vld [tilespmem:s12+$0x1B0]  }
0x1ca: {  	v7 =	vld [tilespmem:s12+$0x1C0]  }
0x1cb: {  	v8 =	vld [tilespmem:s12+$0x1E0];
	_ =	sdelay $0x1  }
0x1cc: {  	v1 =	vmul.f32 v1, v0;
	v5 =	vmul.f32 v5, v0  }
0x1cd: {  	s11 =	sadd.s32 $0xFFFFFFF9, s14;
	v2 =	vmul.f32 v2, v0;
	v6 =	vmul.f32 v6, v0  }
0x1ce: {  	v9 =	vmov s11;
	v3 =	vmul.f32 v3, v0;
	[tilespmem:s12+$0x180] =	vst v1;
	v1 =	vmul.f32 v7, v0  }
0x1cf: {  	v7 =	vand.u32 $0xFFFFFFF8, v9;
	[tilespmem:s12+$0x190] =	vst v5;
	v5 =	vmul.f32 v8, v0;
	v0 =	vmul.f32 v4, v0  }
0x1d0: {  	v4 =	vbroadcast v7, $0x0;
	[tilespmem:s12+$0x1A0] =	vst v2  }
0x1d1: {  	[tilespmem:s12+$0x1F0] =	vst v0  }
0x1d2: {  	v0 =	vld [tilespmem:s23+$0xFFFFFE50];
	[tilespmem:s12+$0x1D0] =	vst v3  }
0x1d3: {  	v2 =	vld [tilespmem:s23+$0xFFFFFE30];
	[tilespmem:s12+$0x1B0] =	vst v6  }
0x1d4: {  	v3 =	vld [tilespmem:s23+$0xFFFFFE60];
	[tilespmem:s12+$0x1E0] =	vst v5  }
0x1d5: {  	v5 =	vld [tilespmem:s23+$0xFFFFFE70];
	[tilespmem:s12+$0x1C0] =	vst v1;
	s12 =	smov.u32 s23  }
0x1d6: {  	v1 =	vld.idx.msk [tilespmem:v4+s5+$0x0], $0xffff  }
0x1d7: {  	v4 =	vld [tilespmem:s23+$0xFFFFFE00]  }
0x1d8: {  	v6 =	vld [tilespmem:s23+$0xFFFFFE20]  }
0x1d9: {  	v7 =	vld [tilespmem:s23+$0xFFFFFE10]  }
0x1da: {  	v8 =	vld [tilespmem:s23+$0xFFFFFE40];
	_ =	sdelay $0x1  }
0x1db: {  	v5 =	vmul.f32 v5, v1;
	v4 =	vmul.f32 v4, v1  }
0x1dc: {  	s11 =	sadd.s32 $0xFFFFFFFA, s14;
	v3 =	vmul.f32 v3, v1;
	v6 =	vmul.f32 v6, v1  }
0x1dd: {  	v2 =	vmul.f32 v2, v1;
	v7 =	vmul.f32 v7, v1;
	[tilespmem:s23+$0xFFFFFE70] =	vst v5;
	v5 =	vmov s11  }
0x1de: {  	v0 =	vmul.f32 v0, v1;
	[tilespmem:s23+$0xFFFFFE00] =	vst v4;
	v4 =	vmul.f32 v8, v1;
	v1 =	vand.u32 $0xFFFFFFF9, v5  }
0x1df: {  	[tilespmem:s23+$0xFFFFFE20] =	vst v6;
	v1 =	vbroadcast v1, $0x0  }
0x1e0: {  	[tilespmem:s23+$0xFFFFFE30] =	vst v2  }
0x1e1: {  	[tilespmem:s23+$0xFFFFFE50] =	vst v0;
	v0 =	vld [tilespmem:s23+$0xFFFFFEF0]  }
0x1e2: {  	[tilespmem:s23+$0xFFFFFE10] =	vst v7;
	v2 =	vld [tilespmem:s23+$0xFFFFFED0]  }
0x1e3: {  	[tilespmem:s23+$0xFFFFFE60] =	vst v3;
	v3 =	vld [tilespmem:s23+$0xFFFFFEB0]  }
0x1e4: {  	[tilespmem:s23+$0xFFFFFE40] =	vst v4;
	v4 =	vld [tilespmem:s23+$0xFFFFFEC0]  }
0x1e5: {  	v1 =	vld.idx.msk [tilespmem:v1+s5+$0x0], $0xffff  }
0x1e6: {  	v5 =	vld [tilespmem:s23+$0xFFFFFE90]  }
0x1e7: {  	v6 =	vld [tilespmem:s23+$0xFFFFFE80]  }
0x1e8: {  	v7 =	vld [tilespmem:s23+$0xFFFFFEA0]  }
0x1e9: {  	v8 =	vld [tilespmem:s23+$0xFFFFFEE0];
	_ =	sdelay $0x1  }
0x1ea: {  	v4 =	vmul.f32 v4, v1;
	v5 =	vmul.f32 v5, v1  }
0x1eb: {  	s11 =	sadd.s32 $0xFFFFFFFB, s14;
	v3 =	vmul.f32 v3, v1;
	v6 =	vmul.f32 v6, v1  }
0x1ec: {  	v2 =	vmul.f32 v2, v1;
	[tilespmem:s23+$0xFFFFFE90] =	vst v5;
	v5 =	vmul.f32 v7, v1;
	v7 =	vmov s11  }
0x1ed: {  	v0 =	vmul.f32 v0, v1;
	[tilespmem:s23+$0xFFFFFEC0] =	vst v4;
	v4 =	vmul.f32 v8, v1;
	v1 =	vand.u32 $0xFFFFFFFA, v7  }
0x1ee: {  	[tilespmem:s23+$0xFFFFFE80] =	vst v6;
	v1 =	vbroadcast v1, $0x0  }
0x1ef: {  	[tilespmem:s23+$0xFFFFFED0] =	vst v2  }
0x1f0: {  	[tilespmem:s23+$0xFFFFFEE0] =	vst v4;
	v2 =	vld [tilespmem:s23+$0xFFFFFF70]  }
0x1f1: {  	[tilespmem:s23+$0xFFFFFEB0] =	vst v3;
	v3 =	vld [tilespmem:s23+$0xFFFFFF50]  }
0x1f2: {  	[tilespmem:s23+$0xFFFFFEF0] =	vst v0;
	v0 =	vld [tilespmem:s23+$0xFFFFFF20]  }
0x1f3: {  	[tilespmem:s23+$0xFFFFFEA0] =	vst v5;
	v4 =	vld [tilespmem:s23+$0xFFFFFF60]  }
0x1f4: {  	v1 =	vld.idx.msk [tilespmem:v1+s5+$0x0], $0xffff  }
0x1f5: {  	v5 =	vld [tilespmem:s23+$0xFFFFFF00]  }
0x1f6: {  	v6 =	vld [tilespmem:s23+$0xFFFFFF10]  }
0x1f7: {  	v7 =	vld [tilespmem:s23+$0xFFFFFF40]  }
0x1f8: {  	v8 =	vld [tilespmem:s23+$0xFFFFFF30];
	_ =	sdelay $0x1  }
0x1f9: {  	v4 =	vmul.f32 v4, v1;
	v5 =	vmul.f32 v5, v1  }
0x1fa: {  	s11 =	sadd.s32 $0xFFFFFFFC, s14;
	v0 =	vmul.f32 v0, v1;
	v6 =	vmul.f32 v6, v1  }
0x1fb: {  	v3 =	vmul.f32 v3, v1;
	[tilespmem:s23+$0xFFFFFF00] =	vst v5;
	v5 =	vmul.f32 v7, v1;
	v7 =	vmov s11  }
0x1fc: {  	v8 =	vmul.f32 v8, v1;
	[tilespmem:s23+$0xFFFFFF60] =	vst v4;
	v1 =	vmul.f32 v2, v1;
	v2 =	vand.u32 $0xFFFFFFFB, v7  }
0x1fd: {  	[tilespmem:s23+$0xFFFFFF10] =	vst v6;
	v2 =	vbroadcast v2, $0x0  }
0x1fe: {  	[tilespmem:s23+$0xFFFFFF50] =	vst v3  }
0x1ff: {  	[tilespmem:s23+$0xFFFFFF70] =	vst v1;
	v1 =	vld [tilespmem:s23+$0xFFFFFFF0]  }
0x200: {  	[tilespmem:s23+$0xFFFFFF20] =	vst v0;
	v0 =	vld [tilespmem:s23+$0xFFFFFFD0]  }
0x201: {  	[tilespmem:s23+$0xFFFFFF30] =	vst v8;
	v3 =	vld [tilespmem:s23+$0xFFFFFF90]  }
0x202: {  	[tilespmem:s23+$0xFFFFFF40] =	vst v5;
	v4 =	vld [tilespmem:s23+$0xFFFFFFE0]  }
0x203: {  	v2 =	vld.idx.msk [tilespmem:v2+s5+$0x0], $0xffff  }
0x204: {  	v5 =	vld [tilespmem:s23+$0xFFFFFFB0]  }
0x205: {  	v6 =	vld [tilespmem:s23+$0xFFFFFF80]  }
0x206: {  	v7 =	vld [tilespmem:s23+$0xFFFFFFC0]  }
0x207: {  	v8 =	vld [tilespmem:s23+$0xFFFFFFA0];
	_ =	sdelay $0x1  }
0x208: {  	v4 =	vmul.f32 v4, v2;
	v5 =	vmul.f32 v5, v2  }
0x209: {  	s11 =	sadd.s32 $0xFFFFFFFD, s14;
	v3 =	vmul.f32 v3, v2;
	v6 =	vmul.f32 v6, v2  }
0x20a: {  	v0 =	vmul.f32 v0, v2;
	[tilespmem:s23+$0xFFFFFFB0] =	vst v5;
	v5 =	vmul.f32 v7, v2;
	v7 =	vmov s11  }
0x20b: {  	v1 =	vmul.f32 v1, v2;
	v8 =	vmul.f32 v8, v2;
	[tilespmem:s23+$0xFFFFFFE0] =	vst v4;
	v2 =	vand.u32 $0xFFFFFFFC, v7  }
0x20c: {  	[tilespmem:s23+$0xFFFFFF80] =	vst v6;
	v4 =	vbroadcast v2, $0x0  }
0x20d: {  	[tilespmem:s23+$0xFFFFFFD0] =	vst v0  }
0x20e: {  	[tilespmem:s23+$0xFFFFFFF0] =	vst v1;
	v7 =	vld [tilespmem:s23+$0x0]  }
0x20f: {  	[tilespmem:s23+$0xFFFFFFA0] =	vst v8;
	v0 =	vld [tilespmem:s23+$0x70]  }
0x210: {  	[tilespmem:s23+$0xFFFFFF90] =	vst v3;
	v2 =	vld [tilespmem:s23+$0x50]  }
0x211: {  	[tilespmem:s23+$0xFFFFFFC0] =	vst v5;
	v6 =	vld [tilespmem:s23+$0x20]  }
0x212: {  	v1 =	vld.idx.msk [tilespmem:v4+s5+$0x0], $0xffff  }
0x213: {  	v9 =	vld [tilespmem:s23+$0x40]  }
.Ltmp3:
0x214: {  	v5 =	vld [tilespmem:s23+$0x30];
	(pc) =	sbr.rel @p2 .LBB2_5-.Ltmp3, $3  }
0x215: {  	v3 =	vld [tilespmem:s23+$0x10]  }
0x216: {  	v4 =	vld [tilespmem:s23+$0x60];
	_ =	sdelay $0x1  }
0x217: {  	v8 =	vmul.f32 v7, v1;
	v7 =	vmul.f32 v9, v1  }
0x218: {  	s11 =	sadd.s32 $0xFFFFFFFE, s14  }
0x219: {  	v6 =	vmul.f32 v6, v1;
	[tilespmem:s12+$0x0] =	vst v8;
	v19 =	vmov s11  }
0x21a: {  	v2 =	vmul.f32 v2, v1;
	[tilespmem:s12+$0x40] =	vst v7;
	v20 =	vand.u32 $0xFFFFFFFD, v19  }
0x21b: {  	v0 =	vmul.f32 v0, v1;
	[tilespmem:s12+$0x20] =	vst v6;
	v21 =	vbroadcast v20, $0x0  }
0x21c: {  	v5 =	vmul.f32 v5, v1;
	[tilespmem:s12+$0x50] =	vst v2  }
0x21d: {  	v23 =	vmul.f32 v3, v1;
	[tilespmem:s12+$0x70] =	vst v0  }
0x21e: {  	v22 =	vmul.f32 v4, v1;
	[tilespmem:s12+$0x30] =	vst v5  }
0x21f: {  	[tilespmem:s12+$0x10] =	vst v23  }
0x220: {  	v24 =	vld [tilespmem:s12+$0x80];
	[tilespmem:s12+$0x60] =	vst v22  }
0x221: {  	v0 =	vld.idx.msk [tilespmem:v21+s5+$0x0], $0xffff  }
0x222: {  	v25 =	vld [tilespmem:s12+$0xA0]  }
0x223: {  	v26 =	vld [tilespmem:s12+$0xD0]  }
0x224: {  	v27 =	vld [tilespmem:s12+$0xC0]  }
0x225: {  	v28 =	vld [tilespmem:s12+$0xF0]  }
0x226: {  	v29 =	vld [tilespmem:s12+$0xB0];
	v1 =	vmul.f32 v24, v0  }
0x227: {  	v30 =	vld [tilespmem:s12+$0x90];
	s25 =	sadd.s32 $0xFFFFFFFF, s14;
	v2 =	vmul.f32 v25, v0  }
0x228: {  	v31 =	vld [tilespmem:s12+$0xE0];
	v33 =	vmov s25;
	v32 =	vmul.f32 v26, v0;
	[tilespmem:s12+$0x80] =	vst v1  }
0x229: {  	v34 =	vand.u32 $0xFFFFFFFE, v33;
	v4 =	vmul.f32 v27, v0;
	[tilespmem:s12+$0xA0] =	vst v2  }
0x22a: {  	v36 =	vbroadcast v34, $0x0;
	v35 =	vmul.f32 v28, v0;
	[tilespmem:s12+$0xD0] =	vst v32  }
0x22b: {  	v37 =	vmul.f32 v29, v0;
	[tilespmem:s12+$0xC0] =	vst v4  }
0x22c: {  	v38 =	vmul.f32 v30, v0;
	[tilespmem:s12+$0xF0] =	vst v35  }
0x22d: {  	v0 =	vmul.f32 v31, v0;
	[tilespmem:s12+$0xB0] =	vst v37  }
0x22e: {  	[tilespmem:s12+$0x90] =	vst v38  }
0x22f: {  	v39 =	vld [tilespmem:s12+$0x100];
	[tilespmem:s12+$0xE0] =	vst v0  }
0x230: {  	v0 =	vld.idx.msk [tilespmem:v36+s5+$0x0], $0xffff  }
0x231: {  	v40 =	vld [tilespmem:s12+$0x120]  }
0x232: {  	v41 =	vld [tilespmem:s12+$0x130]  }
0x233: {  	v42 =	vld [tilespmem:s12+$0x140]  }
0x234: {  	v43 =	vld [tilespmem:s12+$0x160]  }
0x235: {  	v44 =	vld [tilespmem:s12+$0x110];
	v2 =	vmul.f32 v39, v0  }
0x236: {  	v45 =	vld [tilespmem:s12+$0x150];
	v1 =	vmul.f32 v40, v0  }
0x237: {  	v46 =	vld [tilespmem:s12+$0x170];
	v3 =	vmul.f32 v41, v0;
	[tilespmem:s12+$0x100] =	vst v2  }
0x238: {  	v47 =	vmul.f32 v42, v0;
	[tilespmem:s12+$0x120] =	vst v1  }
0x239: {  	v48 =	vmul.f32 v43, v0;
	[tilespmem:s12+$0x130] =	vst v3  }
0x23a: {  	v50 =	vmov s14;
	v49 =	vmul.f32 v44, v0;
	[tilespmem:s12+$0x140] =	vst v47  }
0x23b: {  	v51 =	vmul.f32 v45, v0;
	[tilespmem:s12+$0x160] =	vst v48  }
0x23c: {  	v0 =	vmul.f32 v46, v0;
	[tilespmem:s12+$0x110] =	vst v49  }
0x23d: {  	[tilespmem:s12+$0x150] =	vst v51  }
0x23e: {  	v52 =	vld [tilespmem:s12+$0x180];
	[tilespmem:s12+$0x170] =	vst v0  }
0x23f: {  	v0 =	vld.idx.msk [tilespmem:v50+s5+$0x0], $0xffff  }
0x240: {  	v54 =	vld [tilespmem:s12+$0x190]  }
0x241: {  	v53 =	vld [tilespmem:s12+$0x1A0]  }
0x242: {  	v55 =	vld [tilespmem:s12+$0x1F0]  }
0x243: {  	v56 =	vld [tilespmem:s12+$0x1D0]  }
0x244: {  	v57 =	vld [tilespmem:s12+$0x1B0];
	v1 =	vmul.f32 v52, v0  }
0x245: {  	v58 =	vld [tilespmem:s12+$0x1E0];
	v2 =	vmul.f32 v54, v0  }
0x246: {  	v59 =	vld [tilespmem:s12+$0x1C0];
	v3 =	vmul.f32 v53, v0;
	[tilespmem:s12+$0x180] =	vst v1  }
0x247: {  	v60 =	vmul.f32 v55, v0;
	[tilespmem:s12+$0x190] =	vst v2  }
0x248: {  	v61 =	vmul.f32 v56, v0;
	[tilespmem:s12+$0x1A0] =	vst v3  }
0x249: {  	v62 =	vmul.f32 v57, v0;
	[tilespmem:s12+$0x1F0] =	vst v60  }
0x24a: {  	v63 =	vmul.f32 v58, v0;
	[tilespmem:s12+$0x1D0] =	vst v61  }
0x24b: {  	v0 =	vmul.f32 v59, v0;
	[tilespmem:s12+$0x1B0] =	vst v62  }
0x24c: {  	p2 =	sgt.u32 s21, $0x963;
	[tilespmem:s12+$0x1E0] =	vst v63  }
0x24d: {  	s11 =	sadd.s32 @!p2 $0x400, s22;
	[tilespmem:s12+$0x1C0] =	vst v0  }
0x24e: {  	s11 =	sand.u32 @!p2 $0x1FF80, s11;
	_ =	swait.ge [sflag:s10], $0x4000  }
0x24f: {  	s11 =	sor.u32 @!p2 s17, s11;
	[sflag:s10] =	ssyncset.done $0x0  }
0x250: {  	s14 =	simm.s32 @!p2 $0x0;
	s12 =	sadd.s32 @!p2 s6, s11;
	[sflag:s10] =	ssyncadd.s32 $0xFFFFC000  }
0x251: {  	[tilespmem:s14], [sflag:$0x7] =	stream.linear.gather @!p2 [hbm4b:s12+s14], $0x80, $0x38;
	[tilespmem:$0x1BB80] =	vst v63  }
0x252: {  	s12 =	simm.s32 @!p2 $0x7  }
0x253: {  	_ =	swait.ge @!p2 [sflag:s12], $0x80  }
0x254: {  	[sflag:s12] =	ssyncset.done @!p2 $0x0  }
0x255: {  	s15 =	simm.s32 @!p2 $0x300;
	[sflag:s12] =	ssyncadd.s32 @!p2 $0xFFFFFF80;
	s12 =	simm.s32 @!p2 $0x80  }
0x256: {  	[tilespmem:s15], [sflag:$0x1] =	stream.indirect.gather @!p2 [hbm4b:s1+s12], $0x80, s14, s12, $0xb8;
	[tilespmem:$0x1BB80] =	vst v63  }
0x257: {  	s15 =	sadd.s32 @!p2 s7, s11  }
0x258: {  	[tilespmem:s12], [sflag:$0x5] =	stream.linear.gather @!p2 [hbm4b:s15+s14], $0x80, $0x38;
	[tilespmem:$0x1BB80] =	vst v63  }
0x259: {  	s16 =	sadd.s32 $0x1, s16;
	s11 =	sadd.s32 @!p2 s2, s11;
	s12 =	simm.s32 @!p2 $0x100  }
0x25a: {  	[tilespmem:s12], [sflag:$0x5] =	stream.linear.gather @!p2 [hbm4b:s11+s14], $0x80, $0x38;
	[tilespmem:$0x1BB80] =	vst v63  }
0x25b: {  	p2 =	sne.s32 s16, $0x27  }
.Ltmp4:
0x25c: {  	_ = 	snop;
	(pc) =	sbr.rel @p2 .LBB2_2-.Ltmp4, $2  }
0x25d: {  	_ =	sdelay $0x2  }
0x25e: {  	[spmem:s3] =	stream.indirect.scatter.add.f32 [tilespmem:s31], [sflag:$0x4], $0x80, s0, s26, $0xb8;
	[tilespmem:$0x1BB80] =	vst v63  }
.Ltmp5:
0x25f: {  	(pc) =	sbr.rel @p1 .LBB2_11-.Ltmp5, $4  }
0x260: {  	s11 =	simm.s32 $0x4  }
0x261: {  	_ =	swait.ge [sflag:s11], $0x4000  }
0x262: {  	[sflag:s11] =	ssyncset.done $0x0  }
0x263: {  	s22 =	simm.s32 $0x7;
	[sflag:s11] =	ssyncadd.s32 $0xFFFFC000  }
0x264: {  	s11 =	rddreg [dreg:$0xe];
	s16 =	simm.s32 $0x7  }
0x265: {  	[tilespmem:s4], [sflag:$0x7] =	stream.linear.gather [hbm4b:s11+s4], $0x80, $0x38;
	[tilespmem:$0x1BB80] =	vst v63  }
0x266: {  	_ =	swait.ge [sflag:s16], $0x80  }
0x267: {  	[sflag:s16] =	ssyncset.done $0x0  }
0x268: {  	s25 =	rddreg [dreg:$0xf];
	[sflag:s16] =	ssyncadd.s32 $0xFFFFFF80  }
0x269: {  	[tilespmem:s26], [sflag:$0x7] =	stream.linear.gather [hbm4b:s25+s4], $0x80, $0x38;
	[tilespmem:$0x1BB80] =	vst v63  }
0x26a: {  	_ =	swait.ge [sflag:s16], $0x80  }
0x26b: {  	[sflag:s16] =	ssyncset.done $0x0  }
0x26c: {  	s14 =	simm.s32 $0x0;
	s12 =	rddreg [dreg:$0x10];
	[sflag:s16] =	ssyncadd.s32 $0xFFFFFF80  }
0x26d: {  	[tilespmem:s29], [sflag:$0x7] =	stream.linear.gather [hbm4b:s12+s4], $0x80, $0x38;
	[tilespmem:$0x1BB80] =	vst v63  }
0x26e: {  	v0 =	vmov s14;
	_ =	swait.ge [sflag:s16], $0x80  }
0x26f: {  	v0 =	vand.u32 $0xFFFFFFF8, v0;
	[sflag:s16] =	ssyncset.done $0x0  }
0x270: {  	v0 =	vbroadcast v0, $0x0;
	[sflag:s16] =	ssyncadd.s32 $0xFFFFFF80  }
0x271: {  	[tilespmem:s28], [sflag:$0x1] =	stream.indirect.gather [hbm4b:s1+s26], $0x80, s4, s26, $0xb8;
	[tilespmem:$0x1BB80] =	vst v63  }
0x272: {  	_ =	swait.ge [sflag:s18], $0x4000  }
0x273: {  	[sflag:s18] =	ssyncset.done $0x0  }
0x274: {  	s12 =	simm.s32 $0x500;
	[sflag:s18] =	ssyncadd.s32 $0xFFFFC000  }
0x275: {  	v2 =	vld [tilespmem:s12+$0xFFFFFE70]  }
0x276: {  	v0 =	vld.idx.msk [tilespmem:v0+s29+$0x0], $0xffff  }
0x277: {  	v3 =	vld [tilespmem:s12+$0xFFFFFE00]  }
0x278: {  	v4 =	vld [tilespmem:s12+$0xFFFFFE20]  }
0x279: {  	v5 =	vld [tilespmem:s12+$0xFFFFFE30]  }
0x27a: {  	v1 =	vld [tilespmem:s12+$0xFFFFFE50]  }
0x27b: {  	v7 =	vld [tilespmem:s12+$0xFFFFFE10];
	v2 =	vmul.f32 v2, v0  }
0x27c: {  	s15 =	simm.s32 $0x1;
	v6 =	vld [tilespmem:s12+$0xFFFFFE60];
	v3 =	vmul.f32 v3, v0  }
0x27d: {  	v8 =	vld [tilespmem:s12+$0xFFFFFE40];
	v4 =	vmul.f32 v4, v0;
	[tilespmem:s12+$0xFFFFFE70] =	vst v2;
	v2 =	vmov s15  }
0x27e: {  	v5 =	vmul.f32 v5, v0;
	[tilespmem:s12+$0xFFFFFE00] =	vst v3;
	v2 =	vand.u32 $0xFFFFFFF9, v2  }
0x27f: {  	v1 =	vmul.f32 v1, v0;
	[tilespmem:s12+$0xFFFFFE20] =	vst v4;
	v2 =	vbroadcast v2, $0x0  }
0x280: {  	v3 =	vmul.f32 v7, v0;
	[tilespmem:s12+$0xFFFFFE30] =	vst v5  }
0x281: {  	v4 =	vmul.f32 v6, v0;
	[tilespmem:s12+$0xFFFFFE50] =	vst v1  }
0x282: {  	v0 =	vmul.f32 v8, v0;
	[tilespmem:s12+$0xFFFFFE10] =	vst v3  }
0x283: {  	[tilespmem:s12+$0xFFFFFE60] =	vst v4  }
0x284: {  	[tilespmem:s12+$0xFFFFFE40] =	vst v0  }
0x285: {  	v0 =	vld.idx.msk [tilespmem:v2+s29+$0x0], $0xffff  }
0x286: {  	v2 =	vld [tilespmem:s12+$0xFFFFFE90]  }
0x287: {  	v3 =	vld [tilespmem:s12+$0xFFFFFEC0]  }
0x288: {  	v4 =	vld [tilespmem:s12+$0xFFFFFE80]  }
0x289: {  	v5 =	vld [tilespmem:s12+$0xFFFFFED0]  }
0x28a: {  	v1 =	vld [tilespmem:s12+$0xFFFFFEF0]  }
0x28b: {  	v6 =	vld [tilespmem:s12+$0xFFFFFEE0];
	v2 =	vmul.f32 v2, v0  }
0x28c: {  	s21 =	simm.s32 $0x2;
	v7 =	vld [tilespmem:s12+$0xFFFFFEB0];
	v3 =	vmul.f32 v3, v0  }
0x28d: {  	v8 =	vld [tilespmem:s12+$0xFFFFFEA0];
	v4 =	vmul.f32 v4, v0;
	[tilespmem:s12+$0xFFFFFE90] =	vst v2;
	v2 =	vmov s21  }
0x28e: {  	v5 =	vmul.f32 v5, v0;
	[tilespmem:s12+$0xFFFFFEC0] =	vst v3;
	v2 =	vand.u32 $0xFFFFFFFA, v2  }
0x28f: {  	v1 =	vmul.f32 v1, v0;
	[tilespmem:s12+$0xFFFFFE80] =	vst v4;
	v2 =	vbroadcast v2, $0x0  }
0x290: {  	v3 =	vmul.f32 v6, v0;
	[tilespmem:s12+$0xFFFFFED0] =	vst v5  }
0x291: {  	v4 =	vmul.f32 v7, v0;
	[tilespmem:s12+$0xFFFFFEF0] =	vst v1  }
0x292: {  	v0 =	vmul.f32 v8, v0;
	[tilespmem:s12+$0xFFFFFEE0] =	vst v3  }
0x293: {  	[tilespmem:s12+$0xFFFFFEB0] =	vst v4  }
0x294: {  	v1 =	vld [tilespmem:s12+$0xFFFFFF00];
	[tilespmem:s12+$0xFFFFFEA0] =	vst v0  }
0x295: {  	v0 =	vld.idx.msk [tilespmem:v2+s29+$0x0], $0xffff  }
0x296: {  	v2 =	vld [tilespmem:s12+$0xFFFFFF60]  }
0x297: {  	v3 =	vld [tilespmem:s12+$0xFFFFFF10]  }
0x298: {  	v4 =	vld [tilespmem:s12+$0xFFFFFF50]  }
0x299: {  	v5 =	vld [tilespmem:s12+$0xFFFFFF70]  }
0x29a: {  	v6 =	vld [tilespmem:s12+$0xFFFFFF20];
	v1 =	vmul.f32 v1, v0  }
0x29b: {  	s23 =	simm.s32 $0x3;
	v7 =	vld [tilespmem:s12+$0xFFFFFF30];
	v2 =	vmul.f32 v2, v0  }
0x29c: {  	v8 =	vld [tilespmem:s12+$0xFFFFFF40];
	v3 =	vmul.f32 v3, v0;
	[tilespmem:s12+$0xFFFFFF00] =	vst v1;
	v1 =	vmov s23  }
0x29d: {  	v4 =	vmul.f32 v4, v0;
	[tilespmem:s12+$0xFFFFFF60] =	vst v2;
	v1 =	vand.u32 $0xFFFFFFFB, v1  }
0x29e: {  	v2 =	vmul.f32 v5, v0;
	[tilespmem:s12+$0xFFFFFF10] =	vst v3;
	v1 =	vbroadcast v1, $0x0  }
0x29f: {  	v3 =	vmul.f32 v6, v0;
	[tilespmem:s12+$0xFFFFFF50] =	vst v4  }
0x2a0: {  	v4 =	vmul.f32 v7, v0;
	[tilespmem:s12+$0xFFFFFF70] =	vst v2  }
0x2a1: {  	v0 =	vmul.f32 v8, v0;
	[tilespmem:s12+$0xFFFFFF20] =	vst v3  }
0x2a2: {  	[tilespmem:s12+$0xFFFFFF30] =	vst v4  }
0x2a3: {  	[tilespmem:s12+$0xFFFFFF40] =	vst v0  }
0x2a4: {  	v0 =	vld.idx.msk [tilespmem:v1+s29+$0x0], $0xffff  }
0x2a5: {  	v1 =	vld [tilespmem:s12+$0xFFFFFFB0]  }
0x2a6: {  	v3 =	vld [tilespmem:s12+$0xFFFFFFE0]  }
0x2a7: {  	v4 =	vld [tilespmem:s12+$0xFFFFFF80]  }
0x2a8: {  	v5 =	vld [tilespmem:s12+$0xFFFFFFD0]  }
0x2a9: {  	v2 =	vld [tilespmem:s12+$0xFFFFFFF0]  }
0x2aa: {  	v7 =	vld [tilespmem:s12+$0xFFFFFFA0];
	v1 =	vmul.f32 v1, v0  }
0x2ab: {  	s25 =	simm.s32 $0x4;
	v6 =	vld [tilespmem:s12+$0xFFFFFF90];
	v3 =	vmul.f32 v3, v0  }
0x2ac: {  	v8 =	vld [tilespmem:s12+$0xFFFFFFC0];
	v4 =	vmul.f32 v4, v0;
	[tilespmem:s12+$0xFFFFFFB0] =	vst v1;
	v1 =	vmov s25  }
0x2ad: {  	v5 =	vmul.f32 v5, v0;
	[tilespmem:s12+$0xFFFFFFE0] =	vst v3;
	v1 =	vand.u32 $0xFFFFFFFC, v1  }
0x2ae: {  	v2 =	vmul.f32 v2, v0;
	[tilespmem:s12+$0xFFFFFF80] =	vst v4;
	v1 =	vbroadcast v1, $0x0  }
0x2af: {  	v9 =	vld [tilespmem:s12+$0x40];
	v3 =	vmul.f32 v7, v0;
	[tilespmem:s12+$0xFFFFFFD0] =	vst v5  }
0x2b0: {  	v4 =	vmul.f32 v6, v0;
	[tilespmem:s12+$0xFFFFFFF0] =	vst v2;
	v7 =	vld [tilespmem:s12+$0x0]  }
0x2b1: {  	v2 =	vmul.f32 v8, v0;
	v0 =	vld [tilespmem:s12+$0x70];
	[tilespmem:s12+$0xFFFFFFA0] =	vst v3  }
0x2b2: {  	v6 =	vld [tilespmem:s12+$0x20];
	[tilespmem:s12+$0xFFFFFF90] =	vst v4  }
0x2b3: {  	v5 =	vld [tilespmem:s12+$0x30];
	[tilespmem:s12+$0xFFFFFFC0] =	vst v2  }
0x2b4: {  	v1 =	vld.idx.msk [tilespmem:v1+s29+$0x0], $0xffff  }
0x2b5: {  	v2 =	vld [tilespmem:s12+$0x50]  }
0x2b6: {  	v4 =	vld [tilespmem:s12+$0x10]  }
0x2b7: {  	v3 =	vld [tilespmem:s12+$0x60];
	_ =	sdelay $0x1  }
0x2b8: {  	s14 =	simm.s32 $0x500;
	s15 =	simm.s32 $0xF;
	v8 =	vmul.f32 v7, v1;
	v7 =	vmul.f32 v9, v1  }
.LBB2_9:
0x2b9: {  	p2 =	sne.s32 s15, $0x7F;
	v6 =	vmul.f32 v6, v1;
	v5 =	vmul.f32 v5, v1;
	s11 =	sadd.s32 $0xFFFFFFFE, s16;
	s12 =	sadd.s32 $0x400, s12  }
0x2ba: {  	v2 =	vmul.f32 v2, v1;
	[tilespmem:s14+$0x0] =	vst v8;
	v4 =	vmul.f32 v4, v1;
	v8 =	vmov s11;
	s11 =	smov.u32 s15;
	s15 =	sadd.s32 $0x8, s15  }
0x2bb: {  	v0 =	vmul.f32 v0, v1;
	[tilespmem:s14+$0x40] =	vst v7;
	v3 =	vmul.f32 v3, v1;
	v1 =	vand.u32 $0xFFFFFFFD, v8  }
0x2bc: {  	[tilespmem:s14+$0x20] =	vst v6;
	v1 =	vbroadcast v1, $0x0  }
0x2bd: {  	[tilespmem:s14+$0x50] =	vst v2  }
0x2be: {  	[tilespmem:s14+$0x70] =	vst v0;
	v0 =	vld [tilespmem:s14+$0xA0]  }
0x2bf: {  	[tilespmem:s14+$0x30] =	vst v5;
	v2 =	vld [tilespmem:s14+$0x80]  }
0x2c0: {  	[tilespmem:s14+$0x60] =	vst v3;
	v3 =	vld [tilespmem:s14+$0xD0]  }
0x2c1: {  	[tilespmem:s14+$0x10] =	vst v4;
	v4 =	vld [tilespmem:s14+$0xF0]  }
0x2c2: {  	v1 =	vld.idx.msk [tilespmem:v1+s29+$0x0], $0xffff  }
0x2c3: {  	v5 =	vld [tilespmem:s14+$0xC0]  }
0x2c4: {  	v6 =	vld [tilespmem:s14+$0xB0]  }
0x2c5: {  	v7 =	vld [tilespmem:s14+$0x90]  }
0x2c6: {  	v8 =	vld [tilespmem:s14+$0xE0];
	_ =	sdelay $0x1  }
0x2c7: {  	v2 =	vmul.f32 v2, v1;
	v5 =	vmul.f32 v5, v1  }
0x2c8: {  	s21 =	sadd.s32 $0xFFFFFFFF, s16;
	v0 =	vmul.f32 v0, v1;
	v6 =	vmul.f32 v6, v1  }
0x2c9: {  	v3 =	vmul.f32 v3, v1;
	[tilespmem:s14+$0x80] =	vst v2;
	v2 =	vmul.f32 v7, v1;
	v7 =	vmov s21  }
0x2ca: {  	[tilespmem:s14+$0xA0] =	vst v0;
	v0 =	vmul.f32 v8, v1;
	v1 =	vmul.f32 v4, v1;
	v4 =	vand.u32 $0xFFFFFFFE, v7  }
0x2cb: {  	[tilespmem:s14+$0xD0] =	vst v3;
	v3 =	vbroadcast v4, $0x0  }
0x2cc: {  	[tilespmem:s14+$0xC0] =	vst v5  }
0x2cd: {  	[tilespmem:s14+$0xF0] =	vst v1;
	v1 =	vld [tilespmem:s14+$0x120]  }
0x2ce: {  	[tilespmem:s14+$0xB0] =	vst v6;
	v4 =	vld [tilespmem:s14+$0x100]  }
0x2cf: {  	[tilespmem:s14+$0x90] =	vst v2;
	v2 =	vld [tilespmem:s14+$0x140]  }
0x2d0: {  	[tilespmem:s14+$0xE0] =	vst v0;
	v0 =	vld [tilespmem:s14+$0x130]  }
0x2d1: {  	v3 =	vld.idx.msk [tilespmem:v3+s29+$0x0], $0xffff  }
0x2d2: {  	v5 =	vld [tilespmem:s14+$0x110]  }
0x2d3: {  	v6 =	vld [tilespmem:s14+$0x160]  }
0x2d4: {  	v7 =	vld [tilespmem:s14+$0x150]  }
0x2d5: {  	v8 =	vld [tilespmem:s14+$0x170];
	_ =	sdelay $0x1  }
0x2d6: {  	v4 =	vmul.f32 v4, v3;
	v5 =	vmul.f32 v5, v3  }
0x2d7: {  	v1 =	vmul.f32 v1, v3;
	v0 =	vmul.f32 v0, v3  }
0x2d8: {  	v2 =	vmul.f32 v2, v3;
	[tilespmem:s14+$0x100] =	vst v4;
	v4 =	vmul.f32 v7, v3  }
0x2d9: {  	[tilespmem:s14+$0x120] =	vst v1;
	v1 =	vmul.f32 v6, v3;
	v3 =	vmul.f32 v8, v3  }
0x2da: {  	[tilespmem:s14+$0x130] =	vst v0  }
0x2db: {  	v0 =	vmov s16;
	s16 =	smov.u32 s11;
	[tilespmem:s14+$0x140] =	vst v2  }
0x2dc: {  	[tilespmem:s14+$0x160] =	vst v1;
	v1 =	vld [tilespmem:s14+$0x180]  }
0x2dd: {  	[tilespmem:s14+$0x110] =	vst v5;
	v2 =	vld [tilespmem:s14+$0x1A0]  }
0x2de: {  	[tilespmem:s14+$0x150] =	vst v4;
	v4 =	vld [tilespmem:s14+$0x1F0]  }
0x2df: {  	[tilespmem:s14+$0x170] =	vst v3;
	v3 =	vld [tilespmem:s14+$0x1D0]  }
0x2e0: {  	v0 =	vld.idx.msk [tilespmem:v0+s29+$0x0], $0xffff  }
0x2e1: {  	v5 =	vld [tilespmem:s14+$0x190]  }
0x2e2: {  	v6 =	vld [tilespmem:s14+$0x1B0]  }
0x2e3: {  	v7 =	vld [tilespmem:s14+$0x1C0]  }
0x2e4: {  	v8 =	vld [tilespmem:s14+$0x1E0];
	_ =	sdelay $0x1  }
0x2e5: {  	v1 =	vmul.f32 v1, v0;
	v5 =	vmul.f32 v5, v0  }
0x2e6: {  	s11 =	sadd.s32 $0xFFFFFFF9, s16;
	v2 =	vmul.f32 v2, v0;
	v6 =	vmul.f32 v6, v0  }
0x2e7: {  	v9 =	vmov s11;
	v3 =	vmul.f32 v3, v0;
	[tilespmem:s14+$0x180] =	vst v1;
	v1 =	vmul.f32 v7, v0  }
0x2e8: {  	v7 =	vand.u32 $0xFFFFFFF8, v9;
	[tilespmem:s14+$0x190] =	vst v5;
	v5 =	vmul.f32 v8, v0;
	v0 =	vmul.f32 v4, v0  }
0x2e9: {  	v4 =	vbroadcast v7, $0x0;
	[tilespmem:s14+$0x1A0] =	vst v2  }
0x2ea: {  	[tilespmem:s14+$0x1F0] =	vst v0  }
0x2eb: {  	v0 =	vld [tilespmem:s12+$0xFFFFFE50];
	[tilespmem:s14+$0x1D0] =	vst v3  }
0x2ec: {  	v2 =	vld [tilespmem:s12+$0xFFFFFE30];
	[tilespmem:s14+$0x1B0] =	vst v6  }
0x2ed: {  	v3 =	vld [tilespmem:s12+$0xFFFFFE60];
	[tilespmem:s14+$0x1E0] =	vst v5  }
0x2ee: {  	v5 =	vld [tilespmem:s12+$0xFFFFFE70];
	[tilespmem:s14+$0x1C0] =	vst v1;
	s14 =	smov.u32 s12  }
0x2ef: {  	v1 =	vld.idx.msk [tilespmem:v4+s29+$0x0], $0xffff  }
0x2f0: {  	v4 =	vld [tilespmem:s12+$0xFFFFFE00]  }
0x2f1: {  	v6 =	vld [tilespmem:s12+$0xFFFFFE20]  }
0x2f2: {  	v7 =	vld [tilespmem:s12+$0xFFFFFE10]  }
0x2f3: {  	v8 =	vld [tilespmem:s12+$0xFFFFFE40];
	_ =	sdelay $0x1  }
0x2f4: {  	v5 =	vmul.f32 v5, v1;
	v4 =	vmul.f32 v4, v1  }
0x2f5: {  	s11 =	sadd.s32 $0xFFFFFFFA, s16;
	v3 =	vmul.f32 v3, v1;
	v6 =	vmul.f32 v6, v1  }
0x2f6: {  	v2 =	vmul.f32 v2, v1;
	v7 =	vmul.f32 v7, v1;
	[tilespmem:s12+$0xFFFFFE70] =	vst v5;
	v5 =	vmov s11  }
0x2f7: {  	v0 =	vmul.f32 v0, v1;
	[tilespmem:s12+$0xFFFFFE00] =	vst v4;
	v4 =	vmul.f32 v8, v1;
	v1 =	vand.u32 $0xFFFFFFF9, v5  }
0x2f8: {  	[tilespmem:s12+$0xFFFFFE20] =	vst v6;
	v1 =	vbroadcast v1, $0x0  }
0x2f9: {  	[tilespmem:s12+$0xFFFFFE30] =	vst v2  }
0x2fa: {  	[tilespmem:s12+$0xFFFFFE50] =	vst v0;
	v0 =	vld [tilespmem:s12+$0xFFFFFEF0]  }
0x2fb: {  	[tilespmem:s12+$0xFFFFFE10] =	vst v7;
	v2 =	vld [tilespmem:s12+$0xFFFFFED0]  }
0x2fc: {  	[tilespmem:s12+$0xFFFFFE60] =	vst v3;
	v3 =	vld [tilespmem:s12+$0xFFFFFEB0]  }
0x2fd: {  	[tilespmem:s12+$0xFFFFFE40] =	vst v4;
	v4 =	vld [tilespmem:s12+$0xFFFFFEC0]  }
0x2fe: {  	v1 =	vld.idx.msk [tilespmem:v1+s29+$0x0], $0xffff  }
0x2ff: {  	v5 =	vld [tilespmem:s12+$0xFFFFFE90]  }
0x300: {  	v6 =	vld [tilespmem:s12+$0xFFFFFE80]  }
0x301: {  	v7 =	vld [tilespmem:s12+$0xFFFFFEA0]  }
0x302: {  	v8 =	vld [tilespmem:s12+$0xFFFFFEE0];
	_ =	sdelay $0x1  }
0x303: {  	v4 =	vmul.f32 v4, v1;
	v5 =	vmul.f32 v5, v1  }
0x304: {  	s11 =	sadd.s32 $0xFFFFFFFB, s16;
	v3 =	vmul.f32 v3, v1;
	v6 =	vmul.f32 v6, v1  }
0x305: {  	v2 =	vmul.f32 v2, v1;
	[tilespmem:s12+$0xFFFFFE90] =	vst v5;
	v5 =	vmul.f32 v7, v1;
	v7 =	vmov s11  }
0x306: {  	v0 =	vmul.f32 v0, v1;
	[tilespmem:s12+$0xFFFFFEC0] =	vst v4;
	v4 =	vmul.f32 v8, v1;
	v1 =	vand.u32 $0xFFFFFFFA, v7  }
0x307: {  	[tilespmem:s12+$0xFFFFFE80] =	vst v6;
	v1 =	vbroadcast v1, $0x0  }
0x308: {  	[tilespmem:s12+$0xFFFFFED0] =	vst v2  }
0x309: {  	[tilespmem:s12+$0xFFFFFEE0] =	vst v4;
	v2 =	vld [tilespmem:s12+$0xFFFFFF70]  }
0x30a: {  	[tilespmem:s12+$0xFFFFFEB0] =	vst v3;
	v3 =	vld [tilespmem:s12+$0xFFFFFF50]  }
0x30b: {  	[tilespmem:s12+$0xFFFFFEF0] =	vst v0;
	v0 =	vld [tilespmem:s12+$0xFFFFFF20]  }
0x30c: {  	[tilespmem:s12+$0xFFFFFEA0] =	vst v5;
	v4 =	vld [tilespmem:s12+$0xFFFFFF60]  }
0x30d: {  	v1 =	vld.idx.msk [tilespmem:v1+s29+$0x0], $0xffff  }
0x30e: {  	v5 =	vld [tilespmem:s12+$0xFFFFFF00]  }
0x30f: {  	v6 =	vld [tilespmem:s12+$0xFFFFFF10]  }
0x310: {  	v7 =	vld [tilespmem:s12+$0xFFFFFF40]  }
0x311: {  	v8 =	vld [tilespmem:s12+$0xFFFFFF30];
	_ =	sdelay $0x1  }
0x312: {  	v4 =	vmul.f32 v4, v1;
	v5 =	vmul.f32 v5, v1  }
0x313: {  	s11 =	sadd.s32 $0xFFFFFFFC, s16;
	v0 =	vmul.f32 v0, v1;
	v6 =	vmul.f32 v6, v1  }
0x314: {  	v3 =	vmul.f32 v3, v1;
	[tilespmem:s12+$0xFFFFFF00] =	vst v5;
	v5 =	vmul.f32 v7, v1;
	v7 =	vmov s11  }
0x315: {  	v8 =	vmul.f32 v8, v1;
	[tilespmem:s12+$0xFFFFFF60] =	vst v4;
	v1 =	vmul.f32 v2, v1;
	v2 =	vand.u32 $0xFFFFFFFB, v7  }
0x316: {  	[tilespmem:s12+$0xFFFFFF10] =	vst v6;
	v2 =	vbroadcast v2, $0x0  }
0x317: {  	[tilespmem:s12+$0xFFFFFF50] =	vst v3  }
0x318: {  	[tilespmem:s12+$0xFFFFFF70] =	vst v1;
	v1 =	vld [tilespmem:s12+$0xFFFFFFF0]  }
0x319: {  	[tilespmem:s12+$0xFFFFFF20] =	vst v0;
	v0 =	vld [tilespmem:s12+$0xFFFFFFD0]  }
0x31a: {  	[tilespmem:s12+$0xFFFFFF30] =	vst v8;
	v3 =	vld [tilespmem:s12+$0xFFFFFF90]  }
0x31b: {  	[tilespmem:s12+$0xFFFFFF40] =	vst v5;
	v4 =	vld [tilespmem:s12+$0xFFFFFFE0]  }
0x31c: {  	v2 =	vld.idx.msk [tilespmem:v2+s29+$0x0], $0xffff  }
0x31d: {  	v5 =	vld [tilespmem:s12+$0xFFFFFFB0]  }
0x31e: {  	v6 =	vld [tilespmem:s12+$0xFFFFFF80]  }
0x31f: {  	v7 =	vld [tilespmem:s12+$0xFFFFFFC0]  }
0x320: {  	v8 =	vld [tilespmem:s12+$0xFFFFFFA0];
	_ =	sdelay $0x1  }
0x321: {  	v4 =	vmul.f32 v4, v2;
	v5 =	vmul.f32 v5, v2  }
0x322: {  	s11 =	sadd.s32 $0xFFFFFFFD, s16;
	v3 =	vmul.f32 v3, v2;
	v6 =	vmul.f32 v6, v2  }
0x323: {  	v0 =	vmul.f32 v0, v2;
	[tilespmem:s12+$0xFFFFFFB0] =	vst v5;
	v5 =	vmul.f32 v7, v2;
	v7 =	vmov s11  }
0x324: {  	v1 =	vmul.f32 v1, v2;
	v8 =	vmul.f32 v8, v2;
	[tilespmem:s12+$0xFFFFFFE0] =	vst v4;
	v2 =	vand.u32 $0xFFFFFFFC, v7  }
0x325: {  	[tilespmem:s12+$0xFFFFFF80] =	vst v6;
	v4 =	vbroadcast v2, $0x0  }
0x326: {  	[tilespmem:s12+$0xFFFFFFD0] =	vst v0  }
0x327: {  	[tilespmem:s12+$0xFFFFFFF0] =	vst v1;
	v7 =	vld [tilespmem:s12+$0x0]  }
0x328: {  	[tilespmem:s12+$0xFFFFFFA0] =	vst v8;
	v0 =	vld [tilespmem:s12+$0x70]  }
0x329: {  	[tilespmem:s12+$0xFFFFFF90] =	vst v3;
	v2 =	vld [tilespmem:s12+$0x50]  }
0x32a: {  	[tilespmem:s12+$0xFFFFFFC0] =	vst v5;
	v6 =	vld [tilespmem:s12+$0x20]  }
0x32b: {  	v1 =	vld.idx.msk [tilespmem:v4+s29+$0x0], $0xffff  }
0x32c: {  	v9 =	vld [tilespmem:s12+$0x40]  }
.Ltmp6:
0x32d: {  	v5 =	vld [tilespmem:s12+$0x30];
	(pc) =	sbr.rel @p2 .LBB2_9-.Ltmp6, $3  }
0x32e: {  	v4 =	vld [tilespmem:s12+$0x10]  }
0x32f: {  	v3 =	vld [tilespmem:s12+$0x60];
	_ =	sdelay $0x1  }
0x330: {  	v8 =	vmul.f32 v7, v1;
	v7 =	vmul.f32 v9, v1  }
0x331: {  	s11 =	sadd.s32 $0xFFFFFFFE, s16  }
0x332: {  	v6 =	vmul.f32 v6, v1;
	[tilespmem:s14+$0x0] =	vst v8;
	v19 =	vmov s11  }
0x333: {  	v2 =	vmul.f32 v2, v1;
	[tilespmem:s14+$0x40] =	vst v7;
	v20 =	vand.u32 $0xFFFFFFFD, v19  }
0x334: {  	v0 =	vmul.f32 v0, v1;
	[tilespmem:s14+$0x20] =	vst v6;
	v21 =	vbroadcast v20, $0x0  }
0x335: {  	v5 =	vmul.f32 v5, v1;
	[tilespmem:s14+$0x50] =	vst v2  }
0x336: {  	v23 =	vmul.f32 v4, v1;
	[tilespmem:s14+$0x70] =	vst v0  }
0x337: {  	v22 =	vmul.f32 v3, v1;
	[tilespmem:s14+$0x30] =	vst v5  }
0x338: {  	[tilespmem:s14+$0x10] =	vst v23  }
0x339: {  	v24 =	vld [tilespmem:s14+$0x80];
	[tilespmem:s14+$0x60] =	vst v22  }
0x33a: {  	v0 =	vld.idx.msk [tilespmem:v21+s29+$0x0], $0xffff  }
0x33b: {  	v25 =	vld [tilespmem:s14+$0xA0]  }
0x33c: {  	v26 =	vld [tilespmem:s14+$0xD0]  }
0x33d: {  	v27 =	vld [tilespmem:s14+$0xC0]  }
0x33e: {  	v28 =	vld [tilespmem:s14+$0xF0]  }
0x33f: {  	v29 =	vld [tilespmem:s14+$0xB0];
	v1 =	vmul.f32 v24, v0  }
0x340: {  	v30 =	vld [tilespmem:s14+$0x90];
	s25 =	sadd.s32 $0xFFFFFFFF, s16;
	v2 =	vmul.f32 v25, v0  }
0x341: {  	v31 =	vld [tilespmem:s14+$0xE0];
	v33 =	vmov s25;
	v32 =	vmul.f32 v26, v0;
	[tilespmem:s14+$0x80] =	vst v1  }
0x342: {  	v34 =	vand.u32 $0xFFFFFFFE, v33;
	v4 =	vmul.f32 v27, v0;
	[tilespmem:s14+$0xA0] =	vst v2  }
0x343: {  	v36 =	vbroadcast v34, $0x0;
	v35 =	vmul.f32 v28, v0;
	[tilespmem:s14+$0xD0] =	vst v32  }
0x344: {  	v37 =	vmul.f32 v29, v0;
	[tilespmem:s14+$0xC0] =	vst v4  }
0x345: {  	v38 =	vmul.f32 v30, v0;
	[tilespmem:s14+$0xF0] =	vst v35  }
0x346: {  	v0 =	vmul.f32 v31, v0;
	[tilespmem:s14+$0xB0] =	vst v37  }
0x347: {  	[tilespmem:s14+$0x90] =	vst v38  }
0x348: {  	v39 =	vld [tilespmem:s14+$0x100];
	[tilespmem:s14+$0xE0] =	vst v0  }
0x349: {  	v0 =	vld.idx.msk [tilespmem:v36+s29+$0x0], $0xffff  }
0x34a: {  	v40 =	vld [tilespmem:s14+$0x120]  }
0x34b: {  	v41 =	vld [tilespmem:s14+$0x130]  }
0x34c: {  	v42 =	vld [tilespmem:s14+$0x140]  }
0x34d: {  	v43 =	vld [tilespmem:s14+$0x160]  }
0x34e: {  	v44 =	vld [tilespmem:s14+$0x110];
	v2 =	vmul.f32 v39, v0  }
0x34f: {  	v45 =	vld [tilespmem:s14+$0x150];
	v1 =	vmul.f32 v40, v0  }
0x350: {  	v46 =	vld [tilespmem:s14+$0x170];
	v3 =	vmul.f32 v41, v0;
	[tilespmem:s14+$0x100] =	vst v2  }
0x351: {  	v47 =	vmul.f32 v42, v0;
	[tilespmem:s14+$0x120] =	vst v1  }
0x352: {  	v48 =	vmul.f32 v43, v0;
	[tilespmem:s14+$0x130] =	vst v3  }
0x353: {  	v50 =	vmov s16;
	v49 =	vmul.f32 v44, v0;
	[tilespmem:s14+$0x140] =	vst v47  }
0x354: {  	v51 =	vmul.f32 v45, v0;
	[tilespmem:s14+$0x160] =	vst v48  }
0x355: {  	v0 =	vmul.f32 v46, v0;
	[tilespmem:s14+$0x110] =	vst v49  }
0x356: {  	[tilespmem:s14+$0x150] =	vst v51  }
0x357: {  	v52 =	vld [tilespmem:s14+$0x180];
	[tilespmem:s14+$0x170] =	vst v0  }
0x358: {  	v0 =	vld.idx.msk [tilespmem:v50+s29+$0x0], $0xffff  }
0x359: {  	v54 =	vld [tilespmem:s14+$0x190]  }
0x35a: {  	v53 =	vld [tilespmem:s14+$0x1A0]  }
0x35b: {  	v55 =	vld [tilespmem:s14+$0x1F0]  }
0x35c: {  	v56 =	vld [tilespmem:s14+$0x1D0]  }
0x35d: {  	v57 =	vld [tilespmem:s14+$0x1B0];
	v1 =	vmul.f32 v52, v0  }
0x35e: {  	v58 =	vld [tilespmem:s14+$0x1E0];
	v2 =	vmul.f32 v54, v0  }
0x35f: {  	v59 =	vld [tilespmem:s14+$0x1C0];
	v3 =	vmul.f32 v53, v0;
	[tilespmem:s14+$0x180] =	vst v1  }
0x360: {  	v60 =	vmul.f32 v55, v0;
	[tilespmem:s14+$0x190] =	vst v2  }
0x361: {  	v61 =	vmul.f32 v56, v0;
	[tilespmem:s14+$0x1A0] =	vst v3  }
0x362: {  	v62 =	vmul.f32 v57, v0;
	[tilespmem:s14+$0x1F0] =	vst v60  }
0x363: {  	v63 =	vmul.f32 v58, v0;
	[tilespmem:s14+$0x1D0] =	vst v61  }
0x364: {  	v0 =	vmul.f32 v59, v0;
	[tilespmem:s14+$0x1B0] =	vst v62  }
0x365: {  	[tilespmem:s14+$0x1E0] =	vst v63  }
.Ltmp7:
0x366: {  	[tilespmem:s14+$0x1C0] =	vst v0;
	(pc) =	sbr.rel .LBB2_11-.Ltmp7, $4  }
0x367: {  	[spmem:s3] =	stream.indirect.scatter.add.f32 [tilespmem:s28], [sflag:$0x7], $0x80, s26, s26, $0xb8;
	[tilespmem:$0x1BB80] =	vst v63  }
0x368: {  	_ =	swait.ge [sflag:s22], $0x4000  }
0x369: {  	[sflag:s22] =	ssyncset.done $0x0  }
0x36a: {  	[sflag:s22] =	ssyncadd.s32 $0xFFFFC000  }
.LBB2_12:
0x36b: {  	_ =	sfence.sel $0x180000  }
0x36c: {  	[bflag:$0x0] =	sbarrier.arrive $0xFFFF  }
0x36d: {  	_ =	strace $0x90000047  }
0x36e: {  	s0 =	stileid.u32;
	[bflag:$0x2] =	sbarrier.arrive $0xFFFF  }
0x36f: {  	p0 =	sne.s32 s0, $0x0;
	s0 =	rddreg [dreg:$0x5]  }
0x370: {  	s0 =	sadd.s32 @!p0 $0x100000, s0  }
0x371: {  	[sflag:s0] =	ssyncadd.tile.s32 @!p0 $0x1;
	_ =	shalt  }
.Lfunc_end2:
_tile_overlayer_lowered:
.L_overlay_start_2:
0x372: {  	(tag) =	ssettag $0x2  }
0x373: {  	s0 =	rddreg [dreg:$0x0];
	s2 =	stileid.u32  }
0x374: {  	s1 =	rddreg [dreg:$0x1];
	p0 =	sne.s32 s2, $0x0  }
0x375: {  	s3 =	rddreg [dreg:$0x2];
	[bflag:$0x3] =	sbarrier.arrive $0xFFFF;
	s2 =	simm.s32 @!p0 $0x1C07  }
0x376: {  	[timem:s3], [sflag:s2] =	dma.local @!p0 [hbm:s0], s1  }
0x377: {  	s0 =	simm.s32 @!p0 $0x7  }
0x378: {  	_ =	swait.ge @!p0 [sflag:s0], s1  }
0x379: {  	s1 =	ssub.s32 @!p0 $0x0, s1;
	[sflag:s0] =	ssyncset.done @!p0 $0x0  }
0x37a: {  	[sflag:s0] =	ssyncadd.s32 @!p0 s1  }
0x37b: {  	[bflag:$0x3] =	sbarrier.arrive $0xFFFF  }
0x37c: {  	_ =	shalt  }

</sc_bundles>
